<compile_context>
chip_gen: v7x
topology: tpu7x:2x2x1
jax: 0.10.2.dev20260603
libtpu: 0.0.44.dev20260713+nightly
codegen_flags: <defaults>
</compile_context>

<pallas_src>
import functools

import jax
import jax.numpy as jnp
from jax import lax
from jax.experimental import pallas as pl
from jax.experimental.pallas import tpu as pltpu
from jax.experimental.pallas import tpu_sc as plsc

N = 50000
E = 600000
D = 128
H = 64
NC = 2
NS = 16
LANES = 16
NW = NC * NS

E_PAD = 622592
EPT_SC = E_PAD // NS
EPW = E_PAD // NW
ECHUNK = 2048
NCH_DEG2 = EPT_SC // ECHUNK
ECH_S = 512
NCH_SEG = EPT_SC // ECH_S
ECH_E = 1024
NCH_EDGE = EPW // ECH_E

ACC = 51200
SENT = 50000
RPT = ACC // NS
ZROWS = 128
NZCOPY = RPT // ZROWS

BN = 1024
ACC_BLK = ACC // BN


def _mesh():
    return plsc.VectorSubcoreMesh(
        core_axis_name="c", subcore_axis_name="s",
        num_cores=NC, num_subcores=NS)


_SC_PARAMS = pltpu.CompilerParams(use_tc_tiling_on_sc=False)


def _deg_body(idx_hbm, cnt, idx_v, ones_v, zb_v, acc_sh, semi, sem):
    cid = lax.axis_index("c")
    sid = lax.axis_index("s")

    def fill_ones(i, _):
        ones_v[i, :] = jnp.ones((LANES,), jnp.float32)
        return 0
    lax.fori_loop(0, ECHUNK, fill_ones, 0)

    def fill_zeros(i, _):
        zb_v[i, :] = jnp.zeros((LANES,), jnp.float32)
        return 0
    lax.fori_loop(0, ZROWS, fill_zeros, 0)
    dz = [pltpu.async_copy(
              zb_v, acc_sh.at[pl.ds(sid * RPT + i * ZROWS, ZROWS)], semi)
          for i in range(NZCOPY)]
    for d_ in dz:
        d_.wait()
    plsc.subcore_barrier()

    def chunk(i, _):
        base = cid * E_PAD + sid * EPT_SC + i * ECHUNK
        pltpu.async_copy(idx_hbm.at[pl.ds(base, ECHUNK)], idx_v, semi).wait()
        pltpu.async_copy(ones_v, acc_sh.at[idx_v], sem, add=True).wait()
        return 0
    lax.fori_loop(0, NCH_DEG2, chunk, 0)
    plsc.subcore_barrier()

    start = sid * RPT
    pltpu.sync_copy(acc_sh.at[pl.ds(start, RPT)],
                    cnt.at[pl.ds(cid * ACC + start, RPT)])


def _degrees(idx_stacked):
    f = functools.partial(
        pl.kernel,
        out_type=jax.ShapeDtypeStruct((2 * ACC, LANES), jnp.float32),
        mesh=_mesh(),
        compiler_params=_SC_PARAMS,
        scratch_types=[pltpu.VMEM((ECHUNK,), jnp.int32),
                       pltpu.VMEM((ECHUNK, LANES), jnp.float32),
                       pltpu.VMEM((ZROWS, LANES), jnp.float32),
                       pltpu.VMEM_SHARED((ACC, LANES), jnp.float32),
                       pltpu.SemaphoreType.DMA,
                       pltpu.SemaphoreType.DMA],
    )(_deg_body)
    return f(idx_stacked)


def _seg_body(tabm, tabu, srcg2, srcs, dstg2, dsts, sm, su,
              idxg_v, idxs_v, rows_v, zb_v, acc_sh, semi, sem, sem2):
    cid = lax.axis_index("c")
    sid = lax.axis_index("s")

    def fill_zeros(i, _):
        z = jnp.zeros((LANES,), jnp.float32)
        zb_v[i, pl.ds(0, LANES)] = z
        zb_v[i, pl.ds(LANES, LANES)] = z
        return 0
    lax.fori_loop(0, ZROWS, fill_zeros, 0)

    def one_pass(tab, gidx2, sidx, out):
        dz = [pltpu.async_copy(
                  zb_v, acc_sh.at[pl.ds(sid * RPT + i * ZROWS, ZROWS)], semi)
              for i in range(NZCOPY)]
        for d_ in dz:
            d_.wait()
        plsc.subcore_barrier()

        def chunk(i, _):
            gbase = cid * E_PAD + sid * EPT_SC + i * ECH_S
            sbase = sid * EPT_SC + i * ECH_S
            di = [pltpu.async_copy(gidx2.at[pl.ds(gbase, ECH_S)], idxg_v, semi),
                  pltpu.async_copy(sidx.at[pl.ds(sbase, ECH_S)], idxs_v, semi)]
            for d_ in di:
                d_.wait()
            pltpu.async_copy(tab.at[idxg_v], rows_v, sem).wait()
            pltpu.async_copy(rows_v, acc_sh.at[idxs_v], sem2, add=True).wait()
            return 0
        lax.fori_loop(0, NCH_SEG, chunk, 0)
        plsc.subcore_barrier()

        start = sid * RPT
        pltpu.sync_copy(acc_sh.at[pl.ds(start, RPT)],
                        out.at[pl.ds(cid * ACC + start, RPT)])
        plsc.subcore_barrier()

    one_pass(tabm, srcg2, dsts, sm)
    one_pass(tabu, dstg2, srcs, su)


def _segsum(tabm, tabu, srcg2, srcs, dstg2, dsts):
    f = functools.partial(
        pl.kernel,
        out_type=[jax.ShapeDtypeStruct((2 * ACC, 32), jnp.float32)] * 2,
        mesh=_mesh(),
        compiler_params=_SC_PARAMS,
        scratch_types=[pltpu.VMEM((ECH_S,), jnp.int32),
                       pltpu.VMEM((ECH_S,), jnp.int32),
                       pltpu.VMEM((ECH_S, 32), jnp.float32),
                       pltpu.VMEM((ZROWS, 32), jnp.float32),
                       pltpu.VMEM_SHARED((ACC, 32), jnp.float32),
                       pltpu.SemaphoreType.DMA,
                       pltpu.SemaphoreType.DMA,
                       pltpu.SemaphoreType.DMA],
    )(_seg_body)
    return f(tabm, tabu, srcg2, srcs, dstg2, dsts)


def _edge_body(au, am, src_g, dst_g, zsum, idx1_v, idx2_v, buf_v, sem, sem2):
    cid = lax.axis_index("c")
    sid = lax.axis_index("s")
    wid = sid * NC + cid

    def chunk(i, _):
        base = wid * EPW + i * ECH_E
        di = [pltpu.async_copy(src_g.at[pl.ds(base, ECH_E)], idx1_v, sem),
              pltpu.async_copy(dst_g.at[pl.ds(base, ECH_E)], idx2_v, sem2)]
        for d_ in di:
            d_.wait()
        pltpu.async_copy(au.at[idx1_v], buf_v, sem).wait()
        pltpu.async_copy(am.at[idx2_v], buf_v, sem2, add=True).wait()
        pltpu.sync_copy(buf_v, zsum.at[pl.ds(base, ECH_E)])
        return 0
    lax.fori_loop(0, NCH_EDGE, chunk, 0)


def _edge_gather(au, am, src_g2, dst_g2):
    f = functools.partial(
        pl.kernel,
        out_type=jax.ShapeDtypeStruct((E_PAD, H), jnp.float32),
        mesh=_mesh(),
        compiler_params=_SC_PARAMS,
        scratch_types=[pltpu.VMEM((ECH_E,), jnp.int32),
                       pltpu.VMEM((ECH_E,), jnp.int32),
                       pltpu.VMEM((ECH_E, H), jnp.float32),
                       pltpu.SemaphoreType.DMA,
                       pltpu.SemaphoreType.DMA],
    )(_edge_body)
    return f(au, am, src_g2, dst_g2)


def _dense1_body(xu, xm, wl0, wl1, wr0, wr1, b, pm, pu, rm, ru):
    pm[...] = jnp.dot(xu[...], wl0[...], preferred_element_type=jnp.float32)
    pu[...] = jnp.dot(xm[...], wl1[...], preferred_element_type=jnp.float32)
    rm[...] = jnp.dot(xm[...], wr0[...], preferred_element_type=jnp.float32) + b[0:1, :]
    ru[...] = jnp.dot(xu[...], wr1[...], preferred_element_type=jnp.float32) + b[1:2, :]


def _dense1(xu, xm, wl0, wl1, wr0, wr1, b):
    nb = ACC // BN
    row = lambda i: (i, 0)
    full = lambda i: (0, 0)
    return pl.pallas_call(
        _dense1_body,
        grid=(nb,),
        in_specs=[pl.BlockSpec((BN, D), row), pl.BlockSpec((BN, D), row),
                  pl.BlockSpec((D, H), full), pl.BlockSpec((D, H), full),
                  pl.BlockSpec((D, H), full), pl.BlockSpec((D, H), full),
                  pl.BlockSpec((2, H), full)],
        out_specs=[pl.BlockSpec((BN, H), row)] * 4,
        out_shape=[jax.ShapeDtypeStruct((ACC, H), jnp.float32)] * 4,
    )(xu, xm, wl0, wl1, wr0, wr1, b)


_seg_even = lambda i: (i, 0)
_seg_odd = lambda i: (i + ACC_BLK, 0)


def _dense2_body(*refs):
    (sme, smo, sue, suo, cm, cu, rm, ru, wl0, wl1, wr0, wr1, b,
     pm2, pu2, rm2, ru2) = refs
    segm = jnp.concatenate([sme[...], smo[...]], axis=1)
    segu = jnp.concatenate([sue[...], suo[...]], axis=1)
    invm = 1.0 / jnp.maximum(cm[:, 0:1], 1.0)
    invu = 1.0 / jnp.maximum(cu[:, 0:1], 1.0)
    hm = jnp.maximum(segm * invm + rm[...], 0.0)
    hu = jnp.maximum(segu * invu + ru[...], 0.0)
    pm2[...] = jnp.dot(hu, wl0[...], preferred_element_type=jnp.float32)
    pu2[...] = jnp.dot(hm, wl1[...], preferred_element_type=jnp.float32)
    rm2[...] = jnp.dot(hm, wr0[...], preferred_element_type=jnp.float32) + b[0:1, :]
    ru2[...] = jnp.dot(hu, wr1[...], preferred_element_type=jnp.float32) + b[1:2, :]


def _dense2(sm, su, cnt, rm, ru, wl0, wl1, wr0, wr1, b):
    nb = ACC // BN
    row = lambda i: (i, 0)
    full = lambda i: (0, 0)
    seg_spec = [pl.BlockSpec((BN, 32), _seg_even),
                pl.BlockSpec((BN, 32), _seg_odd)]
    cnt_spec = [pl.BlockSpec((BN, LANES), _seg_even),
                pl.BlockSpec((BN, LANES), _seg_odd)]
    return pl.pallas_call(
        _dense2_body,
        grid=(nb,),
        in_specs=seg_spec * 2 + cnt_spec +
                 [pl.BlockSpec((BN, H), row)] * 2 +
                 [pl.BlockSpec((H, H), full)] * 4 +
                 [pl.BlockSpec((2, H), full)],
        out_specs=[pl.BlockSpec((BN, H), row)] * 4,
        out_shape=[jax.ShapeDtypeStruct((ACC, H), jnp.float32)] * 4,
    )(sm, sm, su, su, cnt, cnt, rm, ru, wl0, wl1, wr0, wr1, b)


def _dense3_body(*refs):
    (sme, smo, sue, suo, cm, cu, rm2, ru2, w3a, w3b, au, am) = refs
    segm = jnp.concatenate([sme[...], smo[...]], axis=1)
    segu = jnp.concatenate([sue[...], suo[...]], axis=1)
    invm = 1.0 / jnp.maximum(cm[:, 0:1], 1.0)
    invu = 1.0 / jnp.maximum(cu[:, 0:1], 1.0)
    hm2 = segm * invm + rm2[...]
    hu2 = segu * invu + ru2[...]
    au[...] = jnp.dot(hu2, w3a[...], preferred_element_type=jnp.float32)
    am[...] = jnp.dot(hm2, w3b[...], preferred_element_type=jnp.float32)


def _dense3(sm, su, cnt, rm2, ru2, w3a, w3b):
    nb = ACC // BN
    row = lambda i: (i, 0)
    full = lambda i: (0, 0)
    seg_spec = [pl.BlockSpec((BN, 32), _seg_even),
                pl.BlockSpec((BN, 32), _seg_odd)]
    cnt_spec = [pl.BlockSpec((BN, LANES), _seg_even),
                pl.BlockSpec((BN, LANES), _seg_odd)]
    return pl.pallas_call(
        _dense3_body,
        grid=(nb,),
        in_specs=seg_spec * 2 + cnt_spec +
                 [pl.BlockSpec((BN, H), row)] * 2 +
                 [pl.BlockSpec((H, H), full)] * 2,
        out_specs=[pl.BlockSpec((BN, H), row)] * 2,
        out_shape=[jax.ShapeDtypeStruct((ACC, H), jnp.float32)] * 2,
    )(sm, sm, su, su, cnt, cnt, rm2, ru2, w3a, w3b)


BE = 2048


def _final_body(z, b3, w4, b4, out):
    h = jnp.maximum(z[...] + b3[0:1, :], 0.0)
    out[...] = jnp.dot(h, w4[...], preferred_element_type=jnp.float32) + b4[0:1, :]


def _final(zsum, b3, w4, b4):
    nb = E_PAD // BE
    row = lambda i: (i, 0)
    full = lambda i: (0, 0)
    return pl.pallas_call(
        _final_body,
        grid=(nb,),
        in_specs=[pl.BlockSpec((BE, H), row), pl.BlockSpec((1, H), full),
                  pl.BlockSpec((H, 2), full), pl.BlockSpec((1, 2), full)],
        out_specs=pl.BlockSpec((BE, 2), row),
        out_shape=jax.ShapeDtypeStruct((E_PAD, 2), jnp.float32),
    )(zsum, b3, w4, b4)


def kernel(x_user, x_merchant, edge_index, Wl1, Wr1, b1, c1,
           Wl2, Wr2, b2, c2, W3, b3, W4, b4):
    src = edge_index[0]
    dst = edge_index[1]
    pad = E_PAD - E
    zpad = jnp.zeros((pad,), jnp.int32)
    spad = jnp.full((pad,), SENT, jnp.int32)
    src_g = jnp.concatenate([src, zpad])
    dst_g = jnp.concatenate([dst, zpad])
    src_gd = jnp.concatenate([src_g * 2, src_g * 2 + 1])
    dst_gd = jnp.concatenate([dst_g * 2, dst_g * 2 + 1])
    src_s2 = jnp.concatenate([src, spad])
    dst_s2 = jnp.concatenate([dst, spad])
    deg_idx = jnp.concatenate([dst_s2, src_s2])

    wl1e = jnp.einsum("ti,idh->tdh", c1, Wl1)
    wr1e = jnp.einsum("ti,idh->tdh", c1, Wr1)
    b1e = c1 @ b1
    wl2e = jnp.einsum("ti,idh->tdh", c2, Wl2)
    wr2e = jnp.einsum("ti,idh->tdh", c2, Wr2)
    b2e = c2 @ b2

    cnt = _degrees(deg_idx)

    npad = jnp.zeros((ACC - N, D), jnp.float32)
    pm, pu, rm, ru = _dense1(
        jnp.concatenate([x_user, npad]), jnp.concatenate([x_merchant, npad]),
        wl1e[0], wl1e[1], wr1e[0], wr1e[1], b1e)

    iv = lambda t: t.reshape(2 * ACC, 32)
    sm, su = _segsum(iv(pm), iv(pu), src_gd, src_s2, dst_gd, dst_s2)

    pm2, pu2, rm2, ru2 = _dense2(sm, su, cnt, rm, ru,
                                 wl2e[0], wl2e[1], wr2e[0], wr2e[1], b2e)

    sm2, su2 = _segsum(iv(pm2), iv(pu2), src_gd, src_s2, dst_gd, dst_s2)

    au, am = _dense3(sm2, su2, cnt, rm2, ru2, W3[:H], W3[H:])

    zsum = _edge_gather(au, am, src_g, dst_g)

    outp = _final(zsum, b3.reshape(1, H), W4, b4.reshape(1, 2))
    return outp[:E]

# --- scband reference (transcript-rebuilt; emitter-appended) ---
"""Pipeline reference for scband-edge-classifier-27917287424275 (READ-ONLY COPY).

The authoritative reference and input builder live on the scoring server;
editing this copy changes nothing except your own understanding.
"""

import jax, jax.numpy as jnp
import numpy as np

N_U = 50000
N_M = 50000
E = 600000
D = 128
H = 64
NB = 3


def _sage(x_src, x_dst, src, dst, Wl, Wr, bias, n_dst):
    # PyG SAGEConv with mean aggregation: lin_l(mean_neighbors) + lin_r(x_dst)
    agg = jax.ops.segment_sum(x_src[src], dst, num_segments=n_dst)
    cnt = jax.ops.segment_sum(jnp.ones((src.shape[0],), x_src.dtype), dst, num_segments=n_dst)
    mean = agg / jnp.maximum(cnt, 1.0)[:, None]
    return mean @ Wl + x_dst @ Wr + bias


def _hetero_layer(xu, xm, src, dst, Wl, Wr, bias, coeff):
    # to_hetero_with_bases(num_bases=3): shared basis convs, per-edge-type scalar coeffs
    hm = 0.0
    hu = 0.0
    for i in range(NB):
        hm = hm + coeff[0, i] * _sage(xu, xm, src, dst, Wl[i], Wr[i], bias[i], N_M)
        hu = hu + coeff[1, i] * _sage(xm, xu, dst, src, Wl[i], Wr[i], bias[i], N_U)
    return hu, hm


def setup_inputs(seed: int = 0):
    key = jax.random.key(seed)
    ks = jax.random.split(key, 18)

    def u(k, shape, fan_in):
        s = 1.0 / np.sqrt(fan_in)
        return jax.random.uniform(k, shape, jnp.float32, -s, s)

    inp = {}
    inp["x_user"] = jax.random.normal(ks[0], (N_U, D), dtype=jnp.float32)
    inp["x_merchant"] = jax.random.normal(ks[1], (N_M, D), dtype=jnp.float32)
    src = jax.random.randint(ks[2], (E,), 0, N_U, dtype=jnp.int32)
    dst = jax.random.randint(ks[3], (E,), 0, N_M, dtype=jnp.int32)
    inp["edge_index"] = jnp.stack([src, dst])
    inp["Wl1"] = u(ks[4], (NB, D, H), D)
    inp["Wr1"] = u(ks[5], (NB, D, H), D)
    inp["b1"] = jnp.zeros((NB, H), jnp.float32)
    inp["c1"] = jax.random.normal(ks[6], (2, NB), dtype=jnp.float32)
    inp["Wl2"] = u(ks[7], (NB, H, H), H)
    inp["Wr2"] = u(ks[8], (NB, H, H), H)
    inp["b2"] = jnp.zeros((NB, H), jnp.float32)
    inp["c2"] = jax.random.normal(ks[9], (2, NB), dtype=jnp.float32)
    inp["W3"] = u(ks[10], (2 * H, H), 2 * H)
    inp["b3"] = jnp.zeros((H,), jnp.float32)
    inp["W4"] = u(ks[11], (H, 2), H)
    inp["b4"] = jnp.zeros((2,), jnp.float32)
    return inp


def reference(x_user, x_merchant, edge_index, Wl1, Wr1, b1, c1, Wl2, Wr2, b2, c2, W3, b3, W4, b4):
    src = edge_index[0]
    dst = edge_index[1]
    hu, hm = _hetero_layer(x_user, x_merchant, src, dst, Wl1, Wr1, b1, c1)
    hu = jax.nn.relu(hu)
    hm = jax.nn.relu(hm)
    hu, hm = _hetero_layer(hu, hm, src, dst, Wl2, Wr2, b2, c2)
    z = jnp.concatenate([hu[src], hm[dst]], axis=1)
    h = jax.nn.relu(z @ W3 + b3)
    return h @ W4 + b4

if __name__ == "__main__":
    import jax
    _d = setup_inputs()
    print(jax.jit(kernel)(*tuple(_d.values())))

</pallas_src>

<mosaic_0001>
#map = affine_map<(d0, d1) -> (0, 0)>
#map1 = affine_map<(d0, d1) -> (0)>
module attributes {stable_mosaic.version = 14 : i64} {
  func.func @_seg_body(%arg0: i32, %arg1: i32, %arg2: memref<102400x32xf32, #tpu.memory_space<hbm>>, %arg3: memref<102400x32xf32, #tpu.memory_space<hbm>>, %arg4: memref<1245184xi32, #tpu.memory_space<hbm>>, %arg5: memref<622592xi32, #tpu.memory_space<hbm>>, %arg6: memref<1245184xi32, #tpu.memory_space<hbm>>, %arg7: memref<622592xi32, #tpu.memory_space<hbm>>, %arg8: memref<102400x32xf32, #tpu.memory_space<hbm>>, %arg9: memref<102400x32xf32, #tpu.memory_space<hbm>>, %arg10: memref<512xi32, #tpu.memory_space<vmem>>, %arg11: memref<512xi32, #tpu.memory_space<vmem>>, %arg12: memref<512x32xf32, #tpu.memory_space<vmem>>, %arg13: memref<128x32xf32, #tpu.memory_space<vmem>>, %arg14: memref<51200x32xf32, #tpu.memory_space<vmem_shared>>, %arg15: memref<!tpu.dma_semaphore, #tpu.memory_space<semaphore_mem>>, %arg16: memref<!tpu.dma_semaphore, #tpu.memory_space<semaphore_mem>>, %arg17: memref<!tpu.dma_semaphore, #tpu.memory_space<semaphore_mem>>) attributes {dimension_semantics = [#tpu.dimension_semantics<core_parallel>, #tpu.dimension_semantics<subcore_parallel>], iteration_bounds = array<i64: 2, 16>, scalar_prefetch = 0 : i64, scratch_operands = 8 : i64, tpu.core_type = #tpu.core_type<sc_vector_subcore>, window_params = [{transform_indices = #map}, {transform_indices = #map}, {transform_indices = #map1}, {transform_indices = #map1}, {transform_indices = #map1}, {transform_indices = #map1}, {transform_indices = #map}, {transform_indices = #map}]} {
    %scan3A = arith.constant 0 : i32
    %scan3A_0 = arith.constant 0 : i32
    %scan3A_1 = arith.constant 128 : i32
    %scan3A_2 = arith.addi %scan3A_0, %scan3A_1 : i32
    %scan3A_3 = arith.constant 1 : i32
    %scan3A_4 = scf.for %scan3A_631 = %scan3A_0 to %scan3A_2 step %scan3A_3 iter_args(%scan3A_632 = %scan3A) -> (i32)  : i32 {
      %broadcast_in_dim3A = arith.constant 0.000000e+00 : f32
      %broadcast_in_dim3A_633 = vector.broadcast %broadcast_in_dim3A : f32 to vector<16xf32>
      %swap3A = arith.index_cast %scan3A_631 : i32 to index
      %swap3A_634 = arith.constant 0 : index
      %swap3A_635 = tpu.vector_load %arg13[%swap3A, %swap3A_634] {strides = array<i32>} : memref<128x32xf32, #tpu.memory_space<vmem>>, vector<1x16xf32>,
      %swap3A_636 = vector.shape_cast %swap3A_635 : vector<1x16xf32> to vector<16xf32>
      %swap3A_637 = vector.shape_cast %broadcast_in_dim3A_633 : vector<16xf32> to vector<1x16xf32>
      tpu.vector_store %arg13[%swap3A, %swap3A_634], %swap3A_637 {strides = array<i32>} : memref<128x32xf32, #tpu.memory_space<vmem>>, vector<1x16xf32>,
      %swap3A_638 = arith.index_cast %scan3A_631 : i32 to index
      %swap3A_639 = arith.constant 16 : index
      %swap3A_640 = tpu.vector_load %arg13[%swap3A_638, %swap3A_639] {strides = array<i32>} : memref<128x32xf32, #tpu.memory_space<vmem>>, vector<1x16xf32>,
      %swap3A_641 = vector.shape_cast %swap3A_640 : vector<1x16xf32> to vector<16xf32>
      %swap3A_642 = vector.shape_cast %broadcast_in_dim3A_633 : vector<16xf32> to vector<1x16xf32>
      tpu.vector_store %arg13[%swap3A_638, %swap3A_639], %swap3A_642 {strides = array<i32>} : memref<128x32xf32, #tpu.memory_space<vmem>>, vector<1x16xf32>,
      %scan3A_643 = arith.constant 0 : i32
      scf.yield %scan3A_643 : i32
    }
    %scan3A_5 = arith.constant 128 : i32
    %mul3A = arith.constant 3200 : i32
    %mul3A_6 = arith.muli %arg1, %mul3A : i32
    %add3A = arith.constant 0 : i32
    %add3A_7 = arith.addi %mul3A_6, %add3A : i32
    %dma_start3A = arith.constant 0 : i32
    %dma_start3A_8 = tpu.memref_slice %arg14[%add3A_7, %dma_start3A] : memref<51200x32xf32, #tpu.memory_space<vmem_shared>> -> memref<128x32xf32, #tpu.memory_space<vmem_shared>>
    %dma_start3A_9 = arith.constant 0 : i32
    %dma_start3A_10 = tpu.memref_slice %arg14[%add3A_7, %dma_start3A_9] : memref<51200x32xf32, #tpu.memory_space<vmem_shared>> -> memref<128x32xf32, #tpu.memory_space<vmem_shared>>
    tpu.enqueue_dma source(%arg13 : memref<128x32xf32, #tpu.memory_space<vmem>>) target(%dma_start3A_10 : memref<128x32xf32, #tpu.memory_space<vmem_shared>>) target_semaphore(%arg15 : memref<!tpu.dma_semaphore, #tpu.memory_space<semaphore_mem>>)
    %mul3A_11 = arith.constant 3200 : i32
    %mul3A_12 = arith.muli %arg1, %mul3A_11 : i32
    %add3A_13 = arith.constant 128 : i32
    %add3A_14 = arith.addi %mul3A_12, %add3A_13 : i32
    %dma_start3A_15 = arith.constant 0 : i32
    %dma_start3A_16 = tpu.memref_slice %arg14[%add3A_14, %dma_start3A_15] : memref<51200x32xf32, #tpu.memory_space<vmem_shared>> -> memref<128x32xf32, #tpu.memory_space<vmem_shared>>
    %dma_start3A_17 = arith.constant 0 : i32
    %dma_start3A_18 = tpu.memref_slice %arg14[%add3A_14, %dma_start3A_17] : memref<51200x32xf32, #tpu.memory_space<vmem_shared>> -> memref<128x32xf32, #tpu.memory_space<vmem_shared>>
    tpu.enqueue_dma source(%arg13 : memref<128x32xf32, #tpu.memory_space<vmem>>) target(%dma_start3A_18 : memref<128x32xf32, #tpu.memory_space<vmem_shared>>) target_semaphore(%arg15 : memref<!tpu.dma_semaphore, #tpu.memory_space<semaphore_mem>>)
    %mul3A_19 = arith.constant 3200 : i32
    %mul3A_20 = arith.muli %arg1, %mul3A_19 : i32
    %add3A_21 = arith.constant 256 : i32
    %add3A_22 = arith.addi %mul3A_20, %add3A_21 : i32
    %dma_start3A_23 = arith.constant 0 : i32
    %dma_start3A_24 = tpu.memref_slice %arg14[%add3A_22, %dma_start3A_23] : memref<51200x32xf32, #tpu.memory_space<vmem_shared>> -> memref<128x32xf32, #tpu.memory_space<vmem_shared>>
    %dma_start3A_25 = arith.constant 0 : i32
    %dma_start3A_26 = tpu.memref_slice %arg14[%add3A_22, %dma_start3A_25] : memref<51200x32xf32, #tpu.memory_space<vmem_shared>> -> memref<128x32xf32, #tpu.memory_space<vmem_shared>>
    tpu.enqueue_dma source(%arg13 : memref<128x32xf32, #tpu.memory_space<vmem>>) target(%dma_start3A_26 : memref<128x32xf32, #tpu.memory_space<vmem_shared>>) target_semaphore(%arg15 : memref<!tpu.dma_semaphore, #tpu.memory_space<semaphore_mem>>)
    %mul3A_27 = arith.constant 3200 : i32
    %mul3A_28 = arith.muli %arg1, %mul3A_27 : i32
    %add3A_29 = arith.constant 384 : i32
    %add3A_30 = arith.addi %mul3A_28, %add3A_29 : i32
    %dma_start3A_31 = arith.constant 0 : i32
    %dma_start3A_32 = tpu.memref_slice %arg14[%add3A_30, %dma_start3A_31] : memref<51200x32xf32, #tpu.memory_space<vmem_shared>> -> memref<128x32xf32, #tpu.memory_space<vmem_shared>>
    %dma_start3A_33 = arith.constant 0 : i32
    %dma_start3A_34 = tpu.memref_slice %arg14[%add3A_30, %dma_start3A_33] : memref<51200x32xf32, #tpu.memory_space<vmem_shared>> -> memref<128x32xf32, #tpu.memory_space<vmem_shared>>
    tpu.enqueue_dma source(%arg13 : memref<128x32xf32, #tpu.memory_space<vmem>>) target(%dma_start3A_34 : memref<128x32xf32, #tpu.memory_space<vmem_shared>>) target_semaphore(%arg15 : memref<!tpu.dma_semaphore, #tpu.memory_space<semaphore_mem>>)
    %mul3A_35 = arith.constant 3200 : i32
    %mul3A_36 = arith.muli %arg1, %mul3A_35 : i32
    %add3A_37 = arith.constant 512 : i32
    %add3A_38 = arith.addi %mul3A_36, %add3A_37 : i32
    %dma_start3A_39 = arith.constant 0 : i32
    %dma_start3A_40 = tpu.memref_slice %arg14[%add3A_38, %dma_start3A_39] : memref<51200x32xf32, #tpu.memory_space<vmem_shared>> -> memref<128x32xf32, #tpu.memory_space<vmem_shared>>
    %dma_start3A_41 = arith.constant 0 : i32
    %dma_start3A_42 = tpu.memref_slice %arg14[%add3A_38, %dma_start3A_41] : memref<51200x32xf32, #tpu.memory_space<vmem_shared>> -> memref<128x32xf32, #tpu.memory_space<vmem_shared>>
    tpu.enqueue_dma source(%arg13 : memref<128x32xf32, #tpu.memory_space<vmem>>) target(%dma_start3A_42 : memref<128x32xf32, #tpu.memory_space<vmem_shared>>) target_semaphore(%arg15 : memref<!tpu.dma_semaphore, #tpu.memory_space<semaphore_mem>>)
    %mul3A_43 = arith.constant 3200 : i32
    %mul3A_44 = arith.muli %arg1, %mul3A_43 : i32
    %add3A_45 = arith.constant 640 : i32
    %add3A_46 = arith.addi %mul3A_44, %add3A_45 : i32
    %dma_start3A_47 = arith.constant 0 : i32
    %dma_start3A_48 = tpu.memref_slice %arg14[%add3A_46, %dma_start3A_47] : memref<51200x32xf32, #tpu.memory_space<vmem_shared>> -> memref<128x32xf32, #tpu.memory_space<vmem_shared>>
    %dma_start3A_49 = arith.constant 0 : i32
    %dma_start3A_50 = tpu.memref_slice %arg14[%add3A_46, %dma_start3A_49] : memref<51200x32xf32, #tpu.memory_space<vmem_shared>> -> memref<128x32xf32, #tpu.memory_space<vmem_shared>>
    tpu.enqueue_dma source(%arg13 : memref<128x32xf32, #tpu.memory_space<vmem>>) target(%dma_start3A_50 : memref<128x32xf32, #tpu.memory_space<vmem_shared>>) target_semaphore(%arg15 : memref<!tpu.dma_semaphore, #tpu.memory_space<semaphore_mem>>)
    %mul3A_51 = arith.constant 3200 : i32
    %mul3A_52 = arith.muli %arg1, %mul3A_51 : i32
    %add3A_53 = arith.constant 768 : i32
    %add3A_54 = arith.addi %mul3A_52, %add3A_53 : i32
    %dma_start3A_55 = arith.constant 0 : i32
    %dma_start3A_56 = tpu.memref_slice %arg14[%add3A_54, %dma_start3A_55] : memref<51200x32xf32, #tpu.memory_space<vmem_shared>> -> memref<128x32xf32, #tpu.memory_space<vmem_shared>>
    %dma_start3A_57 = arith.constant 0 : i32
    %dma_start3A_58 = tpu.memref_slice %arg14[%add3A_54, %dma_start3A_57] : memref<51200x32xf32, #tpu.memory_space<vmem_shared>> -> memref<128x32xf32, #tpu.memory_space<vmem_shared>>
    tpu.enqueue_dma source(%arg13 : memref<128x32xf32, #tpu.memory_space<vmem>>) target(%dma_start3A_58 : memref<128x32xf32, #tpu.memory_space<vmem_shared>>) target_semaphore(%arg15 : memref<!tpu.dma_semaphore, #tpu.memory_space<semaphore_mem>>)
    %mul3A_59 = arith.constant 3200 : i32
    %mul3A_60 = arith.muli %arg1, %mul3A_59 : i32
    %add3A_61 = arith.constant 896 : i32
    %add3A_62 = arith.addi %mul3A_60, %add3A_61 : i32
    %dma_start3A_63 = arith.constant 0 : i32
    %dma_start3A_64 = tpu.memref_slice %arg14[%add3A_62, %dma_start3A_63] : memref<51200x32xf32, #tpu.memory_space<vmem_shared>> -> memref<128x32xf32, #tpu.memory_space<vmem_shared>>
    %dma_start3A_65 = arith.constant 0 : i32
    %dma_start3A_66 = tpu.memref_slice %arg14[%add3A_62, %dma_start3A_65] : memref<51200x32xf32, #tpu.memory_space<vmem_shared>> -> memref<128x32xf32, #tpu.memory_space<vmem_shared>>
    tpu.enqueue_dma source(%arg13 : memref<128x32xf32, #tpu.memory_space<vmem>>) target(%dma_start3A_66 : memref<128x32xf32, #tpu.memory_space<vmem_shared>>) target_semaphore(%arg15 : memref<!tpu.dma_semaphore, #tpu.memory_space<semaphore_mem>>)
    %mul3A_67 = arith.constant 3200 : i32
    %mul3A_68 = arith.muli %arg1, %mul3A_67 : i32
    %add3A_69 = arith.constant 1024 : i32
    %add3A_70 = arith.addi %mul3A_68, %add3A_69 : i32
    %dma_start3A_71 = arith.constant 0 : i32
    %dma_start3A_72 = tpu.memref_slice %arg14[%add3A_70, %dma_start3A_71] : memref<51200x32xf32, #tpu.memory_space<vmem_shared>> -> memref<128x32xf32, #tpu.memory_space<vmem_shared>>
    %dma_start3A_73 = arith.constant 0 : i32
    %dma_start3A_74 = tpu.memref_slice %arg14[%add3A_70, %dma_start3A_73] : memref<51200x32xf32, #tpu.memory_space<vmem_shared>> -> memref<128x32xf32, #tpu.memory_space<vmem_shared>>
    tpu.enqueue_dma source(%arg13 : memref<128x32xf32, #tpu.memory_space<vmem>>) target(%dma_start3A_74 : memref<128x32xf32, #tpu.memory_space<vmem_shared>>) target_semaphore(%arg15 : memref<!tpu.dma_semaphore, #tpu.memory_space<semaphore_mem>>)
    %mul3A_75 = arith.constant 3200 : i32
    %mul3A_76 = arith.muli %arg1, %mul3A_75 : i32
    %add3A_77 = arith.constant 1152 : i32
    %add3A_78 = arith.addi %mul3A_76, %add3A_77 : i32
    %dma_start3A_79 = arith.constant 0 : i32
    %dma_start3A_80 = tpu.memref_slice %arg14[%add3A_78, %dma_start3A_79] : memref<51200x32xf32, #tpu.memory_space<vmem_shared>> -> memref<128x32xf32, #tpu.memory_space<vmem_shared>>
    %dma_start3A_81 = arith.constant 0 : i32
    %dma_start3A_82 = tpu.memref_slice %arg14[%add3A_78, %dma_start3A_81] : memref<51200x32xf32, #tpu.memory_space<vmem_shared>> -> memref<128x32xf32, #tpu.memory_space<vmem_shared>>
    tpu.enqueue_dma source(%arg13 : memref<128x32xf32, #tpu.memory_space<vmem>>) target(%dma_start3A_82 : memref<128x32xf32, #tpu.memory_space<vmem_shared>>) target_semaphore(%arg15 : memref<!tpu.dma_semaphore, #tpu.memory_space<semaphore_mem>>)
    %mul3A_83 = arith.constant 3200 : i32
    %mul3A_84 = arith.muli %arg1, %mul3A_83 : i32
    %add3A_85 = arith.constant 1280 : i32
    %add3A_86 = arith.addi %mul3A_84, %add3A_85 : i32
    %dma_start3A_87 = arith.constant 0 : i32
    %dma_start3A_88 = tpu.memref_slice %arg14[%add3A_86, %dma_start3A_87] : memref<51200x32xf32, #tpu.memory_space<vmem_shared>> -> memref<128x32xf32, #tpu.memory_space<vmem_shared>>
    %dma_start3A_89 = arith.constant 0 : i32
    %dma_start3A_90 = tpu.memref_slice %arg14[%add3A_86, %dma_start3A_89] : memref<51200x32xf32, #tpu.memory_space<vmem_shared>> -> memref<128x32xf32, #tpu.memory_space<vmem_shared>>
    tpu.enqueue_dma source(%arg13 : memref<128x32xf32, #tpu.memory_space<vmem>>) target(%dma_start3A_90 : memref<128x32xf32, #tpu.memory_space<vmem_shared>>) target_semaphore(%arg15 : memref<!tpu.dma_semaphore, #tpu.memory_space<semaphore_mem>>)
    %mul3A_91 = arith.constant 3200 : i32
    %mul3A_92 = arith.muli %arg1, %mul3A_91 : i32
    %add3A_93 = arith.constant 1408 : i32
    %add3A_94 = arith.addi %mul3A_92, %add3A_93 : i32
    %dma_start3A_95 = arith.constant 0 : i32
    %dma_start3A_96 = tpu.memref_slice %arg14[%add3A_94, %dma_start3A_95] : memref<51200x32xf32, #tpu.memory_space<vmem_shared>> -> memref<128x32xf32, #tpu.memory_space<vmem_shared>>
    %dma_start3A_97 = arith.constant 0 : i32
    %dma_start3A_98 = tpu.memref_slice %arg14[%add3A_94, %dma_start3A_97] : memref<51200x32xf32, #tpu.memory_space<vmem_shared>> -> memref<128x32xf32, #tpu.memory_space<vmem_shared>>
    tpu.enqueue_dma source(%arg13 : memref<128x32xf32, #tpu.memory_space<vmem>>) target(%dma_start3A_98 : memref<128x32xf32, #tpu.memory_space<vmem_shared>>) target_semaphore(%arg15 : memref<!tpu.dma_semaphore, #tpu.memory_space<semaphore_mem>>)
    %mul3A_99 = arith.constant 3200 : i32
    %mul3A_100 = arith.muli %arg1, %mul3A_99 : i32
    %add3A_101 = arith.constant 1536 : i32
    %add3A_102 = arith.addi %mul3A_100, %add3A_101 : i32
    %dma_start3A_103 = arith.constant 0 : i32
    %dma_start3A_104 = tpu.memref_slice %arg14[%add3A_102, %dma_start3A_103] : memref<51200x32xf32, #tpu.memory_space<vmem_shared>> -> memref<128x32xf32, #tpu.memory_space<vmem_shared>>
    %dma_start3A_105 = arith.constant 0 : i32
    %dma_start3A_106 = tpu.memref_slice %arg14[%add3A_102, %dma_start3A_105] : memref<51200x32xf32, #tpu.memory_space<vmem_shared>> -> memref<128x32xf32, #tpu.memory_space<vmem_shared>>
    tpu.enqueue_dma source(%arg13 : memref<128x32xf32, #tpu.memory_space<vmem>>) target(%dma_start3A_106 : memref<128x32xf32, #tpu.memory_space<vmem_shared>>) target_semaphore(%arg15 : memref<!tpu.dma_semaphore, #tpu.memory_space<semaphore_mem>>)
    %mul3A_107 = arith.constant 3200 : i32
    %mul3A_108 = arith.muli %arg1, %mul3A_107 : i32
    %add3A_109 = arith.constant 1664 : i32
    %add3A_110 = arith.addi %mul3A_108, %add3A_109 : i32
    %dma_start3A_111 = arith.constant 0 : i32
    %dma_start3A_112 = tpu.memref_slice %arg14[%add3A_110, %dma_start3A_111] : memref<51200x32xf32, #tpu.memory_space<vmem_shared>> -> memref<128x32xf32, #tpu.memory_space<vmem_shared>>
    %dma_start3A_113 = arith.constant 0 : i32
    %dma_start3A_114 = tpu.memref_slice %arg14[%add3A_110, %dma_start3A_113] : memref<51200x32xf32, #tpu.memory_space<vmem_shared>> -> memref<128x32xf32, #tpu.memory_space<vmem_shared>>
    tpu.enqueue_dma source(%arg13 : memref<128x32xf32, #tpu.memory_space<vmem>>) target(%dma_start3A_114 : memref<128x32xf32, #tpu.memory_space<vmem_shared>>) target_semaphore(%arg15 : memref<!tpu.dma_semaphore, #tpu.memory_space<semaphore_mem>>)
    %mul3A_115 = arith.constant 3200 : i32
    %mul3A_116 = arith.muli %arg1, %mul3A_115 : i32
    %add3A_117 = arith.constant 1792 : i32
    %add3A_118 = arith.addi %mul3A_116, %add3A_117 : i32
    %dma_start3A_119 = arith.constant 0 : i32
    %dma_start3A_120 = tpu.memref_slice %arg14[%add3A_118, %dma_start3A_119] : memref<51200x32xf32, #tpu.memory_space<vmem_shared>> -> memref<128x32xf32, #tpu.memory_space<vmem_shared>>
    %dma_start3A_121 = arith.constant 0 : i32
    %dma_start3A_122 = tpu.memref_slice %arg14[%add3A_118, %dma_start3A_121] : memref<51200x32xf32, #tpu.memory_space<vmem_shared>> -> memref<128x32xf32, #tpu.memory_space<vmem_shared>>
    tpu.enqueue_dma source(%arg13 : memref<128x32xf32, #tpu.memory_space<vmem>>) target(%dma_start3A_122 : memref<128x32xf32, #tpu.memory_space<vmem_shared>>) target_semaphore(%arg15 : memref<!tpu.dma_semaphore, #tpu.memory_space<semaphore_mem>>)
    %mul3A_123 = arith.constant 3200 : i32
    %mul3A_124 = arith.muli %arg1, %mul3A_123 : i32
    %add3A_125 = arith.constant 1920 : i32
    %add3A_126 = arith.addi %mul3A_124, %add3A_125 : i32
    %dma_start3A_127 = arith.constant 0 : i32
    %dma_start3A_128 = tpu.memref_slice %arg14[%add3A_126, %dma_start3A_127] : memref<51200x32xf32, #tpu.memory_space<vmem_shared>> -> memref<128x32xf32, #tpu.memory_space<vmem_shared>>
    %dma_start3A_129 = arith.constant 0 : i32
    %dma_start3A_130 = tpu.memref_slice %arg14[%add3A_126, %dma_start3A_129] : memref<51200x32xf32, #tpu.memory_space<vmem_shared>> -> memref<128x32xf32, #tpu.memory_space<vmem_shared>>
    tpu.enqueue_dma source(%arg13 : memref<128x32xf32, #tpu.memory_space<vmem>>) target(%dma_start3A_130 : memref<128x32xf32, #tpu.memory_space<vmem_shared>>) target_semaphore(%arg15 : memref<!tpu.dma_semaphore, #tpu.memory_space<semaphore_mem>>)
    %mul3A_131 = arith.constant 3200 : i32
    %mul3A_132 = arith.muli %arg1, %mul3A_131 : i32
    %add3A_133 = arith.constant 2048 : i32
    %add3A_134 = arith.addi %mul3A_132, %add3A_133 : i32
    %dma_start3A_135 = arith.constant 0 : i32
    %dma_start3A_136 = tpu.memref_slice %arg14[%add3A_134, %dma_start3A_135] : memref<51200x32xf32, #tpu.memory_space<vmem_shared>> -> memref<128x32xf32, #tpu.memory_space<vmem_shared>>
    %dma_start3A_137 = arith.constant 0 : i32
    %dma_start3A_138 = tpu.memref_slice %arg14[%add3A_134, %dma_start3A_137] : memref<51200x32xf32, #tpu.memory_space<vmem_shared>> -> memref<128x32xf32, #tpu.memory_space<vmem_shared>>
    tpu.enqueue_dma source(%arg13 : memref<128x32xf32, #tpu.memory_space<vmem>>) target(%dma_start3A_138 : memref<128x32xf32, #tpu.memory_space<vmem_shared>>) target_semaphore(%arg15 : memref<!tpu.dma_semaphore, #tpu.memory_space<semaphore_mem>>)
    %mul3A_139 = arith.constant 3200 : i32
    %mul3A_140 = arith.muli %arg1, %mul3A_139 : i32
    %add3A_141 = arith.constant 2176 : i32
    %add3A_142 = arith.addi %mul3A_140, %add3A_141 : i32
    %dma_start3A_143 = arith.constant 0 : i32
    %dma_start3A_144 = tpu.memref_slice %arg14[%add3A_142, %dma_start3A_143] : memref<51200x32xf32, #tpu.memory_space<vmem_shared>> -> memref<128x32xf32, #tpu.memory_space<vmem_shared>>
    %dma_start3A_145 = arith.constant 0 : i32
    %dma_start3A_146 = tpu.memref_slice %arg14[%add3A_142, %dma_start3A_145] : memref<51200x32xf32, #tpu.memory_space<vmem_shared>> -> memref<128x32xf32, #tpu.memory_space<vmem_shared>>
    tpu.enqueue_dma source(%arg13 : memref<128x32xf32, #tpu.memory_space<vmem>>) target(%dma_start3A_146 : memref<128x32xf32, #tpu.memory_space<vmem_shared>>) target_semaphore(%arg15 : memref<!tpu.dma_semaphore, #tpu.memory_space<semaphore_mem>>)
    %mul3A_147 = arith.constant 3200 : i32
    %mul3A_148 = arith.muli %arg1, %mul3A_147 : i32
    %add3A_149 = arith.constant 2304 : i32
    %add3A_150 = arith.addi %mul3A_148, %add3A_149 : i32
    %dma_start3A_151 = arith.constant 0 : i32
    %dma_start3A_152 = tpu.memref_slice %arg14[%add3A_150, %dma_start3A_151] : memref<51200x32xf32, #tpu.memory_space<vmem_shared>> -> memref<128x32xf32, #tpu.memory_space<vmem_shared>>
    %dma_start3A_153 = arith.constant 0 : i32
    %dma_start3A_154 = tpu.memref_slice %arg14[%add3A_150, %dma_start3A_153] : memref<51200x32xf32, #tpu.memory_space<vmem_shared>> -> memref<128x32xf32, #tpu.memory_space<vmem_shared>>
    tpu.enqueue_dma source(%arg13 : memref<128x32xf32, #tpu.memory_space<vmem>>) target(%dma_start3A_154 : memref<128x32xf32, #tpu.memory_space<vmem_shared>>) target_semaphore(%arg15 : memref<!tpu.dma_semaphore, #tpu.memory_space<semaphore_mem>>)
    %mul3A_155 = arith.constant 3200 : i32
    %mul3A_156 = arith.muli %arg1, %mul3A_155 : i32
    %add3A_157 = arith.constant 2432 : i32
    %add3A_158 = arith.addi %mul3A_156, %add3A_157 : i32
    %dma_start3A_159 = arith.constant 0 : i32
    %dma_start3A_160 = tpu.memref_slice %arg14[%add3A_158, %dma_start3A_159] : memref<51200x32xf32, #tpu.memory_space<vmem_shared>> -> memref<128x32xf32, #tpu.memory_space<vmem_shared>>
    %dma_start3A_161 = arith.constant 0 : i32
    %dma_start3A_162 = tpu.memref_slice %arg14[%add3A_158, %dma_start3A_161] : memref<51200x32xf32, #tpu.memory_space<vmem_shared>> -> memref<128x32xf32, #tpu.memory_space<vmem_shared>>
    tpu.enqueue_dma source(%arg13 : memref<128x32xf32, #tpu.memory_space<vmem>>) target(%dma_start3A_162 : memref<128x32xf32, #tpu.memory_space<vmem_shared>>) target_semaphore(%arg15 : memref<!tpu.dma_semaphore, #tpu.memory_space<semaphore_mem>>)
    %mul3A_163 = arith.constant 3200 : i32
    %mul3A_164 = arith.muli %arg1, %mul3A_163 : i32
    %add3A_165 = arith.constant 2560 : i32
    %add3A_166 = arith.addi %mul3A_164, %add3A_165 : i32
    %dma_start3A_167 = arith.constant 0 : i32
    %dma_start3A_168 = tpu.memref_slice %arg14[%add3A_166, %dma_start3A_167] : memref<51200x32xf32, #tpu.memory_space<vmem_shared>> -> memref<128x32xf32, #tpu.memory_space<vmem_shared>>
    %dma_start3A_169 = arith.constant 0 : i32
    %dma_start3A_170 = tpu.memref_slice %arg14[%add3A_166, %dma_start3A_169] : memref<51200x32xf32, #tpu.memory_space<vmem_shared>> -> memref<128x32xf32, #tpu.memory_space<vmem_shared>>
    tpu.enqueue_dma source(%arg13 : memref<128x32xf32, #tpu.memory_space<vmem>>) target(%dma_start3A_170 : memref<128x32xf32, #tpu.memory_space<vmem_shared>>) target_semaphore(%arg15 : memref<!tpu.dma_semaphore, #tpu.memory_space<semaphore_mem>>)
    %mul3A_171 = arith.constant 3200 : i32
    %mul3A_172 = arith.muli %arg1, %mul3A_171 : i32
    %add3A_173 = arith.constant 2688 : i32
    %add3A_174 = arith.addi %mul3A_172, %add3A_173 : i32
    %dma_start3A_175 = arith.constant 0 : i32
    %dma_start3A_176 = tpu.memref_slice %arg14[%add3A_174, %dma_start3A_175] : memref<51200x32xf32, #tpu.memory_space<vmem_shared>> -> memref<128x32xf32, #tpu.memory_space<vmem_shared>>
    %dma_start3A_177 = arith.constant 0 : i32
    %dma_start3A_178 = tpu.memref_slice %arg14[%add3A_174, %dma_start3A_177] : memref<51200x32xf32, #tpu.memory_space<vmem_shared>> -> memref<128x32xf32, #tpu.memory_space<vmem_shared>>
    tpu.enqueue_dma source(%arg13 : memref<128x32xf32, #tpu.memory_space<vmem>>) target(%dma_start3A_178 : memref<128x32xf32, #tpu.memory_space<vmem_shared>>) target_semaphore(%arg15 : memref<!tpu.dma_semaphore, #tpu.memory_space<semaphore_mem>>)
    %mul3A_179 = arith.constant 3200 : i32
    %mul3A_180 = arith.muli %arg1, %mul3A_179 : i32
    %add3A_181 = arith.constant 2816 : i32
    %add3A_182 = arith.addi %mul3A_180, %add3A_181 : i32
    %dma_start3A_183 = arith.constant 0 : i32
    %dma_start3A_184 = tpu.memref_slice %arg14[%add3A_182, %dma_start3A_183] : memref<51200x32xf32, #tpu.memory_space<vmem_shared>> -> memref<128x32xf32, #tpu.memory_space<vmem_shared>>
    %dma_start3A_185 = arith.constant 0 : i32
    %dma_start3A_186 = tpu.memref_slice %arg14[%add3A_182, %dma_start3A_185] : memref<51200x32xf32, #tpu.memory_space<vmem_shared>> -> memref<128x32xf32, #tpu.memory_space<vmem_shared>>
    tpu.enqueue_dma source(%arg13 : memref<128x32xf32, #tpu.memory_space<vmem>>) target(%dma_start3A_186 : memref<128x32xf32, #tpu.memory_space<vmem_shared>>) target_semaphore(%arg15 : memref<!tpu.dma_semaphore, #tpu.memory_space<semaphore_mem>>)
    %mul3A_187 = arith.constant 3200 : i32
    %mul3A_188 = arith.muli %arg1, %mul3A_187 : i32
    %add3A_189 = arith.constant 2944 : i32
    %add3A_190 = arith.addi %mul3A_188, %add3A_189 : i32
    %dma_start3A_191 = arith.constant 0 : i32
    %dma_start3A_192 = tpu.memref_slice %arg14[%add3A_190, %dma_start3A_191] : memref<51200x32xf32, #tpu.memory_space<vmem_shared>> -> memref<128x32xf32, #tpu.memory_space<vmem_shared>>
    %dma_start3A_193 = arith.constant 0 : i32
    %dma_start3A_194 = tpu.memref_slice %arg14[%add3A_190, %dma_start3A_193] : memref<51200x32xf32, #tpu.memory_space<vmem_shared>> -> memref<128x32xf32, #tpu.memory_space<vmem_shared>>
    tpu.enqueue_dma source(%arg13 : memref<128x32xf32, #tpu.memory_space<vmem>>) target(%dma_start3A_194 : memref<128x32xf32, #tpu.memory_space<vmem_shared>>) target_semaphore(%arg15 : memref<!tpu.dma_semaphore, #tpu.memory_space<semaphore_mem>>)
    %mul3A_195 = arith.constant 3200 : i32
    %mul3A_196 = arith.muli %arg1, %mul3A_195 : i32
    %add3A_197 = arith.constant 3072 : i32
    %add3A_198 = arith.addi %mul3A_196, %add3A_197 : i32
    %dma_start3A_199 = arith.constant 0 : i32
    %dma_start3A_200 = tpu.memref_slice %arg14[%add3A_198, %dma_start3A_199] : memref<51200x32xf32, #tpu.memory_space<vmem_shared>> -> memref<128x32xf32, #tpu.memory_space<vmem_shared>>
    %dma_start3A_201 = arith.constant 0 : i32
    %dma_start3A_202 = tpu.memref_slice %arg14[%add3A_198, %dma_start3A_201] : memref<51200x32xf32, #tpu.memory_space<vmem_shared>> -> memref<128x32xf32, #tpu.memory_space<vmem_shared>>
    tpu.enqueue_dma source(%arg13 : memref<128x32xf32, #tpu.memory_space<vmem>>) target(%dma_start3A_202 : memref<128x32xf32, #tpu.memory_space<vmem_shared>>) target_semaphore(%arg15 : memref<!tpu.dma_semaphore, #tpu.memory_space<semaphore_mem>>)
    %dma_wait3A = arith.constant 0 : i32
    %dma_wait3A_203 = tpu.memref_slice %arg14[%add3A_7, %dma_wait3A] : memref<51200x32xf32, #tpu.memory_space<vmem_shared>> -> memref<128x32xf32, #tpu.memory_space<vmem_shared>>
    %dma_wait3A_204 = arith.constant 0 : i32
    %dma_wait3A_205 = tpu.memref_slice %arg14[%add3A_7, %dma_wait3A_204] : memref<51200x32xf32, #tpu.memory_space<vmem_shared>> -> memref<128x32xf32, #tpu.memory_space<vmem_shared>>
    tpu.wait_dma2 semaphore(%arg15 : memref<!tpu.dma_semaphore, #tpu.memory_space<semaphore_mem>>) src(%arg13 : memref<128x32xf32, #tpu.memory_space<vmem>>) dst(%dma_wait3A_205 : memref<128x32xf32, #tpu.memory_space<vmem_shared>>)
    %dma_wait3A_206 = arith.constant 0 : i32
    %dma_wait3A_207 = tpu.memref_slice %arg14[%add3A_14, %dma_wait3A_206] : memref<51200x32xf32, #tpu.memory_space<vmem_shared>> -> memref<128x32xf32, #tpu.memory_space<vmem_shared>>
    %dma_wait3A_208 = arith.constant 0 : i32
    %dma_wait3A_209 = tpu.memref_slice %arg14[%add3A_14, %dma_wait3A_208] : memref<51200x32xf32, #tpu.memory_space<vmem_shared>> -> memref<128x32xf32, #tpu.memory_space<vmem_shared>>
    tpu.wait_dma2 semaphore(%arg15 : memref<!tpu.dma_semaphore, #tpu.memory_space<semaphore_mem>>) src(%arg13 : memref<128x32xf32, #tpu.memory_space<vmem>>) dst(%dma_wait3A_209 : memref<128x32xf32, #tpu.memory_space<vmem_shared>>)
    %dma_wait3A_210 = arith.constant 0 : i32
    %dma_wait3A_211 = tpu.memref_slice %arg14[%add3A_22, %dma_wait3A_210] : memref<51200x32xf32, #tpu.memory_space<vmem_shared>> -> memref<128x32xf32, #tpu.memory_space<vmem_shared>>
    %dma_wait3A_212 = arith.constant 0 : i32
    %dma_wait3A_213 = tpu.memref_slice %arg14[%add3A_22, %dma_wait3A_212] : memref<51200x32xf32, #tpu.memory_space<vmem_shared>> -> memref<128x32xf32, #tpu.memory_space<vmem_shared>>
    tpu.wait_dma2 semaphore(%arg15 : memref<!tpu.dma_semaphore, #tpu.memory_space<semaphore_mem>>) src(%arg13 : memref<128x32xf32, #tpu.memory_space<vmem>>) dst(%dma_wait3A_213 : memref<128x32xf32, #tpu.memory_space<vmem_shared>>)
    %dma_wait3A_214 = arith.constant 0 : i32
    %dma_wait3A_215 = tpu.memref_slice %arg14[%add3A_30, %dma_wait3A_214] : memref<51200x32xf32, #tpu.memory_space<vmem_shared>> -> memref<128x32xf32, #tpu.memory_space<vmem_shared>>
    %dma_wait3A_216 = arith.constant 0 : i32
    %dma_wait3A_217 = tpu.memref_slice %arg14[%add3A_30, %dma_wait3A_216] : memref<51200x32xf32, #tpu.memory_space<vmem_shared>> -> memref<128x32xf32, #tpu.memory_space<vmem_shared>>
    tpu.wait_dma2 semaphore(%arg15 : memref<!tpu.dma_semaphore, #tpu.memory_space<semaphore_mem>>) src(%arg13 : memref<128x32xf32, #tpu.memory_space<vmem>>) dst(%dma_wait3A_217 : memref<128x32xf32, #tpu.memory_space<vmem_shared>>)
    %dma_wait3A_218 = arith.constant 0 : i32
    %dma_wait3A_219 = tpu.memref_slice %arg14[%add3A_38, %dma_wait3A_218] : memref<51200x32xf32, #tpu.memory_space<vmem_shared>> -> memref<128x32xf32, #tpu.memory_space<vmem_shared>>
    %dma_wait3A_220 = arith.constant 0 : i32
    %dma_wait3A_221 = tpu.memref_slice %arg14[%add3A_38, %dma_wait3A_220] : memref<51200x32xf32, #tpu.memory_space<vmem_shared>> -> memref<128x32xf32, #tpu.memory_space<vmem_shared>>
    tpu.wait_dma2 semaphore(%arg15 : memref<!tpu.dma_semaphore, #tpu.memory_space<semaphore_mem>>) src(%arg13 : memref<128x32xf32, #tpu.memory_space<vmem>>) dst(%dma_wait3A_221 : memref<128x32xf32, #tpu.memory_space<vmem_shared>>)
    %dma_wait3A_222 = arith.constant 0 : i32
    %dma_wait3A_223 = tpu.memref_slice %arg14[%add3A_46, %dma_wait3A_222] : memref<51200x32xf32, #tpu.memory_space<vmem_shared>> -> memref<128x32xf32, #tpu.memory_space<vmem_shared>>
    %dma_wait3A_224 = arith.constant 0 : i32
    %dma_wait3A_225 = tpu.memref_slice %arg14[%add3A_46, %dma_wait3A_224] : memref<51200x32xf32, #tpu.memory_space<vmem_shared>> -> memref<128x32xf32, #tpu.memory_space<vmem_shared>>
    tpu.wait_dma2 semaphore(%arg15 : memref<!tpu.dma_semaphore, #tpu.memory_space<semaphore_mem>>) src(%arg13 : memref<128x32xf32, #tpu.memory_space<vmem>>) dst(%dma_wait3A_225 : memref<128x32xf32, #tpu.memory_space<vmem_shared>>)
    %dma_wait3A_226 = arith.constant 0 : i32
    %dma_wait3A_227 = tpu.memref_slice %arg14[%add3A_54, %dma_wait3A_226] : memref<51200x32xf32, #tpu.memory_space<vmem_shared>> -> memref<128x32xf32, #tpu.memory_space<vmem_shared>>
    %dma_wait3A_228 = arith.constant 0 : i32
    %dma_wait3A_229 = tpu.memref_slice %arg14[%add3A_54, %dma_wait3A_228] : memref<51200x32xf32, #tpu.memory_space<vmem_shared>> -> memref<128x32xf32, #tpu.memory_space<vmem_shared>>
    tpu.wait_dma2 semaphore(%arg15 : memref<!tpu.dma_semaphore, #tpu.memory_space<semaphore_mem>>) src(%arg13 : memref<128x32xf32, #tpu.memory_space<vmem>>) dst(%dma_wait3A_229 : memref<128x32xf32, #tpu.memory_space<vmem_shared>>)
    %dma_wait3A_230 = arith.constant 0 : i32
    %dma_wait3A_231 = tpu.memref_slice %arg14[%add3A_62, %dma_wait3A_230] : memref<51200x32xf32, #tpu.memory_space<vmem_shared>> -> memref<128x32xf32, #tpu.memory_space<vmem_shared>>
    %dma_wait3A_232 = arith.constant 0 : i32
    %dma_wait3A_233 = tpu.memref_slice %arg14[%add3A_62, %dma_wait3A_232] : memref<51200x32xf32, #tpu.memory_space<vmem_shared>> -> memref<128x32xf32, #tpu.memory_space<vmem_shared>>
    tpu.wait_dma2 semaphore(%arg15 : memref<!tpu.dma_semaphore, #tpu.memory_space<semaphore_mem>>) src(%arg13 : memref<128x32xf32, #tpu.memory_space<vmem>>) dst(%dma_wait3A_233 : memref<128x32xf32, #tpu.memory_space<vmem_shared>>)
    %dma_wait3A_234 = arith.constant 0 : i32
    %dma_wait3A_235 = tpu.memref_slice %arg14[%add3A_70, %dma_wait3A_234] : memref<51200x32xf32, #tpu.memory_space<vmem_shared>> -> memref<128x32xf32, #tpu.memory_space<vmem_shared>>
    %dma_wait3A_236 = arith.constant 0 : i32
    %dma_wait3A_237 = tpu.memref_slice %arg14[%add3A_70, %dma_wait3A_236] : memref<51200x32xf32, #tpu.memory_space<vmem_shared>> -> memref<128x32xf32, #tpu.memory_space<vmem_shared>>
    tpu.wait_dma2 semaphore(%arg15 : memref<!tpu.dma_semaphore, #tpu.memory_space<semaphore_mem>>) src(%arg13 : memref<128x32xf32, #tpu.memory_space<vmem>>) dst(%dma_wait3A_237 : memref<128x32xf32, #tpu.memory_space<vmem_shared>>)
    %dma_wait3A_238 = arith.constant 0 : i32
    %dma_wait3A_239 = tpu.memref_slice %arg14[%add3A_78, %dma_wait3A_238] : memref<51200x32xf32, #tpu.memory_space<vmem_shared>> -> memref<128x32xf32, #tpu.memory_space<vmem_shared>>
    %dma_wait3A_240 = arith.constant 0 : i32
    %dma_wait3A_241 = tpu.memref_slice %arg14[%add3A_78, %dma_wait3A_240] : memref<51200x32xf32, #tpu.memory_space<vmem_shared>> -> memref<128x32xf32, #tpu.memory_space<vmem_shared>>
    tpu.wait_dma2 semaphore(%arg15 : memref<!tpu.dma_semaphore, #tpu.memory_space<semaphore_mem>>) src(%arg13 : memref<128x32xf32, #tpu.memory_space<vmem>>) dst(%dma_wait3A_241 : memref<128x32xf32, #tpu.memory_space<vmem_shared>>)
    %dma_wait3A_242 = arith.constant 0 : i32
    %dma_wait3A_243 = tpu.memref_slice %arg14[%add3A_86, %dma_wait3A_242] : memref<51200x32xf32, #tpu.memory_space<vmem_shared>> -> memref<128x32xf32, #tpu.memory_space<vmem_shared>>
    %dma_wait3A_244 = arith.constant 0 : i32
    %dma_wait3A_245 = tpu.memref_slice %arg14[%add3A_86, %dma_wait3A_244] : memref<51200x32xf32, #tpu.memory_space<vmem_shared>> -> memref<128x32xf32, #tpu.memory_space<vmem_shared>>
    tpu.wait_dma2 semaphore(%arg15 : memref<!tpu.dma_semaphore, #tpu.memory_space<semaphore_mem>>) src(%arg13 : memref<128x32xf32, #tpu.memory_space<vmem>>) dst(%dma_wait3A_245 : memref<128x32xf32, #tpu.memory_space<vmem_shared>>)
    %dma_wait3A_246 = arith.constant 0 : i32
    %dma_wait3A_247 = tpu.memref_slice %arg14[%add3A_94, %dma_wait3A_246] : memref<51200x32xf32, #tpu.memory_space<vmem_shared>> -> memref<128x32xf32, #tpu.memory_space<vmem_shared>>
    %dma_wait3A_248 = arith.constant 0 : i32
    %dma_wait3A_249 = tpu.memref_slice %arg14[%add3A_94, %dma_wait3A_248] : memref<51200x32xf32, #tpu.memory_space<vmem_shared>> -> memref<128x32xf32, #tpu.memory_space<vmem_shared>>
    tpu.wait_dma2 semaphore(%arg15 : memref<!tpu.dma_semaphore, #tpu.memory_space<semaphore_mem>>) src(%arg13 : memref<128x32xf32, #tpu.memory_space<vmem>>) dst(%dma_wait3A_249 : memref<128x32xf32, #tpu.memory_space<vmem_shared>>)
    %dma_wait3A_250 = arith.constant 0 : i32
    %dma_wait3A_251 = tpu.memref_slice %arg14[%add3A_102, %dma_wait3A_250] : memref<51200x32xf32, #tpu.memory_space<vmem_shared>> -> memref<128x32xf32, #tpu.memory_space<vmem_shared>>
    %dma_wait3A_252 = arith.constant 0 : i32
    %dma_wait3A_253 = tpu.memref_slice %arg14[%add3A_102, %dma_wait3A_252] : memref<51200x32xf32, #tpu.memory_space<vmem_shared>> -> memref<128x32xf32, #tpu.memory_space<vmem_shared>>
    tpu.wait_dma2 semaphore(%arg15 : memref<!tpu.dma_semaphore, #tpu.memory_space<semaphore_mem>>) src(%arg13 : memref<128x32xf32, #tpu.memory_space<vmem>>) dst(%dma_wait3A_253 : memref<128x32xf32, #tpu.memory_space<vmem_shared>>)
    %dma_wait3A_254 = arith.constant 0 : i32
    %dma_wait3A_255 = tpu.memref_slice %arg14[%add3A_110, %dma_wait3A_254] : memref<51200x32xf32, #tpu.memory_space<vmem_shared>> -> memref<128x32xf32, #tpu.memory_space<vmem_shared>>
    %dma_wait3A_256 = arith.constant 0 : i32
    %dma_wait3A_257 = tpu.memref_slice %arg14[%add3A_110, %dma_wait3A_256] : memref<51200x32xf32, #tpu.memory_space<vmem_shared>> -> memref<128x32xf32, #tpu.memory_space<vmem_shared>>
    tpu.wait_dma2 semaphore(%arg15 : memref<!tpu.dma_semaphore, #tpu.memory_space<semaphore_mem>>) src(%arg13 : memref<128x32xf32, #tpu.memory_space<vmem>>) dst(%dma_wait3A_257 : memref<128x32xf32, #tpu.memory_space<vmem_shared>>)
    %dma_wait3A_258 = arith.constant 0 : i32
    %dma_wait3A_259 = tpu.memref_slice %arg14[%add3A_118, %dma_wait3A_258] : memref<51200x32xf32, #tpu.memory_space<vmem_shared>> -> memref<128x32xf32, #tpu.memory_space<vmem_shared>>
    %dma_wait3A_260 = arith.constant 0 : i32
    %dma_wait3A_261 = tpu.memref_slice %arg14[%add3A_118, %dma_wait3A_260] : memref<51200x32xf32, #tpu.memory_space<vmem_shared>> -> memref<128x32xf32, #tpu.memory_space<vmem_shared>>
    tpu.wait_dma2 semaphore(%arg15 : memref<!tpu.dma_semaphore, #tpu.memory_space<semaphore_mem>>) src(%arg13 : memref<128x32xf32, #tpu.memory_space<vmem>>) dst(%dma_wait3A_261 : memref<128x32xf32, #tpu.memory_space<vmem_shared>>)
    %dma_wait3A_262 = arith.constant 0 : i32
    %dma_wait3A_263 = tpu.memref_slice %arg14[%add3A_126, %dma_wait3A_262] : memref<51200x32xf32, #tpu.memory_space<vmem_shared>> -> memref<128x32xf32, #tpu.memory_space<vmem_shared>>
    %dma_wait3A_264 = arith.constant 0 : i32
    %dma_wait3A_265 = tpu.memref_slice %arg14[%add3A_126, %dma_wait3A_264] : memref<51200x32xf32, #tpu.memory_space<vmem_shared>> -> memref<128x32xf32, #tpu.memory_space<vmem_shared>>
    tpu.wait_dma2 semaphore(%arg15 : memref<!tpu.dma_semaphore, #tpu.memory_space<semaphore_mem>>) src(%arg13 : memref<128x32xf32, #tpu.memory_space<vmem>>) dst(%dma_wait3A_265 : memref<128x32xf32, #tpu.memory_space<vmem_shared>>)
    %dma_wait3A_266 = arith.constant 0 : i32
    %dma_wait3A_267 = tpu.memref_slice %arg14[%add3A_134, %dma_wait3A_266] : memref<51200x32xf32, #tpu.memory_space<vmem_shared>> -> memref<128x32xf32, #tpu.memory_space<vmem_shared>>
    %dma_wait3A_268 = arith.constant 0 : i32
    %dma_wait3A_269 = tpu.memref_slice %arg14[%add3A_134, %dma_wait3A_268] : memref<51200x32xf32, #tpu.memory_space<vmem_shared>> -> memref<128x32xf32, #tpu.memory_space<vmem_shared>>
    tpu.wait_dma2 semaphore(%arg15 : memref<!tpu.dma_semaphore, #tpu.memory_space<semaphore_mem>>) src(%arg13 : memref<128x32xf32, #tpu.memory_space<vmem>>) dst(%dma_wait3A_269 : memref<128x32xf32, #tpu.memory_space<vmem_shared>>)
    %dma_wait3A_270 = arith.constant 0 : i32
    %dma_wait3A_271 = tpu.memref_slice %arg14[%add3A_142, %dma_wait3A_270] : memref<51200x32xf32, #tpu.memory_space<vmem_shared>> -> memref<128x32xf32, #tpu.memory_space<vmem_shared>>
    %dma_wait3A_272 = arith.constant 0 : i32
    %dma_wait3A_273 = tpu.memref_slice %arg14[%add3A_142, %dma_wait3A_272] : memref<51200x32xf32, #tpu.memory_space<vmem_shared>> -> memref<128x32xf32, #tpu.memory_space<vmem_shared>>
    tpu.wait_dma2 semaphore(%arg15 : memref<!tpu.dma_semaphore, #tpu.memory_space<semaphore_mem>>) src(%arg13 : memref<128x32xf32, #tpu.memory_space<vmem>>) dst(%dma_wait3A_273 : memref<128x32xf32, #tpu.memory_space<vmem_shared>>)
    %dma_wait3A_274 = arith.constant 0 : i32
    %dma_wait3A_275 = tpu.memref_slice %arg14[%add3A_150, %dma_wait3A_274] : memref<51200x32xf32, #tpu.memory_space<vmem_shared>> -> memref<128x32xf32, #tpu.memory_space<vmem_shared>>
    %dma_wait3A_276 = arith.constant 0 : i32
    %dma_wait3A_277 = tpu.memref_slice %arg14[%add3A_150, %dma_wait3A_276] : memref<51200x32xf32, #tpu.memory_space<vmem_shared>> -> memref<128x32xf32, #tpu.memory_space<vmem_shared>>
    tpu.wait_dma2 semaphore(%arg15 : memref<!tpu.dma_semaphore, #tpu.memory_space<semaphore_mem>>) src(%arg13 : memref<128x32xf32, #tpu.memory_space<vmem>>) dst(%dma_wait3A_277 : memref<128x32xf32, #tpu.memory_space<vmem_shared>>)
    %dma_wait3A_278 = arith.constant 0 : i32
    %dma_wait3A_279 = tpu.memref_slice %arg14[%add3A_158, %dma_wait3A_278] : memref<51200x32xf32, #tpu.memory_space<vmem_shared>> -> memref<128x32xf32, #tpu.memory_space<vmem_shared>>
    %dma_wait3A_280 = arith.constant 0 : i32
    %dma_wait3A_281 = tpu.memref_slice %arg14[%add3A_158, %dma_wait3A_280] : memref<51200x32xf32, #tpu.memory_space<vmem_shared>> -> memref<128x32xf32, #tpu.memory_space<vmem_shared>>
    tpu.wait_dma2 semaphore(%arg15 : memref<!tpu.dma_semaphore, #tpu.memory_space<semaphore_mem>>) src(%arg13 : memref<128x32xf32, #tpu.memory_space<vmem>>) dst(%dma_wait3A_281 : memref<128x32xf32, #tpu.memory_space<vmem_shared>>)
    %dma_wait3A_282 = arith.constant 0 : i32
    %dma_wait3A_283 = tpu.memref_slice %arg14[%add3A_166, %dma_wait3A_282] : memref<51200x32xf32, #tpu.memory_space<vmem_shared>> -> memref<128x32xf32, #tpu.memory_space<vmem_shared>>
    %dma_wait3A_284 = arith.constant 0 : i32
    %dma_wait3A_285 = tpu.memref_slice %arg14[%add3A_166, %dma_wait3A_284] : memref<51200x32xf32, #tpu.memory_space<vmem_shared>> -> memref<128x32xf32, #tpu.memory_space<vmem_shared>>
    tpu.wait_dma2 semaphore(%arg15 : memref<!tpu.dma_semaphore, #tpu.memory_space<semaphore_mem>>) src(%arg13 : memref<128x32xf32, #tpu.memory_space<vmem>>) dst(%dma_wait3A_285 : memref<128x32xf32, #tpu.memory_space<vmem_shared>>)
    %dma_wait3A_286 = arith.constant 0 : i32
    %dma_wait3A_287 = tpu.memref_slice %arg14[%add3A_174, %dma_wait3A_286] : memref<51200x32xf32, #tpu.memory_space<vmem_shared>> -> memref<128x32xf32, #tpu.memory_space<vmem_shared>>
    %dma_wait3A_288 = arith.constant 0 : i32
    %dma_wait3A_289 = tpu.memref_slice %arg14[%add3A_174, %dma_wait3A_288] : memref<51200x32xf32, #tpu.memory_space<vmem_shared>> -> memref<128x32xf32, #tpu.memory_space<vmem_shared>>
    tpu.wait_dma2 semaphore(%arg15 : memref<!tpu.dma_semaphore, #tpu.memory_space<semaphore_mem>>) src(%arg13 : memref<128x32xf32, #tpu.memory_space<vmem>>) dst(%dma_wait3A_289 : memref<128x32xf32, #tpu.memory_space<vmem_shared>>)
    %dma_wait3A_290 = arith.constant 0 : i32
    %dma_wait3A_291 = tpu.memref_slice %arg14[%add3A_182, %dma_wait3A_290] : memref<51200x32xf32, #tpu.memory_space<vmem_shared>> -> memref<128x32xf32, #tpu.memory_space<vmem_shared>>
    %dma_wait3A_292 = arith.constant 0 : i32
    %dma_wait3A_293 = tpu.memref_slice %arg14[%add3A_182, %dma_wait3A_292] : memref<51200x32xf32, #tpu.memory_space<vmem_shared>> -> memref<128x32xf32, #tpu.memory_space<vmem_shared>>
    tpu.wait_dma2 semaphore(%arg15 : memref<!tpu.dma_semaphore, #tpu.memory_space<semaphore_mem>>) src(%arg13 : memref<128x32xf32, #tpu.memory_space<vmem>>) dst(%dma_wait3A_293 : memref<128x32xf32, #tpu.memory_space<vmem_shared>>)
    %dma_wait3A_294 = arith.constant 0 : i32
    %dma_wait3A_295 = tpu.memref_slice %arg14[%add3A_190, %dma_wait3A_294] : memref<51200x32xf32, #tpu.memory_space<vmem_shared>> -> memref<128x32xf32, #tpu.memory_space<vmem_shared>>
    %dma_wait3A_296 = arith.constant 0 : i32
    %dma_wait3A_297 = tpu.memref_slice %arg14[%add3A_190, %dma_wait3A_296] : memref<51200x32xf32, #tpu.memory_space<vmem_shared>> -> memref<128x32xf32, #tpu.memory_space<vmem_shared>>
    tpu.wait_dma2 semaphore(%arg15 : memref<!tpu.dma_semaphore, #tpu.memory_space<semaphore_mem>>) src(%arg13 : memref<128x32xf32, #tpu.memory_space<vmem>>) dst(%dma_wait3A_297 : memref<128x32xf32, #tpu.memory_space<vmem_shared>>)
    %dma_wait3A_298 = arith.constant 0 : i32
    %dma_wait3A_299 = tpu.memref_slice %arg14[%add3A_198, %dma_wait3A_298] : memref<51200x32xf32, #tpu.memory_space<vmem_shared>> -> memref<128x32xf32, #tpu.memory_space<vmem_shared>>
    %dma_wait3A_300 = arith.constant 0 : i32
    %dma_wait3A_301 = tpu.memref_slice %arg14[%add3A_198, %dma_wait3A_300] : memref<51200x32xf32, #tpu.memory_space<vmem_shared>> -> memref<128x32xf32, #tpu.memory_space<vmem_shared>>
    tpu.wait_dma2 semaphore(%arg15 : memref<!tpu.dma_semaphore, #tpu.memory_space<semaphore_mem>>) src(%arg13 : memref<128x32xf32, #tpu.memory_space<vmem>>) dst(%dma_wait3A_301 : memref<128x32xf32, #tpu.memory_space<vmem_shared>>)
    %barrier3A = arith.constant 0 : index
    tpu.barrier barrier_id(%barrier3A)
    %scan3A_302 = arith.constant 0 : i32
    %scan3A_303 = arith.constant 0 : i32
    %scan3A_304 = arith.constant 76 : i32
    %scan3A_305 = arith.addi %scan3A_303, %scan3A_304 : i32
    %scan3A_306 = arith.constant 1 : i32
    %scan3A_307 = scf.for %scan3A_631 = %scan3A_303 to %scan3A_305 step %scan3A_306 iter_args(%scan3A_632 = %scan3A_302) -> (i32)  : i32 {
      %mul3A_633 = arith.constant 622592 : i32
      %mul3A_634 = arith.muli %arg0, %mul3A_633 : i32
      %mul3A_635 = arith.constant 38912 : i32
      %mul3A_636 = arith.muli %arg1, %mul3A_635 : i32
      %add3A_637 = arith.addi %mul3A_634, %mul3A_636 : i32
      %mul3A_638 = arith.constant 512 : i32
      %mul3A_639 = arith.muli %scan3A_631, %mul3A_638 : i32
      %add3A_640 = arith.addi %add3A_637, %mul3A_639 : i32
      %mul3A_641 = arith.constant 38912 : i32
      %mul3A_642 = arith.muli %arg1, %mul3A_641 : i32
      %mul3A_643 = arith.constant 512 : i32
      %mul3A_644 = arith.muli %scan3A_631, %mul3A_643 : i32
      %add3A_645 = arith.addi %mul3A_642, %mul3A_644 : i32
      %dma_start3A_646 = tpu.memref_slice %arg4[%add3A_640] : memref<1245184xi32, #tpu.memory_space<hbm>> -> memref<512xi32, #tpu.memory_space<hbm>>
      %dma_start3A_647 = tpu.memref_slice %arg4[%add3A_640] : memref<1245184xi32, #tpu.memory_space<hbm>> -> memref<512xi32, #tpu.memory_space<hbm>>
      tpu.enqueue_dma source(%dma_start3A_647 : memref<512xi32, #tpu.memory_space<hbm>>) target(%arg10 : memref<512xi32, #tpu.memory_space<vmem>>) target_semaphore(%arg15 : memref<!tpu.dma_semaphore, #tpu.memory_space<semaphore_mem>>)
      %dma_start3A_648 = tpu.memref_slice %arg7[%add3A_645] : memref<622592xi32, #tpu.memory_space<hbm>> -> memref<512xi32, #tpu.memory_space<hbm>>
      %dma_start3A_649 = tpu.memref_slice %arg7[%add3A_645] : memref<622592xi32, #tpu.memory_space<hbm>> -> memref<512xi32, #tpu.memory_space<hbm>>
      tpu.enqueue_dma source(%dma_start3A_649 : memref<512xi32, #tpu.memory_space<hbm>>) target(%arg11 : memref<512xi32, #tpu.memory_space<vmem>>) target_semaphore(%arg15 : memref<!tpu.dma_semaphore, #tpu.memory_space<semaphore_mem>>)
      %dma_wait3A_650 = tpu.memref_slice %arg4[%add3A_640] : memref<1245184xi32, #tpu.memory_space<hbm>> -> memref<512xi32, #tpu.memory_space<hbm>>
      %dma_wait3A_651 = tpu.memref_slice %arg4[%add3A_640] : memref<1245184xi32, #tpu.memory_space<hbm>> -> memref<512xi32, #tpu.memory_space<hbm>>
      tpu.wait_dma2 semaphore(%arg15 : memref<!tpu.dma_semaphore, #tpu.memory_space<semaphore_mem>>) src(%dma_wait3A_651 : memref<512xi32, #tpu.memory_space<hbm>>) dst(%arg10 : memref<512xi32, #tpu.memory_space<vmem>>)
      %dma_wait3A_652 = tpu.memref_slice %arg7[%add3A_645] : memref<622592xi32, #tpu.memory_space<hbm>> -> memref<512xi32, #tpu.memory_space<hbm>>
      %dma_wait3A_653 = tpu.memref_slice %arg7[%add3A_645] : memref<622592xi32, #tpu.memory_space<hbm>> -> memref<512xi32, #tpu.memory_space<hbm>>
      tpu.wait_dma2 semaphore(%arg15 : memref<!tpu.dma_semaphore, #tpu.memory_space<semaphore_mem>>) src(%dma_wait3A_653 : memref<512xi32, #tpu.memory_space<hbm>>) dst(%arg11 : memref<512xi32, #tpu.memory_space<vmem>>)
      %dma_start3A_654 = arith.constant 0 : i32
      %dma_start3A_655 = arith.constant 0 : i32
      %dma_start3A_656 = tpu.memref_slice %arg2[%dma_start3A_654, %dma_start3A_655] : memref<102400x32xf32, #tpu.memory_space<hbm>> -> memref<102400x32xf32, #tpu.memory_space<hbm>>
      tpu.enqueue_indirect_dma source(%dma_start3A_656 : memref<102400x32xf32, #tpu.memory_space<hbm>>) target(%arg12 : memref<512x32xf32, #tpu.memory_space<vmem>>) offsets(%arg10 : memref<512xi32, #tpu.memory_space<vmem>>) semaphore(%arg16 : memref<!tpu.dma_semaphore, #tpu.memory_space<semaphore_mem>>)
      %dma_wait3A_657 = arith.constant 0 : i32
      %dma_wait3A_658 = arith.constant 0 : i32
      %dma_wait3A_659 = tpu.memref_slice %arg2[%dma_wait3A_657, %dma_wait3A_658] : memref<102400x32xf32, #tpu.memory_space<hbm>> -> memref<102400x32xf32, #tpu.memory_space<hbm>>
      tpu.wait_indirect_dma semaphore(%arg16 : memref<!tpu.dma_semaphore, #tpu.memory_space<semaphore_mem>>) src(%dma_wait3A_659 : memref<102400x32xf32, #tpu.memory_space<hbm>>) dst(%arg12 : memref<512x32xf32, #tpu.memory_space<vmem>>)
      %dma_start3A_660 = arith.constant 0 : i32
      %dma_start3A_661 = arith.constant 0 : i32
      %dma_start3A_662 = tpu.memref_slice %arg14[%dma_start3A_660, %dma_start3A_661] : memref<51200x32xf32, #tpu.memory_space<vmem_shared>> -> memref<51200x32xf32, #tpu.memory_space<vmem_shared>>
      tpu.enqueue_indirect_dma source(%arg12 : memref<512x32xf32, #tpu.memory_space<vmem>>) target(%dma_start3A_662 : memref<51200x32xf32, #tpu.memory_space<vmem_shared>>) offsets(%arg11 : memref<512xi32, #tpu.memory_space<vmem>>) semaphore(%arg17 : memref<!tpu.dma_semaphore, #tpu.memory_space<semaphore_mem>>) {add = true}
      %dma_wait3A_663 = arith.constant 0 : i32
      %dma_wait3A_664 = arith.constant 0 : i32
      %dma_wait3A_665 = tpu.memref_slice %arg14[%dma_wait3A_663, %dma_wait3A_664] : memref<51200x32xf32, #tpu.memory_space<vmem_shared>> -> memref<51200x32xf32, #tpu.memory_space<vmem_shared>>
      tpu.wait_indirect_dma semaphore(%arg17 : memref<!tpu.dma_semaphore, #tpu.memory_space<semaphore_mem>>) src(%arg12 : memref<512x32xf32, #tpu.memory_space<vmem>>) dst(%dma_wait3A_665 : memref<51200x32xf32, #tpu.memory_space<vmem_shared>>)
      %scan3A_666 = arith.constant 0 : i32
      scf.yield %scan3A_666 : i32
    }
    %scan3A_308 = arith.constant 76 : i32
    %barrier3A_309 = arith.constant 0 : index
    tpu.barrier barrier_id(%barrier3A_309)
    %mul3A_310 = arith.constant 3200 : i32
    %mul3A_311 = arith.muli %arg1, %mul3A_310 : i32
    %mul3A_312 = arith.constant 51200 : i32
    %mul3A_313 = arith.muli %arg0, %mul3A_312 : i32
    %add3A_314 = arith.addi %mul3A_313, %mul3A_311 : i32
    "tpu.region"() ({
      %run_scoped3A = tpu.sem_alloc : memref<!tpu.dma_semaphore, #tpu.memory_space<semaphore_mem>>
      %dma_start3A_631 = arith.constant 0 : i32
      %dma_start3A_632 = tpu.memref_slice %arg8[%add3A_314, %dma_start3A_631] : memref<102400x32xf32, #tpu.memory_space<hbm>> -> memref<3200x32xf32, #tpu.memory_space<hbm>>
      %dma_start3A_633 = arith.constant 0 : i32
      %dma_start3A_634 = tpu.memref_slice %arg14[%mul3A_311, %dma_start3A_633] : memref<51200x32xf32, #tpu.memory_space<vmem_shared>> -> memref<3200x32xf32, #tpu.memory_space<vmem_shared>>
      tpu.enqueue_dma source(%dma_start3A_634 : memref<3200x32xf32, #tpu.memory_space<vmem_shared>>) target(%dma_start3A_632 : memref<3200x32xf32, #tpu.memory_space<hbm>>) target_semaphore(%run_scoped3A : memref<!tpu.dma_semaphore, #tpu.memory_space<semaphore_mem>>)
      %dma_wait3A_635 = arith.constant 0 : i32
      %dma_wait3A_636 = tpu.memref_slice %arg8[%add3A_314, %dma_wait3A_635] : memref<102400x32xf32, #tpu.memory_space<hbm>> -> memref<3200x32xf32, #tpu.memory_space<hbm>>
      %dma_wait3A_637 = arith.constant 0 : i32
      %dma_wait3A_638 = tpu.memref_slice %arg14[%mul3A_311, %dma_wait3A_637] : memref<51200x32xf32, #tpu.memory_space<vmem_shared>> -> memref<3200x32xf32, #tpu.memory_space<vmem_shared>>
      tpu.wait_dma2 semaphore(%run_scoped3A : memref<!tpu.dma_semaphore, #tpu.memory_space<semaphore_mem>>) src(%dma_wait3A_638 : memref<3200x32xf32, #tpu.memory_space<vmem_shared>>) dst(%dma_wait3A_636 : memref<3200x32xf32, #tpu.memory_space<hbm>>)
      tpu.yield
    }) : () -> ()
    %barrier3A_315 = arith.constant 0 : index
    tpu.barrier barrier_id(%barrier3A_315)
    %mul3A_316 = arith.constant 3200 : i32
    %mul3A_317 = arith.muli %arg1, %mul3A_316 : i32
    %add3A_318 = arith.constant 0 : i32
    %add3A_319 = arith.addi %mul3A_317, %add3A_318 : i32
    %dma_start3A_320 = arith.constant 0 : i32
    %dma_start3A_321 = tpu.memref_slice %arg14[%add3A_319, %dma_start3A_320] : memref<51200x32xf32, #tpu.memory_space<vmem_shared>> -> memref<128x32xf32, #tpu.memory_space<vmem_shared>>
    %dma_start3A_322 = arith.constant 0 : i32
    %dma_start3A_323 = tpu.memref_slice %arg14[%add3A_319, %dma_start3A_322] : memref<51200x32xf32, #tpu.memory_space<vmem_shared>> -> memref<128x32xf32, #tpu.memory_space<vmem_shared>>
    tpu.enqueue_dma source(%arg13 : memref<128x32xf32, #tpu.memory_space<vmem>>) target(%dma_start3A_323 : memref<128x32xf32, #tpu.memory_space<vmem_shared>>) target_semaphore(%arg15 : memref<!tpu.dma_semaphore, #tpu.memory_space<semaphore_mem>>)
    %mul3A_324 = arith.constant 3200 : i32
    %mul3A_325 = arith.muli %arg1, %mul3A_324 : i32
    %add3A_326 = arith.constant 128 : i32
    %add3A_327 = arith.addi %mul3A_325, %add3A_326 : i32
    %dma_start3A_328 = arith.constant 0 : i32
    %dma_start3A_329 = tpu.memref_slice %arg14[%add3A_327, %dma_start3A_328] : memref<51200x32xf32, #tpu.memory_space<vmem_shared>> -> memref<128x32xf32, #tpu.memory_space<vmem_shared>>
    %dma_start3A_330 = arith.constant 0 : i32
    %dma_start3A_331 = tpu.memref_slice %arg14[%add3A_327, %dma_start3A_330] : memref<51200x32xf32, #tpu.memory_space<vmem_shared>> -> memref<128x32xf32, #tpu.memory_space<vmem_shared>>
    tpu.enqueue_dma source(%arg13 : memref<128x32xf32, #tpu.memory_space<vmem>>) target(%dma_start3A_331 : memref<128x32xf32, #tpu.memory_space<vmem_shared>>) target_semaphore(%arg15 : memref<!tpu.dma_semaphore, #tpu.memory_space<semaphore_mem>>)
    %mul3A_332 = arith.constant 3200 : i32
    %mul3A_333 = arith.muli %arg1, %mul3A_332 : i32
    %add3A_334 = arith.constant 256 : i32
    %add3A_335 = arith.addi %mul3A_333, %add3A_334 : i32
    %dma_start3A_336 = arith.constant 0 : i32
    %dma_start3A_337 = tpu.memref_slice %arg14[%add3A_335, %dma_start3A_336] : memref<51200x32xf32, #tpu.memory_space<vmem_shared>> -> memref<128x32xf32, #tpu.memory_space<vmem_shared>>
    %dma_start3A_338 = arith.constant 0 : i32
    %dma_start3A_339 = tpu.memref_slice %arg14[%add3A_335, %dma_start3A_338] : memref<51200x32xf32, #tpu.memory_space<vmem_shared>> -> memref<128x32xf32, #tpu.memory_space<vmem_shared>>
    tpu.enqueue_dma source(%arg13 : memref<128x32xf32, #tpu.memory_space<vmem>>) target(%dma_start3A_339 : memref<128x32xf32, #tpu.memory_space<vmem_shared>>) target_semaphore(%arg15 : memref<!tpu.dma_semaphore, #tpu.memory_space<semaphore_mem>>)
    %mul3A_340 = arith.constant 3200 : i32
    %mul3A_341 = arith.muli %arg1, %mul3A_340 : i32
    %add3A_342 = arith.constant 384 : i32
    %add3A_343 = arith.addi %mul3A_341, %add3A_342 : i32
    %dma_start3A_344 = arith.constant 0 : i32
    %dma_start3A_345 = tpu.memref_slice %arg14[%add3A_343, %dma_start3A_344] : memref<51200x32xf32, #tpu.memory_space<vmem_shared>> -> memref<128x32xf32, #tpu.memory_space<vmem_shared>>
    %dma_start3A_346 = arith.constant 0 : i32
    %dma_start3A_347 = tpu.memref_slice %arg14[%add3A_343, %dma_start3A_346] : memref<51200x32xf32, #tpu.memory_space<vmem_shared>> -> memref<128x32xf32, #tpu.memory_space<vmem_shared>>
    tpu.enqueue_dma source(%arg13 : memref<128x32xf32, #tpu.memory_space<vmem>>) target(%dma_start3A_347 : memref<128x32xf32, #tpu.memory_space<vmem_shared>>) target_semaphore(%arg15 : memref<!tpu.dma_semaphore, #tpu.memory_space<semaphore_mem>>)
    %mul3A_348 = arith.constant 3200 : i32
    %mul3A_349 = arith.muli %arg1, %mul3A_348 : i32
    %add3A_350 = arith.constant 512 : i32
    %add3A_351 = arith.addi %mul3A_349, %add3A_350 : i32
    %dma_start3A_352 = arith.constant 0 : i32
    %dma_start3A_353 = tpu.memref_slice %arg14[%add3A_351, %dma_start3A_352] : memref<51200x32xf32, #tpu.memory_space<vmem_shared>> -> memref<128x32xf32, #tpu.memory_space<vmem_shared>>
    %dma_start3A_354 = arith.constant 0 : i32
    %dma_start3A_355 = tpu.memref_slice %arg14[%add3A_351, %dma_start3A_354] : memref<51200x32xf32, #tpu.memory_space<vmem_shared>> -> memref<128x32xf32, #tpu.memory_space<vmem_shared>>
    tpu.enqueue_dma source(%arg13 : memref<128x32xf32, #tpu.memory_space<vmem>>) target(%dma_start3A_355 : memref<128x32xf32, #tpu.memory_space<vmem_shared>>) target_semaphore(%arg15 : memref<!tpu.dma_semaphore, #tpu.memory_space<semaphore_mem>>)
    %mul3A_356 = arith.constant 3200 : i32
    %mul3A_357 = arith.muli %arg1, %mul3A_356 : i32
    %add3A_358 = arith.constant 640 : i32
    %add3A_359 = arith.addi %mul3A_357, %add3A_358 : i32
    %dma_start3A_360 = arith.constant 0 : i32
    %dma_start3A_361 = tpu.memref_slice %arg14[%add3A_359, %dma_start3A_360] : memref<51200x32xf32, #tpu.memory_space<vmem_shared>> -> memref<128x32xf32, #tpu.memory_space<vmem_shared>>
    %dma_start3A_362 = arith.constant 0 : i32
    %dma_start3A_363 = tpu.memref_slice %arg14[%add3A_359, %dma_start3A_362] : memref<51200x32xf32, #tpu.memory_space<vmem_shared>> -> memref<128x32xf32, #tpu.memory_space<vmem_shared>>
    tpu.enqueue_dma source(%arg13 : memref<128x32xf32, #tpu.memory_space<vmem>>) target(%dma_start3A_363 : memref<128x32xf32, #tpu.memory_space<vmem_shared>>) target_semaphore(%arg15 : memref<!tpu.dma_semaphore, #tpu.memory_space<semaphore_mem>>)
    %mul3A_364 = arith.constant 3200 : i32
    %mul3A_365 = arith.muli %arg1, %mul3A_364 : i32
    %add3A_366 = arith.constant 768 : i32
    %add3A_367 = arith.addi %mul3A_365, %add3A_366 : i32
    %dma_start3A_368 = arith.constant 0 : i32
    %dma_start3A_369 = tpu.memref_slice %arg14[%add3A_367, %dma_start3A_368] : memref<51200x32xf32, #tpu.memory_space<vmem_shared>> -> memref<128x32xf32, #tpu.memory_space<vmem_shared>>
    %dma_start3A_370 = arith.constant 0 : i32
    %dma_start3A_371 = tpu.memref_slice %arg14[%add3A_367, %dma_start3A_370] : memref<51200x32xf32, #tpu.memory_space<vmem_shared>> -> memref<128x32xf32, #tpu.memory_space<vmem_shared>>
    tpu.enqueue_dma source(%arg13 : memref<128x32xf32, #tpu.memory_space<vmem>>) target(%dma_start3A_371 : memref<128x32xf32, #tpu.memory_space<vmem_shared>>) target_semaphore(%arg15 : memref<!tpu.dma_semaphore, #tpu.memory_space<semaphore_mem>>)
    %mul3A_372 = arith.constant 3200 : i32
    %mul3A_373 = arith.muli %arg1, %mul3A_372 : i32
    %add3A_374 = arith.constant 896 : i32
    %add3A_375 = arith.addi %mul3A_373, %add3A_374 : i32
    %dma_start3A_376 = arith.constant 0 : i32
    %dma_start3A_377 = tpu.memref_slice %arg14[%add3A_375, %dma_start3A_376] : memref<51200x32xf32, #tpu.memory_space<vmem_shared>> -> memref<128x32xf32, #tpu.memory_space<vmem_shared>>
    %dma_start3A_378 = arith.constant 0 : i32
    %dma_start3A_379 = tpu.memref_slice %arg14[%add3A_375, %dma_start3A_378] : memref<51200x32xf32, #tpu.memory_space<vmem_shared>> -> memref<128x32xf32, #tpu.memory_space<vmem_shared>>
    tpu.enqueue_dma source(%arg13 : memref<128x32xf32, #tpu.memory_space<vmem>>) target(%dma_start3A_379 : memref<128x32xf32, #tpu.memory_space<vmem_shared>>) target_semaphore(%arg15 : memref<!tpu.dma_semaphore, #tpu.memory_space<semaphore_mem>>)
    %mul3A_380 = arith.constant 3200 : i32
    %mul3A_381 = arith.muli %arg1, %mul3A_380 : i32
    %add3A_382 = arith.constant 1024 : i32
    %add3A_383 = arith.addi %mul3A_381, %add3A_382 : i32
    %dma_start3A_384 = arith.constant 0 : i32
    %dma_start3A_385 = tpu.memref_slice %arg14[%add3A_383, %dma_start3A_384] : memref<51200x32xf32, #tpu.memory_space<vmem_shared>> -> memref<128x32xf32, #tpu.memory_space<vmem_shared>>
    %dma_start3A_386 = arith.constant 0 : i32
    %dma_start3A_387 = tpu.memref_slice %arg14[%add3A_383, %dma_start3A_386] : memref<51200x32xf32, #tpu.memory_space<vmem_shared>> -> memref<128x32xf32, #tpu.memory_space<vmem_shared>>
    tpu.enqueue_dma source(%arg13 : memref<128x32xf32, #tpu.memory_space<vmem>>) target(%dma_start3A_387 : memref<128x32xf32, #tpu.memory_space<vmem_shared>>) target_semaphore(%arg15 : memref<!tpu.dma_semaphore, #tpu.memory_space<semaphore_mem>>)
    %mul3A_388 = arith.constant 3200 : i32
    %mul3A_389 = arith.muli %arg1, %mul3A_388 : i32
    %add3A_390 = arith.constant 1152 : i32
    %add3A_391 = arith.addi %mul3A_389, %add3A_390 : i32
    %dma_start3A_392 = arith.constant 0 : i32
    %dma_start3A_393 = tpu.memref_slice %arg14[%add3A_391, %dma_start3A_392] : memref<51200x32xf32, #tpu.memory_space<vmem_shared>> -> memref<128x32xf32, #tpu.memory_space<vmem_shared>>
    %dma_start3A_394 = arith.constant 0 : i32
    %dma_start3A_395 = tpu.memref_slice %arg14[%add3A_391, %dma_start3A_394] : memref<51200x32xf32, #tpu.memory_space<vmem_shared>> -> memref<128x32xf32, #tpu.memory_space<vmem_shared>>
    tpu.enqueue_dma source(%arg13 : memref<128x32xf32, #tpu.memory_space<vmem>>) target(%dma_start3A_395 : memref<128x32xf32, #tpu.memory_space<vmem_shared>>) target_semaphore(%arg15 : memref<!tpu.dma_semaphore, #tpu.memory_space<semaphore_mem>>)
    %mul3A_396 = arith.constant 3200 : i32
    %mul3A_397 = arith.muli %arg1, %mul3A_396 : i32
    %add3A_398 = arith.constant 1280 : i32
    %add3A_399 = arith.addi %mul3A_397, %add3A_398 : i32
    %dma_start3A_400 = arith.constant 0 : i32
    %dma_start3A_401 = tpu.memref_slice %arg14[%add3A_399, %dma_start3A_400] : memref<51200x32xf32, #tpu.memory_space<vmem_shared>> -> memref<128x32xf32, #tpu.memory_space<vmem_shared>>
    %dma_start3A_402 = arith.constant 0 : i32
    %dma_start3A_403 = tpu.memref_slice %arg14[%add3A_399, %dma_start3A_402] : memref<51200x32xf32, #tpu.memory_space<vmem_shared>> -> memref<128x32xf32, #tpu.memory_space<vmem_shared>>
    tpu.enqueue_dma source(%arg13 : memref<128x32xf32, #tpu.memory_space<vmem>>) target(%dma_start3A_403 : memref<128x32xf32, #tpu.memory_space<vmem_shared>>) target_semaphore(%arg15 : memref<!tpu.dma_semaphore, #tpu.memory_space<semaphore_mem>>)
    %mul3A_404 = arith.constant 3200 : i32
    %mul3A_405 = arith.muli %arg1, %mul3A_404 : i32
    %add3A_406 = arith.constant 1408 : i32
    %add3A_407 = arith.addi %mul3A_405, %add3A_406 : i32
    %dma_start3A_408 = arith.constant 0 : i32
    %dma_start3A_409 = tpu.memref_slice %arg14[%add3A_407, %dma_start3A_408] : memref<51200x32xf32, #tpu.memory_space<vmem_shared>> -> memref<128x32xf32, #tpu.memory_space<vmem_shared>>
    %dma_start3A_410 = arith.constant 0 : i32
    %dma_start3A_411 = tpu.memref_slice %arg14[%add3A_407, %dma_start3A_410] : memref<51200x32xf32, #tpu.memory_space<vmem_shared>> -> memref<128x32xf32, #tpu.memory_space<vmem_shared>>
    tpu.enqueue_dma source(%arg13 : memref<128x32xf32, #tpu.memory_space<vmem>>) target(%dma_start3A_411 : memref<128x32xf32, #tpu.memory_space<vmem_shared>>) target_semaphore(%arg15 : memref<!tpu.dma_semaphore, #tpu.memory_space<semaphore_mem>>)
    %mul3A_412 = arith.constant 3200 : i32
    %mul3A_413 = arith.muli %arg1, %mul3A_412 : i32
    %add3A_414 = arith.constant 1536 : i32
    %add3A_415 = arith.addi %mul3A_413, %add3A_414 : i32
    %dma_start3A_416 = arith.constant 0 : i32
    %dma_start3A_417 = tpu.memref_slice %arg14[%add3A_415, %dma_start3A_416] : memref<51200x32xf32, #tpu.memory_space<vmem_shared>> -> memref<128x32xf32, #tpu.memory_space<vmem_shared>>
    %dma_start3A_418 = arith.constant 0 : i32
    %dma_start3A_419 = tpu.memref_slice %arg14[%add3A_415, %dma_start3A_418] : memref<51200x32xf32, #tpu.memory_space<vmem_shared>> -> memref<128x32xf32, #tpu.memory_space<vmem_shared>>
    tpu.enqueue_dma source(%arg13 : memref<128x32xf32, #tpu.memory_space<vmem>>) target(%dma_start3A_419 : memref<128x32xf32, #tpu.memory_space<vmem_shared>>) target_semaphore(%arg15 : memref<!tpu.dma_semaphore, #tpu.memory_space<semaphore_mem>>)
    %mul3A_420 = arith.constant 3200 : i32
    %mul3A_421 = arith.muli %arg1, %mul3A_420 : i32
    %add3A_422 = arith.constant 1664 : i32
    %add3A_423 = arith.addi %mul3A_421, %add3A_422 : i32
    %dma_start3A_424 = arith.constant 0 : i32
    %dma_start3A_425 = tpu.memref_slice %arg14[%add3A_423, %dma_start3A_424] : memref<51200x32xf32, #tpu.memory_space<vmem_shared>> -> memref<128x32xf32, #tpu.memory_space<vmem_shared>>
    %dma_start3A_426 = arith.constant 0 : i32
    %dma_start3A_427 = tpu.memref_slice %arg14[%add3A_423, %dma_start3A_426] : memref<51200x32xf32, #tpu.memory_space<vmem_shared>> -> memref<128x32xf32, #tpu.memory_space<vmem_shared>>
    tpu.enqueue_dma source(%arg13 : memref<128x32xf32, #tpu.memory_space<vmem>>) target(%dma_start3A_427 : memref<128x32xf32, #tpu.memory_space<vmem_shared>>) target_semaphore(%arg15 : memref<!tpu.dma_semaphore, #tpu.memory_space<semaphore_mem>>)
    %mul3A_428 = arith.constant 3200 : i32
    %mul3A_429 = arith.muli %arg1, %mul3A_428 : i32
    %add3A_430 = arith.constant 1792 : i32
    %add3A_431 = arith.addi %mul3A_429, %add3A_430 : i32
    %dma_start3A_432 = arith.constant 0 : i32
    %dma_start3A_433 = tpu.memref_slice %arg14[%add3A_431, %dma_start3A_432] : memref<51200x32xf32, #tpu.memory_space<vmem_shared>> -> memref<128x32xf32, #tpu.memory_space<vmem_shared>>
    %dma_start3A_434 = arith.constant 0 : i32
    %dma_start3A_435 = tpu.memref_slice %arg14[%add3A_431, %dma_start3A_434] : memref<51200x32xf32, #tpu.memory_space<vmem_shared>> -> memref<128x32xf32, #tpu.memory_space<vmem_shared>>
    tpu.enqueue_dma source(%arg13 : memref<128x32xf32, #tpu.memory_space<vmem>>) target(%dma_start3A_435 : memref<128x32xf32, #tpu.memory_space<vmem_shared>>) target_semaphore(%arg15 : memref<!tpu.dma_semaphore, #tpu.memory_space<semaphore_mem>>)
    %mul3A_436 = arith.constant 3200 : i32
    %mul3A_437 = arith.muli %arg1, %mul3A_436 : i32
    %add3A_438 = arith.constant 1920 : i32
    %add3A_439 = arith.addi %mul3A_437, %add3A_438 : i32
    %dma_start3A_440 = arith.constant 0 : i32
    %dma_start3A_441 = tpu.memref_slice %arg14[%add3A_439, %dma_start3A_440] : memref<51200x32xf32, #tpu.memory_space<vmem_shared>> -> memref<128x32xf32, #tpu.memory_space<vmem_shared>>
    %dma_start3A_442 = arith.constant 0 : i32
    %dma_start3A_443 = tpu.memref_slice %arg14[%add3A_439, %dma_start3A_442] : memref<51200x32xf32, #tpu.memory_space<vmem_shared>> -> memref<128x32xf32, #tpu.memory_space<vmem_shared>>
    tpu.enqueue_dma source(%arg13 : memref<128x32xf32, #tpu.memory_space<vmem>>) target(%dma_start3A_443 : memref<128x32xf32, #tpu.memory_space<vmem_shared>>) target_semaphore(%arg15 : memref<!tpu.dma_semaphore, #tpu.memory_space<semaphore_mem>>)
    %mul3A_444 = arith.constant 3200 : i32
    %mul3A_445 = arith.muli %arg1, %mul3A_444 : i32
    %add3A_446 = arith.constant 2048 : i32
    %add3A_447 = arith.addi %mul3A_445, %add3A_446 : i32
    %dma_start3A_448 = arith.constant 0 : i32
    %dma_start3A_449 = tpu.memref_slice %arg14[%add3A_447, %dma_start3A_448] : memref<51200x32xf32, #tpu.memory_space<vmem_shared>> -> memref<128x32xf32, #tpu.memory_space<vmem_shared>>
    %dma_start3A_450 = arith.constant 0 : i32
    %dma_start3A_451 = tpu.memref_slice %arg14[%add3A_447, %dma_start3A_450] : memref<51200x32xf32, #tpu.memory_space<vmem_shared>> -> memref<128x32xf32, #tpu.memory_space<vmem_shared>>
    tpu.enqueue_dma source(%arg13 : memref<128x32xf32, #tpu.memory_space<vmem>>) target(%dma_start3A_451 : memref<128x32xf32, #tpu.memory_space<vmem_shared>>) target_semaphore(%arg15 : memref<!tpu.dma_semaphore, #tpu.memory_space<semaphore_mem>>)
    %mul3A_452 = arith.constant 3200 : i32
    %mul3A_453 = arith.muli %arg1, %mul3A_452 : i32
    %add3A_454 = arith.constant 2176 : i32
    %add3A_455 = arith.addi %mul3A_453, %add3A_454 : i32
    %dma_start3A_456 = arith.constant 0 : i32
    %dma_start3A_457 = tpu.memref_slice %arg14[%add3A_455, %dma_start3A_456] : memref<51200x32xf32, #tpu.memory_space<vmem_shared>> -> memref<128x32xf32, #tpu.memory_space<vmem_shared>>
    %dma_start3A_458 = arith.constant 0 : i32
    %dma_start3A_459 = tpu.memref_slice %arg14[%add3A_455, %dma_start3A_458] : memref<51200x32xf32, #tpu.memory_space<vmem_shared>> -> memref<128x32xf32, #tpu.memory_space<vmem_shared>>
    tpu.enqueue_dma source(%arg13 : memref<128x32xf32, #tpu.memory_space<vmem>>) target(%dma_start3A_459 : memref<128x32xf32, #tpu.memory_space<vmem_shared>>) target_semaphore(%arg15 : memref<!tpu.dma_semaphore, #tpu.memory_space<semaphore_mem>>)
    %mul3A_460 = arith.constant 3200 : i32
    %mul3A_461 = arith.muli %arg1, %mul3A_460 : i32
    %add3A_462 = arith.constant 2304 : i32
    %add3A_463 = arith.addi %mul3A_461, %add3A_462 : i32
    %dma_start3A_464 = arith.constant 0 : i32
    %dma_start3A_465 = tpu.memref_slice %arg14[%add3A_463, %dma_start3A_464] : memref<51200x32xf32, #tpu.memory_space<vmem_shared>> -> memref<128x32xf32, #tpu.memory_space<vmem_shared>>
    %dma_start3A_466 = arith.constant 0 : i32
    %dma_start3A_467 = tpu.memref_slice %arg14[%add3A_463, %dma_start3A_466] : memref<51200x32xf32, #tpu.memory_space<vmem_shared>> -> memref<128x32xf32, #tpu.memory_space<vmem_shared>>
    tpu.enqueue_dma source(%arg13 : memref<128x32xf32, #tpu.memory_space<vmem>>) target(%dma_start3A_467 : memref<128x32xf32, #tpu.memory_space<vmem_shared>>) target_semaphore(%arg15 : memref<!tpu.dma_semaphore, #tpu.memory_space<semaphore_mem>>)
    %mul3A_468 = arith.constant 3200 : i32
    %mul3A_469 = arith.muli %arg1, %mul3A_468 : i32
    %add3A_470 = arith.constant 2432 : i32
    %add3A_471 = arith.addi %mul3A_469, %add3A_470 : i32
    %dma_start3A_472 = arith.constant 0 : i32
    %dma_start3A_473 = tpu.memref_slice %arg14[%add3A_471, %dma_start3A_472] : memref<51200x32xf32, #tpu.memory_space<vmem_shared>> -> memref<128x32xf32, #tpu.memory_space<vmem_shared>>
    %dma_start3A_474 = arith.constant 0 : i32
    %dma_start3A_475 = tpu.memref_slice %arg14[%add3A_471, %dma_start3A_474] : memref<51200x32xf32, #tpu.memory_space<vmem_shared>> -> memref<128x32xf32, #tpu.memory_space<vmem_shared>>
    tpu.enqueue_dma source(%arg13 : memref<128x32xf32, #tpu.memory_space<vmem>>) target(%dma_start3A_475 : memref<128x32xf32, #tpu.memory_space<vmem_shared>>) target_semaphore(%arg15 : memref<!tpu.dma_semaphore, #tpu.memory_space<semaphore_mem>>)
    %mul3A_476 = arith.constant 3200 : i32
    %mul3A_477 = arith.muli %arg1, %mul3A_476 : i32
    %add3A_478 = arith.constant 2560 : i32
    %add3A_479 = arith.addi %mul3A_477, %add3A_478 : i32
    %dma_start3A_480 = arith.constant 0 : i32
    %dma_start3A_481 = tpu.memref_slice %arg14[%add3A_479, %dma_start3A_480] : memref<51200x32xf32, #tpu.memory_space<vmem_shared>> -> memref<128x32xf32, #tpu.memory_space<vmem_shared>>
    %dma_start3A_482 = arith.constant 0 : i32
    %dma_start3A_483 = tpu.memref_slice %arg14[%add3A_479, %dma_start3A_482] : memref<51200x32xf32, #tpu.memory_space<vmem_shared>> -> memref<128x32xf32, #tpu.memory_space<vmem_shared>>
    tpu.enqueue_dma source(%arg13 : memref<128x32xf32, #tpu.memory_space<vmem>>) target(%dma_start3A_483 : memref<128x32xf32, #tpu.memory_space<vmem_shared>>) target_semaphore(%arg15 : memref<!tpu.dma_semaphore, #tpu.memory_space<semaphore_mem>>)
    %mul3A_484 = arith.constant 3200 : i32
    %mul3A_485 = arith.muli %arg1, %mul3A_484 : i32
    %add3A_486 = arith.constant 2688 : i32
    %add3A_487 = arith.addi %mul3A_485, %add3A_486 : i32
    %dma_start3A_488 = arith.constant 0 : i32
    %dma_start3A_489 = tpu.memref_slice %arg14[%add3A_487, %dma_start3A_488] : memref<51200x32xf32, #tpu.memory_space<vmem_shared>> -> memref<128x32xf32, #tpu.memory_space<vmem_shared>>
    %dma_start3A_490 = arith.constant 0 : i32
    %dma_start3A_491 = tpu.memref_slice %arg14[%add3A_487, %dma_start3A_490] : memref<51200x32xf32, #tpu.memory_space<vmem_shared>> -> memref<128x32xf32, #tpu.memory_space<vmem_shared>>
    tpu.enqueue_dma source(%arg13 : memref<128x32xf32, #tpu.memory_space<vmem>>) target(%dma_start3A_491 : memref<128x32xf32, #tpu.memory_space<vmem_shared>>) target_semaphore(%arg15 : memref<!tpu.dma_semaphore, #tpu.memory_space<semaphore_mem>>)
    %mul3A_492 = arith.constant 3200 : i32
    %mul3A_493 = arith.muli %arg1, %mul3A_492 : i32
    %add3A_494 = arith.constant 2816 : i32
    %add3A_495 = arith.addi %mul3A_493, %add3A_494 : i32
    %dma_start3A_496 = arith.constant 0 : i32
    %dma_start3A_497 = tpu.memref_slice %arg14[%add3A_495, %dma_start3A_496] : memref<51200x32xf32, #tpu.memory_space<vmem_shared>> -> memref<128x32xf32, #tpu.memory_space<vmem_shared>>
    %dma_start3A_498 = arith.constant 0 : i32
    %dma_start3A_499 = tpu.memref_slice %arg14[%add3A_495, %dma_start3A_498] : memref<51200x32xf32, #tpu.memory_space<vmem_shared>> -> memref<128x32xf32, #tpu.memory_space<vmem_shared>>
    tpu.enqueue_dma source(%arg13 : memref<128x32xf32, #tpu.memory_space<vmem>>) target(%dma_start3A_499 : memref<128x32xf32, #tpu.memory_space<vmem_shared>>) target_semaphore(%arg15 : memref<!tpu.dma_semaphore, #tpu.memory_space<semaphore_mem>>)
    %mul3A_500 = arith.constant 3200 : i32
    %mul3A_501 = arith.muli %arg1, %mul3A_500 : i32
    %add3A_502 = arith.constant 2944 : i32
    %add3A_503 = arith.addi %mul3A_501, %add3A_502 : i32
    %dma_start3A_504 = arith.constant 0 : i32
    %dma_start3A_505 = tpu.memref_slice %arg14[%add3A_503, %dma_start3A_504] : memref<51200x32xf32, #tpu.memory_space<vmem_shared>> -> memref<128x32xf32, #tpu.memory_space<vmem_shared>>
    %dma_start3A_506 = arith.constant 0 : i32
    %dma_start3A_507 = tpu.memref_slice %arg14[%add3A_503, %dma_start3A_506] : memref<51200x32xf32, #tpu.memory_space<vmem_shared>> -> memref<128x32xf32, #tpu.memory_space<vmem_shared>>
    tpu.enqueue_dma source(%arg13 : memref<128x32xf32, #tpu.memory_space<vmem>>) target(%dma_start3A_507 : memref<128x32xf32, #tpu.memory_space<vmem_shared>>) target_semaphore(%arg15 : memref<!tpu.dma_semaphore, #tpu.memory_space<semaphore_mem>>)
    %mul3A_508 = arith.constant 3200 : i32
    %mul3A_509 = arith.muli %arg1, %mul3A_508 : i32
    %add3A_510 = arith.constant 3072 : i32
    %add3A_511 = arith.addi %mul3A_509, %add3A_510 : i32
    %dma_start3A_512 = arith.constant 0 : i32
    %dma_start3A_513 = tpu.memref_slice %arg14[%add3A_511, %dma_start3A_512] : memref<51200x32xf32, #tpu.memory_space<vmem_shared>> -> memref<128x32xf32, #tpu.memory_space<vmem_shared>>
    %dma_start3A_514 = arith.constant 0 : i32
    %dma_start3A_515 = tpu.memref_slice %arg14[%add3A_511, %dma_start3A_514] : memref<51200x32xf32, #tpu.memory_space<vmem_shared>> -> memref<128x32xf32, #tpu.memory_space<vmem_shared>>
    tpu.enqueue_dma source(%arg13 : memref<128x32xf32, #tpu.memory_space<vmem>>) target(%dma_start3A_515 : memref<128x32xf32, #tpu.memory_space<vmem_shared>>) target_semaphore(%arg15 : memref<!tpu.dma_semaphore, #tpu.memory_space<semaphore_mem>>)
    %dma_wait3A_516 = arith.constant 0 : i32
    %dma_wait3A_517 = tpu.memref_slice %arg14[%add3A_319, %dma_wait3A_516] : memref<51200x32xf32, #tpu.memory_space<vmem_shared>> -> memref<128x32xf32, #tpu.memory_space<vmem_shared>>
    %dma_wait3A_518 = arith.constant 0 : i32
    %dma_wait3A_519 = tpu.memref_slice %arg14[%add3A_319, %dma_wait3A_518] : memref<51200x32xf32, #tpu.memory_space<vmem_shared>> -> memref<128x32xf32, #tpu.memory_space<vmem_shared>>
    tpu.wait_dma2 semaphore(%arg15 : memref<!tpu.dma_semaphore, #tpu.memory_space<semaphore_mem>>) src(%arg13 : memref<128x32xf32, #tpu.memory_space<vmem>>) dst(%dma_wait3A_519 : memref<128x32xf32, #tpu.memory_space<vmem_shared>>)
    %dma_wait3A_520 = arith.constant 0 : i32
    %dma_wait3A_521 = tpu.memref_slice %arg14[%add3A_327, %dma_wait3A_520] : memref<51200x32xf32, #tpu.memory_space<vmem_shared>> -> memref<128x32xf32, #tpu.memory_space<vmem_shared>>
    %dma_wait3A_522 = arith.constant 0 : i32
    %dma_wait3A_523 = tpu.memref_slice %arg14[%add3A_327, %dma_wait3A_522] : memref<51200x32xf32, #tpu.memory_space<vmem_shared>> -> memref<128x32xf32, #tpu.memory_space<vmem_shared>>
    tpu.wait_dma2 semaphore(%arg15 : memref<!tpu.dma_semaphore, #tpu.memory_space<semaphore_mem>>) src(%arg13 : memref<128x32xf32, #tpu.memory_space<vmem>>) dst(%dma_wait3A_523 : memref<128x32xf32, #tpu.memory_space<vmem_shared>>)
    %dma_wait3A_524 = arith.constant 0 : i32
    %dma_wait3A_525 = tpu.memref_slice %arg14[%add3A_335, %dma_wait3A_524] : memref<51200x32xf32, #tpu.memory_space<vmem_shared>> -> memref<128x32xf32, #tpu.memory_space<vmem_shared>>
    %dma_wait3A_526 = arith.constant 0 : i32
    %dma_wait3A_527 = tpu.memref_slice %arg14[%add3A_335, %dma_wait3A_526] : memref<51200x32xf32, #tpu.memory_space<vmem_shared>> -> memref<128x32xf32, #tpu.memory_space<vmem_shared>>
    tpu.wait_dma2 semaphore(%arg15 : memref<!tpu.dma_semaphore, #tpu.memory_space<semaphore_mem>>) src(%arg13 : memref<128x32xf32, #tpu.memory_space<vmem>>) dst(%dma_wait3A_527 : memref<128x32xf32, #tpu.memory_space<vmem_shared>>)
    %dma_wait3A_528 = arith.constant 0 : i32
    %dma_wait3A_529 = tpu.memref_slice %arg14[%add3A_343, %dma_wait3A_528] : memref<51200x32xf32, #tpu.memory_space<vmem_shared>> -> memref<128x32xf32, #tpu.memory_space<vmem_shared>>
    %dma_wait3A_530 = arith.constant 0 : i32
    %dma_wait3A_531 = tpu.memref_slice %arg14[%add3A_343, %dma_wait3A_530] : memref<51200x32xf32, #tpu.memory_space<vmem_shared>> -> memref<128x32xf32, #tpu.memory_space<vmem_shared>>
    tpu.wait_dma2 semaphore(%arg15 : memref<!tpu.dma_semaphore, #tpu.memory_space<semaphore_mem>>) src(%arg13 : memref<128x32xf32, #tpu.memory_space<vmem>>) dst(%dma_wait3A_531 : memref<128x32xf32, #tpu.memory_space<vmem_shared>>)
    %dma_wait3A_532 = arith.constant 0 : i32
    %dma_wait3A_533 = tpu.memref_slice %arg14[%add3A_351, %dma_wait3A_532] : memref<51200x32xf32, #tpu.memory_space<vmem_shared>> -> memref<128x32xf32, #tpu.memory_space<vmem_shared>>
    %dma_wait3A_534 = arith.constant 0 : i32
    %dma_wait3A_535 = tpu.memref_slice %arg14[%add3A_351, %dma_wait3A_534] : memref<51200x32xf32, #tpu.memory_space<vmem_shared>> -> memref<128x32xf32, #tpu.memory_space<vmem_shared>>
    tpu.wait_dma2 semaphore(%arg15 : memref<!tpu.dma_semaphore, #tpu.memory_space<semaphore_mem>>) src(%arg13 : memref<128x32xf32, #tpu.memory_space<vmem>>) dst(%dma_wait3A_535 : memref<128x32xf32, #tpu.memory_space<vmem_shared>>)
    %dma_wait3A_536 = arith.constant 0 : i32
    %dma_wait3A_537 = tpu.memref_slice %arg14[%add3A_359, %dma_wait3A_536] : memref<51200x32xf32, #tpu.memory_space<vmem_shared>> -> memref<128x32xf32, #tpu.memory_space<vmem_shared>>
    %dma_wait3A_538 = arith.constant 0 : i32
    %dma_wait3A_539 = tpu.memref_slice %arg14[%add3A_359, %dma_wait3A_538] : memref<51200x32xf32, #tpu.memory_space<vmem_shared>> -> memref<128x32xf32, #tpu.memory_space<vmem_shared>>
    tpu.wait_dma2 semaphore(%arg15 : memref<!tpu.dma_semaphore, #tpu.memory_space<semaphore_mem>>) src(%arg13 : memref<128x32xf32, #tpu.memory_space<vmem>>) dst(%dma_wait3A_539 : memref<128x32xf32, #tpu.memory_space<vmem_shared>>)
    %dma_wait3A_540 = arith.constant 0 : i32
    %dma_wait3A_541 = tpu.memref_slice %arg14[%add3A_367, %dma_wait3A_540] : memref<51200x32xf32, #tpu.memory_space<vmem_shared>> -> memref<128x32xf32, #tpu.memory_space<vmem_shared>>
    %dma_wait3A_542 = arith.constant 0 : i32
    %dma_wait3A_543 = tpu.memref_slice %arg14[%add3A_367, %dma_wait3A_542] : memref<51200x32xf32, #tpu.memory_space<vmem_shared>> -> memref<128x32xf32, #tpu.memory_space<vmem_shared>>
    tpu.wait_dma2 semaphore(%arg15 : memref<!tpu.dma_semaphore, #tpu.memory_space<semaphore_mem>>) src(%arg13 : memref<128x32xf32, #tpu.memory_space<vmem>>) dst(%dma_wait3A_543 : memref<128x32xf32, #tpu.memory_space<vmem_shared>>)
    %dma_wait3A_544 = arith.constant 0 : i32
    %dma_wait3A_545 = tpu.memref_slice %arg14[%add3A_375, %dma_wait3A_544] : memref<51200x32xf32, #tpu.memory_space<vmem_shared>> -> memref<128x32xf32, #tpu.memory_space<vmem_shared>>
    %dma_wait3A_546 = arith.constant 0 : i32
    %dma_wait3A_547 = tpu.memref_slice %arg14[%add3A_375, %dma_wait3A_546] : memref<51200x32xf32, #tpu.memory_space<vmem_shared>> -> memref<128x32xf32, #tpu.memory_space<vmem_shared>>
    tpu.wait_dma2 semaphore(%arg15 : memref<!tpu.dma_semaphore, #tpu.memory_space<semaphore_mem>>) src(%arg13 : memref<128x32xf32, #tpu.memory_space<vmem>>) dst(%dma_wait3A_547 : memref<128x32xf32, #tpu.memory_space<vmem_shared>>)
    %dma_wait3A_548 = arith.constant 0 : i32
    %dma_wait3A_549 = tpu.memref_slice %arg14[%add3A_383, %dma_wait3A_548] : memref<51200x32xf32, #tpu.memory_space<vmem_shared>> -> memref<128x32xf32, #tpu.memory_space<vmem_shared>>
    %dma_wait3A_550 = arith.constant 0 : i32
    %dma_wait3A_551 = tpu.memref_slice %arg14[%add3A_383, %dma_wait3A_550] : memref<51200x32xf32, #tpu.memory_space<vmem_shared>> -> memref<128x32xf32, #tpu.memory_space<vmem_shared>>
    tpu.wait_dma2 semaphore(%arg15 : memref<!tpu.dma_semaphore, #tpu.memory_space<semaphore_mem>>) src(%arg13 : memref<128x32xf32, #tpu.memory_space<vmem>>) dst(%dma_wait3A_551 : memref<128x32xf32, #tpu.memory_space<vmem_shared>>)
    %dma_wait3A_552 = arith.constant 0 : i32
    %dma_wait3A_553 = tpu.memref_slice %arg14[%add3A_391, %dma_wait3A_552] : memref<51200x32xf32, #tpu.memory_space<vmem_shared>> -> memref<128x32xf32, #tpu.memory_space<vmem_shared>>
    %dma_wait3A_554 = arith.constant 0 : i32
    %dma_wait3A_555 = tpu.memref_slice %arg14[%add3A_391, %dma_wait3A_554] : memref<51200x32xf32, #tpu.memory_space<vmem_shared>> -> memref<128x32xf32, #tpu.memory_space<vmem_shared>>
    tpu.wait_dma2 semaphore(%arg15 : memref<!tpu.dma_semaphore, #tpu.memory_space<semaphore_mem>>) src(%arg13 : memref<128x32xf32, #tpu.memory_space<vmem>>) dst(%dma_wait3A_555 : memref<128x32xf32, #tpu.memory_space<vmem_shared>>)
    %dma_wait3A_556 = arith.constant 0 : i32
    %dma_wait3A_557 = tpu.memref_slice %arg14[%add3A_399, %dma_wait3A_556] : memref<51200x32xf32, #tpu.memory_space<vmem_shared>> -> memref<128x32xf32, #tpu.memory_space<vmem_shared>>
    %dma_wait3A_558 = arith.constant 0 : i32
    %dma_wait3A_559 = tpu.memref_slice %arg14[%add3A_399, %dma_wait3A_558] : memref<51200x32xf32, #tpu.memory_space<vmem_shared>> -> memref<128x32xf32, #tpu.memory_space<vmem_shared>>
    tpu.wait_dma2 semaphore(%arg15 : memref<!tpu.dma_semaphore, #tpu.memory_space<semaphore_mem>>) src(%arg13 : memref<128x32xf32, #tpu.memory_space<vmem>>) dst(%dma_wait3A_559 : memref<128x32xf32, #tpu.memory_space<vmem_shared>>)
    %dma_wait3A_560 = arith.constant 0 : i32
    %dma_wait3A_561 = tpu.memref_slice %arg14[%add3A_407, %dma_wait3A_560] : memref<51200x32xf32, #tpu.memory_space<vmem_shared>> -> memref<128x32xf32, #tpu.memory_space<vmem_shared>>
    %dma_wait3A_562 = arith.constant 0 : i32
    %dma_wait3A_563 = tpu.memref_slice %arg14[%add3A_407, %dma_wait3A_562] : memref<51200x32xf32, #tpu.memory_space<vmem_shared>> -> memref<128x32xf32, #tpu.memory_space<vmem_shared>>
    tpu.wait_dma2 semaphore(%arg15 : memref<!tpu.dma_semaphore, #tpu.memory_space<semaphore_mem>>) src(%arg13 : memref<128x32xf32, #tpu.memory_space<vmem>>) dst(%dma_wait3A_563 : memref<128x32xf32, #tpu.memory_space<vmem_shared>>)
    %dma_wait3A_564 = arith.constant 0 : i32
    %dma_wait3A_565 = tpu.memref_slice %arg14[%add3A_415, %dma_wait3A_564] : memref<51200x32xf32, #tpu.memory_space<vmem_shared>> -> memref<128x32xf32, #tpu.memory_space<vmem_shared>>
    %dma_wait3A_566 = arith.constant 0 : i32
    %dma_wait3A_567 = tpu.memref_slice %arg14[%add3A_415, %dma_wait3A_566] : memref<51200x32xf32, #tpu.memory_space<vmem_shared>> -> memref<128x32xf32, #tpu.memory_space<vmem_shared>>
    tpu.wait_dma2 semaphore(%arg15 : memref<!tpu.dma_semaphore, #tpu.memory_space<semaphore_mem>>) src(%arg13 : memref<128x32xf32, #tpu.memory_space<vmem>>) dst(%dma_wait3A_567 : memref<128x32xf32, #tpu.memory_space<vmem_shared>>)
    %dma_wait3A_568 = arith.constant 0 : i32
    %dma_wait3A_569 = tpu.memref_slice %arg14[%add3A_423, %dma_wait3A_568] : memref<51200x32xf32, #tpu.memory_space<vmem_shared>> -> memref<128x32xf32, #tpu.memory_space<vmem_shared>>
    %dma_wait3A_570 = arith.constant 0 : i32
    %dma_wait3A_571 = tpu.memref_slice %arg14[%add3A_423, %dma_wait3A_570] : memref<51200x32xf32, #tpu.memory_space<vmem_shared>> -> memref<128x32xf32, #tpu.memory_space<vmem_shared>>
    tpu.wait_dma2 semaphore(%arg15 : memref<!tpu.dma_semaphore, #tpu.memory_space<semaphore_mem>>) src(%arg13 : memref<128x32xf32, #tpu.memory_space<vmem>>) dst(%dma_wait3A_571 : memref<128x32xf32, #tpu.memory_space<vmem_shared>>)
    %dma_wait3A_572 = arith.constant 0 : i32
    %dma_wait3A_573 = tpu.memref_slice %arg14[%add3A_431, %dma_wait3A_572] : memref<51200x32xf32, #tpu.memory_space<vmem_shared>> -> memref<128x32xf32, #tpu.memory_space<vmem_shared>>
    %dma_wait3A_574 = arith.constant 0 : i32
    %dma_wait3A_575 = tpu.memref_slice %arg14[%add3A_431, %dma_wait3A_574] : memref<51200x32xf32, #tpu.memory_space<vmem_shared>> -> memref<128x32xf32, #tpu.memory_space<vmem_shared>>
    tpu.wait_dma2 semaphore(%arg15 : memref<!tpu.dma_semaphore, #tpu.memory_space<semaphore_mem>>) src(%arg13 : memref<128x32xf32, #tpu.memory_space<vmem>>) dst(%dma_wait3A_575 : memref<128x32xf32, #tpu.memory_space<vmem_shared>>)
    %dma_wait3A_576 = arith.constant 0 : i32
    %dma_wait3A_577 = tpu.memref_slice %arg14[%add3A_439, %dma_wait3A_576] : memref<51200x32xf32, #tpu.memory_space<vmem_shared>> -> memref<128x32xf32, #tpu.memory_space<vmem_shared>>
    %dma_wait3A_578 = arith.constant 0 : i32
    %dma_wait3A_579 = tpu.memref_slice %arg14[%add3A_439, %dma_wait3A_578] : memref<51200x32xf32, #tpu.memory_space<vmem_shared>> -> memref<128x32xf32, #tpu.memory_space<vmem_shared>>
    tpu.wait_dma2 semaphore(%arg15 : memref<!tpu.dma_semaphore, #tpu.memory_space<semaphore_mem>>) src(%arg13 : memref<128x32xf32, #tpu.memory_space<vmem>>) dst(%dma_wait3A_579 : memref<128x32xf32, #tpu.memory_space<vmem_shared>>)
    %dma_wait3A_580 = arith.constant 0 : i32
    %dma_wait3A_581 = tpu.memref_slice %arg14[%add3A_447, %dma_wait3A_580] : memref<51200x32xf32, #tpu.memory_space<vmem_shared>> -> memref<128x32xf32, #tpu.memory_space<vmem_shared>>
    %dma_wait3A_582 = arith.constant 0 : i32
    %dma_wait3A_583 = tpu.memref_slice %arg14[%add3A_447, %dma_wait3A_582] : memref<51200x32xf32, #tpu.memory_space<vmem_shared>> -> memref<128x32xf32, #tpu.memory_space<vmem_shared>>
    tpu.wait_dma2 semaphore(%arg15 : memref<!tpu.dma_semaphore, #tpu.memory_space<semaphore_mem>>) src(%arg13 : memref<128x32xf32, #tpu.memory_space<vmem>>) dst(%dma_wait3A_583 : memref<128x32xf32, #tpu.memory_space<vmem_shared>>)
    %dma_wait3A_584 = arith.constant 0 : i32
    %dma_wait3A_585 = tpu.memref_slice %arg14[%add3A_455, %dma_wait3A_584] : memref<51200x32xf32, #tpu.memory_space<vmem_shared>> -> memref<128x32xf32, #tpu.memory_space<vmem_shared>>
    %dma_wait3A_586 = arith.constant 0 : i32
    %dma_wait3A_587 = tpu.memref_slice %arg14[%add3A_455, %dma_wait3A_586] : memref<51200x32xf32, #tpu.memory_space<vmem_shared>> -> memref<128x32xf32, #tpu.memory_space<vmem_shared>>
    tpu.wait_dma2 semaphore(%arg15 : memref<!tpu.dma_semaphore, #tpu.memory_space<semaphore_mem>>) src(%arg13 : memref<128x32xf32, #tpu.memory_space<vmem>>) dst(%dma_wait3A_587 : memref<128x32xf32, #tpu.memory_space<vmem_shared>>)
    %dma_wait3A_588 = arith.constant 0 : i32
    %dma_wait3A_589 = tpu.memref_slice %arg14[%add3A_463, %dma_wait3A_588] : memref<51200x32xf32, #tpu.memory_space<vmem_shared>> -> memref<128x32xf32, #tpu.memory_space<vmem_shared>>
    %dma_wait3A_590 = arith.constant 0 : i32
    %dma_wait3A_591 = tpu.memref_slice %arg14[%add3A_463, %dma_wait3A_590] : memref<51200x32xf32, #tpu.memory_space<vmem_shared>> -> memref<128x32xf32, #tpu.memory_space<vmem_shared>>
    tpu.wait_dma2 semaphore(%arg15 : memref<!tpu.dma_semaphore, #tpu.memory_space<semaphore_mem>>) src(%arg13 : memref<128x32xf32, #tpu.memory_space<vmem>>) dst(%dma_wait3A_591 : memref<128x32xf32, #tpu.memory_space<vmem_shared>>)
    %dma_wait3A_592 = arith.constant 0 : i32
    %dma_wait3A_593 = tpu.memref_slice %arg14[%add3A_471, %dma_wait3A_592] : memref<51200x32xf32, #tpu.memory_space<vmem_shared>> -> memref<128x32xf32, #tpu.memory_space<vmem_shared>>
    %dma_wait3A_594 = arith.constant 0 : i32
    %dma_wait3A_595 = tpu.memref_slice %arg14[%add3A_471, %dma_wait3A_594] : memref<51200x32xf32, #tpu.memory_space<vmem_shared>> -> memref<128x32xf32, #tpu.memory_space<vmem_shared>>
    tpu.wait_dma2 semaphore(%arg15 : memref<!tpu.dma_semaphore, #tpu.memory_space<semaphore_mem>>) src(%arg13 : memref<128x32xf32, #tpu.memory_space<vmem>>) dst(%dma_wait3A_595 : memref<128x32xf32, #tpu.memory_space<vmem_shared>>)
    %dma_wait3A_596 = arith.constant 0 : i32
    %dma_wait3A_597 = tpu.memref_slice %arg14[%add3A_479, %dma_wait3A_596] : memref<51200x32xf32, #tpu.memory_space<vmem_shared>> -> memref<128x32xf32, #tpu.memory_space<vmem_shared>>
    %dma_wait3A_598 = arith.constant 0 : i32
    %dma_wait3A_599 = tpu.memref_slice %arg14[%add3A_479, %dma_wait3A_598] : memref<51200x32xf32, #tpu.memory_space<vmem_shared>> -> memref<128x32xf32, #tpu.memory_space<vmem_shared>>
    tpu.wait_dma2 semaphore(%arg15 : memref<!tpu.dma_semaphore, #tpu.memory_space<semaphore_mem>>) src(%arg13 : memref<128x32xf32, #tpu.memory_space<vmem>>) dst(%dma_wait3A_599 : memref<128x32xf32, #tpu.memory_space<vmem_shared>>)
    %dma_wait3A_600 = arith.constant 0 : i32
    %dma_wait3A_601 = tpu.memref_slice %arg14[%add3A_487, %dma_wait3A_600] : memref<51200x32xf32, #tpu.memory_space<vmem_shared>> -> memref<128x32xf32, #tpu.memory_space<vmem_shared>>
    %dma_wait3A_602 = arith.constant 0 : i32
    %dma_wait3A_603 = tpu.memref_slice %arg14[%add3A_487, %dma_wait3A_602] : memref<51200x32xf32, #tpu.memory_space<vmem_shared>> -> memref<128x32xf32, #tpu.memory_space<vmem_shared>>
    tpu.wait_dma2 semaphore(%arg15 : memref<!tpu.dma_semaphore, #tpu.memory_space<semaphore_mem>>) src(%arg13 : memref<128x32xf32, #tpu.memory_space<vmem>>) dst(%dma_wait3A_603 : memref<128x32xf32, #tpu.memory_space<vmem_shared>>)
    %dma_wait3A_604 = arith.constant 0 : i32
    %dma_wait3A_605 = tpu.memref_slice %arg14[%add3A_495, %dma_wait3A_604] : memref<51200x32xf32, #tpu.memory_space<vmem_shared>> -> memref<128x32xf32, #tpu.memory_space<vmem_shared>>
    %dma_wait3A_606 = arith.constant 0 : i32
    %dma_wait3A_607 = tpu.memref_slice %arg14[%add3A_495, %dma_wait3A_606] : memref<51200x32xf32, #tpu.memory_space<vmem_shared>> -> memref<128x32xf32, #tpu.memory_space<vmem_shared>>
    tpu.wait_dma2 semaphore(%arg15 : memref<!tpu.dma_semaphore, #tpu.memory_space<semaphore_mem>>) src(%arg13 : memref<128x32xf32, #tpu.memory_space<vmem>>) dst(%dma_wait3A_607 : memref<128x32xf32, #tpu.memory_space<vmem_shared>>)
    %dma_wait3A_608 = arith.constant 0 : i32
    %dma_wait3A_609 = tpu.memref_slice %arg14[%add3A_503, %dma_wait3A_608] : memref<51200x32xf32, #tpu.memory_space<vmem_shared>> -> memref<128x32xf32, #tpu.memory_space<vmem_shared>>
    %dma_wait3A_610 = arith.constant 0 : i32
    %dma_wait3A_611 = tpu.memref_slice %arg14[%add3A_503, %dma_wait3A_610] : memref<51200x32xf32, #tpu.memory_space<vmem_shared>> -> memref<128x32xf32, #tpu.memory_space<vmem_shared>>
    tpu.wait_dma2 semaphore(%arg15 : memref<!tpu.dma_semaphore, #tpu.memory_space<semaphore_mem>>) src(%arg13 : memref<128x32xf32, #tpu.memory_space<vmem>>) dst(%dma_wait3A_611 : memref<128x32xf32, #tpu.memory_space<vmem_shared>>)
    %dma_wait3A_612 = arith.constant 0 : i32
    %dma_wait3A_613 = tpu.memref_slice %arg14[%add3A_511, %dma_wait3A_612] : memref<51200x32xf32, #tpu.memory_space<vmem_shared>> -> memref<128x32xf32, #tpu.memory_space<vmem_shared>>
    %dma_wait3A_614 = arith.constant 0 : i32
    %dma_wait3A_615 = tpu.memref_slice %arg14[%add3A_511, %dma_wait3A_614] : memref<51200x32xf32, #tpu.memory_space<vmem_shared>> -> memref<128x32xf32, #tpu.memory_space<vmem_shared>>
    tpu.wait_dma2 semaphore(%arg15 : memref<!tpu.dma_semaphore, #tpu.memory_space<semaphore_mem>>) src(%arg13 : memref<128x32xf32, #tpu.memory_space<vmem>>) dst(%dma_wait3A_615 : memref<128x32xf32, #tpu.memory_space<vmem_shared>>)
    %barrier3A_616 = arith.constant 0 : index
    tpu.barrier barrier_id(%barrier3A_616)
    %scan3A_617 = arith.constant 0 : i32
    %scan3A_618 = arith.constant 0 : i32
    %scan3A_619 = arith.constant 76 : i32
    %scan3A_620 = arith.addi %scan3A_618, %scan3A_619 : i32
    %scan3A_621 = arith.constant 1 : i32
    %scan3A_622 = scf.for %scan3A_631 = %scan3A_618 to %scan3A_620 step %scan3A_621 iter_args(%scan3A_632 = %scan3A_617) -> (i32)  : i32 {
      %mul3A_633 = arith.constant 622592 : i32
      %mul3A_634 = arith.muli %arg0, %mul3A_633 : i32
      %mul3A_635 = arith.constant 38912 : i32
      %mul3A_636 = arith.muli %arg1, %mul3A_635 : i32
      %add3A_637 = arith.addi %mul3A_634, %mul3A_636 : i32
      %mul3A_638 = arith.constant 512 : i32
      %mul3A_639 = arith.muli %scan3A_631, %mul3A_638 : i32
      %add3A_640 = arith.addi %add3A_637, %mul3A_639 : i32
      %mul3A_641 = arith.constant 38912 : i32
      %mul3A_642 = arith.muli %arg1, %mul3A_641 : i32
      %mul3A_643 = arith.constant 512 : i32
      %mul3A_644 = arith.muli %scan3A_631, %mul3A_643 : i32
      %add3A_645 = arith.addi %mul3A_642, %mul3A_644 : i32
      %dma_start3A_646 = tpu.memref_slice %arg6[%add3A_640] : memref<1245184xi32, #tpu.memory_space<hbm>> -> memref<512xi32, #tpu.memory_space<hbm>>
      %dma_start3A_647 = tpu.memref_slice %arg6[%add3A_640] : memref<1245184xi32, #tpu.memory_space<hbm>> -> memref<512xi32, #tpu.memory_space<hbm>>
      tpu.enqueue_dma source(%dma_start3A_647 : memref<512xi32, #tpu.memory_space<hbm>>) target(%arg10 : memref<512xi32, #tpu.memory_space<vmem>>) target_semaphore(%arg15 : memref<!tpu.dma_semaphore, #tpu.memory_space<semaphore_mem>>)
      %dma_start3A_648 = tpu.memref_slice %arg5[%add3A_645] : memref<622592xi32, #tpu.memory_space<hbm>> -> memref<512xi32, #tpu.memory_space<hbm>>
      %dma_start3A_649 = tpu.memref_slice %arg5[%add3A_645] : memref<622592xi32, #tpu.memory_space<hbm>> -> memref<512xi32, #tpu.memory_space<hbm>>
      tpu.enqueue_dma source(%dma_start3A_649 : memref<512xi32, #tpu.memory_space<hbm>>) target(%arg11 : memref<512xi32, #tpu.memory_space<vmem>>) target_semaphore(%arg15 : memref<!tpu.dma_semaphore, #tpu.memory_space<semaphore_mem>>)
      %dma_wait3A_650 = tpu.memref_slice %arg6[%add3A_640] : memref<1245184xi32, #tpu.memory_space<hbm>> -> memref<512xi32, #tpu.memory_space<hbm>>
      %dma_wait3A_651 = tpu.memref_slice %arg6[%add3A_640] : memref<1245184xi32, #tpu.memory_space<hbm>> -> memref<512xi32, #tpu.memory_space<hbm>>
      tpu.wait_dma2 semaphore(%arg15 : memref<!tpu.dma_semaphore, #tpu.memory_space<semaphore_mem>>) src(%dma_wait3A_651 : memref<512xi32, #tpu.memory_space<hbm>>) dst(%arg10 : memref<512xi32, #tpu.memory_space<vmem>>)
      %dma_wait3A_652 = tpu.memref_slice %arg5[%add3A_645] : memref<622592xi32, #tpu.memory_space<hbm>> -> memref<512xi32, #tpu.memory_space<hbm>>
      %dma_wait3A_653 = tpu.memref_slice %arg5[%add3A_645] : memref<622592xi32, #tpu.memory_space<hbm>> -> memref<512xi32, #tpu.memory_space<hbm>>
      tpu.wait_dma2 semaphore(%arg15 : memref<!tpu.dma_semaphore, #tpu.memory_space<semaphore_mem>>) src(%dma_wait3A_653 : memref<512xi32, #tpu.memory_space<hbm>>) dst(%arg11 : memref<512xi32, #tpu.memory_space<vmem>>)
      %dma_start3A_654 = arith.constant 0 : i32
      %dma_start3A_655 = arith.constant 0 : i32
      %dma_start3A_656 = tpu.memref_slice %arg3[%dma_start3A_654, %dma_start3A_655] : memref<102400x32xf32, #tpu.memory_space<hbm>> -> memref<102400x32xf32, #tpu.memory_space<hbm>>
      tpu.enqueue_indirect_dma source(%dma_start3A_656 : memref<102400x32xf32, #tpu.memory_space<hbm>>) target(%arg12 : memref<512x32xf32, #tpu.memory_space<vmem>>) offsets(%arg10 : memref<512xi32, #tpu.memory_space<vmem>>) semaphore(%arg16 : memref<!tpu.dma_semaphore, #tpu.memory_space<semaphore_mem>>)
      %dma_wait3A_657 = arith.constant 0 : i32
      %dma_wait3A_658 = arith.constant 0 : i32
      %dma_wait3A_659 = tpu.memref_slice %arg3[%dma_wait3A_657, %dma_wait3A_658] : memref<102400x32xf32, #tpu.memory_space<hbm>> -> memref<102400x32xf32, #tpu.memory_space<hbm>>
      tpu.wait_indirect_dma semaphore(%arg16 : memref<!tpu.dma_semaphore, #tpu.memory_space<semaphore_mem>>) src(%dma_wait3A_659 : memref<102400x32xf32, #tpu.memory_space<hbm>>) dst(%arg12 : memref<512x32xf32, #tpu.memory_space<vmem>>)
      %dma_start3A_660 = arith.constant 0 : i32
      %dma_start3A_661 = arith.constant 0 : i32
      %dma_start3A_662 = tpu.memref_slice %arg14[%dma_start3A_660, %dma_start3A_661] : memref<51200x32xf32, #tpu.memory_space<vmem_shared>> -> memref<51200x32xf32, #tpu.memory_space<vmem_shared>>
      tpu.enqueue_indirect_dma source(%arg12 : memref<512x32xf32, #tpu.memory_space<vmem>>) target(%dma_start3A_662 : memref<51200x32xf32, #tpu.memory_space<vmem_shared>>) offsets(%arg11 : memref<512xi32, #tpu.memory_space<vmem>>) semaphore(%arg17 : memref<!tpu.dma_semaphore, #tpu.memory_space<semaphore_mem>>) {add = true}
      %dma_wait3A_663 = arith.constant 0 : i32
      %dma_wait3A_664 = arith.constant 0 : i32
      %dma_wait3A_665 = tpu.memref_slice %arg14[%dma_wait3A_663, %dma_wait3A_664] : memref<51200x32xf32, #tpu.memory_space<vmem_shared>> -> memref<51200x32xf32, #tpu.memory_space<vmem_shared>>
      tpu.wait_indirect_dma semaphore(%arg17 : memref<!tpu.dma_semaphore, #tpu.memory_space<semaphore_mem>>) src(%arg12 : memref<512x32xf32, #tpu.memory_space<vmem>>) dst(%dma_wait3A_665 : memref<51200x32xf32, #tpu.memory_space<vmem_shared>>)
      %scan3A_666 = arith.constant 0 : i32
      scf.yield %scan3A_666 : i32
    }
    %scan3A_623 = arith.constant 76 : i32
    %barrier3A_624 = arith.constant 0 : index
    tpu.barrier barrier_id(%barrier3A_624)
    %mul3A_625 = arith.constant 3200 : i32
    %mul3A_626 = arith.muli %arg1, %mul3A_625 : i32
    %mul3A_627 = arith.constant 51200 : i32
    %mul3A_628 = arith.muli %arg0, %mul3A_627 : i32
    %add3A_629 = arith.addi %mul3A_628, %mul3A_626 : i32
    "tpu.region"() ({
      %run_scoped3A = tpu.sem_alloc : memref<!tpu.dma_semaphore, #tpu.memory_space<semaphore_mem>>
      %dma_start3A_631 = arith.constant 0 : i32
      %dma_start3A_632 = tpu.memref_slice %arg9[%add3A_629, %dma_start3A_631] : memref<102400x32xf32, #tpu.memory_space<hbm>> -> memref<3200x32xf32, #tpu.memory_space<hbm>>
      %dma_start3A_633 = arith.constant 0 : i32
      %dma_start3A_634 = tpu.memref_slice %arg14[%mul3A_626, %dma_start3A_633] : memref<51200x32xf32, #tpu.memory_space<vmem_shared>> -> memref<3200x32xf32, #tpu.memory_space<vmem_shared>>
      tpu.enqueue_dma source(%dma_start3A_634 : memref<3200x32xf32, #tpu.memory_space<vmem_shared>>) target(%dma_start3A_632 : memref<3200x32xf32, #tpu.memory_space<hbm>>) target_semaphore(%run_scoped3A : memref<!tpu.dma_semaphore, #tpu.memory_space<semaphore_mem>>)
      %dma_wait3A_635 = arith.constant 0 : i32
      %dma_wait3A_636 = tpu.memref_slice %arg9[%add3A_629, %dma_wait3A_635] : memref<102400x32xf32, #tpu.memory_space<hbm>> -> memref<3200x32xf32, #tpu.memory_space<hbm>>
      %dma_wait3A_637 = arith.constant 0 : i32
      %dma_wait3A_638 = tpu.memref_slice %arg14[%mul3A_626, %dma_wait3A_637] : memref<51200x32xf32, #tpu.memory_space<vmem_shared>> -> memref<3200x32xf32, #tpu.memory_space<vmem_shared>>
      tpu.wait_dma2 semaphore(%run_scoped3A : memref<!tpu.dma_semaphore, #tpu.memory_space<semaphore_mem>>) src(%dma_wait3A_638 : memref<3200x32xf32, #tpu.memory_space<vmem_shared>>) dst(%dma_wait3A_636 : memref<3200x32xf32, #tpu.memory_space<hbm>>)
      tpu.yield
    }) : () -> ()
    %barrier3A_630 = arith.constant 0 : index
    tpu.barrier barrier_id(%barrier3A_630)
    return
  }
}

#map = affine_map<(d0, d1) -> (0, 0)>
#map1 = affine_map<(d0, d1) -> (0)>
module attributes {stable_mosaic.version = 14 : i64} {
  func.func @_seg_body(%arg0: i32, %arg1: i32, %arg2: memref<102400x32xf32, #tpu.memory_space<hbm>>, %arg3: memref<102400x32xf32, #tpu.memory_space<hbm>>, %arg4: memref<1245184xi32, #tpu.memory_space<hbm>>, %arg5: memref<622592xi32, #tpu.memory_space<hbm>>, %arg6: memref<1245184xi32, #tpu.memory_space<hbm>>, %arg7: memref<622592xi32, #tpu.memory_space<hbm>>, %arg8: memref<102400x32xf32, #tpu.memory_space<hbm>>, %arg9: memref<102400x32xf32, #tpu.memory_space<hbm>>, %arg10: memref<512xi32, #tpu.memory_space<vmem>>, %arg11: memref<512xi32, #tpu.memory_space<vmem>>, %arg12: memref<512x32xf32, #tpu.memory_space<vmem>>, %arg13: memref<128x32xf32, #tpu.memory_space<vmem>>, %arg14: memref<51200x32xf32, #tpu.memory_space<vmem_shared>>, %arg15: memref<!tpu.dma_semaphore, #tpu.memory_space<semaphore_mem>>, %arg16: memref<!tpu.dma_semaphore, #tpu.memory_space<semaphore_mem>>, %arg17: memref<!tpu.dma_semaphore, #tpu.memory_space<semaphore_mem>>) attributes {dimension_semantics = [#tpu.dimension_semantics<core_parallel>, #tpu.dimension_semantics<subcore_parallel>], iteration_bounds = array<i64: 2, 16>, scalar_prefetch = 0 : i64, scratch_operands = 8 : i64, tpu.core_type = #tpu.core_type<sc_vector_subcore>, window_params = [{transform_indices = #map}, {transform_indices = #map}, {transform_indices = #map1}, {transform_indices = #map1}, {transform_indices = #map1}, {transform_indices = #map1}, {transform_indices = #map}, {transform_indices = #map}]} {
    %scan3A = arith.constant 0 : i32
    %scan3A_0 = arith.constant 0 : i32
    %scan3A_1 = arith.constant 128 : i32
    %scan3A_2 = arith.addi %scan3A_0, %scan3A_1 : i32
    %scan3A_3 = arith.constant 1 : i32
    %scan3A_4 = scf.for %scan3A_631 = %scan3A_0 to %scan3A_2 step %scan3A_3 iter_args(%scan3A_632 = %scan3A) -> (i32)  : i32 {
      %broadcast_in_dim3A = arith.constant 0.000000e+00 : f32
      %broadcast_in_dim3A_633 = vector.broadcast %broadcast_in_dim3A : f32 to vector<16xf32>
      %swap3A = arith.index_cast %scan3A_631 : i32 to index
      %swap3A_634 = arith.constant 0 : index
      %swap3A_635 = tpu.vector_load %arg13[%swap3A, %swap3A_634] {strides = array<i32>} : memref<128x32xf32, #tpu.memory_space<vmem>>, vector<1x16xf32>,
      %swap3A_636 = vector.shape_cast %swap3A_635 : vector<1x16xf32> to vector<16xf32>
      %swap3A_637 = vector.shape_cast %broadcast_in_dim3A_633 : vector<16xf32> to vector<1x16xf32>
      tpu.vector_store %arg13[%swap3A, %swap3A_634], %swap3A_637 {strides = array<i32>} : memref<128x32xf32, #tpu.memory_space<vmem>>, vector<1x16xf32>,
      %swap3A_638 = arith.index_cast %scan3A_631 : i32 to index
      %swap3A_639 = arith.constant 16 : index
      %swap3A_640 = tpu.vector_load %arg13[%swap3A_638, %swap3A_639] {strides = array<i32>} : memref<128x32xf32, #tpu.memory_space<vmem>>, vector<1x16xf32>,
      %swap3A_641 = vector.shape_cast %swap3A_640 : vector<1x16xf32> to vector<16xf32>
      %swap3A_642 = vector.shape_cast %broadcast_in_dim3A_633 : vector<16xf32> to vector<1x16xf32>
      tpu.vector_store %arg13[%swap3A_638, %swap3A_639], %swap3A_642 {strides = array<i32>} : memref<128x32xf32, #tpu.memory_space<vmem>>, vector<1x16xf32>,
      %scan3A_643 = arith.constant 0 : i32
      scf.yield %scan3A_643 : i32
    }
    %scan3A_5 = arith.constant 128 : i32
    %mul3A = arith.constant 3200 : i32
    %mul3A_6 = arith.muli %arg1, %mul3A : i32
    %add3A = arith.constant 0 : i32
    %add3A_7 = arith.addi %mul3A_6, %add3A : i32
    %dma_start3A = arith.constant 0 : i32
    %dma_start3A_8 = tpu.memref_slice %arg14[%add3A_7, %dma_start3A] : memref<51200x32xf32, #tpu.memory_space<vmem_shared>> -> memref<128x32xf32, #tpu.memory_space<vmem_shared>>
    %dma_start3A_9 = arith.constant 0 : i32
    %dma_start3A_10 = tpu.memref_slice %arg14[%add3A_7, %dma_start3A_9] : memref<51200x32xf32, #tpu.memory_space<vmem_shared>> -> memref<128x32xf32, #tpu.memory_space<vmem_shared>>
    tpu.enqueue_dma source(%arg13 : memref<128x32xf32, #tpu.memory_space<vmem>>) target(%dma_start3A_10 : memref<128x32xf32, #tpu.memory_space<vmem_shared>>) target_semaphore(%arg15 : memref<!tpu.dma_semaphore, #tpu.memory_space<semaphore_mem>>)
    %mul3A_11 = arith.constant 3200 : i32
    %mul3A_12 = arith.muli %arg1, %mul3A_11 : i32
    %add3A_13 = arith.constant 128 : i32
    %add3A_14 = arith.addi %mul3A_12, %add3A_13 : i32
    %dma_start3A_15 = arith.constant 0 : i32
    %dma_start3A_16 = tpu.memref_slice %arg14[%add3A_14, %dma_start3A_15] : memref<51200x32xf32, #tpu.memory_space<vmem_shared>> -> memref<128x32xf32, #tpu.memory_space<vmem_shared>>
    %dma_start3A_17 = arith.constant 0 : i32
    %dma_start3A_18 = tpu.memref_slice %arg14[%add3A_14, %dma_start3A_17] : memref<51200x32xf32, #tpu.memory_space<vmem_shared>> -> memref<128x32xf32, #tpu.memory_space<vmem_shared>>
    tpu.enqueue_dma source(%arg13 : memref<128x32xf32, #tpu.memory_space<vmem>>) target(%dma_start3A_18 : memref<128x32xf32, #tpu.memory_space<vmem_shared>>) target_semaphore(%arg15 : memref<!tpu.dma_semaphore, #tpu.memory_space<semaphore_mem>>)
    %mul3A_19 = arith.constant 3200 : i32
    %mul3A_20 = arith.muli %arg1, %mul3A_19 : i32
    %add3A_21 = arith.constant 256 : i32
    %add3A_22 = arith.addi %mul3A_20, %add3A_21 : i32
    %dma_start3A_23 = arith.constant 0 : i32
    %dma_start3A_24 = tpu.memref_slice %arg14[%add3A_22, %dma_start3A_23] : memref<51200x32xf32, #tpu.memory_space<vmem_shared>> -> memref<128x32xf32, #tpu.memory_space<vmem_shared>>
    %dma_start3A_25 = arith.constant 0 : i32
    %dma_start3A_26 = tpu.memref_slice %arg14[%add3A_22, %dma_start3A_25] : memref<51200x32xf32, #tpu.memory_space<vmem_shared>> -> memref<128x32xf32, #tpu.memory_space<vmem_shared>>
    tpu.enqueue_dma source(%arg13 : memref<128x32xf32, #tpu.memory_space<vmem>>) target(%dma_start3A_26 : memref<128x32xf32, #tpu.memory_space<vmem_shared>>) target_semaphore(%arg15 : memref<!tpu.dma_semaphore, #tpu.memory_space<semaphore_mem>>)
    %mul3A_27 = arith.constant 3200 : i32
    %mul3A_28 = arith.muli %arg1, %mul3A_27 : i32
    %add3A_29 = arith.constant 384 : i32
    %add3A_30 = arith.addi %mul3A_28, %add3A_29 : i32
    %dma_start3A_31 = arith.constant 0 : i32
    %dma_start3A_32 = tpu.memref_slice %arg14[%add3A_30, %dma_start3A_31] : memref<51200x32xf32, #tpu.memory_space<vmem_shared>> -> memref<128x32xf32, #tpu.memory_space<vmem_shared>>
    %dma_start3A_33 = arith.constant 0 : i32
    %dma_start3A_34 = tpu.memref_slice %arg14[%add3A_30, %dma_start3A_33] : memref<51200x32xf32, #tpu.memory_space<vmem_shared>> -> memref<128x32xf32, #tpu.memory_space<vmem_shared>>
    tpu.enqueue_dma source(%arg13 : memref<128x32xf32, #tpu.memory_space<vmem>>) target(%dma_start3A_34 : memref<128x32xf32, #tpu.memory_space<vmem_shared>>) target_semaphore(%arg15 : memref<!tpu.dma_semaphore, #tpu.memory_space<semaphore_mem>>)
    %mul3A_35 = arith.constant 3200 : i32
    %mul3A_36 = arith.muli %arg1, %mul3A_35 : i32
    %add3A_37 = arith.constant 512 : i32
    %add3A_38 = arith.addi %mul3A_36, %add3A_37 : i32
    %dma_start3A_39 = arith.constant 0 : i32
    %dma_start3A_40 = tpu.memref_slice %arg14[%add3A_38, %dma_start3A_39] : memref<51200x32xf32, #tpu.memory_space<vmem_shared>> -> memref<128x32xf32, #tpu.memory_space<vmem_shared>>
    %dma_start3A_41 = arith.constant 0 : i32
    %dma_start3A_42 = tpu.memref_slice %arg14[%add3A_38, %dma_start3A_41] : memref<51200x32xf32, #tpu.memory_space<vmem_shared>> -> memref<128x32xf32, #tpu.memory_space<vmem_shared>>
    tpu.enqueue_dma source(%arg13 : memref<128x32xf32, #tpu.memory_space<vmem>>) target(%dma_start3A_42 : memref<128x32xf32, #tpu.memory_space<vmem_shared>>) target_semaphore(%arg15 : memref<!tpu.dma_semaphore, #tpu.memory_space<semaphore_mem>>)
    %mul3A_43 = arith.constant 3200 : i32
    %mul3A_44 = arith.muli %arg1, %mul3A_43 : i32
    %add3A_45 = arith.constant 640 : i32
    %add3A_46 = arith.addi %mul3A_44, %add3A_45 : i32
    %dma_start3A_47 = arith.constant 0 : i32
    %dma_start3A_48 = tpu.memref_slice %arg14[%add3A_46, %dma_start3A_47] : memref<51200x32xf32, #tpu.memory_space<vmem_shared>> -> memref<128x32xf32, #tpu.memory_space<vmem_shared>>
    %dma_start3A_49 = arith.constant 0 : i32
    %dma_start3A_50 = tpu.memref_slice %arg14[%add3A_46, %dma_start3A_49] : memref<51200x32xf32, #tpu.memory_space<vmem_shared>> -> memref<128x32xf32, #tpu.memory_space<vmem_shared>>
    tpu.enqueue_dma source(%arg13 : memref<128x32xf32, #tpu.memory_space<vmem>>) target(%dma_start3A_50 : memref<128x32xf32, #tpu.memory_space<vmem_shared>>) target_semaphore(%arg15 : memref<!tpu.dma_semaphore, #tpu.memory_space<semaphore_mem>>)
    %mul3A_51 = arith.constant 3200 : i32
    %mul3A_52 = arith.muli %arg1, %mul3A_51 : i32
    %add3A_53 = arith.constant 768 : i32
    %add3A_54 = arith.addi %mul3A_52, %add3A_53 : i32
    %dma_start3A_55 = arith.constant 0 : i32
    %dma_start3A_56 = tpu.memref_slice %arg14[%add3A_54, %dma_start3A_55] : memref<51200x32xf32, #tpu.memory_space<vmem_shared>> -> memref<128x32xf32, #tpu.memory_space<vmem_shared>>
    %dma_start3A_57 = arith.constant 0 : i32
    %dma_start3A_58 = tpu.memref_slice %arg14[%add3A_54, %dma_start3A_57] : memref<51200x32xf32, #tpu.memory_space<vmem_shared>> -> memref<128x32xf32, #tpu.memory_space<vmem_shared>>
    tpu.enqueue_dma source(%arg13 : memref<128x32xf32, #tpu.memory_space<vmem>>) target(%dma_start3A_58 : memref<128x32xf32, #tpu.memory_space<vmem_shared>>) target_semaphore(%arg15 : memref<!tpu.dma_semaphore, #tpu.memory_space<semaphore_mem>>)
    %mul3A_59 = arith.constant 3200 : i32
    %mul3A_60 = arith.muli %arg1, %mul3A_59 : i32
    %add3A_61 = arith.constant 896 : i32
    %add3A_62 = arith.addi %mul3A_60, %add3A_61 : i32
    %dma_start3A_63 = arith.constant 0 : i32
    %dma_start3A_64 = tpu.memref_slice %arg14[%add3A_62, %dma_start3A_63] : memref<51200x32xf32, #tpu.memory_space<vmem_shared>> -> memref<128x32xf32, #tpu.memory_space<vmem_shared>>
    %dma_start3A_65 = arith.constant 0 : i32
    %dma_start3A_66 = tpu.memref_slice %arg14[%add3A_62, %dma_start3A_65] : memref<51200x32xf32, #tpu.memory_space<vmem_shared>> -> memref<128x32xf32, #tpu.memory_space<vmem_shared>>
    tpu.enqueue_dma source(%arg13 : memref<128x32xf32, #tpu.memory_space<vmem>>) target(%dma_start3A_66 : memref<128x32xf32, #tpu.memory_space<vmem_shared>>) target_semaphore(%arg15 : memref<!tpu.dma_semaphore, #tpu.memory_space<semaphore_mem>>)
    %mul3A_67 = arith.constant 3200 : i32
    %mul3A_68 = arith.muli %arg1, %mul3A_67 : i32
    %add3A_69 = arith.constant 1024 : i32
    %add3A_70 = arith.addi %mul3A_68, %add3A_69 : i32
    %dma_start3A_71 = arith.constant 0 : i32
    %dma_start3A_72 = tpu.memref_slice %arg14[%add3A_70, %dma_start3A_71] : memref<51200x32xf32, #tpu.memory_space<vmem_shared>> -> memref<128x32xf32, #tpu.memory_space<vmem_shared>>
    %dma_start3A_73 = arith.constant 0 : i32
    %dma_start3A_74 = tpu.memref_slice %arg14[%add3A_70, %dma_start3A_73] : memref<51200x32xf32, #tpu.memory_space<vmem_shared>> -> memref<128x32xf32, #tpu.memory_space<vmem_shared>>
    tpu.enqueue_dma source(%arg13 : memref<128x32xf32, #tpu.memory_space<vmem>>) target(%dma_start3A_74 : memref<128x32xf32, #tpu.memory_space<vmem_shared>>) target_semaphore(%arg15 : memref<!tpu.dma_semaphore, #tpu.memory_space<semaphore_mem>>)
    %mul3A_75 = arith.constant 3200 : i32
    %mul3A_76 = arith.muli %arg1, %mul3A_75 : i32
    %add3A_77 = arith.constant 1152 : i32
    %add3A_78 = arith.addi %mul3A_76, %add3A_77 : i32
    %dma_start3A_79 = arith.constant 0 : i32
    %dma_start3A_80 = tpu.memref_slice %arg14[%add3A_78, %dma_start3A_79] : memref<51200x32xf32, #tpu.memory_space<vmem_shared>> -> memref<128x32xf32, #tpu.memory_space<vmem_shared>>
    %dma_start3A_81 = arith.constant 0 : i32
    %dma_start3A_82 = tpu.memref_slice %arg14[%add3A_78, %dma_start3A_81] : memref<51200x32xf32, #tpu.memory_space<vmem_shared>> -> memref<128x32xf32, #tpu.memory_space<vmem_shared>>
    tpu.enqueue_dma source(%arg13 : memref<128x32xf32, #tpu.memory_space<vmem>>) target(%dma_start3A_82 : memref<128x32xf32, #tpu.memory_space<vmem_shared>>) target_semaphore(%arg15 : memref<!tpu.dma_semaphore, #tpu.memory_space<semaphore_mem>>)
    %mul3A_83 = arith.constant 3200 : i32
    %mul3A_84 = arith.muli %arg1, %mul3A_83 : i32
    %add3A_85 = arith.constant 1280 : i32
    %add3A_86 = arith.addi %mul3A_84, %add3A_85 : i32
    %dma_start3A_87 = arith.constant 0 : i32
    %dma_start3A_88 = tpu.memref_slice %arg14[%add3A_86, %dma_start3A_87] : memref<51200x32xf32, #tpu.memory_space<vmem_shared>> -> memref<128x32xf32, #tpu.memory_space<vmem_shared>>
    %dma_start3A_89 = arith.constant 0 : i32
    %dma_start3A_90 = tpu.memref_slice %arg14[%add3A_86, %dma_start3A_89] : memref<51200x32xf32, #tpu.memory_space<vmem_shared>> -> memref<128x32xf32, #tpu.memory_space<vmem_shared>>
    tpu.enqueue_dma source(%arg13 : memref<128x32xf32, #tpu.memory_space<vmem>>) target(%dma_start3A_90 : memref<128x32xf32, #tpu.memory_space<vmem_shared>>) target_semaphore(%arg15 : memref<!tpu.dma_semaphore, #tpu.memory_space<semaphore_mem>>)
    %mul3A_91 = arith.constant 3200 : i32
    %mul3A_92 = arith.muli %arg1, %mul3A_91 : i32
    %add3A_93 = arith.constant 1408 : i32
    %add3A_94 = arith.addi %mul3A_92, %add3A_93 : i32
    %dma_start3A_95 = arith.constant 0 : i32
    %dma_start3A_96 = tpu.memref_slice %arg14[%add3A_94, %dma_start3A_95] : memref<51200x32xf32, #tpu.memory_space<vmem_shared>> -> memref<128x32xf32, #tpu.memory_space<vmem_shared>>
    %dma_start3A_97 = arith.constant 0 : i32
    %dma_start3A_98 = tpu.memref_slice %arg14[%add3A_94, %dma_start3A_97] : memref<51200x32xf32, #tpu.memory_space<vmem_shared>> -> memref<128x32xf32, #tpu.memory_space<vmem_shared>>
    tpu.enqueue_dma source(%arg13 : memref<128x32xf32, #tpu.memory_space<vmem>>) target(%dma_start3A_98 : memref<128x32xf32, #tpu.memory_space<vmem_shared>>) target_semaphore(%arg15 : memref<!tpu.dma_semaphore, #tpu.memory_space<semaphore_mem>>)
    %mul3A_99 = arith.constant 3200 : i32
    %mul3A_100 = arith.muli %arg1, %mul3A_99 : i32
    %add3A_101 = arith.constant 1536 : i32
    %add3A_102 = arith.addi %mul3A_100, %add3A_101 : i32
    %dma_start3A_103 = arith.constant 0 : i32
    %dma_start3A_104 = tpu.memref_slice %arg14[%add3A_102, %dma_start3A_103] : memref<51200x32xf32, #tpu.memory_space<vmem_shared>> -> memref<128x32xf32, #tpu.memory_space<vmem_shared>>
    %dma_start3A_105 = arith.constant 0 : i32
    %dma_start3A_106 = tpu.memref_slice %arg14[%add3A_102, %dma_start3A_105] : memref<51200x32xf32, #tpu.memory_space<vmem_shared>> -> memref<128x32xf32, #tpu.memory_space<vmem_shared>>
    tpu.enqueue_dma source(%arg13 : memref<128x32xf32, #tpu.memory_space<vmem>>) target(%dma_start3A_106 : memref<128x32xf32, #tpu.memory_space<vmem_shared>>) target_semaphore(%arg15 : memref<!tpu.dma_semaphore, #tpu.memory_space<semaphore_mem>>)
    %mul3A_107 = arith.constant 3200 : i32
    %mul3A_108 = arith.muli %arg1, %mul3A_107 : i32
    %add3A_109 = arith.constant 1664 : i32
    %add3A_110 = arith.addi %mul3A_108, %add3A_109 : i32
    %dma_start3A_111 = arith.constant 0 : i32
    %dma_start3A_112 = tpu.memref_slice %arg14[%add3A_110, %dma_start3A_111] : memref<51200x32xf32, #tpu.memory_space<vmem_shared>> -> memref<128x32xf32, #tpu.memory_space<vmem_shared>>
    %dma_start3A_113 = arith.constant 0 : i32
    %dma_start3A_114 = tpu.memref_slice %arg14[%add3A_110, %dma_start3A_113] : memref<51200x32xf32, #tpu.memory_space<vmem_shared>> -> memref<128x32xf32, #tpu.memory_space<vmem_shared>>
    tpu.enqueue_dma source(%arg13 : memref<128x32xf32, #tpu.memory_space<vmem>>) target(%dma_start3A_114 : memref<128x32xf32, #tpu.memory_space<vmem_shared>>) target_semaphore(%arg15 : memref<!tpu.dma_semaphore, #tpu.memory_space<semaphore_mem>>)
    %mul3A_115 = arith.constant 3200 : i32
    %mul3A_116 = arith.muli %arg1, %mul3A_115 : i32
    %add3A_117 = arith.constant 1792 : i32
    %add3A_118 = arith.addi %mul3A_116, %add3A_117 : i32
    %dma_start3A_119 = arith.constant 0 : i32
    %dma_start3A_120 = tpu.memref_slice %arg14[%add3A_118, %dma_start3A_119] : memref<51200x32xf32, #tpu.memory_space<vmem_shared>> -> memref<128x32xf32, #tpu.memory_space<vmem_shared>>
    %dma_start3A_121 = arith.constant 0 : i32
    %dma_start3A_122 = tpu.memref_slice %arg14[%add3A_118, %dma_start3A_121] : memref<51200x32xf32, #tpu.memory_space<vmem_shared>> -> memref<128x32xf32, #tpu.memory_space<vmem_shared>>
    tpu.enqueue_dma source(%arg13 : memref<128x32xf32, #tpu.memory_space<vmem>>) target(%dma_start3A_122 : memref<128x32xf32, #tpu.memory_space<vmem_shared>>) target_semaphore(%arg15 : memref<!tpu.dma_semaphore, #tpu.memory_space<semaphore_mem>>)
    %mul3A_123 = arith.constant 3200 : i32
    %mul3A_124 = arith.muli %arg1, %mul3A_123 : i32
    %add3A_125 = arith.constant 1920 : i32
    %add3A_126 = arith.addi %mul3A_124, %add3A_125 : i32
    %dma_start3A_127 = arith.constant 0 : i32
    %dma_start3A_128 = tpu.memref_slice %arg14[%add3A_126, %dma_start3A_127] : memref<51200x32xf32, #tpu.memory_space<vmem_shared>> -> memref<128x32xf32, #tpu.memory_space<vmem_shared>>
    %dma_start3A_129 = arith.constant 0 : i32
    %dma_start3A_130 = tpu.memref_slice %arg14[%add3A_126, %dma_start3A_129] : memref<51200x32xf32, #tpu.memory_space<vmem_shared>> -> memref<128x32xf32, #tpu.memory_space<vmem_shared>>
    tpu.enqueue_dma source(%arg13 : memref<128x32xf32, #tpu.memory_space<vmem>>) target(%dma_start3A_130 : memref<128x32xf32, #tpu.memory_space<vmem_shared>>) target_semaphore(%arg15 : memref<!tpu.dma_semaphore, #tpu.memory_space<semaphore_mem>>)
    %mul3A_131 = arith.constant 3200 : i32
    %mul3A_132 = arith.muli %arg1, %mul3A_131 : i32
    %add3A_133 = arith.constant 2048 : i32
    %add3A_134 = arith.addi %mul3A_132, %add3A_133 : i32
    %dma_start3A_135 = arith.constant 0 : i32
    %dma_start3A_136 = tpu.memref_slice %arg14[%add3A_134, %dma_start3A_135] : memref<51200x32xf32, #tpu.memory_space<vmem_shared>> -> memref<128x32xf32, #tpu.memory_space<vmem_shared>>
    %dma_start3A_137 = arith.constant 0 : i32
    %dma_start3A_138 = tpu.memref_slice %arg14[%add3A_134, %dma_start3A_137] : memref<51200x32xf32, #tpu.memory_space<vmem_shared>> -> memref<128x32xf32, #tpu.memory_space<vmem_shared>>
    tpu.enqueue_dma source(%arg13 : memref<128x32xf32, #tpu.memory_space<vmem>>) target(%dma_start3A_138 : memref<128x32xf32, #tpu.memory_space<vmem_shared>>) target_semaphore(%arg15 : memref<!tpu.dma_semaphore, #tpu.memory_space<semaphore_mem>>)
    %mul3A_139 = arith.constant 3200 : i32
    %mul3A_140 = arith.muli %arg1, %mul3A_139 : i32
    %add3A_141 = arith.constant 2176 : i32
    %add3A_142 = arith.addi %mul3A_140, %add3A_141 : i32
    %dma_start3A_143 = arith.constant 0 : i32
    %dma_start3A_144 = tpu.memref_slice %arg14[%add3A_142, %dma_start3A_143] : memref<51200x32xf32, #tpu.memory_space<vmem_shared>> -> memref<128x32xf32, #tpu.memory_space<vmem_shared>>
    %dma_start3A_145 = arith.constant 0 : i32
    %dma_start3A_146 = tpu.memref_slice %arg14[%add3A_142, %dma_start3A_145] : memref<51200x32xf32, #tpu.memory_space<vmem_shared>> -> memref<128x32xf32, #tpu.memory_space<vmem_shared>>
    tpu.enqueue_dma source(%arg13 : memref<128x32xf32, #tpu.memory_space<vmem>>) target(%dma_start3A_146 : memref<128x32xf32, #tpu.memory_space<vmem_shared>>) target_semaphore(%arg15 : memref<!tpu.dma_semaphore, #tpu.memory_space<semaphore_mem>>)
    %mul3A_147 = arith.constant 3200 : i32
    %mul3A_148 = arith.muli %arg1, %mul3A_147 : i32
    %add3A_149 = arith.constant 2304 : i32
    %add3A_150 = arith.addi %mul3A_148, %add3A_149 : i32
    %dma_start3A_151 = arith.constant 0 : i32
    %dma_start3A_152 = tpu.memref_slice %arg14[%add3A_150, %dma_start3A_151] : memref<51200x32xf32, #tpu.memory_space<vmem_shared>> -> memref<128x32xf32, #tpu.memory_space<vmem_shared>>
    %dma_start3A_153 = arith.constant 0 : i32
    %dma_start3A_154 = tpu.memref_slice %arg14[%add3A_150, %dma_start3A_153] : memref<51200x32xf32, #tpu.memory_space<vmem_shared>> -> memref<128x32xf32, #tpu.memory_space<vmem_shared>>
    tpu.enqueue_dma source(%arg13 : memref<128x32xf32, #tpu.memory_space<vmem>>) target(%dma_start3A_154 : memref<128x32xf32, #tpu.memory_space<vmem_shared>>) target_semaphore(%arg15 : memref<!tpu.dma_semaphore, #tpu.memory_space<semaphore_mem>>)
    %mul3A_155 = arith.constant 3200 : i32
    %mul3A_156 = arith.muli %arg1, %mul3A_155 : i32
    %add3A_157 = arith.constant 2432 : i32
    %add3A_158 = arith.addi %mul3A_156, %add3A_157 : i32
    %dma_start3A_159 = arith.constant 0 : i32
    %dma_start3A_160 = tpu.memref_slice %arg14[%add3A_158, %dma_start3A_159] : memref<51200x32xf32, #tpu.memory_space<vmem_shared>> -> memref<128x32xf32, #tpu.memory_space<vmem_shared>>
    %dma_start3A_161 = arith.constant 0 : i32
    %dma_start3A_162 = tpu.memref_slice %arg14[%add3A_158, %dma_start3A_161] : memref<51200x32xf32, #tpu.memory_space<vmem_shared>> -> memref<128x32xf32, #tpu.memory_space<vmem_shared>>
    tpu.enqueue_dma source(%arg13 : memref<128x32xf32, #tpu.memory_space<vmem>>) target(%dma_start3A_162 : memref<128x32xf32, #tpu.memory_space<vmem_shared>>) target_semaphore(%arg15 : memref<!tpu.dma_semaphore, #tpu.memory_space<semaphore_mem>>)
    %mul3A_163 = arith.constant 3200 : i32
    %mul3A_164 = arith.muli %arg1, %mul3A_163 : i32
    %add3A_165 = arith.constant 2560 : i32
    %add3A_166 = arith.addi %mul3A_164, %add3A_165 : i32
    %dma_start3A_167 = arith.constant 0 : i32
    %dma_start3A_168 = tpu.memref_slice %arg14[%add3A_166, %dma_start3A_167] : memref<51200x32xf32, #tpu.memory_space<vmem_shared>> -> memref<128x32xf32, #tpu.memory_space<vmem_shared>>
    %dma_start3A_169 = arith.constant 0 : i32
    %dma_start3A_170 = tpu.memref_slice %arg14[%add3A_166, %dma_start3A_169] : memref<51200x32xf32, #tpu.memory_space<vmem_shared>> -> memref<128x32xf32, #tpu.memory_space<vmem_shared>>
    tpu.enqueue_dma source(%arg13 : memref<128x32xf32, #tpu.memory_space<vmem>>) target(%dma_start3A_170 : memref<128x32xf32, #tpu.memory_space<vmem_shared>>) target_semaphore(%arg15 : memref<!tpu.dma_semaphore, #tpu.memory_space<semaphore_mem>>)
    %mul3A_171 = arith.constant 3200 : i32
    %mul3A_172 = arith.muli %arg1, %mul3A_171 : i32
    %add3A_173 = arith.constant 2688 : i32
    %add3A_174 = arith.addi %mul3A_172, %add3A_173 : i32
    %dma_start3A_175 = arith.constant 0 : i32
    %dma_start3A_176 = tpu.memref_slice %arg14[%add3A_174, %dma_start3A_175] : memref<51200x32xf32, #tpu.memory_space<vmem_shared>> -> memref<128x32xf32, #tpu.memory_space<vmem_shared>>
    %dma_start3A_177 = arith.constant 0 : i32
    %dma_start3A_178 = tpu.memref_slice %arg14[%add3A_174, %dma_start3A_177] : memref<51200x32xf32, #tpu.memory_space<vmem_shared>> -> memref<128x32xf32, #tpu.memory_space<vmem_shared>>
    tpu.enqueue_dma source(%arg13 : memref<128x32xf32, #tpu.memory_space<vmem>>) target(%dma_start3A_178 : memref<128x32xf32, #tpu.memory_space<vmem_shared>>) target_semaphore(%arg15 : memref<!tpu.dma_semaphore, #tpu.memory_space<semaphore_mem>>)
    %mul3A_179 = arith.constant 3200 : i32
    %mul3A_180 = arith.muli %arg1, %mul3A_179 : i32
    %add3A_181 = arith.constant 2816 : i32
    %add3A_182 = arith.addi %mul3A_180, %add3A_181 : i32
    %dma_start3A_183 = arith.constant 0 : i32
    %dma_start3A_184 = tpu.memref_slice %arg14[%add3A_182, %dma_start3A_183] : memref<51200x32xf32, #tpu.memory_space<vmem_shared>> -> memref<128x32xf32, #tpu.memory_space<vmem_shared>>
    %dma_start3A_185 = arith.constant 0 : i32
    %dma_start3A_186 = tpu.memref_slice %arg14[%add3A_182, %dma_start3A_185] : memref<51200x32xf32, #tpu.memory_space<vmem_shared>> -> memref<128x32xf32, #tpu.memory_space<vmem_shared>>
    tpu.enqueue_dma source(%arg13 : memref<128x32xf32, #tpu.memory_space<vmem>>) target(%dma_start3A_186 : memref<128x32xf32, #tpu.memory_space<vmem_shared>>) target_semaphore(%arg15 : memref<!tpu.dma_semaphore, #tpu.memory_space<semaphore_mem>>)
    %mul3A_187 = arith.constant 3200 : i32
    %mul3A_188 = arith.muli %arg1, %mul3A_187 : i32
    %add3A_189 = arith.constant 2944 : i32
    %add3A_190 = arith.addi %mul3A_188, %add3A_189 : i32
    %dma_start3A_191 = arith.constant 0 : i32
    %dma_start3A_192 = tpu.memref_slice %arg14[%add3A_190, %dma_start3A_191] : memref<51200x32xf32, #tpu.memory_space<vmem_shared>> -> memref<128x32xf32, #tpu.memory_space<vmem_shared>>
    %dma_start3A_193 = arith.constant 0 : i32
    %dma_start3A_194 = tpu.memref_slice %arg14[%add3A_190, %dma_start3A_193] : memref<51200x32xf32, #tpu.memory_space<vmem_shared>> -> memref<128x32xf32, #tpu.memory_space<vmem_shared>>
    tpu.enqueue_dma source(%arg13 : memref<128x32xf32, #tpu.memory_space<vmem>>) target(%dma_start3A_194 : memref<128x32xf32, #tpu.memory_space<vmem_shared>>) target_semaphore(%arg15 : memref<!tpu.dma_semaphore, #tpu.memory_space<semaphore_mem>>)
    %mul3A_195 = arith.constant 3200 : i32
    %mul3A_196 = arith.muli %arg1, %mul3A_195 : i32
    %add3A_197 = arith.constant 3072 : i32
    %add3A_198 = arith.addi %mul3A_196, %add3A_197 : i32
    %dma_start3A_199 = arith.constant 0 : i32
    %dma_start3A_200 = tpu.memref_slice %arg14[%add3A_198, %dma_start3A_199] : memref<51200x32xf32, #tpu.memory_space<vmem_shared>> -> memref<128x32xf32, #tpu.memory_space<vmem_shared>>
    %dma_start3A_201 = arith.constant 0 : i32
    %dma_start3A_202 = tpu.memref_slice %arg14[%add3A_198, %dma_start3A_201] : memref<51200x32xf32, #tpu.memory_space<vmem_shared>> -> memref<128x32xf32, #tpu.memory_space<vmem_shared>>
    tpu.enqueue_dma source(%arg13 : memref<128x32xf32, #tpu.memory_space<vmem>>) target(%dma_start3A_202 : memref<128x32xf32, #tpu.memory_space<vmem_shared>>) target_semaphore(%arg15 : memref<!tpu.dma_semaphore, #tpu.memory_space<semaphore_mem>>)
    %dma_wait3A = arith.constant 0 : i32
    %dma_wait3A_203 = tpu.memref_slice %arg14[%add3A_7, %dma_wait3A] : memref<51200x32xf32, #tpu.memory_space<vmem_shared>> -> memref<128x32xf32, #tpu.memory_space<vmem_shared>>
    %dma_wait3A_204 = arith.constant 0 : i32
    %dma_wait3A_205 = tpu.memref_slice %arg14[%add3A_7, %dma_wait3A_204] : memref<51200x32xf32, #tpu.memory_space<vmem_shared>> -> memref<128x32xf32, #tpu.memory_space<vmem_shared>>
    tpu.wait_dma2 semaphore(%arg15 : memref<!tpu.dma_semaphore, #tpu.memory_space<semaphore_mem>>) src(%arg13 : memref<128x32xf32, #tpu.memory_space<vmem>>) dst(%dma_wait3A_205 : memref<128x32xf32, #tpu.memory_space<vmem_shared>>)
    %dma_wait3A_206 = arith.constant 0 : i32
    %dma_wait3A_207 = tpu.memref_slice %arg14[%add3A_14, %dma_wait3A_206] : memref<51200x32xf32, #tpu.memory_space<vmem_shared>> -> memref<128x32xf32, #tpu.memory_space<vmem_shared>>
    %dma_wait3A_208 = arith.constant 0 : i32
    %dma_wait3A_209 = tpu.memref_slice %arg14[%add3A_14, %dma_wait3A_208] : memref<51200x32xf32, #tpu.memory_space<vmem_shared>> -> memref<128x32xf32, #tpu.memory_space<vmem_shared>>
    tpu.wait_dma2 semaphore(%arg15 : memref<!tpu.dma_semaphore, #tpu.memory_space<semaphore_mem>>) src(%arg13 : memref<128x32xf32, #tpu.memory_space<vmem>>) dst(%dma_wait3A_209 : memref<128x32xf32, #tpu.memory_space<vmem_shared>>)
    %dma_wait3A_210 = arith.constant 0 : i32
    %dma_wait3A_211 = tpu.memref_slice %arg14[%add3A_22, %dma_wait3A_210] : memref<51200x32xf32, #tpu.memory_space<vmem_shared>> -> memref<128x32xf32, #tpu.memory_space<vmem_shared>>
    %dma_wait3A_212 = arith.constant 0 : i32
    %dma_wait3A_213 = tpu.memref_slice %arg14[%add3A_22, %dma_wait3A_212] : memref<51200x32xf32, #tpu.memory_space<vmem_shared>> -> memref<128x32xf32, #tpu.memory_space<vmem_shared>>
    tpu.wait_dma2 semaphore(%arg15 : memref<!tpu.dma_semaphore, #tpu.memory_space<semaphore_mem>>) src(%arg13 : memref<128x32xf32, #tpu.memory_space<vmem>>) dst(%dma_wait3A_213 : memref<128x32xf32, #tpu.memory_space<vmem_shared>>)
    %dma_wait3A_214 = arith.constant 0 : i32
    %dma_wait3A_215 = tpu.memref_slice %arg14[%add3A_30, %dma_wait3A_214] : memref<51200x32xf32, #tpu.memory_space<vmem_shared>> -> memref<128x32xf32, #tpu.memory_space<vmem_shared>>
    %dma_wait3A_216 = arith.constant 0 : i32
    %dma_wait3A_217 = tpu.memref_slice %arg14[%add3A_30, %dma_wait3A_216] : memref<51200x32xf32, #tpu.memory_space<vmem_shared>> -> memref<128x32xf32, #tpu.memory_space<vmem_shared>>
    tpu.wait_dma2 semaphore(%arg15 : memref<!tpu.dma_semaphore, #tpu.memory_space<semaphore_mem>>) src(%arg13 : memref<128x32xf32, #tpu.memory_space<vmem>>) dst(%dma_wait3A_217 : memref<128x32xf32, #tpu.memory_space<vmem_shared>>)
    %dma_wait3A_218 = arith.constant 0 : i32
    %dma_wait3A_219 = tpu.memref_slice %arg14[%add3A_38, %dma_wait3A_218] : memref<51200x32xf32, #tpu.memory_space<vmem_shared>> -> memref<128x32xf32, #tpu.memory_space<vmem_shared>>
    %dma_wait3A_220 = arith.constant 0 : i32
    %dma_wait3A_221 = tpu.memref_slice %arg14[%add3A_38, %dma_wait3A_220] : memref<51200x32xf32, #tpu.memory_space<vmem_shared>> -> memref<128x32xf32, #tpu.memory_space<vmem_shared>>
    tpu.wait_dma2 semaphore(%arg15 : memref<!tpu.dma_semaphore, #tpu.memory_space<semaphore_mem>>) src(%arg13 : memref<128x32xf32, #tpu.memory_space<vmem>>) dst(%dma_wait3A_221 : memref<128x32xf32, #tpu.memory_space<vmem_shared>>)
    %dma_wait3A_222 = arith.constant 0 : i32
    %dma_wait3A_223 = tpu.memref_slice %arg14[%add3A_46, %dma_wait3A_222] : memref<51200x32xf32, #tpu.memory_space<vmem_shared>> -> memref<128x32xf32, #tpu.memory_space<vmem_shared>>
    %dma_wait3A_224 = arith.constant 0 : i32
    %dma_wait3A_225 = tpu.memref_slice %arg14[%add3A_46, %dma_wait3A_224] : memref<51200x32xf32, #tpu.memory_space<vmem_shared>> -> memref<128x32xf32, #tpu.memory_space<vmem_shared>>
    tpu.wait_dma2 semaphore(%arg15 : memref<!tpu.dma_semaphore, #tpu.memory_space<semaphore_mem>>) src(%arg13 : memref<128x32xf32, #tpu.memory_space<vmem>>) dst(%dma_wait3A_225 : memref<128x32xf32, #tpu.memory_space<vmem_shared>>)
    %dma_wait3A_226 = arith.constant 0 : i32
    %dma_wait3A_227 = tpu.memref_slice %arg14[%add3A_54, %dma_wait3A_226] : memref<51200x32xf32, #tpu.memory_space<vmem_shared>> -> memref<128x32xf32, #tpu.memory_space<vmem_shared>>
    %dma_wait3A_228 = arith.constant 0 : i32
    %dma_wait3A_229 = tpu.memref_slice %arg14[%add3A_54, %dma_wait3A_228] : memref<51200x32xf32, #tpu.memory_space<vmem_shared>> -> memref<128x32xf32, #tpu.memory_space<vmem_shared>>
    tpu.wait_dma2 semaphore(%arg15 : memref<!tpu.dma_semaphore, #tpu.memory_space<semaphore_mem>>) src(%arg13 : memref<128x32xf32, #tpu.memory_space<vmem>>) dst(%dma_wait3A_229 : memref<128x32xf32, #tpu.memory_space<vmem_shared>>)
    %dma_wait3A_230 = arith.constant 0 : i32
    %dma_wait3A_231 = tpu.memref_slice %arg14[%add3A_62, %dma_wait3A_230] : memref<51200x32xf32, #tpu.memory_space<vmem_shared>> -> memref<128x32xf32, #tpu.memory_space<vmem_shared>>
    %dma_wait3A_232 = arith.constant 0 : i32
    %dma_wait3A_233 = tpu.memref_slice %arg14[%add3A_62, %dma_wait3A_232] : memref<51200x32xf32, #tpu.memory_space<vmem_shared>> -> memref<128x32xf32, #tpu.memory_space<vmem_shared>>
    tpu.wait_dma2 semaphore(%arg15 : memref<!tpu.dma_semaphore, #tpu.memory_space<semaphore_mem>>) src(%arg13 : memref<128x32xf32, #tpu.memory_space<vmem>>) dst(%dma_wait3A_233 : memref<128x32xf32, #tpu.memory_space<vmem_shared>>)
    %dma_wait3A_234 = arith.constant 0 : i32
    %dma_wait3A_235 = tpu.memref_slice %arg14[%add3A_70, %dma_wait3A_234] : memref<51200x32xf32, #tpu.memory_space<vmem_shared>> -> memref<128x32xf32, #tpu.memory_space<vmem_shared>>
    %dma_wait3A_236 = arith.constant 0 : i32
    %dma_wait3A_237 = tpu.memref_slice %arg14[%add3A_70, %dma_wait3A_236] : memref<51200x32xf32, #tpu.memory_space<vmem_shared>> -> memref<128x32xf32, #tpu.memory_space<vmem_shared>>
    tpu.wait_dma2 semaphore(%arg15 : memref<!tpu.dma_semaphore, #tpu.memory_space<semaphore_mem>>) src(%arg13 : memref<128x32xf32, #tpu.memory_space<vmem>>) dst(%dma_wait3A_237 : memref<128x32xf32, #tpu.memory_space<vmem_shared>>)
    %dma_wait3A_238 = arith.constant 0 : i32
    %dma_wait3A_239 = tpu.memref_slice %arg14[%add3A_78, %dma_wait3A_238] : memref<51200x32xf32, #tpu.memory_space<vmem_shared>> -> memref<128x32xf32, #tpu.memory_space<vmem_shared>>
    %dma_wait3A_240 = arith.constant 0 : i32
    %dma_wait3A_241 = tpu.memref_slice %arg14[%add3A_78, %dma_wait3A_240] : memref<51200x32xf32, #tpu.memory_space<vmem_shared>> -> memref<128x32xf32, #tpu.memory_space<vmem_shared>>
    tpu.wait_dma2 semaphore(%arg15 : memref<!tpu.dma_semaphore, #tpu.memory_space<semaphore_mem>>) src(%arg13 : memref<128x32xf32, #tpu.memory_space<vmem>>) dst(%dma_wait3A_241 : memref<128x32xf32, #tpu.memory_space<vmem_shared>>)
    %dma_wait3A_242 = arith.constant 0 : i32
    %dma_wait3A_243 = tpu.memref_slice %arg14[%add3A_86, %dma_wait3A_242] : memref<51200x32xf32, #tpu.memory_space<vmem_shared>> -> memref<128x32xf32, #tpu.memory_space<vmem_shared>>
    %dma_wait3A_244 = arith.constant 0 : i32
    %dma_wait3A_245 = tpu.memref_slice %arg14[%add3A_86, %dma_wait3A_244] : memref<51200x32xf32, #tpu.memory_space<vmem_shared>> -> memref<128x32xf32, #tpu.memory_space<vmem_shared>>
    tpu.wait_dma2 semaphore(%arg15 : memref<!tpu.dma_semaphore, #tpu.memory_space<semaphore_mem>>) src(%arg13 : memref<128x32xf32, #tpu.memory_space<vmem>>) dst(%dma_wait3A_245 : memref<128x32xf32, #tpu.memory_space<vmem_shared>>)
    %dma_wait3A_246 = arith.constant 0 : i32
    %dma_wait3A_247 = tpu.memref_slice %arg14[%add3A_94, %dma_wait3A_246] : memref<51200x32xf32, #tpu.memory_space<vmem_shared>> -> memref<128x32xf32, #tpu.memory_space<vmem_shared>>
    %dma_wait3A_248 = arith.constant 0 : i32
    %dma_wait3A_249 = tpu.memref_slice %arg14[%add3A_94, %dma_wait3A_248] : memref<51200x32xf32, #tpu.memory_space<vmem_shared>> -> memref<128x32xf32, #tpu.memory_space<vmem_shared>>
    tpu.wait_dma2 semaphore(%arg15 : memref<!tpu.dma_semaphore, #tpu.memory_space<semaphore_mem>>) src(%arg13 : memref<128x32xf32, #tpu.memory_space<vmem>>) dst(%dma_wait3A_249 : memref<128x32xf32, #tpu.memory_space<vmem_shared>>)
    %dma_wait3A_250 = arith.constant 0 : i32
    %dma_wait3A_251 = tpu.memref_slice %arg14[%add3A_102, %dma_wait3A_250] : memref<51200x32xf32, #tpu.memory_space<vmem_shared>> -> memref<128x32xf32, #tpu.memory_space<vmem_shared>>
    %dma_wait3A_252 = arith.constant 0 : i32
    %dma_wait3A_253 = tpu.memref_slice %arg14[%add3A_102, %dma_wait3A_252] : memref<51200x32xf32, #tpu.memory_space<vmem_shared>> -> memref<128x32xf32, #tpu.memory_space<vmem_shared>>
    tpu.wait_dma2 semaphore(%arg15 : memref<!tpu.dma_semaphore, #tpu.memory_space<semaphore_mem>>) src(%arg13 : memref<128x32xf32, #tpu.memory_space<vmem>>) dst(%dma_wait3A_253 : memref<128x32xf32, #tpu.memory_space<vmem_shared>>)
    %dma_wait3A_254 = arith.constant 0 : i32
    %dma_wait3A_255 = tpu.memref_slice %arg14[%add3A_110, %dma_wait3A_254] : memref<51200x32xf32, #tpu.memory_space<vmem_shared>> -> memref<128x32xf32, #tpu.memory_space<vmem_shared>>
    %dma_wait3A_256 = arith.constant 0 : i32
    %dma_wait3A_257 = tpu.memref_slice %arg14[%add3A_110, %dma_wait3A_256] : memref<51200x32xf32, #tpu.memory_space<vmem_shared>> -> memref<128x32xf32, #tpu.memory_space<vmem_shared>>
    tpu.wait_dma2 semaphore(%arg15 : memref<!tpu.dma_semaphore, #tpu.memory_space<semaphore_mem>>) src(%arg13 : memref<128x32xf32, #tpu.memory_space<vmem>>) dst(%dma_wait3A_257 : memref<128x32xf32, #tpu.memory_space<vmem_shared>>)
    %dma_wait3A_258 = arith.constant 0 : i32
    %dma_wait3A_259 = tpu.memref_slice %arg14[%add3A_118, %dma_wait3A_258] : memref<51200x32xf32, #tpu.memory_space<vmem_shared>> -> memref<128x32xf32, #tpu.memory_space<vmem_shared>>
    %dma_wait3A_260 = arith.constant 0 : i32
    %dma_wait3A_261 = tpu.memref_slice %arg14[%add3A_118, %dma_wait3A_260] : memref<51200x32xf32, #tpu.memory_space<vmem_shared>> -> memref<128x32xf32, #tpu.memory_space<vmem_shared>>
    tpu.wait_dma2 semaphore(%arg15 : memref<!tpu.dma_semaphore, #tpu.memory_space<semaphore_mem>>) src(%arg13 : memref<128x32xf32, #tpu.memory_space<vmem>>) dst(%dma_wait3A_261 : memref<128x32xf32, #tpu.memory_space<vmem_shared>>)
    %dma_wait3A_262 = arith.constant 0 : i32
    %dma_wait3A_263 = tpu.memref_slice %arg14[%add3A_126, %dma_wait3A_262] : memref<51200x32xf32, #tpu.memory_space<vmem_shared>> -> memref<128x32xf32, #tpu.memory_space<vmem_shared>>
    %dma_wait3A_264 = arith.constant 0 : i32
    %dma_wait3A_265 = tpu.memref_slice %arg14[%add3A_126, %dma_wait3A_264] : memref<51200x32xf32, #tpu.memory_space<vmem_shared>> -> memref<128x32xf32, #tpu.memory_space<vmem_shared>>
    tpu.wait_dma2 semaphore(%arg15 : memref<!tpu.dma_semaphore, #tpu.memory_space<semaphore_mem>>) src(%arg13 : memref<128x32xf32, #tpu.memory_space<vmem>>) dst(%dma_wait3A_265 : memref<128x32xf32, #tpu.memory_space<vmem_shared>>)
    %dma_wait3A_266 = arith.constant 0 : i32
    %dma_wait3A_267 = tpu.memref_slice %arg14[%add3A_134, %dma_wait3A_266] : memref<51200x32xf32, #tpu.memory_space<vmem_shared>> -> memref<128x32xf32, #tpu.memory_space<vmem_shared>>
    %dma_wait3A_268 = arith.constant 0 : i32
    %dma_wait3A_269 = tpu.memref_slice %arg14[%add3A_134, %dma_wait3A_268] : memref<51200x32xf32, #tpu.memory_space<vmem_shared>> -> memref<128x32xf32, #tpu.memory_space<vmem_shared>>
    tpu.wait_dma2 semaphore(%arg15 : memref<!tpu.dma_semaphore, #tpu.memory_space<semaphore_mem>>) src(%arg13 : memref<128x32xf32, #tpu.memory_space<vmem>>) dst(%dma_wait3A_269 : memref<128x32xf32, #tpu.memory_space<vmem_shared>>)
    %dma_wait3A_270 = arith.constant 0 : i32
    %dma_wait3A_271 = tpu.memref_slice %arg14[%add3A_142, %dma_wait3A_270] : memref<51200x32xf32, #tpu.memory_space<vmem_shared>> -> memref<128x32xf32, #tpu.memory_space<vmem_shared>>
    %dma_wait3A_272 = arith.constant 0 : i32
    %dma_wait3A_273 = tpu.memref_slice %arg14[%add3A_142, %dma_wait3A_272] : memref<51200x32xf32, #tpu.memory_space<vmem_shared>> -> memref<128x32xf32, #tpu.memory_space<vmem_shared>>
    tpu.wait_dma2 semaphore(%arg15 : memref<!tpu.dma_semaphore, #tpu.memory_space<semaphore_mem>>) src(%arg13 : memref<128x32xf32, #tpu.memory_space<vmem>>) dst(%dma_wait3A_273 : memref<128x32xf32, #tpu.memory_space<vmem_shared>>)
    %dma_wait3A_274 = arith.constant 0 : i32
    %dma_wait3A_275 = tpu.memref_slice %arg14[%add3A_150, %dma_wait3A_274] : memref<51200x32xf32, #tpu.memory_space<vmem_shared>> -> memref<128x32xf32, #tpu.memory_space<vmem_shared>>
    %dma_wait3A_276 = arith.constant 0 : i32
    %dma_wait3A_277 = tpu.memref_slice %arg14[%add3A_150, %dma_wait3A_276] : memref<51200x32xf32, #tpu.memory_space<vmem_shared>> -> memref<128x32xf32, #tpu.memory_space<vmem_shared>>
    tpu.wait_dma2 semaphore(%arg15 : memref<!tpu.dma_semaphore, #tpu.memory_space<semaphore_mem>>) src(%arg13 : memref<128x32xf32, #tpu.memory_space<vmem>>) dst(%dma_wait3A_277 : memref<128x32xf32, #tpu.memory_space<vmem_shared>>)
    %dma_wait3A_278 = arith.constant 0 : i32
    %dma_wait3A_279 = tpu.memref_slice %arg14[%add3A_158, %dma_wait3A_278] : memref<51200x32xf32, #tpu.memory_space<vmem_shared>> -> memref<128x32xf32, #tpu.memory_space<vmem_shared>>
    %dma_wait3A_280 = arith.constant 0 : i32
    %dma_wait3A_281 = tpu.memref_slice %arg14[%add3A_158, %dma_wait3A_280] : memref<51200x32xf32, #tpu.memory_space<vmem_shared>> -> memref<128x32xf32, #tpu.memory_space<vmem_shared>>
    tpu.wait_dma2 semaphore(%arg15 : memref<!tpu.dma_semaphore, #tpu.memory_space<semaphore_mem>>) src(%arg13 : memref<128x32xf32, #tpu.memory_space<vmem>>) dst(%dma_wait3A_281 : memref<128x32xf32, #tpu.memory_space<vmem_shared>>)
    %dma_wait3A_282 = arith.constant 0 : i32
    %dma_wait3A_283 = tpu.memref_slice %arg14[%add3A_166, %dma_wait3A_282] : memref<51200x32xf32, #tpu.memory_space<vmem_shared>> -> memref<128x32xf32, #tpu.memory_space<vmem_shared>>
    %dma_wait3A_284 = arith.constant 0 : i32
    %dma_wait3A_285 = tpu.memref_slice %arg14[%add3A_166, %dma_wait3A_284] : memref<51200x32xf32, #tpu.memory_space<vmem_shared>> -> memref<128x32xf32, #tpu.memory_space<vmem_shared>>
    tpu.wait_dma2 semaphore(%arg15 : memref<!tpu.dma_semaphore, #tpu.memory_space<semaphore_mem>>) src(%arg13 : memref<128x32xf32, #tpu.memory_space<vmem>>) dst(%dma_wait3A_285 : memref<128x32xf32, #tpu.memory_space<vmem_shared>>)
    %dma_wait3A_286 = arith.constant 0 : i32
    %dma_wait3A_287 = tpu.memref_slice %arg14[%add3A_174, %dma_wait3A_286] : memref<51200x32xf32, #tpu.memory_space<vmem_shared>> -> memref<128x32xf32, #tpu.memory_space<vmem_shared>>
    %dma_wait3A_288 = arith.constant 0 : i32
    %dma_wait3A_289 = tpu.memref_slice %arg14[%add3A_174, %dma_wait3A_288] : memref<51200x32xf32, #tpu.memory_space<vmem_shared>> -> memref<128x32xf32, #tpu.memory_space<vmem_shared>>
    tpu.wait_dma2 semaphore(%arg15 : memref<!tpu.dma_semaphore, #tpu.memory_space<semaphore_mem>>) src(%arg13 : memref<128x32xf32, #tpu.memory_space<vmem>>) dst(%dma_wait3A_289 : memref<128x32xf32, #tpu.memory_space<vmem_shared>>)
    %dma_wait3A_290 = arith.constant 0 : i32
    %dma_wait3A_291 = tpu.memref_slice %arg14[%add3A_182, %dma_wait3A_290] : memref<51200x32xf32, #tpu.memory_space<vmem_shared>> -> memref<128x32xf32, #tpu.memory_space<vmem_shared>>
    %dma_wait3A_292 = arith.constant 0 : i32
    %dma_wait3A_293 = tpu.memref_slice %arg14[%add3A_182, %dma_wait3A_292] : memref<51200x32xf32, #tpu.memory_space<vmem_shared>> -> memref<128x32xf32, #tpu.memory_space<vmem_shared>>
    tpu.wait_dma2 semaphore(%arg15 : memref<!tpu.dma_semaphore, #tpu.memory_space<semaphore_mem>>) src(%arg13 : memref<128x32xf32, #tpu.memory_space<vmem>>) dst(%dma_wait3A_293 : memref<128x32xf32, #tpu.memory_space<vmem_shared>>)
    %dma_wait3A_294 = arith.constant 0 : i32
    %dma_wait3A_295 = tpu.memref_slice %arg14[%add3A_190, %dma_wait3A_294] : memref<51200x32xf32, #tpu.memory_space<vmem_shared>> -> memref<128x32xf32, #tpu.memory_space<vmem_shared>>
    %dma_wait3A_296 = arith.constant 0 : i32
    %dma_wait3A_297 = tpu.memref_slice %arg14[%add3A_190, %dma_wait3A_296] : memref<51200x32xf32, #tpu.memory_space<vmem_shared>> -> memref<128x32xf32, #tpu.memory_space<vmem_shared>>
    tpu.wait_dma2 semaphore(%arg15 : memref<!tpu.dma_semaphore, #tpu.memory_space<semaphore_mem>>) src(%arg13 : memref<128x32xf32, #tpu.memory_space<vmem>>) dst(%dma_wait3A_297 : memref<128x32xf32, #tpu.memory_space<vmem_shared>>)
    %dma_wait3A_298 = arith.constant 0 : i32
    %dma_wait3A_299 = tpu.memref_slice %arg14[%add3A_198, %dma_wait3A_298] : memref<51200x32xf32, #tpu.memory_space<vmem_shared>> -> memref<128x32xf32, #tpu.memory_space<vmem_shared>>
    %dma_wait3A_300 = arith.constant 0 : i32
    %dma_wait3A_301 = tpu.memref_slice %arg14[%add3A_198, %dma_wait3A_300] : memref<51200x32xf32, #tpu.memory_space<vmem_shared>> -> memref<128x32xf32, #tpu.memory_space<vmem_shared>>
    tpu.wait_dma2 semaphore(%arg15 : memref<!tpu.dma_semaphore, #tpu.memory_space<semaphore_mem>>) src(%arg13 : memref<128x32xf32, #tpu.memory_space<vmem>>) dst(%dma_wait3A_301 : memref<128x32xf32, #tpu.memory_space<vmem_shared>>)
    %barrier3A = arith.constant 0 : index
    tpu.barrier barrier_id(%barrier3A)
    %scan3A_302 = arith.constant 0 : i32
    %scan3A_303 = arith.constant 0 : i32
    %scan3A_304 = arith.constant 76 : i32
    %scan3A_305 = arith.addi %scan3A_303, %scan3A_304 : i32
    %scan3A_306 = arith.constant 1 : i32
    %scan3A_307 = scf.for %scan3A_631 = %scan3A_303 to %scan3A_305 step %scan3A_306 iter_args(%scan3A_632 = %scan3A_302) -> (i32)  : i32 {
      %mul3A_633 = arith.constant 622592 : i32
      %mul3A_634 = arith.muli %arg0, %mul3A_633 : i32
      %mul3A_635 = arith.constant 38912 : i32
      %mul3A_636 = arith.muli %arg1, %mul3A_635 : i32
      %add3A_637 = arith.addi %mul3A_634, %mul3A_636 : i32
      %mul3A_638 = arith.constant 512 : i32
      %mul3A_639 = arith.muli %scan3A_631, %mul3A_638 : i32
      %add3A_640 = arith.addi %add3A_637, %mul3A_639 : i32
      %mul3A_641 = arith.constant 38912 : i32
      %mul3A_642 = arith.muli %arg1, %mul3A_641 : i32
      %mul3A_643 = arith.constant 512 : i32
      %mul3A_644 = arith.muli %scan3A_631, %mul3A_643 : i32
      %add3A_645 = arith.addi %mul3A_642, %mul3A_644 : i32
      %dma_start3A_646 = tpu.memref_slice %arg4[%add3A_640] : memref<1245184xi32, #tpu.memory_space<hbm>> -> memref<512xi32, #tpu.memory_space<hbm>>
      %dma_start3A_647 = tpu.memref_slice %arg4[%add3A_640] : memref<1245184xi32, #tpu.memory_space<hbm>> -> memref<512xi32, #tpu.memory_space<hbm>>
      tpu.enqueue_dma source(%dma_start3A_647 : memref<512xi32, #tpu.memory_space<hbm>>) target(%arg10 : memref<512xi32, #tpu.memory_space<vmem>>) target_semaphore(%arg15 : memref<!tpu.dma_semaphore, #tpu.memory_space<semaphore_mem>>)
      %dma_start3A_648 = tpu.memref_slice %arg7[%add3A_645] : memref<622592xi32, #tpu.memory_space<hbm>> -> memref<512xi32, #tpu.memory_space<hbm>>
      %dma_start3A_649 = tpu.memref_slice %arg7[%add3A_645] : memref<622592xi32, #tpu.memory_space<hbm>> -> memref<512xi32, #tpu.memory_space<hbm>>
      tpu.enqueue_dma source(%dma_start3A_649 : memref<512xi32, #tpu.memory_space<hbm>>) target(%arg11 : memref<512xi32, #tpu.memory_space<vmem>>) target_semaphore(%arg15 : memref<!tpu.dma_semaphore, #tpu.memory_space<semaphore_mem>>)
      %dma_wait3A_650 = tpu.memref_slice %arg4[%add3A_640] : memref<1245184xi32, #tpu.memory_space<hbm>> -> memref<512xi32, #tpu.memory_space<hbm>>
      %dma_wait3A_651 = tpu.memref_slice %arg4[%add3A_640] : memref<1245184xi32, #tpu.memory_space<hbm>> -> memref<512xi32, #tpu.memory_space<hbm>>
      tpu.wait_dma2 semaphore(%arg15 : memref<!tpu.dma_semaphore, #tpu.memory_space<semaphore_mem>>) src(%dma_wait3A_651 : memref<512xi32, #tpu.memory_space<hbm>>) dst(%arg10 : memref<512xi32, #tpu.memory_space<vmem>>)
      %dma_wait3A_652 = tpu.memref_slice %arg7[%add3A_645] : memref<622592xi32, #tpu.memory_space<hbm>> -> memref<512xi32, #tpu.memory_space<hbm>>
      %dma_wait3A_653 = tpu.memref_slice %arg7[%add3A_645] : memref<622592xi32, #tpu.memory_space<hbm>> -> memref<512xi32, #tpu.memory_space<hbm>>
      tpu.wait_dma2 semaphore(%arg15 : memref<!tpu.dma_semaphore, #tpu.memory_space<semaphore_mem>>) src(%dma_wait3A_653 : memref<512xi32, #tpu.memory_space<hbm>>) dst(%arg11 : memref<512xi32, #tpu.memory_space<vmem>>)
      %dma_start3A_654 = arith.constant 0 : i32
      %dma_start3A_655 = arith.constant 0 : i32
      %dma_start3A_656 = tpu.memref_slice %arg2[%dma_start3A_654, %dma_start3A_655] : memref<102400x32xf32, #tpu.memory_space<hbm>> -> memref<102400x32xf32, #tpu.memory_space<hbm>>
      tpu.enqueue_indirect_dma source(%dma_start3A_656 : memref<102400x32xf32, #tpu.memory_space<hbm>>) target(%arg12 : memref<512x32xf32, #tpu.memory_space<vmem>>) offsets(%arg10 : memref<512xi32, #tpu.memory_space<vmem>>) semaphore(%arg16 : memref<!tpu.dma_semaphore, #tpu.memory_space<semaphore_mem>>)
      %dma_wait3A_657 = arith.constant 0 : i32
      %dma_wait3A_658 = arith.constant 0 : i32
      %dma_wait3A_659 = tpu.memref_slice %arg2[%dma_wait3A_657, %dma_wait3A_658] : memref<102400x32xf32, #tpu.memory_space<hbm>> -> memref<102400x32xf32, #tpu.memory_space<hbm>>
      tpu.wait_indirect_dma semaphore(%arg16 : memref<!tpu.dma_semaphore, #tpu.memory_space<semaphore_mem>>) src(%dma_wait3A_659 : memref<102400x32xf32, #tpu.memory_space<hbm>>) dst(%arg12 : memref<512x32xf32, #tpu.memory_space<vmem>>)
      %dma_start3A_660 = arith.constant 0 : i32
      %dma_start3A_661 = arith.constant 0 : i32
      %dma_start3A_662 = tpu.memref_slice %arg14[%dma_start3A_660, %dma_start3A_661] : memref<51200x32xf32, #tpu.memory_space<vmem_shared>> -> memref<51200x32xf32, #tpu.memory_space<vmem_shared>>
      tpu.enqueue_indirect_dma source(%arg12 : memref<512x32xf32, #tpu.memory_space<vmem>>) target(%dma_start3A_662 : memref<51200x32xf32, #tpu.memory_space<vmem_shared>>) offsets(%arg11 : memref<512xi32, #tpu.memory_space<vmem>>) semaphore(%arg17 : memref<!tpu.dma_semaphore, #tpu.memory_space<semaphore_mem>>) {add = true}
      %dma_wait3A_663 = arith.constant 0 : i32
      %dma_wait3A_664 = arith.constant 0 : i32
      %dma_wait3A_665 = tpu.memref_slice %arg14[%dma_wait3A_663, %dma_wait3A_664] : memref<51200x32xf32, #tpu.memory_space<vmem_shared>> -> memref<51200x32xf32, #tpu.memory_space<vmem_shared>>
      tpu.wait_indirect_dma semaphore(%arg17 : memref<!tpu.dma_semaphore, #tpu.memory_space<semaphore_mem>>) src(%arg12 : memref<512x32xf32, #tpu.memory_space<vmem>>) dst(%dma_wait3A_665 : memref<51200x32xf32, #tpu.memory_space<vmem_shared>>)
      %scan3A_666 = arith.constant 0 : i32
      scf.yield %scan3A_666 : i32
    }
    %scan3A_308 = arith.constant 76 : i32
    %barrier3A_309 = arith.constant 0 : index
    tpu.barrier barrier_id(%barrier3A_309)
    %mul3A_310 = arith.constant 3200 : i32
    %mul3A_311 = arith.muli %arg1, %mul3A_310 : i32
    %mul3A_312 = arith.constant 51200 : i32
    %mul3A_313 = arith.muli %arg0, %mul3A_312 : i32
    %add3A_314 = arith.addi %mul3A_313, %mul3A_311 : i32
    "tpu.region"() ({
      %run_scoped3A = tpu.sem_alloc : memref<!tpu.dma_semaphore, #tpu.memory_space<semaphore_mem>>
      %dma_start3A_631 = arith.constant 0 : i32
      %dma_start3A_632 = tpu.memref_slice %arg8[%add3A_314, %dma_start3A_631] : memref<102400x32xf32, #tpu.memory_space<hbm>> -> memref<3200x32xf32, #tpu.memory_space<hbm>>
      %dma_start3A_633 = arith.constant 0 : i32
      %dma_start3A_634 = tpu.memref_slice %arg14[%mul3A_311, %dma_start3A_633] : memref<51200x32xf32, #tpu.memory_space<vmem_shared>> -> memref<3200x32xf32, #tpu.memory_space<vmem_shared>>
      tpu.enqueue_dma source(%dma_start3A_634 : memref<3200x32xf32, #tpu.memory_space<vmem_shared>>) target(%dma_start3A_632 : memref<3200x32xf32, #tpu.memory_space<hbm>>) target_semaphore(%run_scoped3A : memref<!tpu.dma_semaphore, #tpu.memory_space<semaphore_mem>>)
      %dma_wait3A_635 = arith.constant 0 : i32
      %dma_wait3A_636 = tpu.memref_slice %arg8[%add3A_314, %dma_wait3A_635] : memref<102400x32xf32, #tpu.memory_space<hbm>> -> memref<3200x32xf32, #tpu.memory_space<hbm>>
      %dma_wait3A_637 = arith.constant 0 : i32
      %dma_wait3A_638 = tpu.memref_slice %arg14[%mul3A_311, %dma_wait3A_637] : memref<51200x32xf32, #tpu.memory_space<vmem_shared>> -> memref<3200x32xf32, #tpu.memory_space<vmem_shared>>
      tpu.wait_dma2 semaphore(%run_scoped3A : memref<!tpu.dma_semaphore, #tpu.memory_space<semaphore_mem>>) src(%dma_wait3A_638 : memref<3200x32xf32, #tpu.memory_space<vmem_shared>>) dst(%dma_wait3A_636 : memref<3200x32xf32, #tpu.memory_space<hbm>>)
      tpu.yield
    }) : () -> ()
    %barrier3A_315 = arith.constant 0 : index
    tpu.barrier barrier_id(%barrier3A_315)
    %mul3A_316 = arith.constant 3200 : i32
    %mul3A_317 = arith.muli %arg1, %mul3A_316 : i32
    %add3A_318 = arith.constant 0 : i32
    %add3A_319 = arith.addi %mul3A_317, %add3A_318 : i32
    %dma_start3A_320 = arith.constant 0 : i32
    %dma_start3A_321 = tpu.memref_slice %arg14[%add3A_319, %dma_start3A_320] : memref<51200x32xf32, #tpu.memory_space<vmem_shared>> -> memref<128x32xf32, #tpu.memory_space<vmem_shared>>
    %dma_start3A_322 = arith.constant 0 : i32
    %dma_start3A_323 = tpu.memref_slice %arg14[%add3A_319, %dma_start3A_322] : memref<51200x32xf32, #tpu.memory_space<vmem_shared>> -> memref<128x32xf32, #tpu.memory_space<vmem_shared>>
    tpu.enqueue_dma source(%arg13 : memref<128x32xf32, #tpu.memory_space<vmem>>) target(%dma_start3A_323 : memref<128x32xf32, #tpu.memory_space<vmem_shared>>) target_semaphore(%arg15 : memref<!tpu.dma_semaphore, #tpu.memory_space<semaphore_mem>>)
    %mul3A_324 = arith.constant 3200 : i32
    %mul3A_325 = arith.muli %arg1, %mul3A_324 : i32
    %add3A_326 = arith.constant 128 : i32
    %add3A_327 = arith.addi %mul3A_325, %add3A_326 : i32
    %dma_start3A_328 = arith.constant 0 : i32
    %dma_start3A_329 = tpu.memref_slice %arg14[%add3A_327, %dma_start3A_328] : memref<51200x32xf32, #tpu.memory_space<vmem_shared>> -> memref<128x32xf32, #tpu.memory_space<vmem_shared>>
    %dma_start3A_330 = arith.constant 0 : i32
    %dma_start3A_331 = tpu.memref_slice %arg14[%add3A_327, %dma_start3A_330] : memref<51200x32xf32, #tpu.memory_space<vmem_shared>> -> memref<128x32xf32, #tpu.memory_space<vmem_shared>>
    tpu.enqueue_dma source(%arg13 : memref<128x32xf32, #tpu.memory_space<vmem>>) target(%dma_start3A_331 : memref<128x32xf32, #tpu.memory_space<vmem_shared>>) target_semaphore(%arg15 : memref<!tpu.dma_semaphore, #tpu.memory_space<semaphore_mem>>)
    %mul3A_332 = arith.constant 3200 : i32
    %mul3A_333 = arith.muli %arg1, %mul3A_332 : i32
    %add3A_334 = arith.constant 256 : i32
    %add3A_335 = arith.addi %mul3A_333, %add3A_334 : i32
    %dma_start3A_336 = arith.constant 0 : i32
    %dma_start3A_337 = tpu.memref_slice %arg14[%add3A_335, %dma_start3A_336] : memref<51200x32xf32, #tpu.memory_space<vmem_shared>> -> memref<128x32xf32, #tpu.memory_space<vmem_shared>>
    %dma_start3A_338 = arith.constant 0 : i32
    %dma_start3A_339 = tpu.memref_slice %arg14[%add3A_335, %dma_start3A_338] : memref<51200x32xf32, #tpu.memory_space<vmem_shared>> -> memref<128x32xf32, #tpu.memory_space<vmem_shared>>
    tpu.enqueue_dma source(%arg13 : memref<128x32xf32, #tpu.memory_space<vmem>>) target(%dma_start3A_339 : memref<128x32xf32, #tpu.memory_space<vmem_shared>>) target_semaphore(%arg15 : memref<!tpu.dma_semaphore, #tpu.memory_space<semaphore_mem>>)
    %mul3A_340 = arith.constant 3200 : i32
    %mul3A_341 = arith.muli %arg1, %mul3A_340 : i32
    %add3A_342 = arith.constant 384 : i32
    %add3A_343 = arith.addi %mul3A_341, %add3A_342 : i32
    %dma_start3A_344 = arith.constant 0 : i32
    %dma_start3A_345 = tpu.memref_slice %arg14[%add3A_343, %dma_start3A_344] : memref<51200x32xf32, #tpu.memory_space<vmem_shared>> -> memref<128x32xf32, #tpu.memory_space<vmem_shared>>
    %dma_start3A_346 = arith.constant 0 : i32
    %dma_start3A_347 = tpu.memref_slice %arg14[%add3A_343, %dma_start3A_346] : memref<51200x32xf32, #tpu.memory_space<vmem_shared>> -> memref<128x32xf32, #tpu.memory_space<vmem_shared>>
    tpu.enqueue_dma source(%arg13 : memref<128x32xf32, #tpu.memory_space<vmem>>) target(%dma_start3A_347 : memref<128x32xf32, #tpu.memory_space<vmem_shared>>) target_semaphore(%arg15 : memref<!tpu.dma_semaphore, #tpu.memory_space<semaphore_mem>>)
    %mul3A_348 = arith.constant 3200 : i32
    %mul3A_349 = arith.muli %arg1, %mul3A_348 : i32
    %add3A_350 = arith.constant 512 : i32
    %add3A_351 = arith.addi %mul3A_349, %add3A_350 : i32
    %dma_start3A_352 = arith.constant 0 : i32
    %dma_start3A_353 = tpu.memref_slice %arg14[%add3A_351, %dma_start3A_352] : memref<51200x32xf32, #tpu.memory_space<vmem_shared>> -> memref<128x32xf32, #tpu.memory_space<vmem_shared>>
    %dma_start3A_354 = arith.constant 0 : i32
    %dma_start3A_355 = tpu.memref_slice %arg14[%add3A_351, %dma_start3A_354] : memref<51200x32xf32, #tpu.memory_space<vmem_shared>> -> memref<128x32xf32, #tpu.memory_space<vmem_shared>>
    tpu.enqueue_dma source(%arg13 : memref<128x32xf32, #tpu.memory_space<vmem>>) target(%dma_start3A_355 : memref<128x32xf32, #tpu.memory_space<vmem_shared>>) target_semaphore(%arg15 : memref<!tpu.dma_semaphore, #tpu.memory_space<semaphore_mem>>)
    %mul3A_356 = arith.constant 3200 : i32
    %mul3A_357 = arith.muli %arg1, %mul3A_356 : i32
    %add3A_358 = arith.constant 640 : i32
    %add3A_359 = arith.addi %mul3A_357, %add3A_358 : i32
    %dma_start3A_360 = arith.constant 0 : i32
    %dma_start3A_361 = tpu.memref_slice %arg14[%add3A_359, %dma_start3A_360] : memref<51200x32xf32, #tpu.memory_space<vmem_shared>> -> memref<128x32xf32, #tpu.memory_space<vmem_shared>>
    %dma_start3A_362 = arith.constant 0 : i32
    %dma_start3A_363 = tpu.memref_slice %arg14[%add3A_359, %dma_start3A_362] : memref<51200x32xf32, #tpu.memory_space<vmem_shared>> -> memref<128x32xf32, #tpu.memory_space<vmem_shared>>
    tpu.enqueue_dma source(%arg13 : memref<128x32xf32, #tpu.memory_space<vmem>>) target(%dma_start3A_363 : memref<128x32xf32, #tpu.memory_space<vmem_shared>>) target_semaphore(%arg15 : memref<!tpu.dma_semaphore, #tpu.memory_space<semaphore_mem>>)
    %mul3A_364 = arith.constant 3200 : i32
    %mul3A_365 = arith.muli %arg1, %mul3A_364 : i32
    %add3A_366 = arith.constant 768 : i32
    %add3A_367 = arith.addi %mul3A_365, %add3A_366 : i32
    %dma_start3A_368 = arith.constant 0 : i32
    %dma_start3A_369 = tpu.memref_slice %arg14[%add3A_367, %dma_start3A_368] : memref<51200x32xf32, #tpu.memory_space<vmem_shared>> -> memref<128x32xf32, #tpu.memory_space<vmem_shared>>
    %dma_start3A_370 = arith.constant 0 : i32
    %dma_start3A_371 = tpu.memref_slice %arg14[%add3A_367, %dma_start3A_370] : memref<51200x32xf32, #tpu.memory_space<vmem_shared>> -> memref<128x32xf32, #tpu.memory_space<vmem_shared>>
    tpu.enqueue_dma source(%arg13 : memref<128x32xf32, #tpu.memory_space<vmem>>) target(%dma_start3A_371 : memref<128x32xf32, #tpu.memory_space<vmem_shared>>) target_semaphore(%arg15 : memref<!tpu.dma_semaphore, #tpu.memory_space<semaphore_mem>>)
    %mul3A_372 = arith.constant 3200 : i32
    %mul3A_373 = arith.muli %arg1, %mul3A_372 : i32
    %add3A_374 = arith.constant 896 : i32
    %add3A_375 = arith.addi %mul3A_373, %add3A_374 : i32
    %dma_start3A_376 = arith.constant 0 : i32
    %dma_start3A_377 = tpu.memref_slice %arg14[%add3A_375, %dma_start3A_376] : memref<51200x32xf32, #tpu.memory_space<vmem_shared>> -> memref<128x32xf32, #tpu.memory_space<vmem_shared>>
    %dma_start3A_378 = arith.constant 0 : i32
    %dma_start3A_379 = tpu.memref_slice %arg14[%add3A_375, %dma_start3A_378] : memref<51200x32xf32, #tpu.memory_space<vmem_shared>> -> memref<128x32xf32, #tpu.memory_space<vmem_shared>>
    tpu.enqueue_dma source(%arg13 : memref<128x32xf32, #tpu.memory_space<vmem>>) target(%dma_start3A_379 : memref<128x32xf32, #tpu.memory_space<vmem_shared>>) target_semaphore(%arg15 : memref<!tpu.dma_semaphore, #tpu.memory_space<semaphore_mem>>)
    %mul3A_380 = arith.constant 3200 : i32
    %mul3A_381 = arith.muli %arg1, %mul3A_380 : i32
    %add3A_382 = arith.constant 1024 : i32
    %add3A_383 = arith.addi %mul3A_381, %add3A_382 : i32
    %dma_start3A_384 = arith.constant 0 : i32
    %dma_start3A_385 = tpu.memref_slice %arg14[%add3A_383, %dma_start3A_384] : memref<51200x32xf32, #tpu.memory_space<vmem_shared>> -> memref<128x32xf32, #tpu.memory_space<vmem_shared>>
    %dma_start3A_386 = arith.constant 0 : i32
    %dma_start3A_387 = tpu.memref_slice %arg14[%add3A_383, %dma_start3A_386] : memref<51200x32xf32, #tpu.memory_space<vmem_shared>> -> memref<128x32xf32, #tpu.memory_space<vmem_shared>>
    tpu.enqueue_dma source(%arg13 : memref<128x32xf32, #tpu.memory_space<vmem>>) target(%dma_start3A_387 : memref<128x32xf32, #tpu.memory_space<vmem_shared>>) target_semaphore(%arg15 : memref<!tpu.dma_semaphore, #tpu.memory_space<semaphore_mem>>)
    %mul3A_388 = arith.constant 3200 : i32
    %mul3A_389 = arith.muli %arg1, %mul3A_388 : i32
    %add3A_390 = arith.constant 1152 : i32
    %add3A_391 = arith.addi %mul3A_389, %add3A_390 : i32
    %dma_start3A_392 = arith.constant 0 : i32
    %dma_start3A_393 = tpu.memref_slice %arg14[%add3A_391, %dma_start3A_392] : memref<51200x32xf32, #tpu.memory_space<vmem_shared>> -> memref<128x32xf32, #tpu.memory_space<vmem_shared>>
    %dma_start3A_394 = arith.constant 0 : i32
    %dma_start3A_395 = tpu.memref_slice %arg14[%add3A_391, %dma_start3A_394] : memref<51200x32xf32, #tpu.memory_space<vmem_shared>> -> memref<128x32xf32, #tpu.memory_space<vmem_shared>>
    tpu.enqueue_dma source(%arg13 : memref<128x32xf32, #tpu.memory_space<vmem>>) target(%dma_start3A_395 : memref<128x32xf32, #tpu.memory_space<vmem_shared>>) target_semaphore(%arg15 : memref<!tpu.dma_semaphore, #tpu.memory_space<semaphore_mem>>)
    %mul3A_396 = arith.constant 3200 : i32
    %mul3A_397 = arith.muli %arg1, %mul3A_396 : i32
    %add3A_398 = arith.constant 1280 : i32
    %add3A_399 = arith.addi %mul3A_397, %add3A_398 : i32
    %dma_start3A_400 = arith.constant 0 : i32
    %dma_start3A_401 = tpu.memref_slice %arg14[%add3A_399, %dma_start3A_400] : memref<51200x32xf32, #tpu.memory_space<vmem_shared>> -> memref<128x32xf32, #tpu.memory_space<vmem_shared>>
    %dma_start3A_402 = arith.constant 0 : i32
    %dma_start3A_403 = tpu.memref_slice %arg14[%add3A_399, %dma_start3A_402] : memref<51200x32xf32, #tpu.memory_space<vmem_shared>> -> memref<128x32xf32, #tpu.memory_space<vmem_shared>>
    tpu.enqueue_dma source(%arg13 : memref<128x32xf32, #tpu.memory_space<vmem>>) target(%dma_start3A_403 : memref<128x32xf32, #tpu.memory_space<vmem_shared>>) target_semaphore(%arg15 : memref<!tpu.dma_semaphore, #tpu.memory_space<semaphore_mem>>)
    %mul3A_404 = arith.constant 3200 : i32
    %mul3A_405 = arith.muli %arg1, %mul3A_404 : i32
    %add3A_406 = arith.constant 1408 : i32
    %add3A_407 = arith.addi %mul3A_405, %add3A_406 : i32
    %dma_start3A_408 = arith.constant 0 : i32
    %dma_start3A_409 = tpu.memref_slice %arg14[%add3A_407, %dma_start3A_408] : memref<51200x32xf32, #tpu.memory_space<vmem_shared>> -> memref<128x32xf32, #tpu.memory_space<vmem_shared>>
    %dma_start3A_410 = arith.constant 0 : i32
    %dma_start3A_411 = tpu.memref_slice %arg14[%add3A_407, %dma_start3A_410] : memref<51200x32xf32, #tpu.memory_space<vmem_shared>> -> memref<128x32xf32, #tpu.memory_space<vmem_shared>>
    tpu.enqueue_dma source(%arg13 : memref<128x32xf32, #tpu.memory_space<vmem>>) target(%dma_start3A_411 : memref<128x32xf32, #tpu.memory_space<vmem_shared>>) target_semaphore(%arg15 : memref<!tpu.dma_semaphore, #tpu.memory_space<semaphore_mem>>)
    %mul3A_412 = arith.constant 3200 : i32
    %mul3A_413 = arith.muli %arg1, %mul3A_412 : i32
    %add3A_414 = arith.constant 1536 : i32
    %add3A_415 = arith.addi %mul3A_413, %add3A_414 : i32
    %dma_start3A_416 = arith.constant 0 : i32
    %dma_start3A_417 = tpu.memref_slice %arg14[%add3A_415, %dma_start3A_416] : memref<51200x32xf32, #tpu.memory_space<vmem_shared>> -> memref<128x32xf32, #tpu.memory_space<vmem_shared>>
    %dma_start3A_418 = arith.constant 0 : i32
    %dma_start3A_419 = tpu.memref_slice %arg14[%add3A_415, %dma_start3A_418] : memref<51200x32xf32, #tpu.memory_space<vmem_shared>> -> memref<128x32xf32, #tpu.memory_space<vmem_shared>>
    tpu.enqueue_dma source(%arg13 : memref<128x32xf32, #tpu.memory_space<vmem>>) target(%dma_start3A_419 : memref<128x32xf32, #tpu.memory_space<vmem_shared>>) target_semaphore(%arg15 : memref<!tpu.dma_semaphore, #tpu.memory_space<semaphore_mem>>)
    %mul3A_420 = arith.constant 3200 : i32
    %mul3A_421 = arith.muli %arg1, %mul3A_420 : i32
    %add3A_422 = arith.constant 1664 : i32
    %add3A_423 = arith.addi %mul3A_421, %add3A_422 : i32
    %dma_start3A_424 = arith.constant 0 : i32
    %dma_start3A_425 = tpu.memref_slice %arg14[%add3A_423, %dma_start3A_424] : memref<51200x32xf32, #tpu.memory_space<vmem_shared>> -> memref<128x32xf32, #tpu.memory_space<vmem_shared>>
    %dma_start3A_426 = arith.constant 0 : i32
    %dma_start3A_427 = tpu.memref_slice %arg14[%add3A_423, %dma_start3A_426] : memref<51200x32xf32, #tpu.memory_space<vmem_shared>> -> memref<128x32xf32, #tpu.memory_space<vmem_shared>>
    tpu.enqueue_dma source(%arg13 : memref<128x32xf32, #tpu.memory_space<vmem>>) target(%dma_start3A_427 : memref<128x32xf32, #tpu.memory_space<vmem_shared>>) target_semaphore(%arg15 : memref<!tpu.dma_semaphore, #tpu.memory_space<semaphore_mem>>)
    %mul3A_428 = arith.constant 3200 : i32
    %mul3A_429 = arith.muli %arg1, %mul3A_428 : i32
    %add3A_430 = arith.constant 1792 : i32
    %add3A_431 = arith.addi %mul3A_429, %add3A_430 : i32
    %dma_start3A_432 = arith.constant 0 : i32
    %dma_start3A_433 = tpu.memref_slice %arg14[%add3A_431, %dma_start3A_432] : memref<51200x32xf32, #tpu.memory_space<vmem_shared>> -> memref<128x32xf32, #tpu.memory_space<vmem_shared>>
    %dma_start3A_434 = arith.constant 0 : i32
    %dma_start3A_435 = tpu.memref_slice %arg14[%add3A_431, %dma_start3A_434] : memref<51200x32xf32, #tpu.memory_space<vmem_shared>> -> memref<128x32xf32, #tpu.memory_space<vmem_shared>>
    tpu.enqueue_dma source(%arg13 : memref<128x32xf32, #tpu.memory_space<vmem>>) target(%dma_start3A_435 : memref<128x32xf32, #tpu.memory_space<vmem_shared>>) target_semaphore(%arg15 : memref<!tpu.dma_semaphore, #tpu.memory_space<semaphore_mem>>)
    %mul3A_436 = arith.constant 3200 : i32
    %mul3A_437 = arith.muli %arg1, %mul3A_436 : i32
    %add3A_438 = arith.constant 1920 : i32
    %add3A_439 = arith.addi %mul3A_437, %add3A_438 : i32
    %dma_start3A_440 = arith.constant 0 : i32
    %dma_start3A_441 = tpu.memref_slice %arg14[%add3A_439, %dma_start3A_440] : memref<51200x32xf32, #tpu.memory_space<vmem_shared>> -> memref<128x32xf32, #tpu.memory_space<vmem_shared>>
    %dma_start3A_442 = arith.constant 0 : i32
    %dma_start3A_443 = tpu.memref_slice %arg14[%add3A_439, %dma_start3A_442] : memref<51200x32xf32, #tpu.memory_space<vmem_shared>> -> memref<128x32xf32, #tpu.memory_space<vmem_shared>>
    tpu.enqueue_dma source(%arg13 : memref<128x32xf32, #tpu.memory_space<vmem>>) target(%dma_start3A_443 : memref<128x32xf32, #tpu.memory_space<vmem_shared>>) target_semaphore(%arg15 : memref<!tpu.dma_semaphore, #tpu.memory_space<semaphore_mem>>)
    %mul3A_444 = arith.constant 3200 : i32
    %mul3A_445 = arith.muli %arg1, %mul3A_444 : i32
    %add3A_446 = arith.constant 2048 : i32
    %add3A_447 = arith.addi %mul3A_445, %add3A_446 : i32
    %dma_start3A_448 = arith.constant 0 : i32
    %dma_start3A_449 = tpu.memref_slice %arg14[%add3A_447, %dma_start3A_448] : memref<51200x32xf32, #tpu.memory_space<vmem_shared>> -> memref<128x32xf32, #tpu.memory_space<vmem_shared>>
    %dma_start3A_450 = arith.constant 0 : i32
    %dma_start3A_451 = tpu.memref_slice %arg14[%add3A_447, %dma_start3A_450] : memref<51200x32xf32, #tpu.memory_space<vmem_shared>> -> memref<128x32xf32, #tpu.memory_space<vmem_shared>>
    tpu.enqueue_dma source(%arg13 : memref<128x32xf32, #tpu.memory_space<vmem>>) target(%dma_start3A_451 : memref<128x32xf32, #tpu.memory_space<vmem_shared>>) target_semaphore(%arg15 : memref<!tpu.dma_semaphore, #tpu.memory_space<semaphore_mem>>)
    %mul3A_452 = arith.constant 3200 : i32
    %mul3A_453 = arith.muli %arg1, %mul3A_452 : i32
    %add3A_454 = arith.constant 2176 : i32
    %add3A_455 = arith.addi %mul3A_453, %add3A_454 : i32
    %dma_start3A_456 = arith.constant 0 : i32
    %dma_start3A_457 = tpu.memref_slice %arg14[%add3A_455, %dma_start3A_456] : memref<51200x32xf32, #tpu.memory_space<vmem_shared>> -> memref<128x32xf32, #tpu.memory_space<vmem_shared>>
    %dma_start3A_458 = arith.constant 0 : i32
    %dma_start3A_459 = tpu.memref_slice %arg14[%add3A_455, %dma_start3A_458] : memref<51200x32xf32, #tpu.memory_space<vmem_shared>> -> memref<128x32xf32, #tpu.memory_space<vmem_shared>>
    tpu.enqueue_dma source(%arg13 : memref<128x32xf32, #tpu.memory_space<vmem>>) target(%dma_start3A_459 : memref<128x32xf32, #tpu.memory_space<vmem_shared>>) target_semaphore(%arg15 : memref<!tpu.dma_semaphore, #tpu.memory_space<semaphore_mem>>)
    %mul3A_460 = arith.constant 3200 : i32
    %mul3A_461 = arith.muli %arg1, %mul3A_460 : i32
    %add3A_462 = arith.constant 2304 : i32
    %add3A_463 = arith.addi %mul3A_461, %add3A_462 : i32
    %dma_start3A_464 = arith.constant 0 : i32
    %dma_start3A_465 = tpu.memref_slice %arg14[%add3A_463, %dma_start3A_464] : memref<51200x32xf32, #tpu.memory_space<vmem_shared>> -> memref<128x32xf32, #tpu.memory_space<vmem_shared>>
    %dma_start3A_466 = arith.constant 0 : i32
    %dma_start3A_467 = tpu.memref_slice %arg14[%add3A_463, %dma_start3A_466] : memref<51200x32xf32, #tpu.memory_space<vmem_shared>> -> memref<128x32xf32, #tpu.memory_space<vmem_shared>>
    tpu.enqueue_dma source(%arg13 : memref<128x32xf32, #tpu.memory_space<vmem>>) target(%dma_start3A_467 : memref<128x32xf32, #tpu.memory_space<vmem_shared>>) target_semaphore(%arg15 : memref<!tpu.dma_semaphore, #tpu.memory_space<semaphore_mem>>)
    %mul3A_468 = arith.constant 3200 : i32
    %mul3A_469 = arith.muli %arg1, %mul3A_468 : i32
    %add3A_470 = arith.constant 2432 : i32
    %add3A_471 = arith.addi %mul3A_469, %add3A_470 : i32
    %dma_start3A_472 = arith.constant 0 : i32
    %dma_start3A_473 = tpu.memref_slice %arg14[%add3A_471, %dma_start3A_472] : memref<51200x32xf32, #tpu.memory_space<vmem_shared>> -> memref<128x32xf32, #tpu.memory_space<vmem_shared>>
    %dma_start3A_474 = arith.constant 0 : i32
    %dma_start3A_475 = tpu.memref_slice %arg14[%add3A_471, %dma_start3A_474] : memref<51200x32xf32, #tpu.memory_space<vmem_shared>> -> memref<128x32xf32, #tpu.memory_space<vmem_shared>>
    tpu.enqueue_dma source(%arg13 : memref<128x32xf32, #tpu.memory_space<vmem>>) target(%dma_start3A_475 : memref<128x32xf32, #tpu.memory_space<vmem_shared>>) target_semaphore(%arg15 : memref<!tpu.dma_semaphore, #tpu.memory_space<semaphore_mem>>)
    %mul3A_476 = arith.constant 3200 : i32
    %mul3A_477 = arith.muli %arg1, %mul3A_476 : i32
    %add3A_478 = arith.constant 2560 : i32
    %add3A_479 = arith.addi %mul3A_477, %add3A_478 : i32
    %dma_start3A_480 = arith.constant 0 : i32
    %dma_start3A_481 = tpu.memref_slice %arg14[%add3A_479, %dma_start3A_480] : memref<51200x32xf32, #tpu.memory_space<vmem_shared>> -> memref<128x32xf32, #tpu.memory_space<vmem_shared>>
    %dma_start3A_482 = arith.constant 0 : i32
    %dma_start3A_483 = tpu.memref_slice %arg14[%add3A_479, %dma_start3A_482] : memref<51200x32xf32, #tpu.memory_space<vmem_shared>> -> memref<128x32xf32, #tpu.memory_space<vmem_shared>>
    tpu.enqueue_dma source(%arg13 : memref<128x32xf32, #tpu.memory_space<vmem>>) target(%dma_start3A_483 : memref<128x32xf32, #tpu.memory_space<vmem_shared>>) target_semaphore(%arg15 : memref<!tpu.dma_semaphore, #tpu.memory_space<semaphore_mem>>)
    %mul3A_484 = arith.constant 3200 : i32
    %mul3A_485 = arith.muli %arg1, %mul3A_484 : i32
    %add3A_486 = arith.constant 2688 : i32
    %add3A_487 = arith.addi %mul3A_485, %add3A_486 : i32
    %dma_start3A_488 = arith.constant 0 : i32
    %dma_start3A_489 = tpu.memref_slice %arg14[%add3A_487, %dma_start3A_488] : memref<51200x32xf32, #tpu.memory_space<vmem_shared>> -> memref<128x32xf32, #tpu.memory_space<vmem_shared>>
    %dma_start3A_490 = arith.constant 0 : i32
    %dma_start3A_491 = tpu.memref_slice %arg14[%add3A_487, %dma_start3A_490] : memref<51200x32xf32, #tpu.memory_space<vmem_shared>> -> memref<128x32xf32, #tpu.memory_space<vmem_shared>>
    tpu.enqueue_dma source(%arg13 : memref<128x32xf32, #tpu.memory_space<vmem>>) target(%dma_start3A_491 : memref<128x32xf32, #tpu.memory_space<vmem_shared>>) target_semaphore(%arg15 : memref<!tpu.dma_semaphore, #tpu.memory_space<semaphore_mem>>)
    %mul3A_492 = arith.constant 3200 : i32
    %mul3A_493 = arith.muli %arg1, %mul3A_492 : i32
    %add3A_494 = arith.constant 2816 : i32
    %add3A_495 = arith.addi %mul3A_493, %add3A_494 : i32
    %dma_start3A_496 = arith.constant 0 : i32
    %dma_start3A_497 = tpu.memref_slice %arg14[%add3A_495, %dma_start3A_496] : memref<51200x32xf32, #tpu.memory_space<vmem_shared>> -> memref<128x32xf32, #tpu.memory_space<vmem_shared>>
    %dma_start3A_498 = arith.constant 0 : i32
    %dma_start3A_499 = tpu.memref_slice %arg14[%add3A_495, %dma_start3A_498] : memref<51200x32xf32, #tpu.memory_space<vmem_shared>> -> memref<128x32xf32, #tpu.memory_space<vmem_shared>>
    tpu.enqueue_dma source(%arg13 : memref<128x32xf32, #tpu.memory_space<vmem>>) target(%dma_start3A_499 : memref<128x32xf32, #tpu.memory_space<vmem_shared>>) target_semaphore(%arg15 : memref<!tpu.dma_semaphore, #tpu.memory_space<semaphore_mem>>)
    %mul3A_500 = arith.constant 3200 : i32
    %mul3A_501 = arith.muli %arg1, %mul3A_500 : i32
    %add3A_502 = arith.constant 2944 : i32
    %add3A_503 = arith.addi %mul3A_501, %add3A_502 : i32
    %dma_start3A_504 = arith.constant 0 : i32
    %dma_start3A_505 = tpu.memref_slice %arg14[%add3A_503, %dma_start3A_504] : memref<51200x32xf32, #tpu.memory_space<vmem_shared>> -> memref<128x32xf32, #tpu.memory_space<vmem_shared>>
    %dma_start3A_506 = arith.constant 0 : i32
    %dma_start3A_507 = tpu.memref_slice %arg14[%add3A_503, %dma_start3A_506] : memref<51200x32xf32, #tpu.memory_space<vmem_shared>> -> memref<128x32xf32, #tpu.memory_space<vmem_shared>>
    tpu.enqueue_dma source(%arg13 : memref<128x32xf32, #tpu.memory_space<vmem>>) target(%dma_start3A_507 : memref<128x32xf32, #tpu.memory_space<vmem_shared>>) target_semaphore(%arg15 : memref<!tpu.dma_semaphore, #tpu.memory_space<semaphore_mem>>)
    %mul3A_508 = arith.constant 3200 : i32
    %mul3A_509 = arith.muli %arg1, %mul3A_508 : i32
    %add3A_510 = arith.constant 3072 : i32
    %add3A_511 = arith.addi %mul3A_509, %add3A_510 : i32
    %dma_start3A_512 = arith.constant 0 : i32
    %dma_start3A_513 = tpu.memref_slice %arg14[%add3A_511, %dma_start3A_512] : memref<51200x32xf32, #tpu.memory_space<vmem_shared>> -> memref<128x32xf32, #tpu.memory_space<vmem_shared>>
    %dma_start3A_514 = arith.constant 0 : i32
    %dma_start3A_515 = tpu.memref_slice %arg14[%add3A_511, %dma_start3A_514] : memref<51200x32xf32, #tpu.memory_space<vmem_shared>> -> memref<128x32xf32, #tpu.memory_space<vmem_shared>>
    tpu.enqueue_dma source(%arg13 : memref<128x32xf32, #tpu.memory_space<vmem>>) target(%dma_start3A_515 : memref<128x32xf32, #tpu.memory_space<vmem_shared>>) target_semaphore(%arg15 : memref<!tpu.dma_semaphore, #tpu.memory_space<semaphore_mem>>)
    %dma_wait3A_516 = arith.constant 0 : i32
    %dma_wait3A_517 = tpu.memref_slice %arg14[%add3A_319, %dma_wait3A_516] : memref<51200x32xf32, #tpu.memory_space<vmem_shared>> -> memref<128x32xf32, #tpu.memory_space<vmem_shared>>
    %dma_wait3A_518 = arith.constant 0 : i32
    %dma_wait3A_519 = tpu.memref_slice %arg14[%add3A_319, %dma_wait3A_518] : memref<51200x32xf32, #tpu.memory_space<vmem_shared>> -> memref<128x32xf32, #tpu.memory_space<vmem_shared>>
    tpu.wait_dma2 semaphore(%arg15 : memref<!tpu.dma_semaphore, #tpu.memory_space<semaphore_mem>>) src(%arg13 : memref<128x32xf32, #tpu.memory_space<vmem>>) dst(%dma_wait3A_519 : memref<128x32xf32, #tpu.memory_space<vmem_shared>>)
    %dma_wait3A_520 = arith.constant 0 : i32
    %dma_wait3A_521 = tpu.memref_slice %arg14[%add3A_327, %dma_wait3A_520] : memref<51200x32xf32, #tpu.memory_space<vmem_shared>> -> memref<128x32xf32, #tpu.memory_space<vmem_shared>>
    %dma_wait3A_522 = arith.constant 0 : i32
    %dma_wait3A_523 = tpu.memref_slice %arg14[%add3A_327, %dma_wait3A_522] : memref<51200x32xf32, #tpu.memory_space<vmem_shared>> -> memref<128x32xf32, #tpu.memory_space<vmem_shared>>
    tpu.wait_dma2 semaphore(%arg15 : memref<!tpu.dma_semaphore, #tpu.memory_space<semaphore_mem>>) src(%arg13 : memref<128x32xf32, #tpu.memory_space<vmem>>) dst(%dma_wait3A_523 : memref<128x32xf32, #tpu.memory_space<vmem_shared>>)
    %dma_wait3A_524 = arith.constant 0 : i32
    %dma_wait3A_525 = tpu.memref_slice %arg14[%add3A_335, %dma_wait3A_524] : memref<51200x32xf32, #tpu.memory_space<vmem_shared>> -> memref<128x32xf32, #tpu.memory_space<vmem_shared>>
    %dma_wait3A_526 = arith.constant 0 : i32
    %dma_wait3A_527 = tpu.memref_slice %arg14[%add3A_335, %dma_wait3A_526] : memref<51200x32xf32, #tpu.memory_space<vmem_shared>> -> memref<128x32xf32, #tpu.memory_space<vmem_shared>>
    tpu.wait_dma2 semaphore(%arg15 : memref<!tpu.dma_semaphore, #tpu.memory_space<semaphore_mem>>) src(%arg13 : memref<128x32xf32, #tpu.memory_space<vmem>>) dst(%dma_wait3A_527 : memref<128x32xf32, #tpu.memory_space<vmem_shared>>)
    %dma_wait3A_528 = arith.constant 0 : i32
    %dma_wait3A_529 = tpu.memref_slice %arg14[%add3A_343, %dma_wait3A_528] : memref<51200x32xf32, #tpu.memory_space<vmem_shared>> -> memref<128x32xf32, #tpu.memory_space<vmem_shared>>
    %dma_wait3A_530 = arith.constant 0 : i32
    %dma_wait3A_531 = tpu.memref_slice %arg14[%add3A_343, %dma_wait3A_530] : memref<51200x32xf32, #tpu.memory_space<vmem_shared>> -> memref<128x32xf32, #tpu.memory_space<vmem_shared>>
    tpu.wait_dma2 semaphore(%arg15 : memref<!tpu.dma_semaphore, #tpu.memory_space<semaphore_mem>>) src(%arg13 : memref<128x32xf32, #tpu.memory_space<vmem>>) dst(%dma_wait3A_531 : memref<128x32xf32, #tpu.memory_space<vmem_shared>>)
    %dma_wait3A_532 = arith.constant 0 : i32
    %dma_wait3A_533 = tpu.memref_slice %arg14[%add3A_351, %dma_wait3A_532] : memref<51200x32xf32, #tpu.memory_space<vmem_shared>> -> memref<128x32xf32, #tpu.memory_space<vmem_shared>>
    %dma_wait3A_534 = arith.constant 0 : i32
    %dma_wait3A_535 = tpu.memref_slice %arg14[%add3A_351, %dma_wait3A_534] : memref<51200x32xf32, #tpu.memory_space<vmem_shared>> -> memref<128x32xf32, #tpu.memory_space<vmem_shared>>
    tpu.wait_dma2 semaphore(%arg15 : memref<!tpu.dma_semaphore, #tpu.memory_space<semaphore_mem>>) src(%arg13 : memref<128x32xf32, #tpu.memory_space<vmem>>) dst(%dma_wait3A_535 : memref<128x32xf32, #tpu.memory_space<vmem_shared>>)
    %dma_wait3A_536 = arith.constant 0 : i32
    %dma_wait3A_537 = tpu.memref_slice %arg14[%add3A_359, %dma_wait3A_536] : memref<51200x32xf32, #tpu.memory_space<vmem_shared>> -> memref<128x32xf32, #tpu.memory_space<vmem_shared>>
    %dma_wait3A_538 = arith.constant 0 : i32
    %dma_wait3A_539 = tpu.memref_slice %arg14[%add3A_359, %dma_wait3A_538] : memref<51200x32xf32, #tpu.memory_space<vmem_shared>> -> memref<128x32xf32, #tpu.memory_space<vmem_shared>>
    tpu.wait_dma2 semaphore(%arg15 : memref<!tpu.dma_semaphore, #tpu.memory_space<semaphore_mem>>) src(%arg13 : memref<128x32xf32, #tpu.memory_space<vmem>>) dst(%dma_wait3A_539 : memref<128x32xf32, #tpu.memory_space<vmem_shared>>)
    %dma_wait3A_540 = arith.constant 0 : i32
    %dma_wait3A_541 = tpu.memref_slice %arg14[%add3A_367, %dma_wait3A_540] : memref<51200x32xf32, #tpu.memory_space<vmem_shared>> -> memref<128x32xf32, #tpu.memory_space<vmem_shared>>
    %dma_wait3A_542 = arith.constant 0 : i32
    %dma_wait3A_543 = tpu.memref_slice %arg14[%add3A_367, %dma_wait3A_542] : memref<51200x32xf32, #tpu.memory_space<vmem_shared>> -> memref<128x32xf32, #tpu.memory_space<vmem_shared>>
    tpu.wait_dma2 semaphore(%arg15 : memref<!tpu.dma_semaphore, #tpu.memory_space<semaphore_mem>>) src(%arg13 : memref<128x32xf32, #tpu.memory_space<vmem>>) dst(%dma_wait3A_543 : memref<128x32xf32, #tpu.memory_space<vmem_shared>>)
    %dma_wait3A_544 = arith.constant 0 : i32
    %dma_wait3A_545 = tpu.memref_slice %arg14[%add3A_375, %dma_wait3A_544] : memref<51200x32xf32, #tpu.memory_space<vmem_shared>> -> memref<128x32xf32, #tpu.memory_space<vmem_shared>>
    %dma_wait3A_546 = arith.constant 0 : i32
    %dma_wait3A_547 = tpu.memref_slice %arg14[%add3A_375, %dma_wait3A_546] : memref<51200x32xf32, #tpu.memory_space<vmem_shared>> -> memref<128x32xf32, #tpu.memory_space<vmem_shared>>
    tpu.wait_dma2 semaphore(%arg15 : memref<!tpu.dma_semaphore, #tpu.memory_space<semaphore_mem>>) src(%arg13 : memref<128x32xf32, #tpu.memory_space<vmem>>) dst(%dma_wait3A_547 : memref<128x32xf32, #tpu.memory_space<vmem_shared>>)
    %dma_wait3A_548 = arith.constant 0 : i32
    %dma_wait3A_549 = tpu.memref_slice %arg14[%add3A_383, %dma_wait3A_548] : memref<51200x32xf32, #tpu.memory_space<vmem_shared>> -> memref<128x32xf32, #tpu.memory_space<vmem_shared>>
    %dma_wait3A_550 = arith.constant 0 : i32
    %dma_wait3A_551 = tpu.memref_slice %arg14[%add3A_383, %dma_wait3A_550] : memref<51200x32xf32, #tpu.memory_space<vmem_shared>> -> memref<128x32xf32, #tpu.memory_space<vmem_shared>>
    tpu.wait_dma2 semaphore(%arg15 : memref<!tpu.dma_semaphore, #tpu.memory_space<semaphore_mem>>) src(%arg13 : memref<128x32xf32, #tpu.memory_space<vmem>>) dst(%dma_wait3A_551 : memref<128x32xf32, #tpu.memory_space<vmem_shared>>)
    %dma_wait3A_552 = arith.constant 0 : i32
    %dma_wait3A_553 = tpu.memref_slice %arg14[%add3A_391, %dma_wait3A_552] : memref<51200x32xf32, #tpu.memory_space<vmem_shared>> -> memref<128x32xf32, #tpu.memory_space<vmem_shared>>
    %dma_wait3A_554 = arith.constant 0 : i32
    %dma_wait3A_555 = tpu.memref_slice %arg14[%add3A_391, %dma_wait3A_554] : memref<51200x32xf32, #tpu.memory_space<vmem_shared>> -> memref<128x32xf32, #tpu.memory_space<vmem_shared>>
    tpu.wait_dma2 semaphore(%arg15 : memref<!tpu.dma_semaphore, #tpu.memory_space<semaphore_mem>>) src(%arg13 : memref<128x32xf32, #tpu.memory_space<vmem>>) dst(%dma_wait3A_555 : memref<128x32xf32, #tpu.memory_space<vmem_shared>>)
    %dma_wait3A_556 = arith.constant 0 : i32
    %dma_wait3A_557 = tpu.memref_slice %arg14[%add3A_399, %dma_wait3A_556] : memref<51200x32xf32, #tpu.memory_space<vmem_shared>> -> memref<128x32xf32, #tpu.memory_space<vmem_shared>>
    %dma_wait3A_558 = arith.constant 0 : i32
    %dma_wait3A_559 = tpu.memref_slice %arg14[%add3A_399, %dma_wait3A_558] : memref<51200x32xf32, #tpu.memory_space<vmem_shared>> -> memref<128x32xf32, #tpu.memory_space<vmem_shared>>
    tpu.wait_dma2 semaphore(%arg15 : memref<!tpu.dma_semaphore, #tpu.memory_space<semaphore_mem>>) src(%arg13 : memref<128x32xf32, #tpu.memory_space<vmem>>) dst(%dma_wait3A_559 : memref<128x32xf32, #tpu.memory_space<vmem_shared>>)
    %dma_wait3A_560 = arith.constant 0 : i32
    %dma_wait3A_561 = tpu.memref_slice %arg14[%add3A_407, %dma_wait3A_560] : memref<51200x32xf32, #tpu.memory_space<vmem_shared>> -> memref<128x32xf32, #tpu.memory_space<vmem_shared>>
    %dma_wait3A_562 = arith.constant 0 : i32
    %dma_wait3A_563 = tpu.memref_slice %arg14[%add3A_407, %dma_wait3A_562] : memref<51200x32xf32, #tpu.memory_space<vmem_shared>> -> memref<128x32xf32, #tpu.memory_space<vmem_shared>>
    tpu.wait_dma2 semaphore(%arg15 : memref<!tpu.dma_semaphore, #tpu.memory_space<semaphore_mem>>) src(%arg13 : memref<128x32xf32, #tpu.memory_space<vmem>>) dst(%dma_wait3A_563 : memref<128x32xf32, #tpu.memory_space<vmem_shared>>)
    %dma_wait3A_564 = arith.constant 0 : i32
    %dma_wait3A_565 = tpu.memref_slice %arg14[%add3A_415, %dma_wait3A_564] : memref<51200x32xf32, #tpu.memory_space<vmem_shared>> -> memref<128x32xf32, #tpu.memory_space<vmem_shared>>
    %dma_wait3A_566 = arith.constant 0 : i32
    %dma_wait3A_567 = tpu.memref_slice %arg14[%add3A_415, %dma_wait3A_566] : memref<51200x32xf32, #tpu.memory_space<vmem_shared>> -> memref<128x32xf32, #tpu.memory_space<vmem_shared>>
    tpu.wait_dma2 semaphore(%arg15 : memref<!tpu.dma_semaphore, #tpu.memory_space<semaphore_mem>>) src(%arg13 : memref<128x32xf32, #tpu.memory_space<vmem>>) dst(%dma_wait3A_567 : memref<128x32xf32, #tpu.memory_space<vmem_shared>>)
    %dma_wait3A_568 = arith.constant 0 : i32
    %dma_wait3A_569 = tpu.memref_slice %arg14[%add3A_423, %dma_wait3A_568] : memref<51200x32xf32, #tpu.memory_space<vmem_shared>> -> memref<128x32xf32, #tpu.memory_space<vmem_shared>>
    %dma_wait3A_570 = arith.constant 0 : i32
    %dma_wait3A_571 = tpu.memref_slice %arg14[%add3A_423, %dma_wait3A_570] : memref<51200x32xf32, #tpu.memory_space<vmem_shared>> -> memref<128x32xf32, #tpu.memory_space<vmem_shared>>
    tpu.wait_dma2 semaphore(%arg15 : memref<!tpu.dma_semaphore, #tpu.memory_space<semaphore_mem>>) src(%arg13 : memref<128x32xf32, #tpu.memory_space<vmem>>) dst(%dma_wait3A_571 : memref<128x32xf32, #tpu.memory_space<vmem_shared>>)
    %dma_wait3A_572 = arith.constant 0 : i32
    %dma_wait3A_573 = tpu.memref_slice %arg14[%add3A_431, %dma_wait3A_572] : memref<51200x32xf32, #tpu.memory_space<vmem_shared>> -> memref<128x32xf32, #tpu.memory_space<vmem_shared>>
    %dma_wait3A_574 = arith.constant 0 : i32
    %dma_wait3A_575 = tpu.memref_slice %arg14[%add3A_431, %dma_wait3A_574] : memref<51200x32xf32, #tpu.memory_space<vmem_shared>> -> memref<128x32xf32, #tpu.memory_space<vmem_shared>>
    tpu.wait_dma2 semaphore(%arg15 : memref<!tpu.dma_semaphore, #tpu.memory_space<semaphore_mem>>) src(%arg13 : memref<128x32xf32, #tpu.memory_space<vmem>>) dst(%dma_wait3A_575 : memref<128x32xf32, #tpu.memory_space<vmem_shared>>)
    %dma_wait3A_576 = arith.constant 0 : i32
    %dma_wait3A_577 = tpu.memref_slice %arg14[%add3A_439, %dma_wait3A_576] : memref<51200x32xf32, #tpu.memory_space<vmem_shared>> -> memref<128x32xf32, #tpu.memory_space<vmem_shared>>
    %dma_wait3A_578 = arith.constant 0 : i32
    %dma_wait3A_579 = tpu.memref_slice %arg14[%add3A_439, %dma_wait3A_578] : memref<51200x32xf32, #tpu.memory_space<vmem_shared>> -> memref<128x32xf32, #tpu.memory_space<vmem_shared>>
    tpu.wait_dma2 semaphore(%arg15 : memref<!tpu.dma_semaphore, #tpu.memory_space<semaphore_mem>>) src(%arg13 : memref<128x32xf32, #tpu.memory_space<vmem>>) dst(%dma_wait3A_579 : memref<128x32xf32, #tpu.memory_space<vmem_shared>>)
    %dma_wait3A_580 = arith.constant 0 : i32
    %dma_wait3A_581 = tpu.memref_slice %arg14[%add3A_447, %dma_wait3A_580] : memref<51200x32xf32, #tpu.memory_space<vmem_shared>> -> memref<128x32xf32, #tpu.memory_space<vmem_shared>>
    %dma_wait3A_582 = arith.constant 0 : i32
    %dma_wait3A_583 = tpu.memref_slice %arg14[%add3A_447, %dma_wait3A_582] : memref<51200x32xf32, #tpu.memory_space<vmem_shared>> -> memref<128x32xf32, #tpu.memory_space<vmem_shared>>
    tpu.wait_dma2 semaphore(%arg15 : memref<!tpu.dma_semaphore, #tpu.memory_space<semaphore_mem>>) src(%arg13 : memref<128x32xf32, #tpu.memory_space<vmem>>) dst(%dma_wait3A_583 : memref<128x32xf32, #tpu.memory_space<vmem_shared>>)
    %dma_wait3A_584 = arith.constant 0 : i32
    %dma_wait3A_585 = tpu.memref_slice %arg14[%add3A_455, %dma_wait3A_584] : memref<51200x32xf32, #tpu.memory_space<vmem_shared>> -> memref<128x32xf32, #tpu.memory_space<vmem_shared>>
    %dma_wait3A_586 = arith.constant 0 : i32
    %dma_wait3A_587 = tpu.memref_slice %arg14[%add3A_455, %dma_wait3A_586] : memref<51200x32xf32, #tpu.memory_space<vmem_shared>> -> memref<128x32xf32, #tpu.memory_space<vmem_shared>>
    tpu.wait_dma2 semaphore(%arg15 : memref<!tpu.dma_semaphore, #tpu.memory_space<semaphore_mem>>) src(%arg13 : memref<128x32xf32, #tpu.memory_space<vmem>>) dst(%dma_wait3A_587 : memref<128x32xf32, #tpu.memory_space<vmem_shared>>)
    %dma_wait3A_588 = arith.constant 0 : i32
    %dma_wait3A_589 = tpu.memref_slice %arg14[%add3A_463, %dma_wait3A_588] : memref<51200x32xf32, #tpu.memory_space<vmem_shared>> -> memref<128x32xf32, #tpu.memory_space<vmem_shared>>
    %dma_wait3A_590 = arith.constant 0 : i32
    %dma_wait3A_591 = tpu.memref_slice %arg14[%add3A_463, %dma_wait3A_590] : memref<51200x32xf32, #tpu.memory_space<vmem_shared>> -> memref<128x32xf32, #tpu.memory_space<vmem_shared>>
    tpu.wait_dma2 semaphore(%arg15 : memref<!tpu.dma_semaphore, #tpu.memory_space<semaphore_mem>>) src(%arg13 : memref<128x32xf32, #tpu.memory_space<vmem>>) dst(%dma_wait3A_591 : memref<128x32xf32, #tpu.memory_space<vmem_shared>>)
    %dma_wait3A_592 = arith.constant 0 : i32
    %dma_wait3A_593 = tpu.memref_slice %arg14[%add3A_471, %dma_wait3A_592] : memref<51200x32xf32, #tpu.memory_space<vmem_shared>> -> memref<128x32xf32, #tpu.memory_space<vmem_shared>>
    %dma_wait3A_594 = arith.constant 0 : i32
    %dma_wait3A_595 = tpu.memref_slice %arg14[%add3A_471, %dma_wait3A_594] : memref<51200x32xf32, #tpu.memory_space<vmem_shared>> -> memref<128x32xf32, #tpu.memory_space<vmem_shared>>
    tpu.wait_dma2 semaphore(%arg15 : memref<!tpu.dma_semaphore, #tpu.memory_space<semaphore_mem>>) src(%arg13 : memref<128x32xf32, #tpu.memory_space<vmem>>) dst(%dma_wait3A_595 : memref<128x32xf32, #tpu.memory_space<vmem_shared>>)
    %dma_wait3A_596 = arith.constant 0 : i32
    %dma_wait3A_597 = tpu.memref_slice %arg14[%add3A_479, %dma_wait3A_596] : memref<51200x32xf32, #tpu.memory_space<vmem_shared>> -> memref<128x32xf32, #tpu.memory_space<vmem_shared>>
    %dma_wait3A_598 = arith.constant 0 : i32
    %dma_wait3A_599 = tpu.memref_slice %arg14[%add3A_479, %dma_wait3A_598] : memref<51200x32xf32, #tpu.memory_space<vmem_shared>> -> memref<128x32xf32, #tpu.memory_space<vmem_shared>>
    tpu.wait_dma2 semaphore(%arg15 : memref<!tpu.dma_semaphore, #tpu.memory_space<semaphore_mem>>) src(%arg13 : memref<128x32xf32, #tpu.memory_space<vmem>>) dst(%dma_wait3A_599 : memref<128x32xf32, #tpu.memory_space<vmem_shared>>)
    %dma_wait3A_600 = arith.constant 0 : i32
    %dma_wait3A_601 = tpu.memref_slice %arg14[%add3A_487, %dma_wait3A_600] : memref<51200x32xf32, #tpu.memory_space<vmem_shared>> -> memref<128x32xf32, #tpu.memory_space<vmem_shared>>
    %dma_wait3A_602 = arith.constant 0 : i32
    %dma_wait3A_603 = tpu.memref_slice %arg14[%add3A_487, %dma_wait3A_602] : memref<51200x32xf32, #tpu.memory_space<vmem_shared>> -> memref<128x32xf32, #tpu.memory_space<vmem_shared>>
    tpu.wait_dma2 semaphore(%arg15 : memref<!tpu.dma_semaphore, #tpu.memory_space<semaphore_mem>>) src(%arg13 : memref<128x32xf32, #tpu.memory_space<vmem>>) dst(%dma_wait3A_603 : memref<128x32xf32, #tpu.memory_space<vmem_shared>>)
    %dma_wait3A_604 = arith.constant 0 : i32
    %dma_wait3A_605 = tpu.memref_slice %arg14[%add3A_495, %dma_wait3A_604] : memref<51200x32xf32, #tpu.memory_space<vmem_shared>> -> memref<128x32xf32, #tpu.memory_space<vmem_shared>>
    %dma_wait3A_606 = arith.constant 0 : i32
    %dma_wait3A_607 = tpu.memref_slice %arg14[%add3A_495, %dma_wait3A_606] : memref<51200x32xf32, #tpu.memory_space<vmem_shared>> -> memref<128x32xf32, #tpu.memory_space<vmem_shared>>
    tpu.wait_dma2 semaphore(%arg15 : memref<!tpu.dma_semaphore, #tpu.memory_space<semaphore_mem>>) src(%arg13 : memref<128x32xf32, #tpu.memory_space<vmem>>) dst(%dma_wait3A_607 : memref<128x32xf32, #tpu.memory_space<vmem_shared>>)
    %dma_wait3A_608 = arith.constant 0 : i32
    %dma_wait3A_609 = tpu.memref_slice %arg14[%add3A_503, %dma_wait3A_608] : memref<51200x32xf32, #tpu.memory_space<vmem_shared>> -> memref<128x32xf32, #tpu.memory_space<vmem_shared>>
    %dma_wait3A_610 = arith.constant 0 : i32
    %dma_wait3A_611 = tpu.memref_slice %arg14[%add3A_503, %dma_wait3A_610] : memref<51200x32xf32, #tpu.memory_space<vmem_shared>> -> memref<128x32xf32, #tpu.memory_space<vmem_shared>>
    tpu.wait_dma2 semaphore(%arg15 : memref<!tpu.dma_semaphore, #tpu.memory_space<semaphore_mem>>) src(%arg13 : memref<128x32xf32, #tpu.memory_space<vmem>>) dst(%dma_wait3A_611 : memref<128x32xf32, #tpu.memory_space<vmem_shared>>)
    %dma_wait3A_612 = arith.constant 0 : i32
    %dma_wait3A_613 = tpu.memref_slice %arg14[%add3A_511, %dma_wait3A_612] : memref<51200x32xf32, #tpu.memory_space<vmem_shared>> -> memref<128x32xf32, #tpu.memory_space<vmem_shared>>
    %dma_wait3A_614 = arith.constant 0 : i32
    %dma_wait3A_615 = tpu.memref_slice %arg14[%add3A_511, %dma_wait3A_614] : memref<51200x32xf32, #tpu.memory_space<vmem_shared>> -> memref<128x32xf32, #tpu.memory_space<vmem_shared>>
    tpu.wait_dma2 semaphore(%arg15 : memref<!tpu.dma_semaphore, #tpu.memory_space<semaphore_mem>>) src(%arg13 : memref<128x32xf32, #tpu.memory_space<vmem>>) dst(%dma_wait3A_615 : memref<128x32xf32, #tpu.memory_space<vmem_shared>>)
    %barrier3A_616 = arith.constant 0 : index
    tpu.barrier barrier_id(%barrier3A_616)
    %scan3A_617 = arith.constant 0 : i32
    %scan3A_618 = arith.constant 0 : i32
    %scan3A_619 = arith.constant 76 : i32
    %scan3A_620 = arith.addi %scan3A_618, %scan3A_619 : i32
    %scan3A_621 = arith.constant 1 : i32
    %scan3A_622 = scf.for %scan3A_631 = %scan3A_618 to %scan3A_620 step %scan3A_621 iter_args(%scan3A_632 = %scan3A_617) -> (i32)  : i32 {
      %mul3A_633 = arith.constant 622592 : i32
      %mul3A_634 = arith.muli %arg0, %mul3A_633 : i32
      %mul3A_635 = arith.constant 38912 : i32
      %mul3A_636 = arith.muli %arg1, %mul3A_635 : i32
      %add3A_637 = arith.addi %mul3A_634, %mul3A_636 : i32
      %mul3A_638 = arith.constant 512 : i32
      %mul3A_639 = arith.muli %scan3A_631, %mul3A_638 : i32
      %add3A_640 = arith.addi %add3A_637, %mul3A_639 : i32
      %mul3A_641 = arith.constant 38912 : i32
      %mul3A_642 = arith.muli %arg1, %mul3A_641 : i32
      %mul3A_643 = arith.constant 512 : i32
      %mul3A_644 = arith.muli %scan3A_631, %mul3A_643 : i32
      %add3A_645 = arith.addi %mul3A_642, %mul3A_644 : i32
      %dma_start3A_646 = tpu.memref_slice %arg6[%add3A_640] : memref<1245184xi32, #tpu.memory_space<hbm>> -> memref<512xi32, #tpu.memory_space<hbm>>
      %dma_start3A_647 = tpu.memref_slice %arg6[%add3A_640] : memref<1245184xi32, #tpu.memory_space<hbm>> -> memref<512xi32, #tpu.memory_space<hbm>>
      tpu.enqueue_dma source(%dma_start3A_647 : memref<512xi32, #tpu.memory_space<hbm>>) target(%arg10 : memref<512xi32, #tpu.memory_space<vmem>>) target_semaphore(%arg15 : memref<!tpu.dma_semaphore, #tpu.memory_space<semaphore_mem>>)
      %dma_start3A_648 = tpu.memref_slice %arg5[%add3A_645] : memref<622592xi32, #tpu.memory_space<hbm>> -> memref<512xi32, #tpu.memory_space<hbm>>
      %dma_start3A_649 = tpu.memref_slice %arg5[%add3A_645] : memref<622592xi32, #tpu.memory_space<hbm>> -> memref<512xi32, #tpu.memory_space<hbm>>
      tpu.enqueue_dma source(%dma_start3A_649 : memref<512xi32, #tpu.memory_space<hbm>>) target(%arg11 : memref<512xi32, #tpu.memory_space<vmem>>) target_semaphore(%arg15 : memref<!tpu.dma_semaphore, #tpu.memory_space<semaphore_mem>>)
      %dma_wait3A_650 = tpu.memref_slice %arg6[%add3A_640] : memref<1245184xi32, #tpu.memory_space<hbm>> -> memref<512xi32, #tpu.memory_space<hbm>>
      %dma_wait3A_651 = tpu.memref_slice %arg6[%add3A_640] : memref<1245184xi32, #tpu.memory_space<hbm>> -> memref<512xi32, #tpu.memory_space<hbm>>
      tpu.wait_dma2 semaphore(%arg15 : memref<!tpu.dma_semaphore, #tpu.memory_space<semaphore_mem>>) src(%dma_wait3A_651 : memref<512xi32, #tpu.memory_space<hbm>>) dst(%arg10 : memref<512xi32, #tpu.memory_space<vmem>>)
      %dma_wait3A_652 = tpu.memref_slice %arg5[%add3A_645] : memref<622592xi32, #tpu.memory_space<hbm>> -> memref<512xi32, #tpu.memory_space<hbm>>
      %dma_wait3A_653 = tpu.memref_slice %arg5[%add3A_645] : memref<622592xi32, #tpu.memory_space<hbm>> -> memref<512xi32, #tpu.memory_space<hbm>>
      tpu.wait_dma2 semaphore(%arg15 : memref<!tpu.dma_semaphore, #tpu.memory_space<semaphore_mem>>) src(%dma_wait3A_653 : memref<512xi32, #tpu.memory_space<hbm>>) dst(%arg11 : memref<512xi32, #tpu.memory_space<vmem>>)
      %dma_start3A_654 = arith.constant 0 : i32
      %dma_start3A_655 = arith.constant 0 : i32
      %dma_start3A_656 = tpu.memref_slice %arg3[%dma_start3A_654, %dma_start3A_655] : memref<102400x32xf32, #tpu.memory_space<hbm>> -> memref<102400x32xf32, #tpu.memory_space<hbm>>
      tpu.enqueue_indirect_dma source(%dma_start3A_656 : memref<102400x32xf32, #tpu.memory_space<hbm>>) target(%arg12 : memref<512x32xf32, #tpu.memory_space<vmem>>) offsets(%arg10 : memref<512xi32, #tpu.memory_space<vmem>>) semaphore(%arg16 : memref<!tpu.dma_semaphore, #tpu.memory_space<semaphore_mem>>)
      %dma_wait3A_657 = arith.constant 0 : i32
      %dma_wait3A_658 = arith.constant 0 : i32
      %dma_wait3A_659 = tpu.memref_slice %arg3[%dma_wait3A_657, %dma_wait3A_658] : memref<102400x32xf32, #tpu.memory_space<hbm>> -> memref<102400x32xf32, #tpu.memory_space<hbm>>
      tpu.wait_indirect_dma semaphore(%arg16 : memref<!tpu.dma_semaphore, #tpu.memory_space<semaphore_mem>>) src(%dma_wait3A_659 : memref<102400x32xf32, #tpu.memory_space<hbm>>) dst(%arg12 : memref<512x32xf32, #tpu.memory_space<vmem>>)
      %dma_start3A_660 = arith.constant 0 : i32
      %dma_start3A_661 = arith.constant 0 : i32
      %dma_start3A_662 = tpu.memref_slice %arg14[%dma_start3A_660, %dma_start3A_661] : memref<51200x32xf32, #tpu.memory_space<vmem_shared>> -> memref<51200x32xf32, #tpu.memory_space<vmem_shared>>
      tpu.enqueue_indirect_dma source(%arg12 : memref<512x32xf32, #tpu.memory_space<vmem>>) target(%dma_start3A_662 : memref<51200x32xf32, #tpu.memory_space<vmem_shared>>) offsets(%arg11 : memref<512xi32, #tpu.memory_space<vmem>>) semaphore(%arg17 : memref<!tpu.dma_semaphore, #tpu.memory_space<semaphore_mem>>) {add = true}
      %dma_wait3A_663 = arith.constant 0 : i32
      %dma_wait3A_664 = arith.constant 0 : i32
      %dma_wait3A_665 = tpu.memref_slice %arg14[%dma_wait3A_663, %dma_wait3A_664] : memref<51200x32xf32, #tpu.memory_space<vmem_shared>> -> memref<51200x32xf32, #tpu.memory_space<vmem_shared>>
      tpu.wait_indirect_dma semaphore(%arg17 : memref<!tpu.dma_semaphore, #tpu.memory_space<semaphore_mem>>) src(%arg12 : memref<512x32xf32, #tpu.memory_space<vmem>>) dst(%dma_wait3A_665 : memref<51200x32xf32, #tpu.memory_space<vmem_shared>>)
      %scan3A_666 = arith.constant 0 : i32
      scf.yield %scan3A_666 : i32
    }
    %scan3A_623 = arith.constant 76 : i32
    %barrier3A_624 = arith.constant 0 : index
    tpu.barrier barrier_id(%barrier3A_624)
    %mul3A_625 = arith.constant 3200 : i32
    %mul3A_626 = arith.muli %arg1, %mul3A_625 : i32
    %mul3A_627 = arith.constant 51200 : i32
    %mul3A_628 = arith.muli %arg0, %mul3A_627 : i32
    %add3A_629 = arith.addi %mul3A_628, %mul3A_626 : i32
    "tpu.region"() ({
      %run_scoped3A = tpu.sem_alloc : memref<!tpu.dma_semaphore, #tpu.memory_space<semaphore_mem>>
      %dma_start3A_631 = arith.constant 0 : i32
      %dma_start3A_632 = tpu.memref_slice %arg9[%add3A_629, %dma_start3A_631] : memref<102400x32xf32, #tpu.memory_space<hbm>> -> memref<3200x32xf32, #tpu.memory_space<hbm>>
      %dma_start3A_633 = arith.constant 0 : i32
      %dma_start3A_634 = tpu.memref_slice %arg14[%mul3A_626, %dma_start3A_633] : memref<51200x32xf32, #tpu.memory_space<vmem_shared>> -> memref<3200x32xf32, #tpu.memory_space<vmem_shared>>
      tpu.enqueue_dma source(%dma_start3A_634 : memref<3200x32xf32, #tpu.memory_space<vmem_shared>>) target(%dma_start3A_632 : memref<3200x32xf32, #tpu.memory_space<hbm>>) target_semaphore(%run_scoped3A : memref<!tpu.dma_semaphore, #tpu.memory_space<semaphore_mem>>)
      %dma_wait3A_635 = arith.constant 0 : i32
      %dma_wait3A_636 = tpu.memref_slice %arg9[%add3A_629, %dma_wait3A_635] : memref<102400x32xf32, #tpu.memory_space<hbm>> -> memref<3200x32xf32, #tpu.memory_space<hbm>>
      %dma_wait3A_637 = arith.constant 0 : i32
      %dma_wait3A_638 = tpu.memref_slice %arg14[%mul3A_626, %dma_wait3A_637] : memref<51200x32xf32, #tpu.memory_space<vmem_shared>> -> memref<3200x32xf32, #tpu.memory_space<vmem_shared>>
      tpu.wait_dma2 semaphore(%run_scoped3A : memref<!tpu.dma_semaphore, #tpu.memory_space<semaphore_mem>>) src(%dma_wait3A_638 : memref<3200x32xf32, #tpu.memory_space<vmem_shared>>) dst(%dma_wait3A_636 : memref<3200x32xf32, #tpu.memory_space<hbm>>)
      tpu.yield
    }) : () -> ()
    %barrier3A_630 = arith.constant 0 : index
    tpu.barrier barrier_id(%barrier3A_630)
    return
  }
}

#map = affine_map<(d0, d1) -> (0, 0)>
#map1 = affine_map<(d0, d1) -> (0)>
module attributes {stable_mosaic.version = 14 : i64} {
  func.func @_edge_body(%arg0: i32, %arg1: i32, %arg2: memref<51200x64xf32, #tpu.memory_space<hbm>>, %arg3: memref<51200x64xf32, #tpu.memory_space<hbm>>, %arg4: memref<622592xi32, #tpu.memory_space<hbm>>, %arg5: memref<622592xi32, #tpu.memory_space<hbm>>, %arg6: memref<622592x64xf32, #tpu.memory_space<hbm>>, %arg7: memref<1024xi32, #tpu.memory_space<vmem>>, %arg8: memref<1024xi32, #tpu.memory_space<vmem>>, %arg9: memref<1024x64xf32, #tpu.memory_space<vmem>>, %arg10: memref<!tpu.dma_semaphore, #tpu.memory_space<semaphore_mem>>, %arg11: memref<!tpu.dma_semaphore, #tpu.memory_space<semaphore_mem>>) attributes {dimension_semantics = [#tpu.dimension_semantics<core_parallel>, #tpu.dimension_semantics<subcore_parallel>], iteration_bounds = array<i64: 2, 16>, scalar_prefetch = 0 : i64, scratch_operands = 5 : i64, tpu.core_type = #tpu.core_type<sc_vector_subcore>, window_params = [{transform_indices = #map}, {transform_indices = #map}, {transform_indices = #map1}, {transform_indices = #map1}, {transform_indices = #map}]} {
    %mul3A = arith.constant 2 : i32
    %mul3A_0 = arith.muli %arg1, %mul3A : i32
    %add3A = arith.addi %mul3A_0, %arg0 : i32
    %scan3A = arith.constant 0 : i32
    %scan3A_1 = arith.constant 0 : i32
    %scan3A_2 = arith.constant 19 : i32
    %scan3A_3 = arith.addi %scan3A_1, %scan3A_2 : i32
    %scan3A_4 = arith.constant 1 : i32
    %scan3A_5 = scf.for %scan3A_7 = %scan3A_1 to %scan3A_3 step %scan3A_4 iter_args(%scan3A_8 = %scan3A) -> (i32)  : i32 {
      %mul3A_9 = arith.constant 19456 : i32
      %mul3A_10 = arith.muli %add3A, %mul3A_9 : i32
      %mul3A_11 = arith.constant 1024 : i32
      %mul3A_12 = arith.muli %scan3A_7, %mul3A_11 : i32
      %add3A_13 = arith.addi %mul3A_10, %mul3A_12 : i32
      %dma_start3A = tpu.memref_slice %arg4[%add3A_13] : memref<622592xi32, #tpu.memory_space<hbm>> -> memref<1024xi32, #tpu.memory_space<hbm>>
      %dma_start3A_14 = tpu.memref_slice %arg4[%add3A_13] : memref<622592xi32, #tpu.memory_space<hbm>> -> memref<1024xi32, #tpu.memory_space<hbm>>
      tpu.enqueue_dma source(%dma_start3A_14 : memref<1024xi32, #tpu.memory_space<hbm>>) target(%arg7 : memref<1024xi32, #tpu.memory_space<vmem>>) target_semaphore(%arg10 : memref<!tpu.dma_semaphore, #tpu.memory_space<semaphore_mem>>)
      %dma_start3A_15 = tpu.memref_slice %arg5[%add3A_13] : memref<622592xi32, #tpu.memory_space<hbm>> -> memref<1024xi32, #tpu.memory_space<hbm>>
      %dma_start3A_16 = tpu.memref_slice %arg5[%add3A_13] : memref<622592xi32, #tpu.memory_space<hbm>> -> memref<1024xi32, #tpu.memory_space<hbm>>
      tpu.enqueue_dma source(%dma_start3A_16 : memref<1024xi32, #tpu.memory_space<hbm>>) target(%arg8 : memref<1024xi32, #tpu.memory_space<vmem>>) target_semaphore(%arg11 : memref<!tpu.dma_semaphore, #tpu.memory_space<semaphore_mem>>)
      %dma_wait3A = tpu.memref_slice %arg4[%add3A_13] : memref<622592xi32, #tpu.memory_space<hbm>> -> memref<1024xi32, #tpu.memory_space<hbm>>
      %dma_wait3A_17 = tpu.memref_slice %arg4[%add3A_13] : memref<622592xi32, #tpu.memory_space<hbm>> -> memref<1024xi32, #tpu.memory_space<hbm>>
      tpu.wait_dma2 semaphore(%arg10 : memref<!tpu.dma_semaphore, #tpu.memory_space<semaphore_mem>>) src(%dma_wait3A_17 : memref<1024xi32, #tpu.memory_space<hbm>>) dst(%arg7 : memref<1024xi32, #tpu.memory_space<vmem>>)
      %dma_wait3A_18 = tpu.memref_slice %arg5[%add3A_13] : memref<622592xi32, #tpu.memory_space<hbm>> -> memref<1024xi32, #tpu.memory_space<hbm>>
      %dma_wait3A_19 = tpu.memref_slice %arg5[%add3A_13] : memref<622592xi32, #tpu.memory_space<hbm>> -> memref<1024xi32, #tpu.memory_space<hbm>>
      tpu.wait_dma2 semaphore(%arg11 : memref<!tpu.dma_semaphore, #tpu.memory_space<semaphore_mem>>) src(%dma_wait3A_19 : memref<1024xi32, #tpu.memory_space<hbm>>) dst(%arg8 : memref<1024xi32, #tpu.memory_space<vmem>>)
      %dma_start3A_20 = arith.constant 0 : i32
      %dma_start3A_21 = arith.constant 0 : i32
      %dma_start3A_22 = tpu.memref_slice %arg2[%dma_start3A_20, %dma_start3A_21] : memref<51200x64xf32, #tpu.memory_space<hbm>> -> memref<51200x64xf32, #tpu.memory_space<hbm>>
      tpu.enqueue_indirect_dma source(%dma_start3A_22 : memref<51200x64xf32, #tpu.memory_space<hbm>>) target(%arg9 : memref<1024x64xf32, #tpu.memory_space<vmem>>) offsets(%arg7 : memref<1024xi32, #tpu.memory_space<vmem>>) semaphore(%arg10 : memref<!tpu.dma_semaphore, #tpu.memory_space<semaphore_mem>>)
      %dma_wait3A_23 = arith.constant 0 : i32
      %dma_wait3A_24 = arith.constant 0 : i32
      %dma_wait3A_25 = tpu.memref_slice %arg2[%dma_wait3A_23, %dma_wait3A_24] : memref<51200x64xf32, #tpu.memory_space<hbm>> -> memref<51200x64xf32, #tpu.memory_space<hbm>>
      tpu.wait_indirect_dma semaphore(%arg10 : memref<!tpu.dma_semaphore, #tpu.memory_space<semaphore_mem>>) src(%dma_wait3A_25 : memref<51200x64xf32, #tpu.memory_space<hbm>>) dst(%arg9 : memref<1024x64xf32, #tpu.memory_space<vmem>>)
      %dma_start3A_26 = arith.constant 0 : i32
      %dma_start3A_27 = arith.constant 0 : i32
      %dma_start3A_28 = tpu.memref_slice %arg3[%dma_start3A_26, %dma_start3A_27] : memref<51200x64xf32, #tpu.memory_space<hbm>> -> memref<51200x64xf32, #tpu.memory_space<hbm>>
      tpu.enqueue_indirect_dma source(%dma_start3A_28 : memref<51200x64xf32, #tpu.memory_space<hbm>>) target(%arg9 : memref<1024x64xf32, #tpu.memory_space<vmem>>) offsets(%arg8 : memref<1024xi32, #tpu.memory_space<vmem>>) semaphore(%arg11 : memref<!tpu.dma_semaphore, #tpu.memory_space<semaphore_mem>>) {add = true}
      %dma_wait3A_29 = arith.constant 0 : i32
      %dma_wait3A_30 = arith.constant 0 : i32
      %dma_wait3A_31 = tpu.memref_slice %arg3[%dma_wait3A_29, %dma_wait3A_30] : memref<51200x64xf32, #tpu.memory_space<hbm>> -> memref<51200x64xf32, #tpu.memory_space<hbm>>
      tpu.wait_indirect_dma semaphore(%arg11 : memref<!tpu.dma_semaphore, #tpu.memory_space<semaphore_mem>>) src(%dma_wait3A_31 : memref<51200x64xf32, #tpu.memory_space<hbm>>) dst(%arg9 : memref<1024x64xf32, #tpu.memory_space<vmem>>)
      "tpu.region"() ({
        %run_scoped3A = tpu.sem_alloc : memref<!tpu.dma_semaphore, #tpu.memory_space<semaphore_mem>>
        %dma_start3A_33 = arith.constant 0 : i32
        %dma_start3A_34 = tpu.memref_slice %arg6[%add3A_13, %dma_start3A_33] : memref<622592x64xf32, #tpu.memory_space<hbm>> -> memref<1024x64xf32, #tpu.memory_space<hbm>>
        %dma_start3A_35 = arith.constant 0 : i32
        %dma_start3A_36 = tpu.memref_slice %arg6[%add3A_13, %dma_start3A_35] : memref<622592x64xf32, #tpu.memory_space<hbm>> -> memref<1024x64xf32, #tpu.memory_space<hbm>>
        tpu.enqueue_dma source(%arg9 : memref<1024x64xf32, #tpu.memory_space<vmem>>) target(%dma_start3A_36 : memref<1024x64xf32, #tpu.memory_space<hbm>>) target_semaphore(%run_scoped3A : memref<!tpu.dma_semaphore, #tpu.memory_space<semaphore_mem>>)
        %dma_wait3A_37 = arith.constant 0 : i32
        %dma_wait3A_38 = tpu.memref_slice %arg6[%add3A_13, %dma_wait3A_37] : memref<622592x64xf32, #tpu.memory_space<hbm>> -> memref<1024x64xf32, #tpu.memory_space<hbm>>
        %dma_wait3A_39 = arith.constant 0 : i32
        %dma_wait3A_40 = tpu.memref_slice %arg6[%add3A_13, %dma_wait3A_39] : memref<622592x64xf32, #tpu.memory_space<hbm>> -> memref<1024x64xf32, #tpu.memory_space<hbm>>
        tpu.wait_dma2 semaphore(%run_scoped3A : memref<!tpu.dma_semaphore, #tpu.memory_space<semaphore_mem>>) src(%arg9 : memref<1024x64xf32, #tpu.memory_space<vmem>>) dst(%dma_wait3A_40 : memref<1024x64xf32, #tpu.memory_space<hbm>>)
        tpu.yield
      }) : () -> ()
      %scan3A_32 = arith.constant 0 : i32
      scf.yield %scan3A_32 : i32
    }
    %scan3A_6 = arith.constant 19 : i32
    return
  }
}

#map = affine_map<(d0, d1) -> (0)>
#map1 = affine_map<(d0, d1) -> (0, 0)>
module attributes {stable_mosaic.version = 14 : i64} {
  func.func @_deg_body(%arg0: i32, %arg1: i32, %arg2: memref<1245184xi32, #tpu.memory_space<hbm>>, %arg3: memref<102400x16xf32, #tpu.memory_space<hbm>>, %arg4: memref<2048xi32, #tpu.memory_space<vmem>>, %arg5: memref<2048x16xf32, #tpu.memory_space<vmem>>, %arg6: memref<128x16xf32, #tpu.memory_space<vmem>>, %arg7: memref<51200x16xf32, #tpu.memory_space<vmem_shared>>, %arg8: memref<!tpu.dma_semaphore, #tpu.memory_space<semaphore_mem>>, %arg9: memref<!tpu.dma_semaphore, #tpu.memory_space<semaphore_mem>>) attributes {dimension_semantics = [#tpu.dimension_semantics<core_parallel>, #tpu.dimension_semantics<subcore_parallel>], iteration_bounds = array<i64: 2, 16>, scalar_prefetch = 0 : i64, scratch_operands = 6 : i64, tpu.core_type = #tpu.core_type<sc_vector_subcore>, window_params = [{transform_indices = #map}, {transform_indices = #map1}]} {
    %scan3A = arith.constant 0 : i32
    %scan3A_0 = arith.constant 0 : i32
    %scan3A_1 = arith.constant 2048 : i32
    %scan3A_2 = arith.addi %scan3A_0, %scan3A_1 : i32
    %scan3A_3 = arith.constant 1 : i32
    %scan3A_4 = scf.for %scan3A_322 = %scan3A_0 to %scan3A_2 step %scan3A_3 iter_args(%scan3A_323 = %scan3A) -> (i32)  : i32 {
      %broadcast_in_dim3A = arith.constant 1.000000e+00 : f32
      %broadcast_in_dim3A_324 = vector.broadcast %broadcast_in_dim3A : f32 to vector<16xf32>
      %swap3A = arith.index_cast %scan3A_322 : i32 to index
      %swap3A_325 = arith.constant 0 : index
      %swap3A_326 = tpu.vector_load %arg5[%swap3A, %swap3A_325] {strides = array<i32>} : memref<2048x16xf32, #tpu.memory_space<vmem>>, vector<1x16xf32>,
      %swap3A_327 = vector.shape_cast %swap3A_326 : vector<1x16xf32> to vector<16xf32>
      %swap3A_328 = vector.shape_cast %broadcast_in_dim3A_324 : vector<16xf32> to vector<1x16xf32>
      tpu.vector_store %arg5[%swap3A, %swap3A_325], %swap3A_328 {strides = array<i32>} : memref<2048x16xf32, #tpu.memory_space<vmem>>, vector<1x16xf32>,
      %scan3A_329 = arith.constant 0 : i32
      scf.yield %scan3A_329 : i32
    }
    %scan3A_5 = arith.constant 2048 : i32
    %scan3A_6 = arith.constant 0 : i32
    %scan3A_7 = arith.constant 0 : i32
    %scan3A_8 = arith.constant 128 : i32
    %scan3A_9 = arith.addi %scan3A_7, %scan3A_8 : i32
    %scan3A_10 = arith.constant 1 : i32
    %scan3A_11 = scf.for %scan3A_322 = %scan3A_7 to %scan3A_9 step %scan3A_10 iter_args(%scan3A_323 = %scan3A_6) -> (i32)  : i32 {
      %broadcast_in_dim3A = arith.constant 0.000000e+00 : f32
      %broadcast_in_dim3A_324 = vector.broadcast %broadcast_in_dim3A : f32 to vector<16xf32>
      %swap3A = arith.index_cast %scan3A_322 : i32 to index
      %swap3A_325 = arith.constant 0 : index
      %swap3A_326 = tpu.vector_load %arg6[%swap3A, %swap3A_325] {strides = array<i32>} : memref<128x16xf32, #tpu.memory_space<vmem>>, vector<1x16xf32>,
      %swap3A_327 = vector.shape_cast %swap3A_326 : vector<1x16xf32> to vector<16xf32>
      %swap3A_328 = vector.shape_cast %broadcast_in_dim3A_324 : vector<16xf32> to vector<1x16xf32>
      tpu.vector_store %arg6[%swap3A, %swap3A_325], %swap3A_328 {strides = array<i32>} : memref<128x16xf32, #tpu.memory_space<vmem>>, vector<1x16xf32>,
      %scan3A_329 = arith.constant 0 : i32
      scf.yield %scan3A_329 : i32
    }
    %scan3A_12 = arith.constant 128 : i32
    %mul3A = arith.constant 3200 : i32
    %mul3A_13 = arith.muli %arg1, %mul3A : i32
    %add3A = arith.constant 0 : i32
    %add3A_14 = arith.addi %mul3A_13, %add3A : i32
    %dma_start3A = arith.constant 0 : i32
    %dma_start3A_15 = tpu.memref_slice %arg7[%add3A_14, %dma_start3A] : memref<51200x16xf32, #tpu.memory_space<vmem_shared>> -> memref<128x16xf32, #tpu.memory_space<vmem_shared>>
    %dma_start3A_16 = arith.constant 0 : i32
    %dma_start3A_17 = tpu.memref_slice %arg7[%add3A_14, %dma_start3A_16] : memref<51200x16xf32, #tpu.memory_space<vmem_shared>> -> memref<128x16xf32, #tpu.memory_space<vmem_shared>>
    tpu.enqueue_dma source(%arg6 : memref<128x16xf32, #tpu.memory_space<vmem>>) target(%dma_start3A_17 : memref<128x16xf32, #tpu.memory_space<vmem_shared>>) target_semaphore(%arg8 : memref<!tpu.dma_semaphore, #tpu.memory_space<semaphore_mem>>)
    %mul3A_18 = arith.constant 3200 : i32
    %mul3A_19 = arith.muli %arg1, %mul3A_18 : i32
    %add3A_20 = arith.constant 128 : i32
    %add3A_21 = arith.addi %mul3A_19, %add3A_20 : i32
    %dma_start3A_22 = arith.constant 0 : i32
    %dma_start3A_23 = tpu.memref_slice %arg7[%add3A_21, %dma_start3A_22] : memref<51200x16xf32, #tpu.memory_space<vmem_shared>> -> memref<128x16xf32, #tpu.memory_space<vmem_shared>>
    %dma_start3A_24 = arith.constant 0 : i32
    %dma_start3A_25 = tpu.memref_slice %arg7[%add3A_21, %dma_start3A_24] : memref<51200x16xf32, #tpu.memory_space<vmem_shared>> -> memref<128x16xf32, #tpu.memory_space<vmem_shared>>
    tpu.enqueue_dma source(%arg6 : memref<128x16xf32, #tpu.memory_space<vmem>>) target(%dma_start3A_25 : memref<128x16xf32, #tpu.memory_space<vmem_shared>>) target_semaphore(%arg8 : memref<!tpu.dma_semaphore, #tpu.memory_space<semaphore_mem>>)
    %mul3A_26 = arith.constant 3200 : i32
    %mul3A_27 = arith.muli %arg1, %mul3A_26 : i32
    %add3A_28 = arith.constant 256 : i32
    %add3A_29 = arith.addi %mul3A_27, %add3A_28 : i32
    %dma_start3A_30 = arith.constant 0 : i32
    %dma_start3A_31 = tpu.memref_slice %arg7[%add3A_29, %dma_start3A_30] : memref<51200x16xf32, #tpu.memory_space<vmem_shared>> -> memref<128x16xf32, #tpu.memory_space<vmem_shared>>
    %dma_start3A_32 = arith.constant 0 : i32
    %dma_start3A_33 = tpu.memref_slice %arg7[%add3A_29, %dma_start3A_32] : memref<51200x16xf32, #tpu.memory_space<vmem_shared>> -> memref<128x16xf32, #tpu.memory_space<vmem_shared>>
    tpu.enqueue_dma source(%arg6 : memref<128x16xf32, #tpu.memory_space<vmem>>) target(%dma_start3A_33 : memref<128x16xf32, #tpu.memory_space<vmem_shared>>) target_semaphore(%arg8 : memref<!tpu.dma_semaphore, #tpu.memory_space<semaphore_mem>>)
    %mul3A_34 = arith.constant 3200 : i32
    %mul3A_35 = arith.muli %arg1, %mul3A_34 : i32
    %add3A_36 = arith.constant 384 : i32
    %add3A_37 = arith.addi %mul3A_35, %add3A_36 : i32
    %dma_start3A_38 = arith.constant 0 : i32
    %dma_start3A_39 = tpu.memref_slice %arg7[%add3A_37, %dma_start3A_38] : memref<51200x16xf32, #tpu.memory_space<vmem_shared>> -> memref<128x16xf32, #tpu.memory_space<vmem_shared>>
    %dma_start3A_40 = arith.constant 0 : i32
    %dma_start3A_41 = tpu.memref_slice %arg7[%add3A_37, %dma_start3A_40] : memref<51200x16xf32, #tpu.memory_space<vmem_shared>> -> memref<128x16xf32, #tpu.memory_space<vmem_shared>>
    tpu.enqueue_dma source(%arg6 : memref<128x16xf32, #tpu.memory_space<vmem>>) target(%dma_start3A_41 : memref<128x16xf32, #tpu.memory_space<vmem_shared>>) target_semaphore(%arg8 : memref<!tpu.dma_semaphore, #tpu.memory_space<semaphore_mem>>)
    %mul3A_42 = arith.constant 3200 : i32
    %mul3A_43 = arith.muli %arg1, %mul3A_42 : i32
    %add3A_44 = arith.constant 512 : i32
    %add3A_45 = arith.addi %mul3A_43, %add3A_44 : i32
    %dma_start3A_46 = arith.constant 0 : i32
    %dma_start3A_47 = tpu.memref_slice %arg7[%add3A_45, %dma_start3A_46] : memref<51200x16xf32, #tpu.memory_space<vmem_shared>> -> memref<128x16xf32, #tpu.memory_space<vmem_shared>>
    %dma_start3A_48 = arith.constant 0 : i32
    %dma_start3A_49 = tpu.memref_slice %arg7[%add3A_45, %dma_start3A_48] : memref<51200x16xf32, #tpu.memory_space<vmem_shared>> -> memref<128x16xf32, #tpu.memory_space<vmem_shared>>
    tpu.enqueue_dma source(%arg6 : memref<128x16xf32, #tpu.memory_space<vmem>>) target(%dma_start3A_49 : memref<128x16xf32, #tpu.memory_space<vmem_shared>>) target_semaphore(%arg8 : memref<!tpu.dma_semaphore, #tpu.memory_space<semaphore_mem>>)
    %mul3A_50 = arith.constant 3200 : i32
    %mul3A_51 = arith.muli %arg1, %mul3A_50 : i32
    %add3A_52 = arith.constant 640 : i32
    %add3A_53 = arith.addi %mul3A_51, %add3A_52 : i32
    %dma_start3A_54 = arith.constant 0 : i32
    %dma_start3A_55 = tpu.memref_slice %arg7[%add3A_53, %dma_start3A_54] : memref<51200x16xf32, #tpu.memory_space<vmem_shared>> -> memref<128x16xf32, #tpu.memory_space<vmem_shared>>
    %dma_start3A_56 = arith.constant 0 : i32
    %dma_start3A_57 = tpu.memref_slice %arg7[%add3A_53, %dma_start3A_56] : memref<51200x16xf32, #tpu.memory_space<vmem_shared>> -> memref<128x16xf32, #tpu.memory_space<vmem_shared>>
    tpu.enqueue_dma source(%arg6 : memref<128x16xf32, #tpu.memory_space<vmem>>) target(%dma_start3A_57 : memref<128x16xf32, #tpu.memory_space<vmem_shared>>) target_semaphore(%arg8 : memref<!tpu.dma_semaphore, #tpu.memory_space<semaphore_mem>>)
    %mul3A_58 = arith.constant 3200 : i32
    %mul3A_59 = arith.muli %arg1, %mul3A_58 : i32
    %add3A_60 = arith.constant 768 : i32
    %add3A_61 = arith.addi %mul3A_59, %add3A_60 : i32
    %dma_start3A_62 = arith.constant 0 : i32
    %dma_start3A_63 = tpu.memref_slice %arg7[%add3A_61, %dma_start3A_62] : memref<51200x16xf32, #tpu.memory_space<vmem_shared>> -> memref<128x16xf32, #tpu.memory_space<vmem_shared>>
    %dma_start3A_64 = arith.constant 0 : i32
    %dma_start3A_65 = tpu.memref_slice %arg7[%add3A_61, %dma_start3A_64] : memref<51200x16xf32, #tpu.memory_space<vmem_shared>> -> memref<128x16xf32, #tpu.memory_space<vmem_shared>>
    tpu.enqueue_dma source(%arg6 : memref<128x16xf32, #tpu.memory_space<vmem>>) target(%dma_start3A_65 : memref<128x16xf32, #tpu.memory_space<vmem_shared>>) target_semaphore(%arg8 : memref<!tpu.dma_semaphore, #tpu.memory_space<semaphore_mem>>)
    %mul3A_66 = arith.constant 3200 : i32
    %mul3A_67 = arith.muli %arg1, %mul3A_66 : i32
    %add3A_68 = arith.constant 896 : i32
    %add3A_69 = arith.addi %mul3A_67, %add3A_68 : i32
    %dma_start3A_70 = arith.constant 0 : i32
    %dma_start3A_71 = tpu.memref_slice %arg7[%add3A_69, %dma_start3A_70] : memref<51200x16xf32, #tpu.memory_space<vmem_shared>> -> memref<128x16xf32, #tpu.memory_space<vmem_shared>>
    %dma_start3A_72 = arith.constant 0 : i32
    %dma_start3A_73 = tpu.memref_slice %arg7[%add3A_69, %dma_start3A_72] : memref<51200x16xf32, #tpu.memory_space<vmem_shared>> -> memref<128x16xf32, #tpu.memory_space<vmem_shared>>
    tpu.enqueue_dma source(%arg6 : memref<128x16xf32, #tpu.memory_space<vmem>>) target(%dma_start3A_73 : memref<128x16xf32, #tpu.memory_space<vmem_shared>>) target_semaphore(%arg8 : memref<!tpu.dma_semaphore, #tpu.memory_space<semaphore_mem>>)
    %mul3A_74 = arith.constant 3200 : i32
    %mul3A_75 = arith.muli %arg1, %mul3A_74 : i32
    %add3A_76 = arith.constant 1024 : i32
    %add3A_77 = arith.addi %mul3A_75, %add3A_76 : i32
    %dma_start3A_78 = arith.constant 0 : i32
    %dma_start3A_79 = tpu.memref_slice %arg7[%add3A_77, %dma_start3A_78] : memref<51200x16xf32, #tpu.memory_space<vmem_shared>> -> memref<128x16xf32, #tpu.memory_space<vmem_shared>>
    %dma_start3A_80 = arith.constant 0 : i32
    %dma_start3A_81 = tpu.memref_slice %arg7[%add3A_77, %dma_start3A_80] : memref<51200x16xf32, #tpu.memory_space<vmem_shared>> -> memref<128x16xf32, #tpu.memory_space<vmem_shared>>
    tpu.enqueue_dma source(%arg6 : memref<128x16xf32, #tpu.memory_space<vmem>>) target(%dma_start3A_81 : memref<128x16xf32, #tpu.memory_space<vmem_shared>>) target_semaphore(%arg8 : memref<!tpu.dma_semaphore, #tpu.memory_space<semaphore_mem>>)
    %mul3A_82 = arith.constant 3200 : i32
    %mul3A_83 = arith.muli %arg1, %mul3A_82 : i32
    %add3A_84 = arith.constant 1152 : i32
    %add3A_85 = arith.addi %mul3A_83, %add3A_84 : i32
    %dma_start3A_86 = arith.constant 0 : i32
    %dma_start3A_87 = tpu.memref_slice %arg7[%add3A_85, %dma_start3A_86] : memref<51200x16xf32, #tpu.memory_space<vmem_shared>> -> memref<128x16xf32, #tpu.memory_space<vmem_shared>>
    %dma_start3A_88 = arith.constant 0 : i32
    %dma_start3A_89 = tpu.memref_slice %arg7[%add3A_85, %dma_start3A_88] : memref<51200x16xf32, #tpu.memory_space<vmem_shared>> -> memref<128x16xf32, #tpu.memory_space<vmem_shared>>
    tpu.enqueue_dma source(%arg6 : memref<128x16xf32, #tpu.memory_space<vmem>>) target(%dma_start3A_89 : memref<128x16xf32, #tpu.memory_space<vmem_shared>>) target_semaphore(%arg8 : memref<!tpu.dma_semaphore, #tpu.memory_space<semaphore_mem>>)
    %mul3A_90 = arith.constant 3200 : i32
    %mul3A_91 = arith.muli %arg1, %mul3A_90 : i32
    %add3A_92 = arith.constant 1280 : i32
    %add3A_93 = arith.addi %mul3A_91, %add3A_92 : i32
    %dma_start3A_94 = arith.constant 0 : i32
    %dma_start3A_95 = tpu.memref_slice %arg7[%add3A_93, %dma_start3A_94] : memref<51200x16xf32, #tpu.memory_space<vmem_shared>> -> memref<128x16xf32, #tpu.memory_space<vmem_shared>>
    %dma_start3A_96 = arith.constant 0 : i32
    %dma_start3A_97 = tpu.memref_slice %arg7[%add3A_93, %dma_start3A_96] : memref<51200x16xf32, #tpu.memory_space<vmem_shared>> -> memref<128x16xf32, #tpu.memory_space<vmem_shared>>
    tpu.enqueue_dma source(%arg6 : memref<128x16xf32, #tpu.memory_space<vmem>>) target(%dma_start3A_97 : memref<128x16xf32, #tpu.memory_space<vmem_shared>>) target_semaphore(%arg8 : memref<!tpu.dma_semaphore, #tpu.memory_space<semaphore_mem>>)
    %mul3A_98 = arith.constant 3200 : i32
    %mul3A_99 = arith.muli %arg1, %mul3A_98 : i32
    %add3A_100 = arith.constant 1408 : i32
    %add3A_101 = arith.addi %mul3A_99, %add3A_100 : i32
    %dma_start3A_102 = arith.constant 0 : i32
    %dma_start3A_103 = tpu.memref_slice %arg7[%add3A_101, %dma_start3A_102] : memref<51200x16xf32, #tpu.memory_space<vmem_shared>> -> memref<128x16xf32, #tpu.memory_space<vmem_shared>>
    %dma_start3A_104 = arith.constant 0 : i32
    %dma_start3A_105 = tpu.memref_slice %arg7[%add3A_101, %dma_start3A_104] : memref<51200x16xf32, #tpu.memory_space<vmem_shared>> -> memref<128x16xf32, #tpu.memory_space<vmem_shared>>
    tpu.enqueue_dma source(%arg6 : memref<128x16xf32, #tpu.memory_space<vmem>>) target(%dma_start3A_105 : memref<128x16xf32, #tpu.memory_space<vmem_shared>>) target_semaphore(%arg8 : memref<!tpu.dma_semaphore, #tpu.memory_space<semaphore_mem>>)
    %mul3A_106 = arith.constant 3200 : i32
    %mul3A_107 = arith.muli %arg1, %mul3A_106 : i32
    %add3A_108 = arith.constant 1536 : i32
    %add3A_109 = arith.addi %mul3A_107, %add3A_108 : i32
    %dma_start3A_110 = arith.constant 0 : i32
    %dma_start3A_111 = tpu.memref_slice %arg7[%add3A_109, %dma_start3A_110] : memref<51200x16xf32, #tpu.memory_space<vmem_shared>> -> memref<128x16xf32, #tpu.memory_space<vmem_shared>>
    %dma_start3A_112 = arith.constant 0 : i32
    %dma_start3A_113 = tpu.memref_slice %arg7[%add3A_109, %dma_start3A_112] : memref<51200x16xf32, #tpu.memory_space<vmem_shared>> -> memref<128x16xf32, #tpu.memory_space<vmem_shared>>
    tpu.enqueue_dma source(%arg6 : memref<128x16xf32, #tpu.memory_space<vmem>>) target(%dma_start3A_113 : memref<128x16xf32, #tpu.memory_space<vmem_shared>>) target_semaphore(%arg8 : memref<!tpu.dma_semaphore, #tpu.memory_space<semaphore_mem>>)
    %mul3A_114 = arith.constant 3200 : i32
    %mul3A_115 = arith.muli %arg1, %mul3A_114 : i32
    %add3A_116 = arith.constant 1664 : i32
    %add3A_117 = arith.addi %mul3A_115, %add3A_116 : i32
    %dma_start3A_118 = arith.constant 0 : i32
    %dma_start3A_119 = tpu.memref_slice %arg7[%add3A_117, %dma_start3A_118] : memref<51200x16xf32, #tpu.memory_space<vmem_shared>> -> memref<128x16xf32, #tpu.memory_space<vmem_shared>>
    %dma_start3A_120 = arith.constant 0 : i32
    %dma_start3A_121 = tpu.memref_slice %arg7[%add3A_117, %dma_start3A_120] : memref<51200x16xf32, #tpu.memory_space<vmem_shared>> -> memref<128x16xf32, #tpu.memory_space<vmem_shared>>
    tpu.enqueue_dma source(%arg6 : memref<128x16xf32, #tpu.memory_space<vmem>>) target(%dma_start3A_121 : memref<128x16xf32, #tpu.memory_space<vmem_shared>>) target_semaphore(%arg8 : memref<!tpu.dma_semaphore, #tpu.memory_space<semaphore_mem>>)
    %mul3A_122 = arith.constant 3200 : i32
    %mul3A_123 = arith.muli %arg1, %mul3A_122 : i32
    %add3A_124 = arith.constant 1792 : i32
    %add3A_125 = arith.addi %mul3A_123, %add3A_124 : i32
    %dma_start3A_126 = arith.constant 0 : i32
    %dma_start3A_127 = tpu.memref_slice %arg7[%add3A_125, %dma_start3A_126] : memref<51200x16xf32, #tpu.memory_space<vmem_shared>> -> memref<128x16xf32, #tpu.memory_space<vmem_shared>>
    %dma_start3A_128 = arith.constant 0 : i32
    %dma_start3A_129 = tpu.memref_slice %arg7[%add3A_125, %dma_start3A_128] : memref<51200x16xf32, #tpu.memory_space<vmem_shared>> -> memref<128x16xf32, #tpu.memory_space<vmem_shared>>
    tpu.enqueue_dma source(%arg6 : memref<128x16xf32, #tpu.memory_space<vmem>>) target(%dma_start3A_129 : memref<128x16xf32, #tpu.memory_space<vmem_shared>>) target_semaphore(%arg8 : memref<!tpu.dma_semaphore, #tpu.memory_space<semaphore_mem>>)
    %mul3A_130 = arith.constant 3200 : i32
    %mul3A_131 = arith.muli %arg1, %mul3A_130 : i32
    %add3A_132 = arith.constant 1920 : i32
    %add3A_133 = arith.addi %mul3A_131, %add3A_132 : i32
    %dma_start3A_134 = arith.constant 0 : i32
    %dma_start3A_135 = tpu.memref_slice %arg7[%add3A_133, %dma_start3A_134] : memref<51200x16xf32, #tpu.memory_space<vmem_shared>> -> memref<128x16xf32, #tpu.memory_space<vmem_shared>>
    %dma_start3A_136 = arith.constant 0 : i32
    %dma_start3A_137 = tpu.memref_slice %arg7[%add3A_133, %dma_start3A_136] : memref<51200x16xf32, #tpu.memory_space<vmem_shared>> -> memref<128x16xf32, #tpu.memory_space<vmem_shared>>
    tpu.enqueue_dma source(%arg6 : memref<128x16xf32, #tpu.memory_space<vmem>>) target(%dma_start3A_137 : memref<128x16xf32, #tpu.memory_space<vmem_shared>>) target_semaphore(%arg8 : memref<!tpu.dma_semaphore, #tpu.memory_space<semaphore_mem>>)
    %mul3A_138 = arith.constant 3200 : i32
    %mul3A_139 = arith.muli %arg1, %mul3A_138 : i32
    %add3A_140 = arith.constant 2048 : i32
    %add3A_141 = arith.addi %mul3A_139, %add3A_140 : i32
    %dma_start3A_142 = arith.constant 0 : i32
    %dma_start3A_143 = tpu.memref_slice %arg7[%add3A_141, %dma_start3A_142] : memref<51200x16xf32, #tpu.memory_space<vmem_shared>> -> memref<128x16xf32, #tpu.memory_space<vmem_shared>>
    %dma_start3A_144 = arith.constant 0 : i32
    %dma_start3A_145 = tpu.memref_slice %arg7[%add3A_141, %dma_start3A_144] : memref<51200x16xf32, #tpu.memory_space<vmem_shared>> -> memref<128x16xf32, #tpu.memory_space<vmem_shared>>
    tpu.enqueue_dma source(%arg6 : memref<128x16xf32, #tpu.memory_space<vmem>>) target(%dma_start3A_145 : memref<128x16xf32, #tpu.memory_space<vmem_shared>>) target_semaphore(%arg8 : memref<!tpu.dma_semaphore, #tpu.memory_space<semaphore_mem>>)
    %mul3A_146 = arith.constant 3200 : i32
    %mul3A_147 = arith.muli %arg1, %mul3A_146 : i32
    %add3A_148 = arith.constant 2176 : i32
    %add3A_149 = arith.addi %mul3A_147, %add3A_148 : i32
    %dma_start3A_150 = arith.constant 0 : i32
    %dma_start3A_151 = tpu.memref_slice %arg7[%add3A_149, %dma_start3A_150] : memref<51200x16xf32, #tpu.memory_space<vmem_shared>> -> memref<128x16xf32, #tpu.memory_space<vmem_shared>>
    %dma_start3A_152 = arith.constant 0 : i32
    %dma_start3A_153 = tpu.memref_slice %arg7[%add3A_149, %dma_start3A_152] : memref<51200x16xf32, #tpu.memory_space<vmem_shared>> -> memref<128x16xf32, #tpu.memory_space<vmem_shared>>
    tpu.enqueue_dma source(%arg6 : memref<128x16xf32, #tpu.memory_space<vmem>>) target(%dma_start3A_153 : memref<128x16xf32, #tpu.memory_space<vmem_shared>>) target_semaphore(%arg8 : memref<!tpu.dma_semaphore, #tpu.memory_space<semaphore_mem>>)
    %mul3A_154 = arith.constant 3200 : i32
    %mul3A_155 = arith.muli %arg1, %mul3A_154 : i32
    %add3A_156 = arith.constant 2304 : i32
    %add3A_157 = arith.addi %mul3A_155, %add3A_156 : i32
    %dma_start3A_158 = arith.constant 0 : i32
    %dma_start3A_159 = tpu.memref_slice %arg7[%add3A_157, %dma_start3A_158] : memref<51200x16xf32, #tpu.memory_space<vmem_shared>> -> memref<128x16xf32, #tpu.memory_space<vmem_shared>>
    %dma_start3A_160 = arith.constant 0 : i32
    %dma_start3A_161 = tpu.memref_slice %arg7[%add3A_157, %dma_start3A_160] : memref<51200x16xf32, #tpu.memory_space<vmem_shared>> -> memref<128x16xf32, #tpu.memory_space<vmem_shared>>
    tpu.enqueue_dma source(%arg6 : memref<128x16xf32, #tpu.memory_space<vmem>>) target(%dma_start3A_161 : memref<128x16xf32, #tpu.memory_space<vmem_shared>>) target_semaphore(%arg8 : memref<!tpu.dma_semaphore, #tpu.memory_space<semaphore_mem>>)
    %mul3A_162 = arith.constant 3200 : i32
    %mul3A_163 = arith.muli %arg1, %mul3A_162 : i32
    %add3A_164 = arith.constant 2432 : i32
    %add3A_165 = arith.addi %mul3A_163, %add3A_164 : i32
    %dma_start3A_166 = arith.constant 0 : i32
    %dma_start3A_167 = tpu.memref_slice %arg7[%add3A_165, %dma_start3A_166] : memref<51200x16xf32, #tpu.memory_space<vmem_shared>> -> memref<128x16xf32, #tpu.memory_space<vmem_shared>>
    %dma_start3A_168 = arith.constant 0 : i32
    %dma_start3A_169 = tpu.memref_slice %arg7[%add3A_165, %dma_start3A_168] : memref<51200x16xf32, #tpu.memory_space<vmem_shared>> -> memref<128x16xf32, #tpu.memory_space<vmem_shared>>
    tpu.enqueue_dma source(%arg6 : memref<128x16xf32, #tpu.memory_space<vmem>>) target(%dma_start3A_169 : memref<128x16xf32, #tpu.memory_space<vmem_shared>>) target_semaphore(%arg8 : memref<!tpu.dma_semaphore, #tpu.memory_space<semaphore_mem>>)
    %mul3A_170 = arith.constant 3200 : i32
    %mul3A_171 = arith.muli %arg1, %mul3A_170 : i32
    %add3A_172 = arith.constant 2560 : i32
    %add3A_173 = arith.addi %mul3A_171, %add3A_172 : i32
    %dma_start3A_174 = arith.constant 0 : i32
    %dma_start3A_175 = tpu.memref_slice %arg7[%add3A_173, %dma_start3A_174] : memref<51200x16xf32, #tpu.memory_space<vmem_shared>> -> memref<128x16xf32, #tpu.memory_space<vmem_shared>>
    %dma_start3A_176 = arith.constant 0 : i32
    %dma_start3A_177 = tpu.memref_slice %arg7[%add3A_173, %dma_start3A_176] : memref<51200x16xf32, #tpu.memory_space<vmem_shared>> -> memref<128x16xf32, #tpu.memory_space<vmem_shared>>
    tpu.enqueue_dma source(%arg6 : memref<128x16xf32, #tpu.memory_space<vmem>>) target(%dma_start3A_177 : memref<128x16xf32, #tpu.memory_space<vmem_shared>>) target_semaphore(%arg8 : memref<!tpu.dma_semaphore, #tpu.memory_space<semaphore_mem>>)
    %mul3A_178 = arith.constant 3200 : i32
    %mul3A_179 = arith.muli %arg1, %mul3A_178 : i32
    %add3A_180 = arith.constant 2688 : i32
    %add3A_181 = arith.addi %mul3A_179, %add3A_180 : i32
    %dma_start3A_182 = arith.constant 0 : i32
    %dma_start3A_183 = tpu.memref_slice %arg7[%add3A_181, %dma_start3A_182] : memref<51200x16xf32, #tpu.memory_space<vmem_shared>> -> memref<128x16xf32, #tpu.memory_space<vmem_shared>>
    %dma_start3A_184 = arith.constant 0 : i32
    %dma_start3A_185 = tpu.memref_slice %arg7[%add3A_181, %dma_start3A_184] : memref<51200x16xf32, #tpu.memory_space<vmem_shared>> -> memref<128x16xf32, #tpu.memory_space<vmem_shared>>
    tpu.enqueue_dma source(%arg6 : memref<128x16xf32, #tpu.memory_space<vmem>>) target(%dma_start3A_185 : memref<128x16xf32, #tpu.memory_space<vmem_shared>>) target_semaphore(%arg8 : memref<!tpu.dma_semaphore, #tpu.memory_space<semaphore_mem>>)
    %mul3A_186 = arith.constant 3200 : i32
    %mul3A_187 = arith.muli %arg1, %mul3A_186 : i32
    %add3A_188 = arith.constant 2816 : i32
    %add3A_189 = arith.addi %mul3A_187, %add3A_188 : i32
    %dma_start3A_190 = arith.constant 0 : i32
    %dma_start3A_191 = tpu.memref_slice %arg7[%add3A_189, %dma_start3A_190] : memref<51200x16xf32, #tpu.memory_space<vmem_shared>> -> memref<128x16xf32, #tpu.memory_space<vmem_shared>>
    %dma_start3A_192 = arith.constant 0 : i32
    %dma_start3A_193 = tpu.memref_slice %arg7[%add3A_189, %dma_start3A_192] : memref<51200x16xf32, #tpu.memory_space<vmem_shared>> -> memref<128x16xf32, #tpu.memory_space<vmem_shared>>
    tpu.enqueue_dma source(%arg6 : memref<128x16xf32, #tpu.memory_space<vmem>>) target(%dma_start3A_193 : memref<128x16xf32, #tpu.memory_space<vmem_shared>>) target_semaphore(%arg8 : memref<!tpu.dma_semaphore, #tpu.memory_space<semaphore_mem>>)
    %mul3A_194 = arith.constant 3200 : i32
    %mul3A_195 = arith.muli %arg1, %mul3A_194 : i32
    %add3A_196 = arith.constant 2944 : i32
    %add3A_197 = arith.addi %mul3A_195, %add3A_196 : i32
    %dma_start3A_198 = arith.constant 0 : i32
    %dma_start3A_199 = tpu.memref_slice %arg7[%add3A_197, %dma_start3A_198] : memref<51200x16xf32, #tpu.memory_space<vmem_shared>> -> memref<128x16xf32, #tpu.memory_space<vmem_shared>>
    %dma_start3A_200 = arith.constant 0 : i32
    %dma_start3A_201 = tpu.memref_slice %arg7[%add3A_197, %dma_start3A_200] : memref<51200x16xf32, #tpu.memory_space<vmem_shared>> -> memref<128x16xf32, #tpu.memory_space<vmem_shared>>
    tpu.enqueue_dma source(%arg6 : memref<128x16xf32, #tpu.memory_space<vmem>>) target(%dma_start3A_201 : memref<128x16xf32, #tpu.memory_space<vmem_shared>>) target_semaphore(%arg8 : memref<!tpu.dma_semaphore, #tpu.memory_space<semaphore_mem>>)
    %mul3A_202 = arith.constant 3200 : i32
    %mul3A_203 = arith.muli %arg1, %mul3A_202 : i32
    %add3A_204 = arith.constant 3072 : i32
    %add3A_205 = arith.addi %mul3A_203, %add3A_204 : i32
    %dma_start3A_206 = arith.constant 0 : i32
    %dma_start3A_207 = tpu.memref_slice %arg7[%add3A_205, %dma_start3A_206] : memref<51200x16xf32, #tpu.memory_space<vmem_shared>> -> memref<128x16xf32, #tpu.memory_space<vmem_shared>>
    %dma_start3A_208 = arith.constant 0 : i32
    %dma_start3A_209 = tpu.memref_slice %arg7[%add3A_205, %dma_start3A_208] : memref<51200x16xf32, #tpu.memory_space<vmem_shared>> -> memref<128x16xf32, #tpu.memory_space<vmem_shared>>
    tpu.enqueue_dma source(%arg6 : memref<128x16xf32, #tpu.memory_space<vmem>>) target(%dma_start3A_209 : memref<128x16xf32, #tpu.memory_space<vmem_shared>>) target_semaphore(%arg8 : memref<!tpu.dma_semaphore, #tpu.memory_space<semaphore_mem>>)
    %dma_wait3A = arith.constant 0 : i32
    %dma_wait3A_210 = tpu.memref_slice %arg7[%add3A_14, %dma_wait3A] : memref<51200x16xf32, #tpu.memory_space<vmem_shared>> -> memref<128x16xf32, #tpu.memory_space<vmem_shared>>
    %dma_wait3A_211 = arith.constant 0 : i32
    %dma_wait3A_212 = tpu.memref_slice %arg7[%add3A_14, %dma_wait3A_211] : memref<51200x16xf32, #tpu.memory_space<vmem_shared>> -> memref<128x16xf32, #tpu.memory_space<vmem_shared>>
    tpu.wait_dma2 semaphore(%arg8 : memref<!tpu.dma_semaphore, #tpu.memory_space<semaphore_mem>>) src(%arg6 : memref<128x16xf32, #tpu.memory_space<vmem>>) dst(%dma_wait3A_212 : memref<128x16xf32, #tpu.memory_space<vmem_shared>>)
    %dma_wait3A_213 = arith.constant 0 : i32
    %dma_wait3A_214 = tpu.memref_slice %arg7[%add3A_21, %dma_wait3A_213] : memref<51200x16xf32, #tpu.memory_space<vmem_shared>> -> memref<128x16xf32, #tpu.memory_space<vmem_shared>>
    %dma_wait3A_215 = arith.constant 0 : i32
    %dma_wait3A_216 = tpu.memref_slice %arg7[%add3A_21, %dma_wait3A_215] : memref<51200x16xf32, #tpu.memory_space<vmem_shared>> -> memref<128x16xf32, #tpu.memory_space<vmem_shared>>
    tpu.wait_dma2 semaphore(%arg8 : memref<!tpu.dma_semaphore, #tpu.memory_space<semaphore_mem>>) src(%arg6 : memref<128x16xf32, #tpu.memory_space<vmem>>) dst(%dma_wait3A_216 : memref<128x16xf32, #tpu.memory_space<vmem_shared>>)
    %dma_wait3A_217 = arith.constant 0 : i32
    %dma_wait3A_218 = tpu.memref_slice %arg7[%add3A_29, %dma_wait3A_217] : memref<51200x16xf32, #tpu.memory_space<vmem_shared>> -> memref<128x16xf32, #tpu.memory_space<vmem_shared>>
    %dma_wait3A_219 = arith.constant 0 : i32
    %dma_wait3A_220 = tpu.memref_slice %arg7[%add3A_29, %dma_wait3A_219] : memref<51200x16xf32, #tpu.memory_space<vmem_shared>> -> memref<128x16xf32, #tpu.memory_space<vmem_shared>>
    tpu.wait_dma2 semaphore(%arg8 : memref<!tpu.dma_semaphore, #tpu.memory_space<semaphore_mem>>) src(%arg6 : memref<128x16xf32, #tpu.memory_space<vmem>>) dst(%dma_wait3A_220 : memref<128x16xf32, #tpu.memory_space<vmem_shared>>)
    %dma_wait3A_221 = arith.constant 0 : i32
    %dma_wait3A_222 = tpu.memref_slice %arg7[%add3A_37, %dma_wait3A_221] : memref<51200x16xf32, #tpu.memory_space<vmem_shared>> -> memref<128x16xf32, #tpu.memory_space<vmem_shared>>
    %dma_wait3A_223 = arith.constant 0 : i32
    %dma_wait3A_224 = tpu.memref_slice %arg7[%add3A_37, %dma_wait3A_223] : memref<51200x16xf32, #tpu.memory_space<vmem_shared>> -> memref<128x16xf32, #tpu.memory_space<vmem_shared>>
    tpu.wait_dma2 semaphore(%arg8 : memref<!tpu.dma_semaphore, #tpu.memory_space<semaphore_mem>>) src(%arg6 : memref<128x16xf32, #tpu.memory_space<vmem>>) dst(%dma_wait3A_224 : memref<128x16xf32, #tpu.memory_space<vmem_shared>>)
    %dma_wait3A_225 = arith.constant 0 : i32
    %dma_wait3A_226 = tpu.memref_slice %arg7[%add3A_45, %dma_wait3A_225] : memref<51200x16xf32, #tpu.memory_space<vmem_shared>> -> memref<128x16xf32, #tpu.memory_space<vmem_shared>>
    %dma_wait3A_227 = arith.constant 0 : i32
    %dma_wait3A_228 = tpu.memref_slice %arg7[%add3A_45, %dma_wait3A_227] : memref<51200x16xf32, #tpu.memory_space<vmem_shared>> -> memref<128x16xf32, #tpu.memory_space<vmem_shared>>
    tpu.wait_dma2 semaphore(%arg8 : memref<!tpu.dma_semaphore, #tpu.memory_space<semaphore_mem>>) src(%arg6 : memref<128x16xf32, #tpu.memory_space<vmem>>) dst(%dma_wait3A_228 : memref<128x16xf32, #tpu.memory_space<vmem_shared>>)
    %dma_wait3A_229 = arith.constant 0 : i32
    %dma_wait3A_230 = tpu.memref_slice %arg7[%add3A_53, %dma_wait3A_229] : memref<51200x16xf32, #tpu.memory_space<vmem_shared>> -> memref<128x16xf32, #tpu.memory_space<vmem_shared>>
    %dma_wait3A_231 = arith.constant 0 : i32
    %dma_wait3A_232 = tpu.memref_slice %arg7[%add3A_53, %dma_wait3A_231] : memref<51200x16xf32, #tpu.memory_space<vmem_shared>> -> memref<128x16xf32, #tpu.memory_space<vmem_shared>>
    tpu.wait_dma2 semaphore(%arg8 : memref<!tpu.dma_semaphore, #tpu.memory_space<semaphore_mem>>) src(%arg6 : memref<128x16xf32, #tpu.memory_space<vmem>>) dst(%dma_wait3A_232 : memref<128x16xf32, #tpu.memory_space<vmem_shared>>)
    %dma_wait3A_233 = arith.constant 0 : i32
    %dma_wait3A_234 = tpu.memref_slice %arg7[%add3A_61, %dma_wait3A_233] : memref<51200x16xf32, #tpu.memory_space<vmem_shared>> -> memref<128x16xf32, #tpu.memory_space<vmem_shared>>
    %dma_wait3A_235 = arith.constant 0 : i32
    %dma_wait3A_236 = tpu.memref_slice %arg7[%add3A_61, %dma_wait3A_235] : memref<51200x16xf32, #tpu.memory_space<vmem_shared>> -> memref<128x16xf32, #tpu.memory_space<vmem_shared>>
    tpu.wait_dma2 semaphore(%arg8 : memref<!tpu.dma_semaphore, #tpu.memory_space<semaphore_mem>>) src(%arg6 : memref<128x16xf32, #tpu.memory_space<vmem>>) dst(%dma_wait3A_236 : memref<128x16xf32, #tpu.memory_space<vmem_shared>>)
    %dma_wait3A_237 = arith.constant 0 : i32
    %dma_wait3A_238 = tpu.memref_slice %arg7[%add3A_69, %dma_wait3A_237] : memref<51200x16xf32, #tpu.memory_space<vmem_shared>> -> memref<128x16xf32, #tpu.memory_space<vmem_shared>>
    %dma_wait3A_239 = arith.constant 0 : i32
    %dma_wait3A_240 = tpu.memref_slice %arg7[%add3A_69, %dma_wait3A_239] : memref<51200x16xf32, #tpu.memory_space<vmem_shared>> -> memref<128x16xf32, #tpu.memory_space<vmem_shared>>
    tpu.wait_dma2 semaphore(%arg8 : memref<!tpu.dma_semaphore, #tpu.memory_space<semaphore_mem>>) src(%arg6 : memref<128x16xf32, #tpu.memory_space<vmem>>) dst(%dma_wait3A_240 : memref<128x16xf32, #tpu.memory_space<vmem_shared>>)
    %dma_wait3A_241 = arith.constant 0 : i32
    %dma_wait3A_242 = tpu.memref_slice %arg7[%add3A_77, %dma_wait3A_241] : memref<51200x16xf32, #tpu.memory_space<vmem_shared>> -> memref<128x16xf32, #tpu.memory_space<vmem_shared>>
    %dma_wait3A_243 = arith.constant 0 : i32
    %dma_wait3A_244 = tpu.memref_slice %arg7[%add3A_77, %dma_wait3A_243] : memref<51200x16xf32, #tpu.memory_space<vmem_shared>> -> memref<128x16xf32, #tpu.memory_space<vmem_shared>>
    tpu.wait_dma2 semaphore(%arg8 : memref<!tpu.dma_semaphore, #tpu.memory_space<semaphore_mem>>) src(%arg6 : memref<128x16xf32, #tpu.memory_space<vmem>>) dst(%dma_wait3A_244 : memref<128x16xf32, #tpu.memory_space<vmem_shared>>)
    %dma_wait3A_245 = arith.constant 0 : i32
    %dma_wait3A_246 = tpu.memref_slice %arg7[%add3A_85, %dma_wait3A_245] : memref<51200x16xf32, #tpu.memory_space<vmem_shared>> -> memref<128x16xf32, #tpu.memory_space<vmem_shared>>
    %dma_wait3A_247 = arith.constant 0 : i32
    %dma_wait3A_248 = tpu.memref_slice %arg7[%add3A_85, %dma_wait3A_247] : memref<51200x16xf32, #tpu.memory_space<vmem_shared>> -> memref<128x16xf32, #tpu.memory_space<vmem_shared>>
    tpu.wait_dma2 semaphore(%arg8 : memref<!tpu.dma_semaphore, #tpu.memory_space<semaphore_mem>>) src(%arg6 : memref<128x16xf32, #tpu.memory_space<vmem>>) dst(%dma_wait3A_248 : memref<128x16xf32, #tpu.memory_space<vmem_shared>>)
    %dma_wait3A_249 = arith.constant 0 : i32
    %dma_wait3A_250 = tpu.memref_slice %arg7[%add3A_93, %dma_wait3A_249] : memref<51200x16xf32, #tpu.memory_space<vmem_shared>> -> memref<128x16xf32, #tpu.memory_space<vmem_shared>>
    %dma_wait3A_251 = arith.constant 0 : i32
    %dma_wait3A_252 = tpu.memref_slice %arg7[%add3A_93, %dma_wait3A_251] : memref<51200x16xf32, #tpu.memory_space<vmem_shared>> -> memref<128x16xf32, #tpu.memory_space<vmem_shared>>
    tpu.wait_dma2 semaphore(%arg8 : memref<!tpu.dma_semaphore, #tpu.memory_space<semaphore_mem>>) src(%arg6 : memref<128x16xf32, #tpu.memory_space<vmem>>) dst(%dma_wait3A_252 : memref<128x16xf32, #tpu.memory_space<vmem_shared>>)
    %dma_wait3A_253 = arith.constant 0 : i32
    %dma_wait3A_254 = tpu.memref_slice %arg7[%add3A_101, %dma_wait3A_253] : memref<51200x16xf32, #tpu.memory_space<vmem_shared>> -> memref<128x16xf32, #tpu.memory_space<vmem_shared>>
    %dma_wait3A_255 = arith.constant 0 : i32
    %dma_wait3A_256 = tpu.memref_slice %arg7[%add3A_101, %dma_wait3A_255] : memref<51200x16xf32, #tpu.memory_space<vmem_shared>> -> memref<128x16xf32, #tpu.memory_space<vmem_shared>>
    tpu.wait_dma2 semaphore(%arg8 : memref<!tpu.dma_semaphore, #tpu.memory_space<semaphore_mem>>) src(%arg6 : memref<128x16xf32, #tpu.memory_space<vmem>>) dst(%dma_wait3A_256 : memref<128x16xf32, #tpu.memory_space<vmem_shared>>)
    %dma_wait3A_257 = arith.constant 0 : i32
    %dma_wait3A_258 = tpu.memref_slice %arg7[%add3A_109, %dma_wait3A_257] : memref<51200x16xf32, #tpu.memory_space<vmem_shared>> -> memref<128x16xf32, #tpu.memory_space<vmem_shared>>
    %dma_wait3A_259 = arith.constant 0 : i32
    %dma_wait3A_260 = tpu.memref_slice %arg7[%add3A_109, %dma_wait3A_259] : memref<51200x16xf32, #tpu.memory_space<vmem_shared>> -> memref<128x16xf32, #tpu.memory_space<vmem_shared>>
    tpu.wait_dma2 semaphore(%arg8 : memref<!tpu.dma_semaphore, #tpu.memory_space<semaphore_mem>>) src(%arg6 : memref<128x16xf32, #tpu.memory_space<vmem>>) dst(%dma_wait3A_260 : memref<128x16xf32, #tpu.memory_space<vmem_shared>>)
    %dma_wait3A_261 = arith.constant 0 : i32
    %dma_wait3A_262 = tpu.memref_slice %arg7[%add3A_117, %dma_wait3A_261] : memref<51200x16xf32, #tpu.memory_space<vmem_shared>> -> memref<128x16xf32, #tpu.memory_space<vmem_shared>>
    %dma_wait3A_263 = arith.constant 0 : i32
    %dma_wait3A_264 = tpu.memref_slice %arg7[%add3A_117, %dma_wait3A_263] : memref<51200x16xf32, #tpu.memory_space<vmem_shared>> -> memref<128x16xf32, #tpu.memory_space<vmem_shared>>
    tpu.wait_dma2 semaphore(%arg8 : memref<!tpu.dma_semaphore, #tpu.memory_space<semaphore_mem>>) src(%arg6 : memref<128x16xf32, #tpu.memory_space<vmem>>) dst(%dma_wait3A_264 : memref<128x16xf32, #tpu.memory_space<vmem_shared>>)
    %dma_wait3A_265 = arith.constant 0 : i32
    %dma_wait3A_266 = tpu.memref_slice %arg7[%add3A_125, %dma_wait3A_265] : memref<51200x16xf32, #tpu.memory_space<vmem_shared>> -> memref<128x16xf32, #tpu.memory_space<vmem_shared>>
    %dma_wait3A_267 = arith.constant 0 : i32
    %dma_wait3A_268 = tpu.memref_slice %arg7[%add3A_125, %dma_wait3A_267] : memref<51200x16xf32, #tpu.memory_space<vmem_shared>> -> memref<128x16xf32, #tpu.memory_space<vmem_shared>>
    tpu.wait_dma2 semaphore(%arg8 : memref<!tpu.dma_semaphore, #tpu.memory_space<semaphore_mem>>) src(%arg6 : memref<128x16xf32, #tpu.memory_space<vmem>>) dst(%dma_wait3A_268 : memref<128x16xf32, #tpu.memory_space<vmem_shared>>)
    %dma_wait3A_269 = arith.constant 0 : i32
    %dma_wait3A_270 = tpu.memref_slice %arg7[%add3A_133, %dma_wait3A_269] : memref<51200x16xf32, #tpu.memory_space<vmem_shared>> -> memref<128x16xf32, #tpu.memory_space<vmem_shared>>
    %dma_wait3A_271 = arith.constant 0 : i32
    %dma_wait3A_272 = tpu.memref_slice %arg7[%add3A_133, %dma_wait3A_271] : memref<51200x16xf32, #tpu.memory_space<vmem_shared>> -> memref<128x16xf32, #tpu.memory_space<vmem_shared>>
    tpu.wait_dma2 semaphore(%arg8 : memref<!tpu.dma_semaphore, #tpu.memory_space<semaphore_mem>>) src(%arg6 : memref<128x16xf32, #tpu.memory_space<vmem>>) dst(%dma_wait3A_272 : memref<128x16xf32, #tpu.memory_space<vmem_shared>>)
    %dma_wait3A_273 = arith.constant 0 : i32
    %dma_wait3A_274 = tpu.memref_slice %arg7[%add3A_141, %dma_wait3A_273] : memref<51200x16xf32, #tpu.memory_space<vmem_shared>> -> memref<128x16xf32, #tpu.memory_space<vmem_shared>>
    %dma_wait3A_275 = arith.constant 0 : i32
    %dma_wait3A_276 = tpu.memref_slice %arg7[%add3A_141, %dma_wait3A_275] : memref<51200x16xf32, #tpu.memory_space<vmem_shared>> -> memref<128x16xf32, #tpu.memory_space<vmem_shared>>
    tpu.wait_dma2 semaphore(%arg8 : memref<!tpu.dma_semaphore, #tpu.memory_space<semaphore_mem>>) src(%arg6 : memref<128x16xf32, #tpu.memory_space<vmem>>) dst(%dma_wait3A_276 : memref<128x16xf32, #tpu.memory_space<vmem_shared>>)
    %dma_wait3A_277 = arith.constant 0 : i32
    %dma_wait3A_278 = tpu.memref_slice %arg7[%add3A_149, %dma_wait3A_277] : memref<51200x16xf32, #tpu.memory_space<vmem_shared>> -> memref<128x16xf32, #tpu.memory_space<vmem_shared>>
    %dma_wait3A_279 = arith.constant 0 : i32
    %dma_wait3A_280 = tpu.memref_slice %arg7[%add3A_149, %dma_wait3A_279] : memref<51200x16xf32, #tpu.memory_space<vmem_shared>> -> memref<128x16xf32, #tpu.memory_space<vmem_shared>>
    tpu.wait_dma2 semaphore(%arg8 : memref<!tpu.dma_semaphore, #tpu.memory_space<semaphore_mem>>) src(%arg6 : memref<128x16xf32, #tpu.memory_space<vmem>>) dst(%dma_wait3A_280 : memref<128x16xf32, #tpu.memory_space<vmem_shared>>)
    %dma_wait3A_281 = arith.constant 0 : i32
    %dma_wait3A_282 = tpu.memref_slice %arg7[%add3A_157, %dma_wait3A_281] : memref<51200x16xf32, #tpu.memory_space<vmem_shared>> -> memref<128x16xf32, #tpu.memory_space<vmem_shared>>
    %dma_wait3A_283 = arith.constant 0 : i32
    %dma_wait3A_284 = tpu.memref_slice %arg7[%add3A_157, %dma_wait3A_283] : memref<51200x16xf32, #tpu.memory_space<vmem_shared>> -> memref<128x16xf32, #tpu.memory_space<vmem_shared>>
    tpu.wait_dma2 semaphore(%arg8 : memref<!tpu.dma_semaphore, #tpu.memory_space<semaphore_mem>>) src(%arg6 : memref<128x16xf32, #tpu.memory_space<vmem>>) dst(%dma_wait3A_284 : memref<128x16xf32, #tpu.memory_space<vmem_shared>>)
    %dma_wait3A_285 = arith.constant 0 : i32
    %dma_wait3A_286 = tpu.memref_slice %arg7[%add3A_165, %dma_wait3A_285] : memref<51200x16xf32, #tpu.memory_space<vmem_shared>> -> memref<128x16xf32, #tpu.memory_space<vmem_shared>>
    %dma_wait3A_287 = arith.constant 0 : i32
    %dma_wait3A_288 = tpu.memref_slice %arg7[%add3A_165, %dma_wait3A_287] : memref<51200x16xf32, #tpu.memory_space<vmem_shared>> -> memref<128x16xf32, #tpu.memory_space<vmem_shared>>
    tpu.wait_dma2 semaphore(%arg8 : memref<!tpu.dma_semaphore, #tpu.memory_space<semaphore_mem>>) src(%arg6 : memref<128x16xf32, #tpu.memory_space<vmem>>) dst(%dma_wait3A_288 : memref<128x16xf32, #tpu.memory_space<vmem_shared>>)
    %dma_wait3A_289 = arith.constant 0 : i32
    %dma_wait3A_290 = tpu.memref_slice %arg7[%add3A_173, %dma_wait3A_289] : memref<51200x16xf32, #tpu.memory_space<vmem_shared>> -> memref<128x16xf32, #tpu.memory_space<vmem_shared>>
    %dma_wait3A_291 = arith.constant 0 : i32
    %dma_wait3A_292 = tpu.memref_slice %arg7[%add3A_173, %dma_wait3A_291] : memref<51200x16xf32, #tpu.memory_space<vmem_shared>> -> memref<128x16xf32, #tpu.memory_space<vmem_shared>>
    tpu.wait_dma2 semaphore(%arg8 : memref<!tpu.dma_semaphore, #tpu.memory_space<semaphore_mem>>) src(%arg6 : memref<128x16xf32, #tpu.memory_space<vmem>>) dst(%dma_wait3A_292 : memref<128x16xf32, #tpu.memory_space<vmem_shared>>)
    %dma_wait3A_293 = arith.constant 0 : i32
    %dma_wait3A_294 = tpu.memref_slice %arg7[%add3A_181, %dma_wait3A_293] : memref<51200x16xf32, #tpu.memory_space<vmem_shared>> -> memref<128x16xf32, #tpu.memory_space<vmem_shared>>
    %dma_wait3A_295 = arith.constant 0 : i32
    %dma_wait3A_296 = tpu.memref_slice %arg7[%add3A_181, %dma_wait3A_295] : memref<51200x16xf32, #tpu.memory_space<vmem_shared>> -> memref<128x16xf32, #tpu.memory_space<vmem_shared>>
    tpu.wait_dma2 semaphore(%arg8 : memref<!tpu.dma_semaphore, #tpu.memory_space<semaphore_mem>>) src(%arg6 : memref<128x16xf32, #tpu.memory_space<vmem>>) dst(%dma_wait3A_296 : memref<128x16xf32, #tpu.memory_space<vmem_shared>>)
    %dma_wait3A_297 = arith.constant 0 : i32
    %dma_wait3A_298 = tpu.memref_slice %arg7[%add3A_189, %dma_wait3A_297] : memref<51200x16xf32, #tpu.memory_space<vmem_shared>> -> memref<128x16xf32, #tpu.memory_space<vmem_shared>>
    %dma_wait3A_299 = arith.constant 0 : i32
    %dma_wait3A_300 = tpu.memref_slice %arg7[%add3A_189, %dma_wait3A_299] : memref<51200x16xf32, #tpu.memory_space<vmem_shared>> -> memref<128x16xf32, #tpu.memory_space<vmem_shared>>
    tpu.wait_dma2 semaphore(%arg8 : memref<!tpu.dma_semaphore, #tpu.memory_space<semaphore_mem>>) src(%arg6 : memref<128x16xf32, #tpu.memory_space<vmem>>) dst(%dma_wait3A_300 : memref<128x16xf32, #tpu.memory_space<vmem_shared>>)
    %dma_wait3A_301 = arith.constant 0 : i32
    %dma_wait3A_302 = tpu.memref_slice %arg7[%add3A_197, %dma_wait3A_301] : memref<51200x16xf32, #tpu.memory_space<vmem_shared>> -> memref<128x16xf32, #tpu.memory_space<vmem_shared>>
    %dma_wait3A_303 = arith.constant 0 : i32
    %dma_wait3A_304 = tpu.memref_slice %arg7[%add3A_197, %dma_wait3A_303] : memref<51200x16xf32, #tpu.memory_space<vmem_shared>> -> memref<128x16xf32, #tpu.memory_space<vmem_shared>>
    tpu.wait_dma2 semaphore(%arg8 : memref<!tpu.dma_semaphore, #tpu.memory_space<semaphore_mem>>) src(%arg6 : memref<128x16xf32, #tpu.memory_space<vmem>>) dst(%dma_wait3A_304 : memref<128x16xf32, #tpu.memory_space<vmem_shared>>)
    %dma_wait3A_305 = arith.constant 0 : i32
    %dma_wait3A_306 = tpu.memref_slice %arg7[%add3A_205, %dma_wait3A_305] : memref<51200x16xf32, #tpu.memory_space<vmem_shared>> -> memref<128x16xf32, #tpu.memory_space<vmem_shared>>
    %dma_wait3A_307 = arith.constant 0 : i32
    %dma_wait3A_308 = tpu.memref_slice %arg7[%add3A_205, %dma_wait3A_307] : memref<51200x16xf32, #tpu.memory_space<vmem_shared>> -> memref<128x16xf32, #tpu.memory_space<vmem_shared>>
    tpu.wait_dma2 semaphore(%arg8 : memref<!tpu.dma_semaphore, #tpu.memory_space<semaphore_mem>>) src(%arg6 : memref<128x16xf32, #tpu.memory_space<vmem>>) dst(%dma_wait3A_308 : memref<128x16xf32, #tpu.memory_space<vmem_shared>>)
    %barrier3A = arith.constant 0 : index
    tpu.barrier barrier_id(%barrier3A)
    %scan3A_309 = arith.constant 0 : i32
    %scan3A_310 = arith.constant 0 : i32
    %scan3A_311 = arith.constant 19 : i32
    %scan3A_312 = arith.addi %scan3A_310, %scan3A_311 : i32
    %scan3A_313 = arith.constant 1 : i32
    %scan3A_314 = scf.for %scan3A_322 = %scan3A_310 to %scan3A_312 step %scan3A_313 iter_args(%scan3A_323 = %scan3A_309) -> (i32)  : i32 {
      %mul3A_324 = arith.constant 622592 : i32
      %mul3A_325 = arith.muli %arg0, %mul3A_324 : i32
      %mul3A_326 = arith.constant 38912 : i32
      %mul3A_327 = arith.muli %arg1, %mul3A_326 : i32
      %add3A_328 = arith.addi %mul3A_325, %mul3A_327 : i32
      %mul3A_329 = arith.constant 2048 : i32
      %mul3A_330 = arith.muli %scan3A_322, %mul3A_329 : i32
      %add3A_331 = arith.addi %add3A_328, %mul3A_330 : i32
      %dma_start3A_332 = tpu.memref_slice %arg2[%add3A_331] : memref<1245184xi32, #tpu.memory_space<hbm>> -> memref<2048xi32, #tpu.memory_space<hbm>>
      %dma_start3A_333 = tpu.memref_slice %arg2[%add3A_331] : memref<1245184xi32, #tpu.memory_space<hbm>> -> memref<2048xi32, #tpu.memory_space<hbm>>
      tpu.enqueue_dma source(%dma_start3A_333 : memref<2048xi32, #tpu.memory_space<hbm>>) target(%arg4 : memref<2048xi32, #tpu.memory_space<vmem>>) target_semaphore(%arg8 : memref<!tpu.dma_semaphore, #tpu.memory_space<semaphore_mem>>)
      %dma_wait3A_334 = tpu.memref_slice %arg2[%add3A_331] : memref<1245184xi32, #tpu.memory_space<hbm>> -> memref<2048xi32, #tpu.memory_space<hbm>>
      %dma_wait3A_335 = tpu.memref_slice %arg2[%add3A_331] : memref<1245184xi32, #tpu.memory_space<hbm>> -> memref<2048xi32, #tpu.memory_space<hbm>>
      tpu.wait_dma2 semaphore(%arg8 : memref<!tpu.dma_semaphore, #tpu.memory_space<semaphore_mem>>) src(%dma_wait3A_335 : memref<2048xi32, #tpu.memory_space<hbm>>) dst(%arg4 : memref<2048xi32, #tpu.memory_space<vmem>>)
      %dma_start3A_336 = arith.constant 0 : i32
      %dma_start3A_337 = arith.constant 0 : i32
      %dma_start3A_338 = tpu.memref_slice %arg7[%dma_start3A_336, %dma_start3A_337] : memref<51200x16xf32, #tpu.memory_space<vmem_shared>> -> memref<51200x16xf32, #tpu.memory_space<vmem_shared>>
      tpu.enqueue_indirect_dma source(%arg5 : memref<2048x16xf32, #tpu.memory_space<vmem>>) target(%dma_start3A_338 : memref<51200x16xf32, #tpu.memory_space<vmem_shared>>) offsets(%arg4 : memref<2048xi32, #tpu.memory_space<vmem>>) semaphore(%arg9 : memref<!tpu.dma_semaphore, #tpu.memory_space<semaphore_mem>>) {add = true}
      %dma_wait3A_339 = arith.constant 0 : i32
      %dma_wait3A_340 = arith.constant 0 : i32
      %dma_wait3A_341 = tpu.memref_slice %arg7[%dma_wait3A_339, %dma_wait3A_340] : memref<51200x16xf32, #tpu.memory_space<vmem_shared>> -> memref<51200x16xf32, #tpu.memory_space<vmem_shared>>
      tpu.wait_indirect_dma semaphore(%arg9 : memref<!tpu.dma_semaphore, #tpu.memory_space<semaphore_mem>>) src(%arg5 : memref<2048x16xf32, #tpu.memory_space<vmem>>) dst(%dma_wait3A_341 : memref<51200x16xf32, #tpu.memory_space<vmem_shared>>)
      %scan3A_342 = arith.constant 0 : i32
      scf.yield %scan3A_342 : i32
    }
    %scan3A_315 = arith.constant 19 : i32
    %barrier3A_316 = arith.constant 0 : index
    tpu.barrier barrier_id(%barrier3A_316)
    %mul3A_317 = arith.constant 3200 : i32
    %mul3A_318 = arith.muli %arg1, %mul3A_317 : i32
    %mul3A_319 = arith.constant 51200 : i32
    %mul3A_320 = arith.muli %arg0, %mul3A_319 : i32
    %add3A_321 = arith.addi %mul3A_320, %mul3A_318 : i32
    "tpu.region"() ({
      %run_scoped3A = tpu.sem_alloc : memref<!tpu.dma_semaphore, #tpu.memory_space<semaphore_mem>>
      %dma_start3A_322 = arith.constant 0 : i32
      %dma_start3A_323 = tpu.memref_slice %arg3[%add3A_321, %dma_start3A_322] : memref<102400x16xf32, #tpu.memory_space<hbm>> -> memref<3200x16xf32, #tpu.memory_space<hbm>>
      %dma_start3A_324 = arith.constant 0 : i32
      %dma_start3A_325 = tpu.memref_slice %arg7[%mul3A_318, %dma_start3A_324] : memref<51200x16xf32, #tpu.memory_space<vmem_shared>> -> memref<3200x16xf32, #tpu.memory_space<vmem_shared>>
      tpu.enqueue_dma source(%dma_start3A_325 : memref<3200x16xf32, #tpu.memory_space<vmem_shared>>) target(%dma_start3A_323 : memref<3200x16xf32, #tpu.memory_space<hbm>>) target_semaphore(%run_scoped3A : memref<!tpu.dma_semaphore, #tpu.memory_space<semaphore_mem>>)
      %dma_wait3A_326 = arith.constant 0 : i32
      %dma_wait3A_327 = tpu.memref_slice %arg3[%add3A_321, %dma_wait3A_326] : memref<102400x16xf32, #tpu.memory_space<hbm>> -> memref<3200x16xf32, #tpu.memory_space<hbm>>
      %dma_wait3A_328 = arith.constant 0 : i32
      %dma_wait3A_329 = tpu.memref_slice %arg7[%mul3A_318, %dma_wait3A_328] : memref<51200x16xf32, #tpu.memory_space<vmem_shared>> -> memref<3200x16xf32, #tpu.memory_space<vmem_shared>>
      tpu.wait_dma2 semaphore(%run_scoped3A : memref<!tpu.dma_semaphore, #tpu.memory_space<semaphore_mem>>) src(%dma_wait3A_329 : memref<3200x16xf32, #tpu.memory_space<vmem_shared>>) dst(%dma_wait3A_327 : memref<3200x16xf32, #tpu.memory_space<hbm>>)
      tpu.yield
    }) : () -> ()
    return
  }
}

module attributes {stable_mosaic.version = 14 : i64} {
  func.func @_dense1_body(%arg0: i32, %arg1: memref<1024x128xf32, #tpu.memory_space<vmem>>, %arg2: memref<1024x128xf32, #tpu.memory_space<vmem>>, %arg3: memref<128x64xf32, #tpu.memory_space<vmem>>, %arg4: memref<128x64xf32, #tpu.memory_space<vmem>>, %arg5: memref<128x64xf32, #tpu.memory_space<vmem>>, %arg6: memref<128x64xf32, #tpu.memory_space<vmem>>, %arg7: memref<2x64xf32, #tpu.memory_space<vmem>>, %arg8: memref<1024x64xf32, #tpu.memory_space<vmem>>, %arg9: memref<1024x64xf32, #tpu.memory_space<vmem>>, %arg10: memref<1024x64xf32, #tpu.memory_space<vmem>>, %arg11: memref<1024x64xf32, #tpu.memory_space<vmem>>) attributes {dimension_semantics = [#tpu.dimension_semantics<arbitrary>], iteration_bounds = array<i64: 50>, scalar_prefetch = 0 : i64, scratch_operands = 0 : i64, tpu.core_type = #tpu.core_type<tc>, window_params = [{transform_indices = @transform_0, window_bounds = array<i64: 1024, 128>}, {transform_indices = @transform_1, window_bounds = array<i64: 1024, 128>}, {pipeline_mode = #tpu.pipeline_mode<synchronous>, transform_indices = @transform_2, window_bounds = array<i64: 128, 64>}, {pipeline_mode = #tpu.pipeline_mode<synchronous>, transform_indices = @transform_3, window_bounds = array<i64: 128, 64>}, {pipeline_mode = #tpu.pipeline_mode<synchronous>, transform_indices = @transform_4, window_bounds = array<i64: 128, 64>}, {pipeline_mode = #tpu.pipeline_mode<synchronous>, transform_indices = @transform_5, window_bounds = array<i64: 128, 64>}, {pipeline_mode = #tpu.pipeline_mode<synchronous>, transform_indices = @transform_6, window_bounds = array<i64: 2, 64>}, {transform_indices = @transform_7, window_bounds = array<i64: 1024, 64>}, {transform_indices = @transform_8, window_bounds = array<i64: 1024, 64>}, {transform_indices = @transform_9, window_bounds = array<i64: 1024, 64>}, {transform_indices = @transform_10, window_bounds = array<i64: 1024, 64>}]} {
    %get3A = arith.constant 0 : index
    %get3A_0 = arith.constant 0 : index
    %get3A_1 = vector.load %arg1[%get3A, %get3A_0] : memref<1024x128xf32, #tpu.memory_space<vmem>>, vector<1024x128xf32>
    %get3A_2 = arith.constant 0 : index
    %get3A_3 = arith.constant 0 : index
    %get3A_4 = vector.load %arg3[%get3A_2, %get3A_3] : memref<128x64xf32, #tpu.memory_space<vmem>>, vector<128x64xf32>
    %dot_general3A = arith.constant dense<0.000000e+00> : vector<1024x64xf32>
    %dot_general3A_5 = tpu.matmul %get3A_1, %get3A_4, %dot_general3A {dimension_numbers = #tpu.dot_dimension_numbers<[1], [0], [0], [1], [0, 0, 1, 1], [], []>, transpose_lhs_hint = false} : vector<1024x128xf32>, vector<128x64xf32>, vector<1024x64xf32> -> vector<1024x64xf32>
    %swap3A = arith.constant 0 : index
    %swap3A_6 = arith.constant 0 : index
    %swap3A_7 = vector.load %arg8[%swap3A, %swap3A_6] : memref<1024x64xf32, #tpu.memory_space<vmem>>, vector<1024x64xf32>
    tpu.vector_store %arg8[%swap3A, %swap3A_6], %dot_general3A_5 {strides = array<i32>} : memref<1024x64xf32, #tpu.memory_space<vmem>>, vector<1024x64xf32>,
    %get3A_8 = arith.constant 0 : index
    %get3A_9 = arith.constant 0 : index
    %get3A_10 = vector.load %arg2[%get3A_8, %get3A_9] : memref<1024x128xf32, #tpu.memory_space<vmem>>, vector<1024x128xf32>
    %get3A_11 = arith.constant 0 : index
    %get3A_12 = arith.constant 0 : index
    %get3A_13 = vector.load %arg4[%get3A_11, %get3A_12] : memref<128x64xf32, #tpu.memory_space<vmem>>, vector<128x64xf32>
    %dot_general3A_14 = arith.constant dense<0.000000e+00> : vector<1024x64xf32>
    %dot_general3A_15 = tpu.matmul %get3A_10, %get3A_13, %dot_general3A_14 {dimension_numbers = #tpu.dot_dimension_numbers<[1], [0], [0], [1], [0, 0, 1, 1], [], []>, transpose_lhs_hint = false} : vector<1024x128xf32>, vector<128x64xf32>, vector<1024x64xf32> -> vector<1024x64xf32>
    %swap3A_16 = arith.constant 0 : index
    %swap3A_17 = arith.constant 0 : index
    %swap3A_18 = vector.load %arg9[%swap3A_16, %swap3A_17] : memref<1024x64xf32, #tpu.memory_space<vmem>>, vector<1024x64xf32>
    tpu.vector_store %arg9[%swap3A_16, %swap3A_17], %dot_general3A_15 {strides = array<i32>} : memref<1024x64xf32, #tpu.memory_space<vmem>>, vector<1024x64xf32>,
    %get3A_19 = arith.constant 0 : index
    %get3A_20 = arith.constant 0 : index
    %get3A_21 = vector.load %arg2[%get3A_19, %get3A_20] : memref<1024x128xf32, #tpu.memory_space<vmem>>, vector<1024x128xf32>
    %get3A_22 = arith.constant 0 : index
    %get3A_23 = arith.constant 0 : index
    %get3A_24 = vector.load %arg5[%get3A_22, %get3A_23] : memref<128x64xf32, #tpu.memory_space<vmem>>, vector<128x64xf32>
    %dot_general3A_25 = arith.constant dense<0.000000e+00> : vector<1024x64xf32>
    %dot_general3A_26 = tpu.matmul %get3A_21, %get3A_24, %dot_general3A_25 {dimension_numbers = #tpu.dot_dimension_numbers<[1], [0], [0], [1], [0, 0, 1, 1], [], []>, transpose_lhs_hint = false} : vector<1024x128xf32>, vector<128x64xf32>, vector<1024x64xf32> -> vector<1024x64xf32>
    %get3A_27 = arith.constant 0 : index
    %get3A_28 = arith.constant 0 : index
    %get3A_29 = vector.load %arg7[%get3A_27, %get3A_28] : memref<2x64xf32, #tpu.memory_space<vmem>>, vector<1x64xf32>
    %add3A = vector.broadcast %get3A_29 : vector<1x64xf32> to vector<1024x64xf32>
    %add3A_30 = arith.addf %dot_general3A_26, %add3A : vector<1024x64xf32>
    %swap3A_31 = arith.constant 0 : index
    %swap3A_32 = arith.constant 0 : index
    %swap3A_33 = vector.load %arg10[%swap3A_31, %swap3A_32] : memref<1024x64xf32, #tpu.memory_space<vmem>>, vector<1024x64xf32>
    tpu.vector_store %arg10[%swap3A_31, %swap3A_32], %add3A_30 {strides = array<i32>} : memref<1024x64xf32, #tpu.memory_space<vmem>>, vector<1024x64xf32>,
    %get3A_34 = arith.constant 0 : index
    %get3A_35 = arith.constant 0 : index
    %get3A_36 = vector.load %arg1[%get3A_34, %get3A_35] : memref<1024x128xf32, #tpu.memory_space<vmem>>, vector<1024x128xf32>
    %get3A_37 = arith.constant 0 : index
    %get3A_38 = arith.constant 0 : index
    %get3A_39 = vector.load %arg6[%get3A_37, %get3A_38] : memref<128x64xf32, #tpu.memory_space<vmem>>, vector<128x64xf32>
    %dot_general3A_40 = arith.constant dense<0.000000e+00> : vector<1024x64xf32>
    %dot_general3A_41 = tpu.matmul %get3A_36, %get3A_39, %dot_general3A_40 {dimension_numbers = #tpu.dot_dimension_numbers<[1], [0], [0], [1], [0, 0, 1, 1], [], []>, transpose_lhs_hint = false} : vector<1024x128xf32>, vector<128x64xf32>, vector<1024x64xf32> -> vector<1024x64xf32>
    %get3A_42 = arith.constant 1 : index
    %get3A_43 = arith.constant 0 : index
    %get3A_44 = vector.load %arg7[%get3A_42, %get3A_43] : memref<2x64xf32, #tpu.memory_space<vmem>>, vector<1x64xf32>
    %add3A_45 = vector.broadcast %get3A_44 : vector<1x64xf32> to vector<1024x64xf32>
    %add3A_46 = arith.addf %dot_general3A_41, %add3A_45 : vector<1024x64xf32>
    %swap3A_47 = arith.constant 0 : index
    %swap3A_48 = arith.constant 0 : index
    %swap3A_49 = vector.load %arg11[%swap3A_47, %swap3A_48] : memref<1024x64xf32, #tpu.memory_space<vmem>>, vector<1024x64xf32>
    tpu.vector_store %arg11[%swap3A_47, %swap3A_48], %add3A_46 {strides = array<i32>} : memref<1024x64xf32, #tpu.memory_space<vmem>>, vector<1024x64xf32>,
    return
  }
  func.func @transform_0(%arg0: i32) -> (i32, i32) {
    %c0_i32 = arith.constant 0 : i32
    %c0_i32_0 = arith.constant 0 : i32
    return %arg0, %c0_i32 : i32, i32
  }
  func.func @transform_1(%arg0: i32) -> (i32, i32) {
    %c0_i32 = arith.constant 0 : i32
    %c0_i32_0 = arith.constant 0 : i32
    return %arg0, %c0_i32 : i32, i32
  }
  func.func @transform_2(%arg0: i32) -> (i32, i32) {
    %c0_i32 = arith.constant 0 : i32
    %c0_i32_0 = arith.constant 0 : i32
    %c0_i32_1 = arith.constant 0 : i32
    return %c0_i32, %c0_i32_0 : i32, i32
  }
  func.func @transform_3(%arg0: i32) -> (i32, i32) {
    %c0_i32 = arith.constant 0 : i32
    %c0_i32_0 = arith.constant 0 : i32
    %c0_i32_1 = arith.constant 0 : i32
    return %c0_i32, %c0_i32_0 : i32, i32
  }
  func.func @transform_4(%arg0: i32) -> (i32, i32) {
    %c0_i32 = arith.constant 0 : i32
    %c0_i32_0 = arith.constant 0 : i32
    %c0_i32_1 = arith.constant 0 : i32
    return %c0_i32, %c0_i32_0 : i32, i32
  }
  func.func @transform_5(%arg0: i32) -> (i32, i32) {
    %c0_i32 = arith.constant 0 : i32
    %c0_i32_0 = arith.constant 0 : i32
    %c0_i32_1 = arith.constant 0 : i32
    return %c0_i32, %c0_i32_0 : i32, i32
  }
  func.func @transform_6(%arg0: i32) -> (i32, i32) {
    %c0_i32 = arith.constant 0 : i32
    %c0_i32_0 = arith.constant 0 : i32
    %c0_i32_1 = arith.constant 0 : i32
    return %c0_i32, %c0_i32_0 : i32, i32
  }
  func.func @transform_7(%arg0: i32) -> (i32, i32) {
    %c0_i32 = arith.constant 0 : i32
    %c0_i32_0 = arith.constant 0 : i32
    return %arg0, %c0_i32 : i32, i32
  }
  func.func @transform_8(%arg0: i32) -> (i32, i32) {
    %c0_i32 = arith.constant 0 : i32
    %c0_i32_0 = arith.constant 0 : i32
    return %arg0, %c0_i32 : i32, i32
  }
  func.func @transform_9(%arg0: i32) -> (i32, i32) {
    %c0_i32 = arith.constant 0 : i32
    %c0_i32_0 = arith.constant 0 : i32
    return %arg0, %c0_i32 : i32, i32
  }
  func.func @transform_10(%arg0: i32) -> (i32, i32) {
    %c0_i32 = arith.constant 0 : i32
    %c0_i32_0 = arith.constant 0 : i32
    return %arg0, %c0_i32 : i32, i32
  }
}

module attributes {stable_mosaic.version = 14 : i64} {
  func.func @_dense2_body(%arg0: i32, %arg1: memref<1024x32xf32, #tpu.memory_space<vmem>>, %arg2: memref<1024x32xf32, #tpu.memory_space<vmem>>, %arg3: memref<1024x32xf32, #tpu.memory_space<vmem>>, %arg4: memref<1024x32xf32, #tpu.memory_space<vmem>>, %arg5: memref<1024x16xf32, #tpu.memory_space<vmem>>, %arg6: memref<1024x16xf32, #tpu.memory_space<vmem>>, %arg7: memref<1024x64xf32, #tpu.memory_space<vmem>>, %arg8: memref<1024x64xf32, #tpu.memory_space<vmem>>, %arg9: memref<64x64xf32, #tpu.memory_space<vmem>>, %arg10: memref<64x64xf32, #tpu.memory_space<vmem>>, %arg11: memref<64x64xf32, #tpu.memory_space<vmem>>, %arg12: memref<64x64xf32, #tpu.memory_space<vmem>>, %arg13: memref<2x64xf32, #tpu.memory_space<vmem>>, %arg14: memref<1024x64xf32, #tpu.memory_space<vmem>>, %arg15: memref<1024x64xf32, #tpu.memory_space<vmem>>, %arg16: memref<1024x64xf32, #tpu.memory_space<vmem>>, %arg17: memref<1024x64xf32, #tpu.memory_space<vmem>>) attributes {dimension_semantics = [#tpu.dimension_semantics<arbitrary>], iteration_bounds = array<i64: 50>, scalar_prefetch = 0 : i64, scratch_operands = 0 : i64, tpu.core_type = #tpu.core_type<tc>, window_params = [{transform_indices = @transform_0, window_bounds = array<i64: 1024, 32>}, {transform_indices = @transform_1, window_bounds = array<i64: 1024, 32>}, {transform_indices = @transform_2, window_bounds = array<i64: 1024, 32>}, {transform_indices = @transform_3, window_bounds = array<i64: 1024, 32>}, {transform_indices = @transform_4, window_bounds = array<i64: 1024, 16>}, {transform_indices = @transform_5, window_bounds = array<i64: 1024, 16>}, {transform_indices = @transform_6, window_bounds = array<i64: 1024, 64>}, {transform_indices = @transform_7, window_bounds = array<i64: 1024, 64>}, {pipeline_mode = #tpu.pipeline_mode<synchronous>, transform_indices = @transform_8, window_bounds = array<i64: 64, 64>}, {pipeline_mode = #tpu.pipeline_mode<synchronous>, transform_indices = @transform_9, window_bounds = array<i64: 64, 64>}, {pipeline_mode = #tpu.pipeline_mode<synchronous>, transform_indices = @transform_10, window_bounds = array<i64: 64, 64>}, {pipeline_mode = #tpu.pipeline_mode<synchronous>, transform_indices = @transform_11, window_bounds = array<i64: 64, 64>}, {pipeline_mode = #tpu.pipeline_mode<synchronous>, transform_indices = @transform_12, window_bounds = array<i64: 2, 64>}, {transform_indices = @transform_13, window_bounds = array<i64: 1024, 64>}, {transform_indices = @transform_14, window_bounds = array<i64: 1024, 64>}, {transform_indices = @transform_15, window_bounds = array<i64: 1024, 64>}, {transform_indices = @transform_16, window_bounds = array<i64: 1024, 64>}]} {
    %get3A = arith.constant 0 : index
    %get3A_0 = arith.constant 0 : index
    %get3A_1 = vector.load %arg1[%get3A, %get3A_0] : memref<1024x32xf32, #tpu.memory_space<vmem>>, vector<1024x32xf32>
    %get3A_2 = arith.constant 0 : index
    %get3A_3 = arith.constant 0 : index
    %get3A_4 = vector.load %arg2[%get3A_2, %get3A_3] : memref<1024x32xf32, #tpu.memory_space<vmem>>, vector<1024x32xf32>
    %concatenate3A = tpu.concatenate %get3A_1, %get3A_4 in 1 : vector<1024x32xf32>, vector<1024x32xf32> -> vector<1024x64xf32>
    %get3A_5 = arith.constant 0 : index
    %get3A_6 = arith.constant 0 : index
    %get3A_7 = vector.load %arg3[%get3A_5, %get3A_6] : memref<1024x32xf32, #tpu.memory_space<vmem>>, vector<1024x32xf32>
    %get3A_8 = arith.constant 0 : index
    %get3A_9 = arith.constant 0 : index
    %get3A_10 = vector.load %arg4[%get3A_8, %get3A_9] : memref<1024x32xf32, #tpu.memory_space<vmem>>, vector<1024x32xf32>
    %concatenate3A_11 = tpu.concatenate %get3A_7, %get3A_10 in 1 : vector<1024x32xf32>, vector<1024x32xf32> -> vector<1024x64xf32>
    %get3A_12 = arith.constant 0 : index
    %get3A_13 = arith.constant 0 : index
    %get3A_14 = vector.load %arg5[%get3A_12, %get3A_13] : memref<1024x16xf32, #tpu.memory_space<vmem>>, vector<1024x1xf32>
    %max3A = arith.constant 1.000000e+00 : f32
    %max3A_15 = vector.broadcast %max3A : f32 to vector<1024x1xf32>
    %max3A_16 = arith.maximumf %get3A_14, %max3A_15 : vector<1024x1xf32>
    %div3A = arith.constant 1.000000e+00 : f32
    %div3A_17 = vector.broadcast %div3A : f32 to vector<1024x1xf32>
    %div3A_18 = arith.divf %div3A_17, %max3A_16 : vector<1024x1xf32>
    %get3A_19 = arith.constant 0 : index
    %get3A_20 = arith.constant 0 : index
    %get3A_21 = vector.load %arg6[%get3A_19, %get3A_20] : memref<1024x16xf32, #tpu.memory_space<vmem>>, vector<1024x1xf32>
    %max3A_22 = arith.constant 1.000000e+00 : f32
    %max3A_23 = vector.broadcast %max3A_22 : f32 to vector<1024x1xf32>
    %max3A_24 = arith.maximumf %get3A_21, %max3A_23 : vector<1024x1xf32>
    %div3A_25 = arith.constant 1.000000e+00 : f32
    %div3A_26 = vector.broadcast %div3A_25 : f32 to vector<1024x1xf32>
    %div3A_27 = arith.divf %div3A_26, %max3A_24 : vector<1024x1xf32>
    %mul3A = vector.broadcast %div3A_18 : vector<1024x1xf32> to vector<1024x64xf32>
    %mul3A_28 = arith.mulf %concatenate3A, %mul3A : vector<1024x64xf32>
    %get3A_29 = arith.constant 0 : index
    %get3A_30 = arith.constant 0 : index
    %get3A_31 = vector.load %arg7[%get3A_29, %get3A_30] : memref<1024x64xf32, #tpu.memory_space<vmem>>, vector<1024x64xf32>
    %add3A = arith.addf %mul3A_28, %get3A_31 : vector<1024x64xf32>
    %max3A_32 = arith.constant 0.000000e+00 : f32
    %max3A_33 = vector.broadcast %max3A_32 : f32 to vector<1024x64xf32>
    %max3A_34 = arith.maximumf %add3A, %max3A_33 : vector<1024x64xf32>
    %mul3A_35 = vector.broadcast %div3A_27 : vector<1024x1xf32> to vector<1024x64xf32>
    %mul3A_36 = arith.mulf %concatenate3A_11, %mul3A_35 : vector<1024x64xf32>
    %get3A_37 = arith.constant 0 : index
    %get3A_38 = arith.constant 0 : index
    %get3A_39 = vector.load %arg8[%get3A_37, %get3A_38] : memref<1024x64xf32, #tpu.memory_space<vmem>>, vector<1024x64xf32>
    %add3A_40 = arith.addf %mul3A_36, %get3A_39 : vector<1024x64xf32>
    %max3A_41 = arith.constant 0.000000e+00 : f32
    %max3A_42 = vector.broadcast %max3A_41 : f32 to vector<1024x64xf32>
    %max3A_43 = arith.maximumf %add3A_40, %max3A_42 : vector<1024x64xf32>
    %get3A_44 = arith.constant 0 : index
    %get3A_45 = arith.constant 0 : index
    %get3A_46 = vector.load %arg9[%get3A_44, %get3A_45] : memref<64x64xf32, #tpu.memory_space<vmem>>, vector<64x64xf32>
    %dot_general3A = arith.constant dense<0.000000e+00> : vector<1024x64xf32>
    %dot_general3A_47 = tpu.matmul %max3A_43, %get3A_46, %dot_general3A {dimension_numbers = #tpu.dot_dimension_numbers<[1], [0], [0], [1], [0, 0, 1, 1], [], []>, transpose_lhs_hint = false} : vector<1024x64xf32>, vector<64x64xf32>, vector<1024x64xf32> -> vector<1024x64xf32>
    %swap3A = arith.constant 0 : index
    %swap3A_48 = arith.constant 0 : index
    %swap3A_49 = vector.load %arg14[%swap3A, %swap3A_48] : memref<1024x64xf32, #tpu.memory_space<vmem>>, vector<1024x64xf32>
    tpu.vector_store %arg14[%swap3A, %swap3A_48], %dot_general3A_47 {strides = array<i32>} : memref<1024x64xf32, #tpu.memory_space<vmem>>, vector<1024x64xf32>,
    %get3A_50 = arith.constant 0 : index
    %get3A_51 = arith.constant 0 : index
    %get3A_52 = vector.load %arg10[%get3A_50, %get3A_51] : memref<64x64xf32, #tpu.memory_space<vmem>>, vector<64x64xf32>
    %dot_general3A_53 = arith.constant dense<0.000000e+00> : vector<1024x64xf32>
    %dot_general3A_54 = tpu.matmul %max3A_34, %get3A_52, %dot_general3A_53 {dimension_numbers = #tpu.dot_dimension_numbers<[1], [0], [0], [1], [0, 0, 1, 1], [], []>, transpose_lhs_hint = false} : vector<1024x64xf32>, vector<64x64xf32>, vector<1024x64xf32> -> vector<1024x64xf32>
    %swap3A_55 = arith.constant 0 : index
    %swap3A_56 = arith.constant 0 : index
    %swap3A_57 = vector.load %arg15[%swap3A_55, %swap3A_56] : memref<1024x64xf32, #tpu.memory_space<vmem>>, vector<1024x64xf32>
    tpu.vector_store %arg15[%swap3A_55, %swap3A_56], %dot_general3A_54 {strides = array<i32>} : memref<1024x64xf32, #tpu.memory_space<vmem>>, vector<1024x64xf32>,
    %get3A_58 = arith.constant 0 : index
    %get3A_59 = arith.constant 0 : index
    %get3A_60 = vector.load %arg11[%get3A_58, %get3A_59] : memref<64x64xf32, #tpu.memory_space<vmem>>, vector<64x64xf32>
    %dot_general3A_61 = arith.constant dense<0.000000e+00> : vector<1024x64xf32>
    %dot_general3A_62 = tpu.matmul %max3A_34, %get3A_60, %dot_general3A_61 {dimension_numbers = #tpu.dot_dimension_numbers<[1], [0], [0], [1], [0, 0, 1, 1], [], []>, transpose_lhs_hint = false} : vector<1024x64xf32>, vector<64x64xf32>, vector<1024x64xf32> -> vector<1024x64xf32>
    %get3A_63 = arith.constant 0 : index
    %get3A_64 = arith.constant 0 : index
    %get3A_65 = vector.load %arg13[%get3A_63, %get3A_64] : memref<2x64xf32, #tpu.memory_space<vmem>>, vector<1x64xf32>
    %add3A_66 = vector.broadcast %get3A_65 : vector<1x64xf32> to vector<1024x64xf32>
    %add3A_67 = arith.addf %dot_general3A_62, %add3A_66 : vector<1024x64xf32>
    %swap3A_68 = arith.constant 0 : index
    %swap3A_69 = arith.constant 0 : index
    %swap3A_70 = vector.load %arg16[%swap3A_68, %swap3A_69] : memref<1024x64xf32, #tpu.memory_space<vmem>>, vector<1024x64xf32>
    tpu.vector_store %arg16[%swap3A_68, %swap3A_69], %add3A_67 {strides = array<i32>} : memref<1024x64xf32, #tpu.memory_space<vmem>>, vector<1024x64xf32>,
    %get3A_71 = arith.constant 0 : index
    %get3A_72 = arith.constant 0 : index
    %get3A_73 = vector.load %arg12[%get3A_71, %get3A_72] : memref<64x64xf32, #tpu.memory_space<vmem>>, vector<64x64xf32>
    %dot_general3A_74 = arith.constant dense<0.000000e+00> : vector<1024x64xf32>
    %dot_general3A_75 = tpu.matmul %max3A_43, %get3A_73, %dot_general3A_74 {dimension_numbers = #tpu.dot_dimension_numbers<[1], [0], [0], [1], [0, 0, 1, 1], [], []>, transpose_lhs_hint = false} : vector<1024x64xf32>, vector<64x64xf32>, vector<1024x64xf32> -> vector<1024x64xf32>
    %get3A_76 = arith.constant 1 : index
    %get3A_77 = arith.constant 0 : index
    %get3A_78 = vector.load %arg13[%get3A_76, %get3A_77] : memref<2x64xf32, #tpu.memory_space<vmem>>, vector<1x64xf32>
    %add3A_79 = vector.broadcast %get3A_78 : vector<1x64xf32> to vector<1024x64xf32>
    %add3A_80 = arith.addf %dot_general3A_75, %add3A_79 : vector<1024x64xf32>
    %swap3A_81 = arith.constant 0 : index
    %swap3A_82 = arith.constant 0 : index
    %swap3A_83 = vector.load %arg17[%swap3A_81, %swap3A_82] : memref<1024x64xf32, #tpu.memory_space<vmem>>, vector<1024x64xf32>
    tpu.vector_store %arg17[%swap3A_81, %swap3A_82], %add3A_80 {strides = array<i32>} : memref<1024x64xf32, #tpu.memory_space<vmem>>, vector<1024x64xf32>,
    return
  }
  func.func @transform_0(%arg0: i32) -> (i32, i32) {
    %c0_i32 = arith.constant 0 : i32
    %c0_i32_0 = arith.constant 0 : i32
    return %arg0, %c0_i32 : i32, i32
  }
  func.func @transform_1(%arg0: i32) -> (i32, i32) {
    %add3A = arith.constant 50 : i32
    %add3A_0 = arith.addi %arg0, %add3A : i32
    %c0_i32 = arith.constant 0 : i32
    %c0_i32_1 = arith.constant 0 : i32
    return %add3A_0, %c0_i32 : i32, i32
  }
  func.func @transform_2(%arg0: i32) -> (i32, i32) {
    %c0_i32 = arith.constant 0 : i32
    %c0_i32_0 = arith.constant 0 : i32
    return %arg0, %c0_i32 : i32, i32
  }
  func.func @transform_3(%arg0: i32) -> (i32, i32) {
    %add3A = arith.constant 50 : i32
    %add3A_0 = arith.addi %arg0, %add3A : i32
    %c0_i32 = arith.constant 0 : i32
    %c0_i32_1 = arith.constant 0 : i32
    return %add3A_0, %c0_i32 : i32, i32
  }
  func.func @transform_4(%arg0: i32) -> (i32, i32) {
    %c0_i32 = arith.constant 0 : i32
    %c0_i32_0 = arith.constant 0 : i32
    return %arg0, %c0_i32 : i32, i32
  }
  func.func @transform_5(%arg0: i32) -> (i32, i32) {
    %add3A = arith.constant 50 : i32
    %add3A_0 = arith.addi %arg0, %add3A : i32
    %c0_i32 = arith.constant 0 : i32
    %c0_i32_1 = arith.constant 0 : i32
    return %add3A_0, %c0_i32 : i32, i32
  }
  func.func @transform_6(%arg0: i32) -> (i32, i32) {
    %c0_i32 = arith.constant 0 : i32
    %c0_i32_0 = arith.constant 0 : i32
    return %arg0, %c0_i32 : i32, i32
  }
  func.func @transform_7(%arg0: i32) -> (i32, i32) {
    %c0_i32 = arith.constant 0 : i32
    %c0_i32_0 = arith.constant 0 : i32
    return %arg0, %c0_i32 : i32, i32
  }
  func.func @transform_8(%arg0: i32) -> (i32, i32) {
    %c0_i32 = arith.constant 0 : i32
    %c0_i32_0 = arith.constant 0 : i32
    %c0_i32_1 = arith.constant 0 : i32
    return %c0_i32, %c0_i32_0 : i32, i32
  }
  func.func @transform_9(%arg0: i32) -> (i32, i32) {
    %c0_i32 = arith.constant 0 : i32
    %c0_i32_0 = arith.constant 0 : i32
    %c0_i32_1 = arith.constant 0 : i32
    return %c0_i32, %c0_i32_0 : i32, i32
  }
  func.func @transform_10(%arg0: i32) -> (i32, i32) {
    %c0_i32 = arith.constant 0 : i32
    %c0_i32_0 = arith.constant 0 : i32
    %c0_i32_1 = arith.constant 0 : i32
    return %c0_i32, %c0_i32_0 : i32, i32
  }
  func.func @transform_11(%arg0: i32) -> (i32, i32) {
    %c0_i32 = arith.constant 0 : i32
    %c0_i32_0 = arith.constant 0 : i32
    %c0_i32_1 = arith.constant 0 : i32
    return %c0_i32, %c0_i32_0 : i32, i32
  }
  func.func @transform_12(%arg0: i32) -> (i32, i32) {
    %c0_i32 = arith.constant 0 : i32
    %c0_i32_0 = arith.constant 0 : i32
    %c0_i32_1 = arith.constant 0 : i32
    return %c0_i32, %c0_i32_0 : i32, i32
  }
  func.func @transform_13(%arg0: i32) -> (i32, i32) {
    %c0_i32 = arith.constant 0 : i32
    %c0_i32_0 = arith.constant 0 : i32
    return %arg0, %c0_i32 : i32, i32
  }
  func.func @transform_14(%arg0: i32) -> (i32, i32) {
    %c0_i32 = arith.constant 0 : i32
    %c0_i32_0 = arith.constant 0 : i32
    return %arg0, %c0_i32 : i32, i32
  }
  func.func @transform_15(%arg0: i32) -> (i32, i32) {
    %c0_i32 = arith.constant 0 : i32
    %c0_i32_0 = arith.constant 0 : i32
    return %arg0, %c0_i32 : i32, i32
  }
  func.func @transform_16(%arg0: i32) -> (i32, i32) {
    %c0_i32 = arith.constant 0 : i32
    %c0_i32_0 = arith.constant 0 : i32
    return %arg0, %c0_i32 : i32, i32
  }
}

module attributes {stable_mosaic.version = 14 : i64} {
  func.func @_dense3_body(%arg0: i32, %arg1: memref<1024x32xf32, #tpu.memory_space<vmem>>, %arg2: memref<1024x32xf32, #tpu.memory_space<vmem>>, %arg3: memref<1024x32xf32, #tpu.memory_space<vmem>>, %arg4: memref<1024x32xf32, #tpu.memory_space<vmem>>, %arg5: memref<1024x16xf32, #tpu.memory_space<vmem>>, %arg6: memref<1024x16xf32, #tpu.memory_space<vmem>>, %arg7: memref<1024x64xf32, #tpu.memory_space<vmem>>, %arg8: memref<1024x64xf32, #tpu.memory_space<vmem>>, %arg9: memref<64x64xf32, #tpu.memory_space<vmem>>, %arg10: memref<64x64xf32, #tpu.memory_space<vmem>>, %arg11: memref<1024x64xf32, #tpu.memory_space<vmem>>, %arg12: memref<1024x64xf32, #tpu.memory_space<vmem>>) attributes {dimension_semantics = [#tpu.dimension_semantics<arbitrary>], iteration_bounds = array<i64: 50>, scalar_prefetch = 0 : i64, scratch_operands = 0 : i64, tpu.core_type = #tpu.core_type<tc>, window_params = [{transform_indices = @transform_0, window_bounds = array<i64: 1024, 32>}, {transform_indices = @transform_1, window_bounds = array<i64: 1024, 32>}, {transform_indices = @transform_2, window_bounds = array<i64: 1024, 32>}, {transform_indices = @transform_3, window_bounds = array<i64: 1024, 32>}, {transform_indices = @transform_4, window_bounds = array<i64: 1024, 16>}, {transform_indices = @transform_5, window_bounds = array<i64: 1024, 16>}, {transform_indices = @transform_6, window_bounds = array<i64: 1024, 64>}, {transform_indices = @transform_7, window_bounds = array<i64: 1024, 64>}, {pipeline_mode = #tpu.pipeline_mode<synchronous>, transform_indices = @transform_8, window_bounds = array<i64: 64, 64>}, {pipeline_mode = #tpu.pipeline_mode<synchronous>, transform_indices = @transform_9, window_bounds = array<i64: 64, 64>}, {transform_indices = @transform_10, window_bounds = array<i64: 1024, 64>}, {transform_indices = @transform_11, window_bounds = array<i64: 1024, 64>}]} {
    %get3A = arith.constant 0 : index
    %get3A_0 = arith.constant 0 : index
    %get3A_1 = vector.load %arg1[%get3A, %get3A_0] : memref<1024x32xf32, #tpu.memory_space<vmem>>, vector<1024x32xf32>
    %get3A_2 = arith.constant 0 : index
    %get3A_3 = arith.constant 0 : index
    %get3A_4 = vector.load %arg2[%get3A_2, %get3A_3] : memref<1024x32xf32, #tpu.memory_space<vmem>>, vector<1024x32xf32>
    %concatenate3A = tpu.concatenate %get3A_1, %get3A_4 in 1 : vector<1024x32xf32>, vector<1024x32xf32> -> vector<1024x64xf32>
    %get3A_5 = arith.constant 0 : index
    %get3A_6 = arith.constant 0 : index
    %get3A_7 = vector.load %arg3[%get3A_5, %get3A_6] : memref<1024x32xf32, #tpu.memory_space<vmem>>, vector<1024x32xf32>
    %get3A_8 = arith.constant 0 : index
    %get3A_9 = arith.constant 0 : index
    %get3A_10 = vector.load %arg4[%get3A_8, %get3A_9] : memref<1024x32xf32, #tpu.memory_space<vmem>>, vector<1024x32xf32>
    %concatenate3A_11 = tpu.concatenate %get3A_7, %get3A_10 in 1 : vector<1024x32xf32>, vector<1024x32xf32> -> vector<1024x64xf32>
    %get3A_12 = arith.constant 0 : index
    %get3A_13 = arith.constant 0 : index
    %get3A_14 = vector.load %arg5[%get3A_12, %get3A_13] : memref<1024x16xf32, #tpu.memory_space<vmem>>, vector<1024x1xf32>
    %max3A = arith.constant 1.000000e+00 : f32
    %max3A_15 = vector.broadcast %max3A : f32 to vector<1024x1xf32>
    %max3A_16 = arith.maximumf %get3A_14, %max3A_15 : vector<1024x1xf32>
    %div3A = arith.constant 1.000000e+00 : f32
    %div3A_17 = vector.broadcast %div3A : f32 to vector<1024x1xf32>
    %div3A_18 = arith.divf %div3A_17, %max3A_16 : vector<1024x1xf32>
    %get3A_19 = arith.constant 0 : index
    %get3A_20 = arith.constant 0 : index
    %get3A_21 = vector.load %arg6[%get3A_19, %get3A_20] : memref<1024x16xf32, #tpu.memory_space<vmem>>, vector<1024x1xf32>
    %max3A_22 = arith.constant 1.000000e+00 : f32
    %max3A_23 = vector.broadcast %max3A_22 : f32 to vector<1024x1xf32>
    %max3A_24 = arith.maximumf %get3A_21, %max3A_23 : vector<1024x1xf32>
    %div3A_25 = arith.constant 1.000000e+00 : f32
    %div3A_26 = vector.broadcast %div3A_25 : f32 to vector<1024x1xf32>
    %div3A_27 = arith.divf %div3A_26, %max3A_24 : vector<1024x1xf32>
    %mul3A = vector.broadcast %div3A_18 : vector<1024x1xf32> to vector<1024x64xf32>
    %mul3A_28 = arith.mulf %concatenate3A, %mul3A : vector<1024x64xf32>
    %get3A_29 = arith.constant 0 : index
    %get3A_30 = arith.constant 0 : index
    %get3A_31 = vector.load %arg7[%get3A_29, %get3A_30] : memref<1024x64xf32, #tpu.memory_space<vmem>>, vector<1024x64xf32>
    %add3A = arith.addf %mul3A_28, %get3A_31 : vector<1024x64xf32>
    %mul3A_32 = vector.broadcast %div3A_27 : vector<1024x1xf32> to vector<1024x64xf32>
    %mul3A_33 = arith.mulf %concatenate3A_11, %mul3A_32 : vector<1024x64xf32>
    %get3A_34 = arith.constant 0 : index
    %get3A_35 = arith.constant 0 : index
    %get3A_36 = vector.load %arg8[%get3A_34, %get3A_35] : memref<1024x64xf32, #tpu.memory_space<vmem>>, vector<1024x64xf32>
    %add3A_37 = arith.addf %mul3A_33, %get3A_36 : vector<1024x64xf32>
    %get3A_38 = arith.constant 0 : index
    %get3A_39 = arith.constant 0 : index
    %get3A_40 = vector.load %arg9[%get3A_38, %get3A_39] : memref<64x64xf32, #tpu.memory_space<vmem>>, vector<64x64xf32>
    %dot_general3A = arith.constant dense<0.000000e+00> : vector<1024x64xf32>
    %dot_general3A_41 = tpu.matmul %add3A_37, %get3A_40, %dot_general3A {dimension_numbers = #tpu.dot_dimension_numbers<[1], [0], [0], [1], [0, 0, 1, 1], [], []>, transpose_lhs_hint = false} : vector<1024x64xf32>, vector<64x64xf32>, vector<1024x64xf32> -> vector<1024x64xf32>
    %swap3A = arith.constant 0 : index
    %swap3A_42 = arith.constant 0 : index
    %swap3A_43 = vector.load %arg11[%swap3A, %swap3A_42] : memref<1024x64xf32, #tpu.memory_space<vmem>>, vector<1024x64xf32>
    tpu.vector_store %arg11[%swap3A, %swap3A_42], %dot_general3A_41 {strides = array<i32>} : memref<1024x64xf32, #tpu.memory_space<vmem>>, vector<1024x64xf32>,
    %get3A_44 = arith.constant 0 : index
    %get3A_45 = arith.constant 0 : index
    %get3A_46 = vector.load %arg10[%get3A_44, %get3A_45] : memref<64x64xf32, #tpu.memory_space<vmem>>, vector<64x64xf32>
    %dot_general3A_47 = arith.constant dense<0.000000e+00> : vector<1024x64xf32>
    %dot_general3A_48 = tpu.matmul %add3A, %get3A_46, %dot_general3A_47 {dimension_numbers = #tpu.dot_dimension_numbers<[1], [0], [0], [1], [0, 0, 1, 1], [], []>, transpose_lhs_hint = false} : vector<1024x64xf32>, vector<64x64xf32>, vector<1024x64xf32> -> vector<1024x64xf32>
    %swap3A_49 = arith.constant 0 : index
    %swap3A_50 = arith.constant 0 : index
    %swap3A_51 = vector.load %arg12[%swap3A_49, %swap3A_50] : memref<1024x64xf32, #tpu.memory_space<vmem>>, vector<1024x64xf32>
    tpu.vector_store %arg12[%swap3A_49, %swap3A_50], %dot_general3A_48 {strides = array<i32>} : memref<1024x64xf32, #tpu.memory_space<vmem>>, vector<1024x64xf32>,
    return
  }
  func.func @transform_0(%arg0: i32) -> (i32, i32) {
    %c0_i32 = arith.constant 0 : i32
    %c0_i32_0 = arith.constant 0 : i32
    return %arg0, %c0_i32 : i32, i32
  }
  func.func @transform_1(%arg0: i32) -> (i32, i32) {
    %add3A = arith.constant 50 : i32
    %add3A_0 = arith.addi %arg0, %add3A : i32
    %c0_i32 = arith.constant 0 : i32
    %c0_i32_1 = arith.constant 0 : i32
    return %add3A_0, %c0_i32 : i32, i32
  }
  func.func @transform_2(%arg0: i32) -> (i32, i32) {
    %c0_i32 = arith.constant 0 : i32
    %c0_i32_0 = arith.constant 0 : i32
    return %arg0, %c0_i32 : i32, i32
  }
  func.func @transform_3(%arg0: i32) -> (i32, i32) {
    %add3A = arith.constant 50 : i32
    %add3A_0 = arith.addi %arg0, %add3A : i32
    %c0_i32 = arith.constant 0 : i32
    %c0_i32_1 = arith.constant 0 : i32
    return %add3A_0, %c0_i32 : i32, i32
  }
  func.func @transform_4(%arg0: i32) -> (i32, i32) {
    %c0_i32 = arith.constant 0 : i32
    %c0_i32_0 = arith.constant 0 : i32
    return %arg0, %c0_i32 : i32, i32
  }
  func.func @transform_5(%arg0: i32) -> (i32, i32) {
    %add3A = arith.constant 50 : i32
    %add3A_0 = arith.addi %arg0, %add3A : i32
    %c0_i32 = arith.constant 0 : i32
    %c0_i32_1 = arith.constant 0 : i32
    return %add3A_0, %c0_i32 : i32, i32
  }
  func.func @transform_6(%arg0: i32) -> (i32, i32) {
    %c0_i32 = arith.constant 0 : i32
    %c0_i32_0 = arith.constant 0 : i32
    return %arg0, %c0_i32 : i32, i32
  }
  func.func @transform_7(%arg0: i32) -> (i32, i32) {
    %c0_i32 = arith.constant 0 : i32
    %c0_i32_0 = arith.constant 0 : i32
    return %arg0, %c0_i32 : i32, i32
  }
  func.func @transform_8(%arg0: i32) -> (i32, i32) {
    %c0_i32 = arith.constant 0 : i32
    %c0_i32_0 = arith.constant 0 : i32
    %c0_i32_1 = arith.constant 0 : i32
    return %c0_i32, %c0_i32_0 : i32, i32
  }
  func.func @transform_9(%arg0: i32) -> (i32, i32) {
    %c0_i32 = arith.constant 0 : i32
    %c0_i32_0 = arith.constant 0 : i32
    %c0_i32_1 = arith.constant 0 : i32
    return %c0_i32, %c0_i32_0 : i32, i32
  }
  func.func @transform_10(%arg0: i32) -> (i32, i32) {
    %c0_i32 = arith.constant 0 : i32
    %c0_i32_0 = arith.constant 0 : i32
    return %arg0, %c0_i32 : i32, i32
  }
  func.func @transform_11(%arg0: i32) -> (i32, i32) {
    %c0_i32 = arith.constant 0 : i32
    %c0_i32_0 = arith.constant 0 : i32
    return %arg0, %c0_i32 : i32, i32
  }
}

module attributes {stable_mosaic.version = 14 : i64} {
  func.func @_final_body(%arg0: i32, %arg1: memref<2048x64xf32, #tpu.memory_space<vmem>>, %arg2: memref<1x64xf32, #tpu.memory_space<vmem>>, %arg3: memref<64x2xf32, #tpu.memory_space<vmem>>, %arg4: memref<1x2xf32, #tpu.memory_space<vmem>>, %arg5: memref<2048x2xf32, #tpu.memory_space<vmem>>) attributes {dimension_semantics = [#tpu.dimension_semantics<arbitrary>], iteration_bounds = array<i64: 304>, scalar_prefetch = 0 : i64, scratch_operands = 0 : i64, tpu.core_type = #tpu.core_type<tc>, window_params = [{transform_indices = @transform_0, window_bounds = array<i64: 2048, 64>}, {pipeline_mode = #tpu.pipeline_mode<synchronous>, transform_indices = @transform_1, window_bounds = array<i64: 1, 64>}, {pipeline_mode = #tpu.pipeline_mode<synchronous>, transform_indices = @transform_2, window_bounds = array<i64: 64, 2>}, {pipeline_mode = #tpu.pipeline_mode<synchronous>, transform_indices = @transform_3, window_bounds = array<i64: 1, 2>}, {transform_indices = @transform_4, window_bounds = array<i64: 2048, 2>}]} {
    %get3A = arith.constant 0 : index
    %get3A_0 = arith.constant 0 : index
    %get3A_1 = vector.load %arg1[%get3A, %get3A_0] : memref<2048x64xf32, #tpu.memory_space<vmem>>, vector<2048x64xf32>
    %get3A_2 = arith.constant 0 : index
    %get3A_3 = arith.constant 0 : index
    %get3A_4 = vector.load %arg2[%get3A_2, %get3A_3] : memref<1x64xf32, #tpu.memory_space<vmem>>, vector<1x64xf32>
    %add3A = vector.broadcast %get3A_4 : vector<1x64xf32> to vector<2048x64xf32>
    %add3A_5 = arith.addf %get3A_1, %add3A : vector<2048x64xf32>
    %max3A = arith.constant 0.000000e+00 : f32
    %max3A_6 = vector.broadcast %max3A : f32 to vector<2048x64xf32>
    %max3A_7 = arith.maximumf %add3A_5, %max3A_6 : vector<2048x64xf32>
    %get3A_8 = arith.constant 0 : index
    %get3A_9 = arith.constant 0 : index
    %get3A_10 = vector.load %arg3[%get3A_8, %get3A_9] : memref<64x2xf32, #tpu.memory_space<vmem>>, vector<64x2xf32>
    %dot_general3A = arith.constant dense<0.000000e+00> : vector<2048x2xf32>
    %dot_general3A_11 = tpu.matmul %max3A_7, %get3A_10, %dot_general3A {dimension_numbers = #tpu.dot_dimension_numbers<[1], [0], [0], [1], [0, 0, 1, 1], [], []>, transpose_lhs_hint = false} : vector<2048x64xf32>, vector<64x2xf32>, vector<2048x2xf32> -> vector<2048x2xf32>
    %get3A_12 = arith.constant 0 : index
    %get3A_13 = arith.constant 0 : index
    %get3A_14 = vector.load %arg4[%get3A_12, %get3A_13] : memref<1x2xf32, #tpu.memory_space<vmem>>, vector<1x2xf32>
    %add3A_15 = vector.broadcast %get3A_14 : vector<1x2xf32> to vector<2048x2xf32>
    %add3A_16 = arith.addf %dot_general3A_11, %add3A_15 : vector<2048x2xf32>
    %swap3A = arith.constant 0 : index
    %swap3A_17 = arith.constant 0 : index
    %swap3A_18 = vector.load %arg5[%swap3A, %swap3A_17] : memref<2048x2xf32, #tpu.memory_space<vmem>>, vector<2048x2xf32>
    tpu.vector_store %arg5[%swap3A, %swap3A_17], %add3A_16 {strides = array<i32>} : memref<2048x2xf32, #tpu.memory_space<vmem>>, vector<2048x2xf32>,
    return
  }
  func.func @transform_0(%arg0: i32) -> (i32, i32) {
    %c0_i32 = arith.constant 0 : i32
    %c0_i32_0 = arith.constant 0 : i32
    return %arg0, %c0_i32 : i32, i32
  }
  func.func @transform_1(%arg0: i32) -> (i32, i32) {
    %c0_i32 = arith.constant 0 : i32
    %c0_i32_0 = arith.constant 0 : i32
    %c0_i32_1 = arith.constant 0 : i32
    return %c0_i32, %c0_i32_0 : i32, i32
  }
  func.func @transform_2(%arg0: i32) -> (i32, i32) {
    %c0_i32 = arith.constant 0 : i32
    %c0_i32_0 = arith.constant 0 : i32
    %c0_i32_1 = arith.constant 0 : i32
    return %c0_i32, %c0_i32_0 : i32, i32
  }
  func.func @transform_3(%arg0: i32) -> (i32, i32) {
    %c0_i32 = arith.constant 0 : i32
    %c0_i32_0 = arith.constant 0 : i32
    %c0_i32_1 = arith.constant 0 : i32
    return %c0_i32, %c0_i32_0 : i32, i32
  }
  func.func @transform_4(%arg0: i32) -> (i32, i32) {
    %c0_i32 = arith.constant 0 : i32
    %c0_i32_0 = arith.constant 0 : i32
    return %arg0, %c0_i32 : i32, i32
  }
}

</mosaic_0001>

<sc_bundles>
// kernel: kernel.10.cloned.1.call-start
scs
__scs_entry_jumppad:
0x0: {  	(pc) =	sbr.rel $0x88, $3  }
0x1: {  	(tag) =	ssettag $0x0;
	lr =	simm.s32 $0x1  }
0x2: {  	[smem:$0x3F92] =	sst lr;
	_ =	strace $0xD0000000  }
0x3: {  	_ = 	snop  }
0x4: {  	_ = 	snop  }
0x5: {  	_ = 	snop  }
0x6: {  	_ = 	snop  }
0x7: {  	_ = 	snop  }
__scs_overlays_trampoline_lowered:
0x8: {  	[smem:$0x3FA1] =	sst s0  }
0x9: {  	[smem:$0x3FA2] =	sst s1  }
0xa: {  	[smem:$0x3FA3] =	sst s2  }
0xb: {  	[smem:$0x3FA4] =	sst s3  }
0xc: {  	[smem:$0x3FA5] =	sst s4  }
0xd: {  	[smem:$0x3FA6] =	sst s5  }
0xe: {  	[smem:$0x3FA7] =	sst s6  }
0xf: {  	[smem:$0x3FA8] =	sst s7  }
0x10: {  	[smem:$0x3FA9] =	sst s8  }
0x11: {  	[smem:$0x3FAA] =	sst s9;
	s0 =	simm.s32 @!p0 $0x0  }
0x12: {  	s1 =	sld [smem:$0x3F90];
	s0 =	simm.s32 @p0 $0x1  }
0x13: {  	[smem:$0x3FAB] =	sst s0;
	s0 =	simm.s32 @!p1 $0x0  }
0x14: {  	s2 =	sld [smem:$0x3F8F];
	s0 =	simm.s32 @p1 $0x1  }
0x15: {  	[smem:$0x3FAC] =	sst s0;
	s0 =	simm.s32 @!p2 $0x0  }
0x16: {  	s3 =	sld [smem:$0x3FDB];
	s0 =	simm.s32 @p2 $0x1  }
0x17: {  	s4 =	simm.s32 $0x1BF5;
	[smem:$0x3FAE] =	sst s0  }
0x18: {  	s0 =	sld [smem:$0x3F91];
	_ =	swait.ge [sflag:s4], $0x0  }
0x19: {  	s7 =	sld [smem:$0x3F92]  }
0x1a: {  	s8 =	sadd.s32 $0xFFFFE003, lr  }
0x1b: {  	s9 =	sadd.s32 $0xFFFFFEF7, lr;
	s5 =	simm.s32 $0xFFFFFFFF;
	p2 =	slt.u32 s8, $0xFFFFF086  }
0x1c: {  	p1 =	slt.u32 s9, $0xF7A;
	s5 =	simm.s32 @!p2 $0x0  }
0x1d: {  	s5 =	simm.s32 @p1 $0x1;
	p0 =	seq.s32 s7, s2  }
0x1e: {  	s7 =	smul.u32 @!p0 $0xF7A, s2;
	p2 =	seq.s32 @!p0 s5, $0x0  }
0x1f: {  	s9 =	smul.u32 $0xF7A, s1;
	s8 =	simm.s32 @!p0 $0x1BF5;
	p2 =	por !p2, p0  }
0x20: {  	[sflag:s8] =	ssyncset.s32 @!p0 $0xFFFFF086;
	s6 =	sadd.s32 @!p0 s3, s7;
	s7 =	simm.s32 @!p0 $0x108  }
0x21: {  	s3 =	sadd.s32 s3, s9;
	s6 =	sadd.s32 @!p0 $0x88, s6;
	s7 =	simm.s32 @p2 $0x1082  }
0x22: {  	[simem:s7], [sflag:s8] =	dma.local @!p0 [hbm:s6], $0xF7A  }
0x23: {  	s9 =	sor.u32 $0xD0000000, s2;
	s6 =	simm.s32 $0x108;
	_ =	swait.ge @!p0 [sflag:s8], $0x0  }
0x24: {  	s3 =	sadd.s32 $0x88, s3;
	s6 =	simm.s32 @!p1 $0x1082;
	[sflag:s4] =	ssyncset.s32 $0xFFFFF086  }
0x25: {  	[simem:s6], [sflag:s4] =	dma.local [hbm:s3], $0xF7A  }
0x26: {  	[smem:$0x3F92] =	sst s1;
	(tag) =	ssettag s2;
	_ =	strace s9  }
0x27: {  	s1 =	sld [smem:$0x3FA2]  }
0x28: {  	s2 =	sld [smem:$0x3FA3]  }
0x29: {  	s4 =	sld [smem:$0x3FA5]  }
0x2a: {  	p0 =	seq.s32 s5, $0x0;
	s5 =	sld [smem:$0x3FA6]  }
0x2b: {  	s6 =	sld [smem:$0x3FA7]  }
0x2c: {  	s7 =	sld [smem:$0x3FA8]  }
0x2d: {  	s3 =	simm.s32 $0x108;
	s8 =	sld [smem:$0x3FA9]  }
0x2e: {  	s3 =	simm.s32 @!p0 $0x1082;
	s9 =	sld [smem:$0x3FAA]  }
0x2f: {  	lr =	sadd.s32 s0, s3;
	s0 =	sld [smem:$0x3FA1]  }
0x30: {  	s3 =	sld [smem:$0x3FA4]  }
0x31: {  	[smem:$0x3FAD] =	sst s10  }
0x32: {  	s10 =	sld [smem:$0x3FAB];
	_ =	sdelay $0x3  }
0x33: {  	p0 =	seq.s32 s10, $0x1;
	s10 =	sld [smem:$0x3FAD];
	_ =	sdelay $0x3  }
0x34: {  	[smem:$0x3FAD] =	sst s10  }
0x35: {  	s10 =	sld [smem:$0x3FAC];
	_ =	sdelay $0x3  }
0x36: {  	p1 =	seq.s32 s10, $0x1;
	s10 =	sld [smem:$0x3FAD];
	_ =	sdelay $0x3  }
0x37: {  	[smem:$0x3FAD] =	sst s10  }
0x38: {  	s10 =	sld [smem:$0x3FAE]  }
0x39: {  	_ = 	snop;
	(pc) =	sbr.ind lr, $3  }
0x3a: {  	_ = 	snop  }
0x3b: {  	_ = 	snop  }
0x3c: {  	p2 =	seq.s32 s10, $0x1;
	s10 =	sld [smem:$0x3FAD]  }
0x3d: {  	_ =	shalt  }
0x3e: {  	_ =	shalt  }
0x3f: {  	_ =	shalt  }
0x40: {  	_ =	shalt  }
0x41: {  	_ =	shalt  }
0x42: {  	_ =	shalt  }
0x43: {  	_ =	shalt  }
0x44: {  	_ =	shalt  }
0x45: {  	_ =	shalt  }
0x46: {  	_ =	shalt  }
0x47: {  	_ =	shalt  }
0x48: {  	_ =	shalt  }
0x49: {  	_ =	shalt  }
0x4a: {  	_ =	shalt  }
0x4b: {  	_ =	shalt  }
0x4c: {  	_ =	shalt  }
0x4d: {  	_ =	shalt  }
0x4e: {  	_ =	shalt  }
0x4f: {  	_ =	shalt  }
0x50: {  	_ =	shalt  }
0x51: {  	_ =	shalt  }
0x52: {  	_ =	shalt  }
0x53: {  	_ =	shalt  }
0x54: {  	_ =	shalt  }
0x55: {  	_ =	shalt  }
0x56: {  	_ =	shalt  }
0x57: {  	_ =	shalt  }
0x58: {  	_ =	shalt  }
0x59: {  	_ =	shalt  }
0x5a: {  	_ =	shalt  }
0x5b: {  	_ =	shalt  }
0x5c: {  	_ =	shalt  }
0x5d: {  	_ =	shalt  }
0x5e: {  	_ =	shalt  }
0x5f: {  	_ =	shalt  }
0x60: {  	_ =	shalt  }
0x61: {  	_ =	shalt  }
0x62: {  	_ =	shalt  }
0x63: {  	_ =	shalt  }
0x64: {  	_ =	shalt  }
0x65: {  	_ =	shalt  }
0x66: {  	_ =	shalt  }
0x67: {  	_ =	shalt  }
0x68: {  	_ =	shalt  }
0x69: {  	_ =	shalt  }
0x6a: {  	_ =	shalt  }
0x6b: {  	_ =	shalt  }
0x6c: {  	_ =	shalt  }
0x6d: {  	_ =	shalt  }
0x6e: {  	_ =	shalt  }
0x6f: {  	_ =	shalt  }
0x70: {  	_ =	shalt  }
0x71: {  	_ =	shalt  }
0x72: {  	_ =	shalt  }
0x73: {  	_ =	shalt  }
0x74: {  	_ =	shalt  }
0x75: {  	_ =	shalt  }
0x76: {  	_ =	shalt  }
0x77: {  	_ =	shalt  }
0x78: {  	_ =	shalt  }
0x79: {  	_ =	shalt  }
0x7a: {  	_ =	shalt  }
0x7b: {  	_ =	shalt  }
0x7c: {  	_ =	shalt  }
0x7d: {  	_ =	shalt  }
0x7e: {  	_ =	shalt  }
0x7f: {  	_ =	shalt  }
0x80: {  	_ =	shalt  }
0x81: {  	_ =	shalt  }
0x82: {  	_ =	shalt  }
0x83: {  	_ =	shalt  }
0x84: {  	_ =	shalt  }
0x85: {  	_ =	shalt  }
0x86: {  	_ =	shalt  }
0x87: {  	_ =	shalt  }
.Lfunc_end0:
.L_simem_size_0:
called_computation_lowered:
.L_overlay_start_0:
0x88: {  	s2 =	sld [smem:$0x3FD9]  }
0x89: {  	s3 =	sld [smem:$0x3FFE];
	_ =	sdelay $0x1  }
0x8a: {  	s1 =	srdreg.scid  }
0x8b: {  	s0 =	sand.u32 $0x1, s1  }
0x8c: {  	s16 =	sshll.u32 s0, $0xA;
	s2 =	sadd.s32 s3, s2  }
0x8d: {  	s2 =	sadd.s32 s2, s16  }
0x8e: {  	[smem:$0x3FB9] =	sst s2  }
0x8f: {  	_ = 	snop  }
0x90: {  	(tm) =	ssettm $0x1  }
0x91: {  	s17 =	sld [smem:$0x3FFB];
	_ =	sdelay $0x3  }
0x92: {  	_ =	strace s17  }
0x93: {  	s2 =	sld [smem:$0x3FFC];
	_ =	sdelay $0x3  }
0x94: {  	_ =	strace s2  }
0x95: {  	s2 =	sld [smem:$0x3FFD];
	_ =	sdelay $0x3  }
0x96: {  	_ =	strace s2  }
0x97: {  	_ =	strace $0x8FFFFFFF  }
0x98: {  	s18 =	sld [smem:$0x3FDB];
	_ =	sdelay $0x1  }
0x99: {  	s19 =	simm.s32 $_scs_section_size  }
0x9a: {  	s4 =	simm.s32 $_size__tile_overlayer_lowered;
	s5 =	simm.s32 $_tile_overlayer_lowered  }
0x9b: {  	s22 =	simm.s32 $0x1BFF;
	s21 =	sshll.u32 s5, $0x1;
	s2 =	sadd.s32 s19, s18  }
0x9c: {  	s6 =	simm.s32 $0x0;
	s20 =	sshll.u32 s4, $0x1;
	s4 =	sadd.s32 s21, s2  }
0x9d: {  	[timem:s6], [sflag:s22] =	dma.local [hbm:s4], s20  }
0x9e: {  	_ =	swait.ge [sflag:s22], s20  }
0x9f: {  	s3 =	ssub.s32 $0x0, s20;
	[sflag:s22] =	ssyncset.done $0x0  }
0xa0: {  	[sflag:s22] =	ssyncadd.s32 s3;
	_ =	sdelay $0x1  }
0xa1: {  	s23 =	simm.s32 $0x1B8B  }
0xa2: {  	_ =	swait.ge [sflag:s23], $0x1  }
0xa3: {  	[sflag:s23] =	ssyncset.done $0x0  }
0xa4: {  	s25 =	simm.s32 $0x1B8E;
	s24 =	sld [smem:$0x3FFE];
	[sflag:s23] =	ssyncadd.s32 $0xFFFFFFFF  }
0xa5: {  	s26 =	simm.s32 $execute0_lowered;
	[smem:$0x3FD2] =	sst s25  }
0xa6: {  	s4 =	sshll.u32 s26, $0x1;
	_ =	strace $0x80000046;
	[dreg:$0x1] =	wrdreg $0xFFFFFFFF  }
0xa7: {  	s28 =	simm.s32 $_size_execute0_lowered;
	s2 =	sadd.s32 s2, s4;
	[dreg:$0x0] =	wrdreg $0x0  }
0xa8: {  	s4 =	sshll.u32 s28, $0x1;
	[dreg:$0x2] =	wrdreg s2  }
0xa9: {  	[dreg:$0x3] =	wrdreg s4  }
0xaa: {  	[dreg:$0x4] =	wrdreg $0xC0  }
0xab: {  	_ =	task [dreg:s6], $0x5FFFF  }
0xac: {  	[dreg:$0x1] =	wrdreg $0xFFFFFFFF  }
0xad: {  	[dreg:$0x0] =	wrdreg $0x60  }
0xae: {  	[dreg:$0x2] =	wrdreg s24  }
0xaf: {  	[dreg:$0x3] =	wrdreg $0x90000  }
0xb0: {  	[dreg:$0x4] =	wrdreg $0x9  }
0xb1: {  	_ =	task.clear_ibuf [dreg:s6], $0x5FFFF;
	_ =	strace $0x90000046  }
0xb2: {  	s29 =	simm.s32 $0x9;
	_ =	strace $0x80000048  }
0xb3: {  	_ =	swait.ge [sflag:s29], $0x1  }
0xb4: {  	[sflag:s29] =	ssyncadd.s32 $0xFFFFFFFF  }
0xb5: {  	_ =	strace $0x90000048  }
0xb6: {  	_ =	sfence  }
0xb7: {  	s30 =	sld [smem:$0x0];
	_ =	sdelay $0x2  }
0xb8: {  	s31 =	sshll.u32 s1, $0xD;
	s1 =	sshrl.u32 s1, $0x2  }
0xb9: {  	s3 =	sand.u32 $0x4000, s31;
	s1 =	sadd.s32 s1, s30  }
0xba: {  	s0 =	sor.u32 s3, s0;
	s1 =	sshll.u32 s1, $0x11  }
0xbb: {  	s0 =	sor.u32 s1, s0  }
0xbc: {  	s0 =	sadd.s32 $0x8F2B, s0  }
0xbd: {  	[sflag:s0] =	ssyncadd.remote.s32 $0x1  }
0xbe: {  	_ =	sfence.sel $0xFFFF  }
0xbf: {  	[dreg:$0x0] =	wrdreg $0xFFFFFFFF;
	(pc) =	sbr.abs _section_cstart, $3  }
0xc0: {  	[dreg:$0x1] =	wrdreg $0xFFFFFFFF  }
0xc1: {  	_ =	task.clear_ibuf [dreg:s6], $0x2FFFF;
	_ =	strace $0x9FFFFFFF  }
0xc2: {  	(tm) =	ssettm $0x7FFFFFFF  }
0xc3: {  	_ =	shalt  }
tec
execute0_lowered:
.L_overlay_start_1:
0x0: {  	(tag) =	ssettag $0x1  }
0x1: {  	s7 =	stileid.u32  }
0x2: {  	s0 =	srdreg.scid;
	s5 =	smul.u32 $0x9800, s7  }
0x3: {  	s1 =	rddreg [dreg:$0x0];
	s6 =	smul.u32 $0x1900, s7  }
0x4: {  	s2 =	rddreg [dreg:$0x1];
	s0 =	sand.u32 $0x1, s0;
	s7 =	smul.u32 $0x32000, s7  }
0x5: {  	s3 =	simm.s32 $0x0;
	s9 =	simm.s32 $0x0;
	s4 =	smul.u32 $0x98000, s0  }
0x6: {  	[smem:$0x7FF] =	sst s3;
	s14 =	smul.u32 $0x19000, s0;
	s0 =	ssub.s32 $0x2, s0  }
0x7: {  	_ =	strace $0x80000047;
	s16 =	sshrl.u32 s0, $0x1;
	s4 =	sadd.s32 s5, s4  }
0x8: {  	s17 =	sshrl.u32 s7, $0x2;
	s7 =	simm.s32 $0x2;
	s4 =	sshrl.u32 s4, $0x3  }
0x9: {  	s15 =	sadd.s32 s6, s14;
	s8 =	sadd.s32 s4, s1;
	s4 =	sadd.s32 s17, s2  }
0xa: {  	s0 =	ssub.s32 s0, s16;
	s5 =	simm.s32 $0x1;
	s18 =	sadd.s32 $0x800, s4  }
0xb: {  	s6 =	simm.s32 $0x800;
	s19 =	sadd.s32 $0x1000, s4;
	[dreg:$0x3] =	wrdreg s18  }
0xc: {  	s1 =	sadd.s32 s15, s1;
	s20 =	sadd.s32 $0x1800, s4;
	[dreg:$0x4] =	wrdreg s19  }
0xd: {  	s21 =	sadd.s32 $0x2000, s4;
	s22 =	sadd.s32 $0x2800, s4;
	[dreg:$0x5] =	wrdreg s20  }
0xe: {  	s23 =	sadd.s32 $0x3000, s4;
	s24 =	sadd.s32 $0x3800, s4;
	[dreg:$0x6] =	wrdreg s21  }
0xf: {  	s25 =	sadd.s32 $0x4000, s4;
	s26 =	sadd.s32 $0x4800, s4;
	[dreg:$0x7] =	wrdreg s22  }
0x10: {  	s14 =	sadd.s32 $0x5000, s4;
	s15 =	sadd.s32 $0x5800, s4;
	[dreg:$0x8] =	wrdreg s23  }
0x11: {  	s16 =	sadd.s32 $0x6000, s4;
	s17 =	sadd.s32 $0x6800, s4;
	[dreg:$0x9] =	wrdreg s24  }
0x12: {  	s28 =	sadd.s32 $0xA000, s4;
	s29 =	sadd.s32 $0xA800, s4;
	[dreg:$0xa] =	wrdreg s25  }
0x13: {  	s30 =	sadd.s32 $0xB000, s4;
	s31 =	sadd.s32 $0xB800, s4;
	[dreg:$0xb] =	wrdreg s26  }
0x14: {  	s18 =	sadd.s32 $0x7000, s4;
	s19 =	sadd.s32 $0x7800, s4;
	s20 =	sadd.s32 $0x8000, s4  }
0x15: {  	s21 =	sadd.s32 $0x8800, s4;
	s22 =	sadd.s32 $0x9000, s4;
	s23 =	sadd.s32 $0x2CC00, s1  }
0x16: {  	s24 =	smax.u32 s0, $0x1;
	s25 =	sadd.s32 $0x6C00, s8;
	s26 =	sadd.s32 $0x9800, s4  }
0x17: {  	v0 =	vimm.f32 $1.000000000e+00;
	v1 =	vimm.f32 $0.0e+00;
	s1 =	sadd.s32 $0xC000, s4;
	s0 =	simm.s32 $0x8800;
	s8 =	simm.s32 $0x3  }
.LBB2_1:
0x18: {  	s10 =	simm.s32 $0x0  }
.LBB2_2:
0x19: {  	p0 =	sne.s32 s10, $0x1FFC0  }
.Ltmp0:
0x1a: {  	_ = 	snop;
	(pc) =	sbr.rel @p0 .LBB2_2-.Ltmp0, $3  }
0x1b: {  	_ =	sdelay $0x1  }
0x1c: {  	s11 =	sshra.s32 s10, $0x2  }
0x1d: {  	s10 =	sadd.s32 $0x40, s10;
	[tilespmem:s11+$0x800] =	vst v0  }
0x1e: {  	s10 =	simm.s32 $0x40;
	s11 =	simm.s32 $0x0  }
.LBB2_4:
0x1f: {  	p0 =	sne.s32 s10, $0x1FC0;
	[tilespmem:s11+$0x8800] =	vst v1;
	s11 =	smov.u32 s10;
	s10 =	sadd.s32 $0x40, s10  }
.Ltmp1:
0x20: {  	(pc) =	sbr.rel @p0 .LBB2_4-.Ltmp1, $2  }
0x21: {  	_ =	sdelay $0x2  }
0x22: {  	s11 =	sshra.s32 s11, $0x2  }
0x23: {  	[tilespmem:s11+$0x8800] =	vst v1  }
0x24: {  	[spmem:s4] =	stream.linear.scatter [tilespmem:s0], [sflag:$0x1], $0x800, $0x38;
	[tilespmem:$0x15800] =	vst v63  }
0x25: {  	s10 =	rddreg [dreg:$0x3]  }
0x26: {  	[spmem:s10] =	stream.linear.scatter [tilespmem:s0], [sflag:$0x1], $0x800, $0x38;
	[tilespmem:$0x15800] =	vst v63  }
0x27: {  	s11 =	rddreg [dreg:$0x4]  }
0x28: {  	[spmem:s11] =	stream.linear.scatter [tilespmem:s0], [sflag:$0x1], $0x800, $0x38;
	[tilespmem:$0x15800] =	vst v63  }
0x29: {  	s12 =	rddreg [dreg:$0x5]  }
0x2a: {  	[spmem:s12] =	stream.linear.scatter [tilespmem:s0], [sflag:$0x1], $0x800, $0x38;
	[tilespmem:$0x15800] =	vst v63  }
0x2b: {  	s13 =	rddreg [dreg:$0x6]  }
0x2c: {  	[spmem:s13] =	stream.linear.scatter [tilespmem:s0], [sflag:$0x1], $0x800, $0x38;
	[tilespmem:$0x15800] =	vst v63  }
0x2d: {  	s11 =	rddreg [dreg:$0x7]  }
0x2e: {  	[spmem:s11] =	stream.linear.scatter [tilespmem:s0], [sflag:$0x1], $0x800, $0x38;
	[tilespmem:$0x15800] =	vst v63  }
0x2f: {  	s12 =	rddreg [dreg:$0x8]  }
0x30: {  	[spmem:s12] =	stream.linear.scatter [tilespmem:s0], [sflag:$0x1], $0x800, $0x38;
	[tilespmem:$0x15800] =	vst v63  }
0x31: {  	s13 =	rddreg [dreg:$0x9]  }
0x32: {  	[spmem:s13] =	stream.linear.scatter [tilespmem:s0], [sflag:$0x1], $0x800, $0x38;
	[tilespmem:$0x15800] =	vst v63  }
0x33: {  	s11 =	rddreg [dreg:$0xa]  }
0x34: {  	[spmem:s11] =	stream.linear.scatter [tilespmem:s0], [sflag:$0x1], $0x800, $0x38;
	[tilespmem:$0x15800] =	vst v63  }
0x35: {  	s12 =	rddreg [dreg:$0xb]  }
0x36: {  	[spmem:s12] =	stream.linear.scatter [tilespmem:s0], [sflag:$0x1], $0x800, $0x38;
	[tilespmem:$0x15800] =	vst v63  }
0x37: {  	_ = 	snop  }
0x38: {  	[spmem:s14] =	stream.linear.scatter [tilespmem:s0], [sflag:$0x1], $0x800, $0x38;
	[tilespmem:$0x15800] =	vst v63  }
0x39: {  	_ = 	snop  }
0x3a: {  	[spmem:s15] =	stream.linear.scatter [tilespmem:s0], [sflag:$0x1], $0x800, $0x38;
	[tilespmem:$0x15800] =	vst v63  }
0x3b: {  	_ = 	snop  }
0x3c: {  	[spmem:s16] =	stream.linear.scatter [tilespmem:s0], [sflag:$0x1], $0x800, $0x38;
	[tilespmem:$0x15800] =	vst v63  }
0x3d: {  	_ = 	snop  }
0x3e: {  	[spmem:s17] =	stream.linear.scatter [tilespmem:s0], [sflag:$0x1], $0x800, $0x38;
	[tilespmem:$0x15800] =	vst v63  }
0x3f: {  	_ = 	snop  }
0x40: {  	[spmem:s18] =	stream.linear.scatter [tilespmem:s0], [sflag:$0x1], $0x800, $0x38;
	[tilespmem:$0x15800] =	vst v63  }
0x41: {  	_ = 	snop  }
0x42: {  	[spmem:s19] =	stream.linear.scatter [tilespmem:s0], [sflag:$0x1], $0x800, $0x38;
	[tilespmem:$0x15800] =	vst v63  }
0x43: {  	_ = 	snop  }
0x44: {  	[spmem:s20] =	stream.linear.scatter [tilespmem:s0], [sflag:$0x1], $0x800, $0x38;
	[tilespmem:$0x15800] =	vst v63  }
0x45: {  	_ = 	snop  }
0x46: {  	[spmem:s21] =	stream.linear.scatter [tilespmem:s0], [sflag:$0x1], $0x800, $0x38;
	[tilespmem:$0x15800] =	vst v63  }
0x47: {  	_ = 	snop  }
0x48: {  	[spmem:s22] =	stream.linear.scatter [tilespmem:s0], [sflag:$0x1], $0x800, $0x38;
	[tilespmem:$0x15800] =	vst v63  }
0x49: {  	_ = 	snop  }
0x4a: {  	[spmem:s26] =	stream.linear.scatter [tilespmem:s0], [sflag:$0x1], $0x800, $0x38;
	[tilespmem:$0x15800] =	vst v63  }
0x4b: {  	_ = 	snop  }
0x4c: {  	[spmem:s28] =	stream.linear.scatter [tilespmem:s0], [sflag:$0x1], $0x800, $0x38;
	[tilespmem:$0x15800] =	vst v63  }
0x4d: {  	_ = 	snop  }
0x4e: {  	[spmem:s29] =	stream.linear.scatter [tilespmem:s0], [sflag:$0x1], $0x800, $0x38;
	[tilespmem:$0x15800] =	vst v63  }
0x4f: {  	_ = 	snop  }
0x50: {  	[spmem:s30] =	stream.linear.scatter [tilespmem:s0], [sflag:$0x1], $0x800, $0x38;
	[tilespmem:$0x15800] =	vst v63  }
0x51: {  	_ = 	snop  }
0x52: {  	[spmem:s31] =	stream.linear.scatter [tilespmem:s0], [sflag:$0x1], $0x800, $0x38;
	[tilespmem:$0x15800] =	vst v63  }
0x53: {  	_ = 	snop  }
0x54: {  	[spmem:s1] =	stream.linear.scatter [tilespmem:s0], [sflag:$0x1], $0x800, $0x38;
	[tilespmem:$0x15800] =	vst v63  }
0x55: {  	_ =	swait.ge [sflag:s5], $0x800  }
0x56: {  	[sflag:s5] =	ssyncset.done $0x0  }
0x57: {  	[sflag:s5] =	ssyncadd.s32 $0xFFFFF800  }
0x58: {  	_ =	swait.ge [sflag:s5], $0x800  }
0x59: {  	[sflag:s5] =	ssyncset.done $0x0  }
0x5a: {  	[sflag:s5] =	ssyncadd.s32 $0xFFFFF800  }
0x5b: {  	_ =	swait.ge [sflag:s5], $0x800  }
0x5c: {  	[sflag:s5] =	ssyncset.done $0x0  }
0x5d: {  	[sflag:s5] =	ssyncadd.s32 $0xFFFFF800  }
0x5e: {  	_ =	swait.ge [sflag:s5], $0x800  }
0x5f: {  	[sflag:s5] =	ssyncset.done $0x0  }
0x60: {  	[sflag:s5] =	ssyncadd.s32 $0xFFFFF800  }
0x61: {  	_ =	swait.ge [sflag:s5], $0x800  }
0x62: {  	[sflag:s5] =	ssyncset.done $0x0  }
0x63: {  	[sflag:s5] =	ssyncadd.s32 $0xFFFFF800  }
0x64: {  	_ =	swait.ge [sflag:s5], $0x800  }
0x65: {  	[sflag:s5] =	ssyncset.done $0x0  }
0x66: {  	[sflag:s5] =	ssyncadd.s32 $0xFFFFF800  }
0x67: {  	_ =	swait.ge [sflag:s5], $0x800  }
0x68: {  	[sflag:s5] =	ssyncset.done $0x0  }
0x69: {  	[sflag:s5] =	ssyncadd.s32 $0xFFFFF800  }
0x6a: {  	_ =	swait.ge [sflag:s5], $0x800  }
0x6b: {  	[sflag:s5] =	ssyncset.done $0x0  }
0x6c: {  	[sflag:s5] =	ssyncadd.s32 $0xFFFFF800  }
0x6d: {  	_ =	swait.ge [sflag:s5], $0x800  }
0x6e: {  	[sflag:s5] =	ssyncset.done $0x0  }
0x6f: {  	[sflag:s5] =	ssyncadd.s32 $0xFFFFF800  }
0x70: {  	_ =	swait.ge [sflag:s5], $0x800  }
0x71: {  	[sflag:s5] =	ssyncset.done $0x0  }
0x72: {  	[sflag:s5] =	ssyncadd.s32 $0xFFFFF800  }
0x73: {  	_ =	swait.ge [sflag:s5], $0x800  }
0x74: {  	[sflag:s5] =	ssyncset.done $0x0  }
0x75: {  	[sflag:s5] =	ssyncadd.s32 $0xFFFFF800  }
0x76: {  	_ =	swait.ge [sflag:s5], $0x800  }
0x77: {  	[sflag:s5] =	ssyncset.done $0x0  }
0x78: {  	[sflag:s5] =	ssyncadd.s32 $0xFFFFF800  }
0x79: {  	_ =	swait.ge [sflag:s5], $0x800  }
0x7a: {  	[sflag:s5] =	ssyncset.done $0x0  }
0x7b: {  	[sflag:s5] =	ssyncadd.s32 $0xFFFFF800  }
0x7c: {  	_ =	swait.ge [sflag:s5], $0x800  }
0x7d: {  	[sflag:s5] =	ssyncset.done $0x0  }
0x7e: {  	[sflag:s5] =	ssyncadd.s32 $0xFFFFF800  }
0x7f: {  	_ =	swait.ge [sflag:s5], $0x800  }
0x80: {  	[sflag:s5] =	ssyncset.done $0x0  }
0x81: {  	[sflag:s5] =	ssyncadd.s32 $0xFFFFF800  }
0x82: {  	_ =	swait.ge [sflag:s5], $0x800  }
0x83: {  	[sflag:s5] =	ssyncset.done $0x0  }
0x84: {  	[sflag:s5] =	ssyncadd.s32 $0xFFFFF800  }
0x85: {  	_ =	swait.ge [sflag:s5], $0x800  }
0x86: {  	[sflag:s5] =	ssyncset.done $0x0  }
0x87: {  	[sflag:s5] =	ssyncadd.s32 $0xFFFFF800  }
0x88: {  	_ =	swait.ge [sflag:s5], $0x800  }
0x89: {  	[sflag:s5] =	ssyncset.done $0x0  }
0x8a: {  	[sflag:s5] =	ssyncadd.s32 $0xFFFFF800  }
0x8b: {  	_ =	swait.ge [sflag:s5], $0x800  }
0x8c: {  	[sflag:s5] =	ssyncset.done $0x0  }
0x8d: {  	[sflag:s5] =	ssyncadd.s32 $0xFFFFF800  }
0x8e: {  	_ =	swait.ge [sflag:s5], $0x800  }
0x8f: {  	[sflag:s5] =	ssyncset.done $0x0  }
0x90: {  	[sflag:s5] =	ssyncadd.s32 $0xFFFFF800  }
0x91: {  	_ =	swait.ge [sflag:s5], $0x800  }
0x92: {  	[sflag:s5] =	ssyncset.done $0x0  }
0x93: {  	[sflag:s5] =	ssyncadd.s32 $0xFFFFF800  }
0x94: {  	_ =	swait.ge [sflag:s5], $0x800  }
0x95: {  	[sflag:s5] =	ssyncset.done $0x0  }
0x96: {  	[sflag:s5] =	ssyncadd.s32 $0xFFFFF800  }
0x97: {  	_ =	swait.ge [sflag:s5], $0x800  }
0x98: {  	[sflag:s5] =	ssyncset.done $0x0  }
0x99: {  	[sflag:s5] =	ssyncadd.s32 $0xFFFFF800  }
0x9a: {  	_ =	swait.ge [sflag:s5], $0x800  }
0x9b: {  	[sflag:s5] =	ssyncset.done $0x0  }
0x9c: {  	[sflag:s5] =	ssyncadd.s32 $0xFFFFF800  }
0x9d: {  	_ =	swait.ge [sflag:s5], $0x800  }
0x9e: {  	[sflag:s5] =	ssyncset.done $0x0  }
0x9f: {  	[sflag:s5] =	ssyncadd.s32 $0xFFFFF800  }
0xa0: {  	s13 =	sadd.s32 $0x0, s25;
	[bflag:$0x0] =	sbarrier.arrive $0xFFFF  }
0xa1: {  	[tilespmem:s3], [sflag:$0x1] =	stream.linear.gather [hbm4b:s13+s3], $0x800, $0x38;
	[tilespmem:$0x15800] =	vst v63  }
0xa2: {  	_ =	swait.ge [sflag:s5], $0x800  }
0xa3: {  	[sflag:s5] =	ssyncset.done $0x0  }
0xa4: {  	[sflag:s5] =	ssyncadd.s32 $0xFFFFF800  }
0xa5: {  	[spmem:s2] =	stream.indirect.scatter.add.f32 [tilespmem:s6], [sflag:$0x2], $0x10, s3, s6, $0xb8;
	[tilespmem:$0x15800] =	vst v63  }
0xa6: {  	_ =	swait.ge [sflag:s7], $0x8000  }
0xa7: {  	s10 =	simm.s32 $0x100;
	s11 =	simm.s32 $0x200;
	[sflag:s7] =	ssyncset.done $0x0  }
.LBB2_6:
0xa8: {  	s12 =	sadd.s32 s10, s25  }
0xa9: {  	[sflag:s7] =	ssyncadd.s32 $0xFFFF8000;
	s10 =	smov.u32 s11;
	s13 =	sadd.s32 $0x100, s11  }
0xaa: {  	[tilespmem:s3], [sflag:$0x1] =	stream.linear.gather [hbm4b:s12+s3], $0x800, $0x38;
	[tilespmem:$0x15800] =	vst v63  }
0xab: {  	p0 =	sne.s32 s11, $0x1200;
	_ =	swait.ge [sflag:s5], $0x800  }
.Ltmp2:
0xac: {  	[sflag:s5] =	ssyncset.done $0x0;
	(pc) =	sbr.rel @p0 .LBB2_6-.Ltmp2, $4  }
0xad: {  	[sflag:s5] =	ssyncadd.s32 $0xFFFFF800  }
0xae: {  	[spmem:s2] =	stream.indirect.scatter.add.f32 [tilespmem:s6], [sflag:$0x2], $0x10, s3, s6, $0xb8;
	[tilespmem:$0x15800] =	vst v63  }
0xaf: {  	_ =	swait.ge [sflag:s7], $0x8000  }
0xb0: {  	s11 =	smov.u32 s13;
	[sflag:s7] =	ssyncset.done $0x0  }
0xb1: {  	s10 =	sadd.s32 s10, s25;
	[sflag:s7] =	ssyncadd.s32 $0xFFFF8000  }
0xb2: {  	[tilespmem:s3], [sflag:$0x1] =	stream.linear.gather [hbm4b:s10+s3], $0x800, $0x38;
	[tilespmem:$0x15800] =	vst v63  }
0xb3: {  	_ =	swait.ge [sflag:s5], $0x800  }
0xb4: {  	[sflag:s5] =	ssyncset.done $0x0  }
0xb5: {  	[sflag:s5] =	ssyncadd.s32 $0xFFFFF800  }
0xb6: {  	[spmem:s2] =	stream.indirect.scatter.add.f32 [tilespmem:s6], [sflag:$0x2], $0x10, s3, s6, $0xb8;
	[tilespmem:$0x15800] =	vst v63  }
0xb7: {  	s13 =	stileid.u32;
	_ =	swait.ge [sflag:s7], $0x8000  }
0xb8: {  	s11 =	sshrl.u32 s4, $0x3;
	s9 =	sadd.s32 $0x1, s9;
	[sflag:s7] =	ssyncset.done $0x0  }
0xb9: {  	s10 =	sshll.u32 s13, $0x6;
	p0 =	sne.s32 s9, s24;
	[sflag:s7] =	ssyncadd.s32 $0xFFFF8000  }
.Ltmp3:
0xba: {  	s10 =	sor.u32 $0x1C03, s10;
	[bflag:$0x0] =	sbarrier.arrive $0xFFFF;
	(pc) =	sbr.rel @p0 .LBB2_1-.Ltmp3, $4  }
0xbb: {  	[hbm:s23], [sflag:s10] =	dma.local [spmem:s11], $0x1900  }
0xbc: {  	_ =	swait.ge [sflag:s8], $0x1900  }
0xbd: {  	[sflag:s8] =	ssyncset.done $0x0  }
0xbe: {  	[sflag:s8] =	ssyncadd.s32 $0xFFFFE700  }
0xbf: {  	_ =	sfence.sel $0x180000  }
0xc0: {  	[bflag:$0x0] =	sbarrier.arrive $0xFFFF  }
0xc1: {  	_ =	strace $0x90000047  }
0xc2: {  	s0 =	stileid.u32;
	[bflag:$0x2] =	sbarrier.arrive $0xFFFF  }
0xc3: {  	p0 =	sne.s32 s0, $0x0;
	s0 =	rddreg [dreg:$0x2]  }
0xc4: {  	s0 =	sadd.s32 @!p0 $0x100000, s0  }
0xc5: {  	[sflag:s0] =	ssyncadd.tile.s32 @!p0 $0x1;
	_ =	shalt  }
.Lfunc_end2:
_tile_overlayer_lowered:
.L_overlay_start_2:
0xc6: {  	(tag) =	ssettag $0x2  }
0xc7: {  	s0 =	rddreg [dreg:$0x0];
	s2 =	stileid.u32  }
0xc8: {  	s1 =	rddreg [dreg:$0x1];
	p0 =	sne.s32 s2, $0x0  }
0xc9: {  	s3 =	rddreg [dreg:$0x2];
	[bflag:$0x3] =	sbarrier.arrive $0xFFFF;
	s2 =	simm.s32 @!p0 $0x1C03  }
0xca: {  	[timem:s3], [sflag:s2] =	dma.local @!p0 [hbm:s0], s1  }
0xcb: {  	s0 =	simm.s32 @!p0 $0x3  }
0xcc: {  	_ =	swait.ge @!p0 [sflag:s0], s1  }
0xcd: {  	s1 =	ssub.s32 @!p0 $0x0, s1;
	[sflag:s0] =	ssyncset.done @!p0 $0x0  }
0xce: {  	[sflag:s0] =	ssyncadd.s32 @!p0 s1  }
0xcf: {  	[bflag:$0x3] =	sbarrier.arrive $0xFFFF  }
0xd0: {  	_ =	shalt  }

// kernel: kernel.13.cloned.1.call-start
scs
__scs_entry_jumppad:
0x0: {  	(pc) =	sbr.rel $0x88, $3  }
0x1: {  	(tag) =	ssettag $0x0;
	lr =	simm.s32 $0x1  }
0x2: {  	[smem:$0x3F92] =	sst lr;
	_ =	strace $0xD0000000  }
0x3: {  	_ = 	snop  }
0x4: {  	_ = 	snop  }
0x5: {  	_ = 	snop  }
0x6: {  	_ = 	snop  }
0x7: {  	_ = 	snop  }
__scs_overlays_trampoline_lowered:
0x8: {  	[smem:$0x3FA1] =	sst s0  }
0x9: {  	[smem:$0x3FA2] =	sst s1  }
0xa: {  	[smem:$0x3FA3] =	sst s2  }
0xb: {  	[smem:$0x3FA4] =	sst s3  }
0xc: {  	[smem:$0x3FA5] =	sst s4  }
0xd: {  	[smem:$0x3FA6] =	sst s5  }
0xe: {  	[smem:$0x3FA7] =	sst s6  }
0xf: {  	[smem:$0x3FA8] =	sst s7  }
0x10: {  	[smem:$0x3FA9] =	sst s8  }
0x11: {  	[smem:$0x3FAA] =	sst s9;
	s0 =	simm.s32 @!p0 $0x0  }
0x12: {  	s1 =	sld [smem:$0x3F90];
	s0 =	simm.s32 @p0 $0x1  }
0x13: {  	[smem:$0x3FAB] =	sst s0;
	s0 =	simm.s32 @!p1 $0x0  }
0x14: {  	s2 =	sld [smem:$0x3F8F];
	s0 =	simm.s32 @p1 $0x1  }
0x15: {  	[smem:$0x3FAC] =	sst s0;
	s0 =	simm.s32 @!p2 $0x0  }
0x16: {  	s3 =	sld [smem:$0x3FDB];
	s0 =	simm.s32 @p2 $0x1  }
0x17: {  	s4 =	simm.s32 $0x1BF5;
	[smem:$0x3FAE] =	sst s0  }
0x18: {  	s0 =	sld [smem:$0x3F91];
	_ =	swait.ge [sflag:s4], $0x0  }
0x19: {  	s7 =	sld [smem:$0x3F92]  }
0x1a: {  	s8 =	sadd.s32 $0xFFFFE003, lr  }
0x1b: {  	s9 =	sadd.s32 $0xFFFFFEF7, lr;
	s5 =	simm.s32 $0xFFFFFFFF;
	p2 =	slt.u32 s8, $0xFFFFF086  }
0x1c: {  	p1 =	slt.u32 s9, $0xF7A;
	s5 =	simm.s32 @!p2 $0x0  }
0x1d: {  	s5 =	simm.s32 @p1 $0x1;
	p0 =	seq.s32 s7, s2  }
0x1e: {  	s7 =	smul.u32 @!p0 $0xF7A, s2;
	p2 =	seq.s32 @!p0 s5, $0x0  }
0x1f: {  	s9 =	smul.u32 $0xF7A, s1;
	s8 =	simm.s32 @!p0 $0x1BF5;
	p2 =	por !p2, p0  }
0x20: {  	[sflag:s8] =	ssyncset.s32 @!p0 $0xFFFFF086;
	s6 =	sadd.s32 @!p0 s3, s7;
	s7 =	simm.s32 @!p0 $0x108  }
0x21: {  	s3 =	sadd.s32 s3, s9;
	s6 =	sadd.s32 @!p0 $0x88, s6;
	s7 =	simm.s32 @p2 $0x1082  }
0x22: {  	[simem:s7], [sflag:s8] =	dma.local @!p0 [hbm:s6], $0xF7A  }
0x23: {  	s9 =	sor.u32 $0xD0000000, s2;
	s6 =	simm.s32 $0x108;
	_ =	swait.ge @!p0 [sflag:s8], $0x0  }
0x24: {  	s3 =	sadd.s32 $0x88, s3;
	s6 =	simm.s32 @!p1 $0x1082;
	[sflag:s4] =	ssyncset.s32 $0xFFFFF086  }
0x25: {  	[simem:s6], [sflag:s4] =	dma.local [hbm:s3], $0xF7A  }
0x26: {  	[smem:$0x3F92] =	sst s1;
	(tag) =	ssettag s2;
	_ =	strace s9  }
0x27: {  	s1 =	sld [smem:$0x3FA2]  }
0x28: {  	s2 =	sld [smem:$0x3FA3]  }
0x29: {  	s4 =	sld [smem:$0x3FA5]  }
0x2a: {  	p0 =	seq.s32 s5, $0x0;
	s5 =	sld [smem:$0x3FA6]  }
0x2b: {  	s6 =	sld [smem:$0x3FA7]  }
0x2c: {  	s7 =	sld [smem:$0x3FA8]  }
0x2d: {  	s3 =	simm.s32 $0x108;
	s8 =	sld [smem:$0x3FA9]  }
0x2e: {  	s3 =	simm.s32 @!p0 $0x1082;
	s9 =	sld [smem:$0x3FAA]  }
0x2f: {  	lr =	sadd.s32 s0, s3;
	s0 =	sld [smem:$0x3FA1]  }
0x30: {  	s3 =	sld [smem:$0x3FA4]  }
0x31: {  	[smem:$0x3FAD] =	sst s10  }
0x32: {  	s10 =	sld [smem:$0x3FAB];
	_ =	sdelay $0x3  }
0x33: {  	p0 =	seq.s32 s10, $0x1;
	s10 =	sld [smem:$0x3FAD];
	_ =	sdelay $0x3  }
0x34: {  	[smem:$0x3FAD] =	sst s10  }
0x35: {  	s10 =	sld [smem:$0x3FAC];
	_ =	sdelay $0x3  }
0x36: {  	p1 =	seq.s32 s10, $0x1;
	s10 =	sld [smem:$0x3FAD];
	_ =	sdelay $0x3  }
0x37: {  	[smem:$0x3FAD] =	sst s10  }
0x38: {  	s10 =	sld [smem:$0x3FAE]  }
0x39: {  	_ = 	snop;
	(pc) =	sbr.ind lr, $3  }
0x3a: {  	_ = 	snop  }
0x3b: {  	_ = 	snop  }
0x3c: {  	p2 =	seq.s32 s10, $0x1;
	s10 =	sld [smem:$0x3FAD]  }
0x3d: {  	_ =	shalt  }
0x3e: {  	_ =	shalt  }
0x3f: {  	_ =	shalt  }
0x40: {  	_ =	shalt  }
0x41: {  	_ =	shalt  }
0x42: {  	_ =	shalt  }
0x43: {  	_ =	shalt  }
0x44: {  	_ =	shalt  }
0x45: {  	_ =	shalt  }
0x46: {  	_ =	shalt  }
0x47: {  	_ =	shalt  }
0x48: {  	_ =	shalt  }
0x49: {  	_ =	shalt  }
0x4a: {  	_ =	shalt  }
0x4b: {  	_ =	shalt  }
0x4c: {  	_ =	shalt  }
0x4d: {  	_ =	shalt  }
0x4e: {  	_ =	shalt  }
0x4f: {  	_ =	shalt  }
0x50: {  	_ =	shalt  }
0x51: {  	_ =	shalt  }
0x52: {  	_ =	shalt  }
0x53: {  	_ =	shalt  }
0x54: {  	_ =	shalt  }
0x55: {  	_ =	shalt  }
0x56: {  	_ =	shalt  }
0x57: {  	_ =	shalt  }
0x58: {  	_ =	shalt  }
0x59: {  	_ =	shalt  }
0x5a: {  	_ =	shalt  }
0x5b: {  	_ =	shalt  }
0x5c: {  	_ =	shalt  }
0x5d: {  	_ =	shalt  }
0x5e: {  	_ =	shalt  }
0x5f: {  	_ =	shalt  }
0x60: {  	_ =	shalt  }
0x61: {  	_ =	shalt  }
0x62: {  	_ =	shalt  }
0x63: {  	_ =	shalt  }
0x64: {  	_ =	shalt  }
0x65: {  	_ =	shalt  }
0x66: {  	_ =	shalt  }
0x67: {  	_ =	shalt  }
0x68: {  	_ =	shalt  }
0x69: {  	_ =	shalt  }
0x6a: {  	_ =	shalt  }
0x6b: {  	_ =	shalt  }
0x6c: {  	_ =	shalt  }
0x6d: {  	_ =	shalt  }
0x6e: {  	_ =	shalt  }
0x6f: {  	_ =	shalt  }
0x70: {  	_ =	shalt  }
0x71: {  	_ =	shalt  }
0x72: {  	_ =	shalt  }
0x73: {  	_ =	shalt  }
0x74: {  	_ =	shalt  }
0x75: {  	_ =	shalt  }
0x76: {  	_ =	shalt  }
0x77: {  	_ =	shalt  }
0x78: {  	_ =	shalt  }
0x79: {  	_ =	shalt  }
0x7a: {  	_ =	shalt  }
0x7b: {  	_ =	shalt  }
0x7c: {  	_ =	shalt  }
0x7d: {  	_ =	shalt  }
0x7e: {  	_ =	shalt  }
0x7f: {  	_ =	shalt  }
0x80: {  	_ =	shalt  }
0x81: {  	_ =	shalt  }
0x82: {  	_ =	shalt  }
0x83: {  	_ =	shalt  }
0x84: {  	_ =	shalt  }
0x85: {  	_ =	shalt  }
0x86: {  	_ =	shalt  }
0x87: {  	_ =	shalt  }
.Lfunc_end0:
.L_simem_size_0:
called_computation.1_lowered:
.L_overlay_start_0:
0x88: {  	s2 =	sld [smem:$0x3FD9]  }
0x89: {  	s3 =	sld [smem:$0x3FFE];
	_ =	sdelay $0x1  }
0x8a: {  	s1 =	srdreg.scid  }
0x8b: {  	s0 =	sand.u32 $0x1, s1  }
0x8c: {  	s17 =	sshll.u32 s0, $0xA;
	s2 =	sadd.s32 s3, s2  }
0x8d: {  	s2 =	sadd.s32 s2, s17  }
0x8e: {  	[smem:$0x3FB9] =	sst s2  }
0x8f: {  	_ = 	snop  }
0x90: {  	(tm) =	ssettm $0x1  }
0x91: {  	s18 =	sld [smem:$0x3FFB];
	_ =	sdelay $0x3  }
0x92: {  	_ =	strace s18  }
0x93: {  	s2 =	sld [smem:$0x3FFC];
	_ =	sdelay $0x3  }
0x94: {  	_ =	strace s2  }
0x95: {  	s2 =	sld [smem:$0x3FFD];
	_ =	sdelay $0x3  }
0x96: {  	_ =	strace s2  }
0x97: {  	_ =	strace $0x8FFFFFFF  }
0x98: {  	s19 =	sld [smem:$0x3FDB];
	_ =	sdelay $0x1  }
0x99: {  	s20 =	simm.s32 $_scs_section_size  }
0x9a: {  	s4 =	simm.s32 $_size__tile_overlayer_lowered;
	s5 =	simm.s32 $_tile_overlayer_lowered  }
0x9b: {  	s6 =	simm.s32 $0x1BFF;
	s21 =	sshll.u32 s5, $0x1;
	s3 =	sadd.s32 s20, s19  }
0x9c: {  	s22 =	simm.s32 $0x0;
	s4 =	sshll.u32 s4, $0x1;
	s5 =	sadd.s32 s21, s3  }
0x9d: {  	[timem:s22], [sflag:s6] =	dma.local [hbm:s5], s4  }
0x9e: {  	_ =	swait.ge [sflag:s6], s4  }
0x9f: {  	s4 =	ssub.s32 $0x0, s4;
	[sflag:s6] =	ssyncset.done $0x0  }
0xa0: {  	[sflag:s6] =	ssyncadd.s32 s4;
	_ =	sdelay $0x1  }
0xa1: {  	s23 =	simm.s32 $0x1B8B  }
0xa2: {  	_ =	swait.ge [sflag:s23], $0x1  }
0xa3: {  	[sflag:s23] =	ssyncset.done $0x0  }
0xa4: {  	[sflag:s23] =	ssyncadd.s32 $0xFFFFFFFF  }
0xa5: {  	s4 =	sld [smem:$0x0]  }
0xa6: {  	s5 =	sand.u32 $0xFFFFFFFE, s1  }
0xa7: {  	p0 =	sne.s32 s1, s5  }
0xa8: {  	s5 =	sshll.u32 @p0 s5, $0xE  }
0xa9: {  	s5 =	sadd.s32 @p0 $0x11B8D, s5;
	s6 =	sshll.u32 @p0 s4, $0x11  }
0xaa: {  	s5 =	sor.u32 @p0 s6, s5  }
0xab: {  	[sflag:s5] =	ssyncadd.remote.s32 @p0 $0x1;
	_ =	sdelay $0x1  }
0xac: {  	s5 =	simm.s32 @p0 $0x1B8D  }
0xad: {  	_ =	swait.eq @p0 [sflag:s5], $0x1  }
0xae: {  	[sflag:s5] =	ssyncadd.s32 @p0 $0xFFFFFFFF  }
0xaf: {  	s6 =	sshll.u32 @!p0 s1, $0xE  }
0xb0: {  	s6 =	sor.u32 @!p0 $0x4000, s6;
	s5 =	simm.s32 @!p0 $0x1B8D  }
0xb1: {  	s4 =	sshll.u32 @!p0 s4, $0x11;
	s6 =	sadd.s32 @!p0 $0x11B8D, s6;
	_ =	swait.eq @!p0 [sflag:s5], $0x1  }
0xb2: {  	s4 =	sor.u32 @!p0 s4, s6;
	[sflag:s5] =	ssyncadd.s32 @!p0 $0xFFFFFFFF  }
0xb3: {  	s25 =	simm.s32 $0x1B8E;
	s24 =	sld [smem:$0x3FFE];
	[sflag:s4] =	ssyncadd.remote.s32 @!p0 $0x1  }
0xb4: {  	s26 =	simm.s32 $execute0_lowered;
	[smem:$0x3FD2] =	sst s25  }
0xb5: {  	s5 =	sshll.u32 s26, $0x1;
	_ =	strace $0x80000049;
	[dreg:$0x1] =	wrdreg $0xFFFFFFFF  }
0xb6: {  	s28 =	simm.s32 $_size_execute0_lowered;
	s3 =	sadd.s32 s3, s5;
	[dreg:$0x0] =	wrdreg $0x0  }
0xb7: {  	s5 =	sshll.u32 s28, $0x1;
	[dreg:$0x2] =	wrdreg s3  }
0xb8: {  	[dreg:$0x3] =	wrdreg s5  }
0xb9: {  	[dreg:$0x4] =	wrdreg $0xC0  }
0xba: {  	_ =	task [dreg:s22], $0x5FFFF  }
0xbb: {  	[dreg:$0x1] =	wrdreg $0xFFFFFFFF  }
0xbc: {  	[dreg:$0x0] =	wrdreg $0x60  }
0xbd: {  	[dreg:$0x2] =	wrdreg s24  }
0xbe: {  	[dreg:$0x3] =	wrdreg $0x54000  }
0xbf: {  	[dreg:$0x4] =	wrdreg $0xA  }
0xc0: {  	_ =	task.clear_ibuf [dreg:s22], $0x5FFFF;
	_ =	strace $0x90000049  }
0xc1: {  	s29 =	simm.s32 $0xA;
	_ =	strace $0x8000004B  }
0xc2: {  	_ =	swait.ge [sflag:s29], $0x1  }
0xc3: {  	[sflag:s29] =	ssyncadd.s32 $0xFFFFFFFF  }
0xc4: {  	_ =	strace $0x9000004B  }
0xc5: {  	_ =	sfence  }
0xc6: {  	s30 =	sld [smem:$0x0];
	_ =	sdelay $0x2  }
0xc7: {  	s31 =	sshll.u32 s1, $0xD;
	s1 =	sshrl.u32 s1, $0x2  }
0xc8: {  	s4 =	sand.u32 $0x4000, s31;
	s1 =	sadd.s32 s1, s30  }
0xc9: {  	s0 =	sor.u32 s4, s0;
	s1 =	sshll.u32 s1, $0x11  }
0xca: {  	s0 =	sor.u32 s1, s0  }
0xcb: {  	s0 =	sadd.s32 $0x8F2B, s0  }
0xcc: {  	[sflag:s0] =	ssyncadd.remote.s32 $0x1  }
0xcd: {  	_ =	sfence.sel $0xFFFF  }
0xce: {  	[dreg:$0x0] =	wrdreg $0xFFFFFFFF;
	(pc) =	sbr.abs _section_cstart, $3  }
0xcf: {  	[dreg:$0x1] =	wrdreg $0xFFFFFFFF  }
0xd0: {  	_ =	task.clear_ibuf [dreg:s22], $0x2FFFF;
	_ =	strace $0x9FFFFFFF  }
0xd1: {  	(tm) =	ssettm $0x7FFFFFFF  }
tec
execute0_lowered:
.L_overlay_start_1:
0x0: {  	(tag) =	ssettag $0x1  }
0x1: {  	s10 =	stileid.u32  }
0x2: {  	s1 =	smul.u32 $0x1300, s10  }
0x3: {  	s0 =	rddreg [dreg:$0x0];
	s5 =	smul.u32 $0x9800, s10  }
0x4: {  	s3 =	srdreg.scid;
	s8 =	smul.u32 $0xC80, s10  }
0x5: {  	s2 =	rddreg [dreg:$0x1];
	s6 =	sand.u32 $0x1, s3;
	s10 =	smul.u32 $0x64000, s10  }
0x6: {  	s3 =	simm.s32 $0x0;
	s4 =	sadd.s32 $0x5EC00, s0;
	s7 =	smul.u32 $0x98000, s6  }
0x7: {  	[smem:$0x7FF] =	sst s3;
	s9 =	smul.u32 $0xC800, s6;
	s22 =	sshrl.u32 s10, $0x2  }
0x8: {  	s23 =	ssub.s32 $0x2, s6;
	_ =	strace $0x8000004A;
	s6 =	sadd.s32 s22, s2  }
0x9: {  	s1 =	sadd.s32 s1, s0;
	s8 =	sadd.s32 s8, s9;
	s9 =	sadd.s32 $0x3000, s6  }
0xa: {  	s24 =	sshrl.u32 s23, $0x1;
	s25 =	sadd.s32 $0x4000, s6;
	[dreg:$0x3] =	wrdreg s9  }
0xb: {  	s10 =	simm.s32 $0x1;
	s26 =	sadd.s32 $0x5000, s6;
	[dreg:$0x4] =	wrdreg s25  }
0xc: {  	s7 =	sadd.s32 s7, s5;
	s28 =	sadd.s32 $0x6000, s6;
	[dreg:$0x5] =	wrdreg s26  }
0xd: {  	s5 =	sadd.s32 $0xC2C00, s0;
	s29 =	sadd.s32 $0x7000, s6;
	[dreg:$0x6] =	wrdreg s28  }
0xe: {  	s7 =	sshrl.u32 s7, $0x3;
	s11 =	sadd.s32 $0x8000, s6;
	[dreg:$0x7] =	wrdreg s29  }
0xf: {  	s8 =	sshll.u32 s8, $0x2;
	s12 =	sadd.s32 $0x9000, s6;
	[dreg:$0x8] =	wrdreg s11  }
0x10: {  	s30 =	sadd.s32 $0x1000, s6;
	s13 =	sadd.s32 $0xA000, s6;
	[dreg:$0x9] =	wrdreg s12  }
0x11: {  	s31 =	sadd.s32 $0x2000, s6;
	s14 =	sadd.s32 $0xB000, s6;
	[dreg:$0xa] =	wrdreg s13  }
0x12: {  	s15 =	sadd.s32 $0xC000, s6;
	s18 =	sadd.s32 $0xD000, s6;
	[dreg:$0xb] =	wrdreg s14  }
0x13: {  	s19 =	sadd.s32 $0xE000, s6;
	s20 =	sadd.s32 $0xF000, s6;
	[dreg:$0xc] =	wrdreg s15  }
0x14: {  	s22 =	sadd.s32 $0x10000, s6;
	s7 =	sadd.s32 s7, s0;
	[dreg:$0x10] =	wrdreg s18  }
0x15: {  	s0 =	sadd.s32 s8, s0;
	s8 =	ssub.s32 s23, s24;
	[dreg:$0x11] =	wrdreg s19  }
0x16: {  	s23 =	sadd.s32 $0x126C00, s1;
	s25 =	sadd.s32 $0x139C00, s1;
	[dreg:$0x12] =	wrdreg s20  }
0x17: {  	[dreg:$0x13] =	wrdreg s22;
	s26 =	sadd.s32 $0x11000, s6;
	s28 =	sadd.s32 $0x12000, s6  }
0x18: {  	s29 =	sadd.s32 $0x13000, s6;
	s19 =	sadd.s32 $0x14000, s6;
	s20 =	sadd.s32 $0x15000, s6  }
0x19: {  	s22 =	sadd.s32 $0x16000, s6;
	s9 =	simm.s32 $0x4400;
	s11 =	simm.s32 $0x200  }
0x1a: {  	s12 =	simm.s32 $0x400;
	s13 =	simm.s32 $0x2;
	[dreg:$0x14] =	wrdreg s26  }
0x1b: {  	s14 =	simm.s32 $0x3;
	s15 =	simm.s32 $0x4;
	[dreg:$0x15] =	wrdreg s28  }
0x1c: {  	s16 =	sadd.s32 $0x20FC00, s0;
	s0 =	sadd.s32 $0x1ABC00, s0;
	[dreg:$0x16] =	wrdreg s29  }
0x1d: {  	s21 =	sadd.s32 $0x185C00, s7;
	s17 =	smax.u32 s8, $0x1;
	[dreg:$0xd] =	wrdreg s16  }
0x1e: {  	s24 =	sadd.s32 $0x15FC00, s7;
	s7 =	sadd.s32 $0x17000, s6;
	[dreg:$0xe] =	wrdreg s0  }
0x1f: {  	v0 =	vimm.f32 $0.0e+00;
	s8 =	sadd.s32 $0x18000, s6;
	[dreg:$0xf] =	wrdreg s17;
	s16 =	simm.s32 $0x0  }
.LBB2_1:
0x20: {  	s17 =	simm.s32 $0x80;
	s18 =	simm.s32 $0x0  }
.LBB2_2:
0x21: {  	p0 =	sne.s32 s17, $0x3F80;
	[tilespmem:s18+$0x4400] =	vst v0;
	s26 =	smov.u32 s17;
	s17 =	sadd.s32 $0x80, s17  }
.Ltmp0:
0x22: {  	[tilespmem:s18+$0x4410] =	vst v0;
	(pc) =	sbr.rel @p0 .LBB2_2-.Ltmp0, $2  }
0x23: {  	_ =	sdelay $0x2  }
0x24: {  	s18 =	sshra.s32 s26, $0x2  }
0x25: {  	[tilespmem:s18+$0x4400] =	vst v0  }
0x26: {  	[tilespmem:s18+$0x4410] =	vst v0  }
0x27: {  	[spmem:s6] =	stream.linear.scatter [tilespmem:s9], [sflag:$0x1], $0x1000, $0x38;
	[tilespmem:$0x1E400] =	vst v63  }
0x28: {  	_ = 	snop  }
0x29: {  	[spmem:s30] =	stream.linear.scatter [tilespmem:s9], [sflag:$0x1], $0x1000, $0x38;
	[tilespmem:$0x1E400] =	vst v63  }
0x2a: {  	_ = 	snop  }
0x2b: {  	[spmem:s31] =	stream.linear.scatter [tilespmem:s9], [sflag:$0x1], $0x1000, $0x38;
	[tilespmem:$0x1E400] =	vst v63  }
0x2c: {  	s0 =	rddreg [dreg:$0x3]  }
0x2d: {  	[spmem:s0] =	stream.linear.scatter [tilespmem:s9], [sflag:$0x1], $0x1000, $0x38;
	[tilespmem:$0x1E400] =	vst v63  }
0x2e: {  	s17 =	rddreg [dreg:$0x4]  }
0x2f: {  	[spmem:s17] =	stream.linear.scatter [tilespmem:s9], [sflag:$0x1], $0x1000, $0x38;
	[tilespmem:$0x1E400] =	vst v63  }
0x30: {  	s18 =	rddreg [dreg:$0x5]  }
0x31: {  	[spmem:s18] =	stream.linear.scatter [tilespmem:s9], [sflag:$0x1], $0x1000, $0x38;
	[tilespmem:$0x1E400] =	vst v63  }
0x32: {  	s26 =	rddreg [dreg:$0x6]  }
0x33: {  	[spmem:s26] =	stream.linear.scatter [tilespmem:s9], [sflag:$0x1], $0x1000, $0x38;
	[tilespmem:$0x1E400] =	vst v63  }
0x34: {  	s28 =	rddreg [dreg:$0x7]  }
0x35: {  	[spmem:s28] =	stream.linear.scatter [tilespmem:s9], [sflag:$0x1], $0x1000, $0x38;
	[tilespmem:$0x1E400] =	vst v63  }
0x36: {  	s29 =	rddreg [dreg:$0x8]  }
0x37: {  	[spmem:s29] =	stream.linear.scatter [tilespmem:s9], [sflag:$0x1], $0x1000, $0x38;
	[tilespmem:$0x1E400] =	vst v63  }
0x38: {  	s1 =	rddreg [dreg:$0x9]  }
0x39: {  	[spmem:s1] =	stream.linear.scatter [tilespmem:s9], [sflag:$0x1], $0x1000, $0x38;
	[tilespmem:$0x1E400] =	vst v63  }
0x3a: {  	s17 =	rddreg [dreg:$0xa]  }
0x3b: {  	[spmem:s17] =	stream.linear.scatter [tilespmem:s9], [sflag:$0x1], $0x1000, $0x38;
	[tilespmem:$0x1E400] =	vst v63  }
0x3c: {  	s18 =	rddreg [dreg:$0xb]  }
0x3d: {  	[spmem:s18] =	stream.linear.scatter [tilespmem:s9], [sflag:$0x1], $0x1000, $0x38;
	[tilespmem:$0x1E400] =	vst v63  }
0x3e: {  	s26 =	rddreg [dreg:$0xc]  }
0x3f: {  	[spmem:s26] =	stream.linear.scatter [tilespmem:s9], [sflag:$0x1], $0x1000, $0x38;
	[tilespmem:$0x1E400] =	vst v63  }
0x40: {  	s28 =	rddreg [dreg:$0x10]  }
0x41: {  	[spmem:s28] =	stream.linear.scatter [tilespmem:s9], [sflag:$0x1], $0x1000, $0x38;
	[tilespmem:$0x1E400] =	vst v63  }
0x42: {  	s29 =	rddreg [dreg:$0x11]  }
0x43: {  	[spmem:s29] =	stream.linear.scatter [tilespmem:s9], [sflag:$0x1], $0x1000, $0x38;
	[tilespmem:$0x1E400] =	vst v63  }
0x44: {  	s1 =	rddreg [dreg:$0x12]  }
0x45: {  	[spmem:s1] =	stream.linear.scatter [tilespmem:s9], [sflag:$0x1], $0x1000, $0x38;
	[tilespmem:$0x1E400] =	vst v63  }
0x46: {  	s17 =	rddreg [dreg:$0x13]  }
0x47: {  	[spmem:s17] =	stream.linear.scatter [tilespmem:s9], [sflag:$0x1], $0x1000, $0x38;
	[tilespmem:$0x1E400] =	vst v63  }
0x48: {  	s18 =	rddreg [dreg:$0x14]  }
0x49: {  	[spmem:s18] =	stream.linear.scatter [tilespmem:s9], [sflag:$0x1], $0x1000, $0x38;
	[tilespmem:$0x1E400] =	vst v63  }
0x4a: {  	s26 =	rddreg [dreg:$0x15]  }
0x4b: {  	[spmem:s26] =	stream.linear.scatter [tilespmem:s9], [sflag:$0x1], $0x1000, $0x38;
	[tilespmem:$0x1E400] =	vst v63  }
0x4c: {  	s28 =	rddreg [dreg:$0x16]  }
0x4d: {  	[spmem:s28] =	stream.linear.scatter [tilespmem:s9], [sflag:$0x1], $0x1000, $0x38;
	[tilespmem:$0x1E400] =	vst v63  }
0x4e: {  	_ = 	snop  }
0x4f: {  	[spmem:s19] =	stream.linear.scatter [tilespmem:s9], [sflag:$0x1], $0x1000, $0x38;
	[tilespmem:$0x1E400] =	vst v63  }
0x50: {  	_ = 	snop  }
0x51: {  	[spmem:s20] =	stream.linear.scatter [tilespmem:s9], [sflag:$0x1], $0x1000, $0x38;
	[tilespmem:$0x1E400] =	vst v63  }
0x52: {  	_ = 	snop  }
0x53: {  	[spmem:s22] =	stream.linear.scatter [tilespmem:s9], [sflag:$0x1], $0x1000, $0x38;
	[tilespmem:$0x1E400] =	vst v63  }
0x54: {  	_ = 	snop  }
0x55: {  	[spmem:s7] =	stream.linear.scatter [tilespmem:s9], [sflag:$0x1], $0x1000, $0x38;
	[tilespmem:$0x1E400] =	vst v63  }
0x56: {  	_ = 	snop  }
0x57: {  	[spmem:s8] =	stream.linear.scatter [tilespmem:s9], [sflag:$0x1], $0x1000, $0x38;
	[tilespmem:$0x1E400] =	vst v63  }
0x58: {  	_ =	swait.ge [sflag:s10], $0x1000  }
0x59: {  	[sflag:s10] =	ssyncset.done $0x0  }
0x5a: {  	[sflag:s10] =	ssyncadd.s32 $0xFFFFF000  }
0x5b: {  	_ =	swait.ge [sflag:s10], $0x1000  }
0x5c: {  	[sflag:s10] =	ssyncset.done $0x0  }
0x5d: {  	[sflag:s10] =	ssyncadd.s32 $0xFFFFF000  }
0x5e: {  	_ =	swait.ge [sflag:s10], $0x1000  }
0x5f: {  	[sflag:s10] =	ssyncset.done $0x0  }
0x60: {  	[sflag:s10] =	ssyncadd.s32 $0xFFFFF000  }
0x61: {  	_ =	swait.ge [sflag:s10], $0x1000  }
0x62: {  	[sflag:s10] =	ssyncset.done $0x0  }
0x63: {  	[sflag:s10] =	ssyncadd.s32 $0xFFFFF000  }
0x64: {  	_ =	swait.ge [sflag:s10], $0x1000  }
0x65: {  	[sflag:s10] =	ssyncset.done $0x0  }
0x66: {  	[sflag:s10] =	ssyncadd.s32 $0xFFFFF000  }
0x67: {  	_ =	swait.ge [sflag:s10], $0x1000  }
0x68: {  	[sflag:s10] =	ssyncset.done $0x0  }
0x69: {  	[sflag:s10] =	ssyncadd.s32 $0xFFFFF000  }
0x6a: {  	_ =	swait.ge [sflag:s10], $0x1000  }
0x6b: {  	[sflag:s10] =	ssyncset.done $0x0  }
0x6c: {  	[sflag:s10] =	ssyncadd.s32 $0xFFFFF000  }
0x6d: {  	_ =	swait.ge [sflag:s10], $0x1000  }
0x6e: {  	[sflag:s10] =	ssyncset.done $0x0  }
0x6f: {  	[sflag:s10] =	ssyncadd.s32 $0xFFFFF000  }
0x70: {  	_ =	swait.ge [sflag:s10], $0x1000  }
0x71: {  	[sflag:s10] =	ssyncset.done $0x0  }
0x72: {  	[sflag:s10] =	ssyncadd.s32 $0xFFFFF000  }
0x73: {  	_ =	swait.ge [sflag:s10], $0x1000  }
0x74: {  	[sflag:s10] =	ssyncset.done $0x0  }
0x75: {  	[sflag:s10] =	ssyncadd.s32 $0xFFFFF000  }
0x76: {  	_ =	swait.ge [sflag:s10], $0x1000  }
0x77: {  	[sflag:s10] =	ssyncset.done $0x0  }
0x78: {  	[sflag:s10] =	ssyncadd.s32 $0xFFFFF000  }
0x79: {  	_ =	swait.ge [sflag:s10], $0x1000  }
0x7a: {  	[sflag:s10] =	ssyncset.done $0x0  }
0x7b: {  	[sflag:s10] =	ssyncadd.s32 $0xFFFFF000  }
0x7c: {  	_ =	swait.ge [sflag:s10], $0x1000  }
0x7d: {  	[sflag:s10] =	ssyncset.done $0x0  }
0x7e: {  	[sflag:s10] =	ssyncadd.s32 $0xFFFFF000  }
0x7f: {  	_ =	swait.ge [sflag:s10], $0x1000  }
0x80: {  	[sflag:s10] =	ssyncset.done $0x0  }
0x81: {  	[sflag:s10] =	ssyncadd.s32 $0xFFFFF000  }
0x82: {  	_ =	swait.ge [sflag:s10], $0x1000  }
0x83: {  	[sflag:s10] =	ssyncset.done $0x0  }
0x84: {  	[sflag:s10] =	ssyncadd.s32 $0xFFFFF000  }
0x85: {  	_ =	swait.ge [sflag:s10], $0x1000  }
0x86: {  	[sflag:s10] =	ssyncset.done $0x0  }
0x87: {  	[sflag:s10] =	ssyncadd.s32 $0xFFFFF000  }
0x88: {  	_ =	swait.ge [sflag:s10], $0x1000  }
0x89: {  	[sflag:s10] =	ssyncset.done $0x0  }
0x8a: {  	[sflag:s10] =	ssyncadd.s32 $0xFFFFF000  }
0x8b: {  	_ =	swait.ge [sflag:s10], $0x1000  }
0x8c: {  	[sflag:s10] =	ssyncset.done $0x0  }
0x8d: {  	[sflag:s10] =	ssyncadd.s32 $0xFFFFF000  }
0x8e: {  	_ =	swait.ge [sflag:s10], $0x1000  }
0x8f: {  	[sflag:s10] =	ssyncset.done $0x0  }
0x90: {  	[sflag:s10] =	ssyncadd.s32 $0xFFFFF000  }
0x91: {  	_ =	swait.ge [sflag:s10], $0x1000  }
0x92: {  	[sflag:s10] =	ssyncset.done $0x0  }
0x93: {  	[sflag:s10] =	ssyncadd.s32 $0xFFFFF000  }
0x94: {  	_ =	swait.ge [sflag:s10], $0x1000  }
0x95: {  	[sflag:s10] =	ssyncset.done $0x0  }
0x96: {  	[sflag:s10] =	ssyncadd.s32 $0xFFFFF000  }
0x97: {  	_ =	swait.ge [sflag:s10], $0x1000  }
0x98: {  	[sflag:s10] =	ssyncset.done $0x0  }
0x99: {  	[sflag:s10] =	ssyncadd.s32 $0xFFFFF000  }
0x9a: {  	_ =	swait.ge [sflag:s10], $0x1000  }
0x9b: {  	[sflag:s10] =	ssyncset.done $0x0  }
0x9c: {  	[sflag:s10] =	ssyncadd.s32 $0xFFFFF000  }
0x9d: {  	_ =	swait.ge [sflag:s10], $0x1000  }
0x9e: {  	[sflag:s10] =	ssyncset.done $0x0  }
0x9f: {  	[sflag:s10] =	ssyncadd.s32 $0xFFFFF000  }
0xa0: {  	_ =	swait.ge [sflag:s10], $0x1000  }
0xa1: {  	[sflag:s10] =	ssyncset.done $0x0  }
0xa2: {  	[sflag:s10] =	ssyncadd.s32 $0xFFFFF000  }
0xa3: {  	s17 =	sadd.s32 $0x0, s21;
	[bflag:$0x0] =	sbarrier.arrive $0xFFFF  }
0xa4: {  	[tilespmem:s3], [sflag:$0x1] =	stream.linear.gather [hbm4b:s17+s3], $0x200, $0x38;
	[tilespmem:$0x1E400] =	vst v63  }
0xa5: {  	s29 =	sadd.s32 $0x0, s23  }
0xa6: {  	[tilespmem:s11], [sflag:$0x1] =	stream.linear.gather [hbm4b:s29+s3], $0x200, $0x38;
	[tilespmem:$0x1E400] =	vst v63  }
0xa7: {  	_ =	swait.ge [sflag:s10], $0x200  }
0xa8: {  	[sflag:s10] =	ssyncset.done $0x0  }
0xa9: {  	[sflag:s10] =	ssyncadd.s32 $0xFFFFFE00  }
0xaa: {  	_ =	swait.ge [sflag:s10], $0x200  }
0xab: {  	[sflag:s10] =	ssyncset.done $0x0  }
0xac: {  	[sflag:s10] =	ssyncadd.s32 $0xFFFFFE00  }
0xad: {  	[tilespmem:s12], [sflag:$0x2] =	stream.indirect.gather [hbm4b:s4+s11], $0x20, s3, s11, $0xb8;
	[tilespmem:$0x1E400] =	vst v63  }
0xae: {  	_ =	swait.ge [sflag:s13], $0x4000  }
0xaf: {  	[sflag:s13] =	ssyncset.done $0x0  }
0xb0: {  	[sflag:s13] =	ssyncadd.s32 $0xFFFFC000  }
0xb1: {  	[spmem:s2] =	stream.indirect.scatter.add.f32 [tilespmem:s12], [sflag:$0x3], $0x20, s11, s11, $0xb8;
	[tilespmem:$0x1E400] =	vst v63  }
0xb2: {  	_ =	swait.ge [sflag:s14], $0x4000  }
0xb3: {  	s18 =	simm.s32 $0x80;
	s17 =	simm.s32 $0x40;
	[sflag:s14] =	ssyncset.done $0x0  }
.LBB2_4:
0xb4: {  	s26 =	sadd.s32 s17, s21  }
0xb5: {  	[sflag:s14] =	ssyncadd.s32 $0xFFFFC000;
	s28 =	smov.u32 s18;
	s29 =	sadd.s32 $0x40, s18  }
0xb6: {  	[tilespmem:s3], [sflag:$0x1] =	stream.linear.gather [hbm4b:s26+s3], $0x200, $0x38;
	[tilespmem:$0x1E400] =	vst v63  }
0xb7: {  	p0 =	sne.s32 s18, $0x12C0;
	s18 =	sadd.s32 s17, s23;
	s17 =	smov.u32 s28  }
0xb8: {  	[tilespmem:s11], [sflag:$0x1] =	stream.linear.gather [hbm4b:s18+s3], $0x200, $0x38;
	[tilespmem:$0x1E400] =	vst v63  }
0xb9: {  	_ =	swait.ge [sflag:s10], $0x200  }
0xba: {  	[sflag:s10] =	ssyncset.done $0x0  }
0xbb: {  	[sflag:s10] =	ssyncadd.s32 $0xFFFFFE00  }
0xbc: {  	_ =	swait.ge [sflag:s10], $0x200  }
0xbd: {  	[sflag:s10] =	ssyncset.done $0x0  }
0xbe: {  	[sflag:s10] =	ssyncadd.s32 $0xFFFFFE00  }
0xbf: {  	[tilespmem:s12], [sflag:$0x2] =	stream.indirect.gather [hbm4b:s4+s11], $0x20, s3, s11, $0xb8;
	[tilespmem:$0x1E400] =	vst v63  }
0xc0: {  	_ =	swait.ge [sflag:s13], $0x4000  }
.Ltmp1:
0xc1: {  	[sflag:s13] =	ssyncset.done $0x0;
	(pc) =	sbr.rel @p0 .LBB2_4-.Ltmp1, $4  }
0xc2: {  	[sflag:s13] =	ssyncadd.s32 $0xFFFFC000  }
0xc3: {  	[spmem:s2] =	stream.indirect.scatter.add.f32 [tilespmem:s12], [sflag:$0x3], $0x20, s11, s11, $0xb8;
	[tilespmem:$0x1E400] =	vst v63  }
0xc4: {  	_ =	swait.ge [sflag:s14], $0x4000  }
0xc5: {  	s18 =	smov.u32 s29;
	[sflag:s14] =	ssyncset.done $0x0  }
0xc6: {  	s18 =	sadd.s32 s17, s21;
	[sflag:s14] =	ssyncadd.s32 $0xFFFFC000  }
0xc7: {  	[tilespmem:s3], [sflag:$0x1] =	stream.linear.gather [hbm4b:s18+s3], $0x200, $0x38;
	[tilespmem:$0x1E400] =	vst v63  }
0xc8: {  	s18 =	sadd.s32 s17, s23  }
0xc9: {  	[tilespmem:s11], [sflag:$0x1] =	stream.linear.gather [hbm4b:s18+s3], $0x200, $0x38;
	[tilespmem:$0x1E400] =	vst v63  }
0xca: {  	_ =	swait.ge [sflag:s10], $0x200  }
0xcb: {  	[sflag:s10] =	ssyncset.done $0x0  }
0xcc: {  	[sflag:s10] =	ssyncadd.s32 $0xFFFFFE00  }
0xcd: {  	_ =	swait.ge [sflag:s10], $0x200  }
0xce: {  	[sflag:s10] =	ssyncset.done $0x0  }
0xcf: {  	[sflag:s10] =	ssyncadd.s32 $0xFFFFFE00  }
0xd0: {  	[tilespmem:s12], [sflag:$0x2] =	stream.indirect.gather [hbm4b:s4+s11], $0x20, s3, s11, $0xb8;
	[tilespmem:$0x1E400] =	vst v63  }
0xd1: {  	_ =	swait.ge [sflag:s13], $0x4000  }
0xd2: {  	[sflag:s13] =	ssyncset.done $0x0  }
0xd3: {  	[sflag:s13] =	ssyncadd.s32 $0xFFFFC000  }
0xd4: {  	[spmem:s2] =	stream.indirect.scatter.add.f32 [tilespmem:s12], [sflag:$0x3], $0x20, s11, s11, $0xb8;
	[tilespmem:$0x1E400] =	vst v63  }
0xd5: {  	_ =	swait.ge [sflag:s14], $0x4000  }
0xd6: {  	[sflag:s14] =	ssyncset.done $0x0  }
0xd7: {  	s26 =	stileid.u32;
	[sflag:s14] =	ssyncadd.s32 $0xFFFFC000  }
0xd8: {  	s17 =	sshll.u32 s26, $0x6;
	[bflag:$0x0] =	sbarrier.arrive $0xFFFF  }
0xd9: {  	s17 =	sor.u32 $0x1C04, s17;
	s18 =	sshrl.u32 s6, $0x3;
	s0 =	rddreg [dreg:$0xd]  }
0xda: {  	[hbm:s0], [sflag:s17] =	dma.local [spmem:s18], $0x3200  }
0xdb: {  	_ =	swait.ge [sflag:s15], $0x3200  }
0xdc: {  	[sflag:s15] =	ssyncset.done $0x0  }
0xdd: {  	[sflag:s15] =	ssyncadd.s32 $0xFFFFCE00  }
0xde: {  	[bflag:$0x0] =	sbarrier.arrive $0xFFFF  }
0xdf: {  	[spmem:s6] =	stream.linear.scatter [tilespmem:s9], [sflag:$0x1], $0x1000, $0x38;
	[tilespmem:$0x1E400] =	vst v63  }
0xe0: {  	_ = 	snop  }
0xe1: {  	[spmem:s30] =	stream.linear.scatter [tilespmem:s9], [sflag:$0x1], $0x1000, $0x38;
	[tilespmem:$0x1E400] =	vst v63  }
0xe2: {  	_ = 	snop  }
0xe3: {  	[spmem:s31] =	stream.linear.scatter [tilespmem:s9], [sflag:$0x1], $0x1000, $0x38;
	[tilespmem:$0x1E400] =	vst v63  }
0xe4: {  	s26 =	rddreg [dreg:$0x3]  }
0xe5: {  	[spmem:s26] =	stream.linear.scatter [tilespmem:s9], [sflag:$0x1], $0x1000, $0x38;
	[tilespmem:$0x1E400] =	vst v63  }
0xe6: {  	s29 =	rddreg [dreg:$0x4]  }
0xe7: {  	[spmem:s29] =	stream.linear.scatter [tilespmem:s9], [sflag:$0x1], $0x1000, $0x38;
	[tilespmem:$0x1E400] =	vst v63  }
0xe8: {  	s1 =	smov.u32 s30;
	s30 =	rddreg [dreg:$0x5]  }
0xe9: {  	[spmem:s30] =	stream.linear.scatter [tilespmem:s9], [sflag:$0x1], $0x1000, $0x38;
	[tilespmem:$0x1E400] =	vst v63  }
0xea: {  	s0 =	smov.u32 s31;
	s31 =	rddreg [dreg:$0x6]  }
0xeb: {  	[spmem:s31] =	stream.linear.scatter [tilespmem:s9], [sflag:$0x1], $0x1000, $0x38;
	[tilespmem:$0x1E400] =	vst v63  }
0xec: {  	s29 =	rddreg [dreg:$0x7]  }
0xed: {  	[spmem:s29] =	stream.linear.scatter [tilespmem:s9], [sflag:$0x1], $0x1000, $0x38;
	[tilespmem:$0x1E400] =	vst v63  }
0xee: {  	s30 =	rddreg [dreg:$0x8]  }
0xef: {  	[spmem:s30] =	stream.linear.scatter [tilespmem:s9], [sflag:$0x1], $0x1000, $0x38;
	[tilespmem:$0x1E400] =	vst v63  }
0xf0: {  	s31 =	rddreg [dreg:$0x9]  }
0xf1: {  	[spmem:s31] =	stream.linear.scatter [tilespmem:s9], [sflag:$0x1], $0x1000, $0x38;
	[tilespmem:$0x1E400] =	vst v63  }
0xf2: {  	s29 =	rddreg [dreg:$0xa]  }
0xf3: {  	[spmem:s29] =	stream.linear.scatter [tilespmem:s9], [sflag:$0x1], $0x1000, $0x38;
	[tilespmem:$0x1E400] =	vst v63  }
0xf4: {  	s30 =	rddreg [dreg:$0xb]  }
0xf5: {  	[spmem:s30] =	stream.linear.scatter [tilespmem:s9], [sflag:$0x1], $0x1000, $0x38;
	[tilespmem:$0x1E400] =	vst v63  }
0xf6: {  	s31 =	rddreg [dreg:$0xc]  }
0xf7: {  	[spmem:s31] =	stream.linear.scatter [tilespmem:s9], [sflag:$0x1], $0x1000, $0x38;
	[tilespmem:$0x1E400] =	vst v63  }
0xf8: {  	s29 =	rddreg [dreg:$0x10]  }
0xf9: {  	[spmem:s29] =	stream.linear.scatter [tilespmem:s9], [sflag:$0x1], $0x1000, $0x38;
	[tilespmem:$0x1E400] =	vst v63  }
0xfa: {  	s30 =	rddreg [dreg:$0x11]  }
0xfb: {  	[spmem:s30] =	stream.linear.scatter [tilespmem:s9], [sflag:$0x1], $0x1000, $0x38;
	[tilespmem:$0x1E400] =	vst v63  }
0xfc: {  	s31 =	rddreg [dreg:$0x12]  }
0xfd: {  	[spmem:s31] =	stream.linear.scatter [tilespmem:s9], [sflag:$0x1], $0x1000, $0x38;
	[tilespmem:$0x1E400] =	vst v63  }
0xfe: {  	s29 =	rddreg [dreg:$0x13]  }
0xff: {  	[spmem:s29] =	stream.linear.scatter [tilespmem:s9], [sflag:$0x1], $0x1000, $0x38;
	[tilespmem:$0x1E400] =	vst v63  }
0x100: {  	s30 =	rddreg [dreg:$0x14]  }
0x101: {  	[spmem:s30] =	stream.linear.scatter [tilespmem:s9], [sflag:$0x1], $0x1000, $0x38;
	[tilespmem:$0x1E400] =	vst v63  }
0x102: {  	s31 =	rddreg [dreg:$0x15]  }
0x103: {  	[spmem:s31] =	stream.linear.scatter [tilespmem:s9], [sflag:$0x1], $0x1000, $0x38;
	[tilespmem:$0x1E400] =	vst v63  }
0x104: {  	s29 =	rddreg [dreg:$0x16]  }
0x105: {  	[spmem:s29] =	stream.linear.scatter [tilespmem:s9], [sflag:$0x1], $0x1000, $0x38;
	[tilespmem:$0x1E400] =	vst v63  }
0x106: {  	_ = 	snop  }
0x107: {  	[spmem:s19] =	stream.linear.scatter [tilespmem:s9], [sflag:$0x1], $0x1000, $0x38;
	[tilespmem:$0x1E400] =	vst v63  }
0x108: {  	_ = 	snop  }
0x109: {  	[spmem:s20] =	stream.linear.scatter [tilespmem:s9], [sflag:$0x1], $0x1000, $0x38;
	[tilespmem:$0x1E400] =	vst v63  }
0x10a: {  	_ = 	snop  }
0x10b: {  	[spmem:s22] =	stream.linear.scatter [tilespmem:s9], [sflag:$0x1], $0x1000, $0x38;
	[tilespmem:$0x1E400] =	vst v63  }
0x10c: {  	_ = 	snop  }
0x10d: {  	[spmem:s7] =	stream.linear.scatter [tilespmem:s9], [sflag:$0x1], $0x1000, $0x38;
	[tilespmem:$0x1E400] =	vst v63  }
0x10e: {  	_ = 	snop  }
0x10f: {  	[spmem:s8] =	stream.linear.scatter [tilespmem:s9], [sflag:$0x1], $0x1000, $0x38;
	[tilespmem:$0x1E400] =	vst v63  }
0x110: {  	_ =	swait.ge [sflag:s10], $0x1000  }
0x111: {  	[sflag:s10] =	ssyncset.done $0x0  }
0x112: {  	[sflag:s10] =	ssyncadd.s32 $0xFFFFF000  }
0x113: {  	_ =	swait.ge [sflag:s10], $0x1000  }
0x114: {  	[sflag:s10] =	ssyncset.done $0x0  }
0x115: {  	[sflag:s10] =	ssyncadd.s32 $0xFFFFF000  }
0x116: {  	_ =	swait.ge [sflag:s10], $0x1000  }
0x117: {  	[sflag:s10] =	ssyncset.done $0x0  }
0x118: {  	[sflag:s10] =	ssyncadd.s32 $0xFFFFF000  }
0x119: {  	_ =	swait.ge [sflag:s10], $0x1000  }
0x11a: {  	[sflag:s10] =	ssyncset.done $0x0  }
0x11b: {  	[sflag:s10] =	ssyncadd.s32 $0xFFFFF000  }
0x11c: {  	_ =	swait.ge [sflag:s10], $0x1000  }
0x11d: {  	[sflag:s10] =	ssyncset.done $0x0  }
0x11e: {  	[sflag:s10] =	ssyncadd.s32 $0xFFFFF000  }
0x11f: {  	_ =	swait.ge [sflag:s10], $0x1000  }
0x120: {  	[sflag:s10] =	ssyncset.done $0x0  }
0x121: {  	[sflag:s10] =	ssyncadd.s32 $0xFFFFF000  }
0x122: {  	_ =	swait.ge [sflag:s10], $0x1000  }
0x123: {  	[sflag:s10] =	ssyncset.done $0x0  }
0x124: {  	[sflag:s10] =	ssyncadd.s32 $0xFFFFF000  }
0x125: {  	_ =	swait.ge [sflag:s10], $0x1000  }
0x126: {  	[sflag:s10] =	ssyncset.done $0x0  }
0x127: {  	[sflag:s10] =	ssyncadd.s32 $0xFFFFF000  }
0x128: {  	_ =	swait.ge [sflag:s10], $0x1000  }
0x129: {  	[sflag:s10] =	ssyncset.done $0x0  }
0x12a: {  	[sflag:s10] =	ssyncadd.s32 $0xFFFFF000  }
0x12b: {  	_ =	swait.ge [sflag:s10], $0x1000  }
0x12c: {  	[sflag:s10] =	ssyncset.done $0x0  }
0x12d: {  	[sflag:s10] =	ssyncadd.s32 $0xFFFFF000  }
0x12e: {  	_ =	swait.ge [sflag:s10], $0x1000  }
0x12f: {  	[sflag:s10] =	ssyncset.done $0x0  }
0x130: {  	[sflag:s10] =	ssyncadd.s32 $0xFFFFF000  }
0x131: {  	_ =	swait.ge [sflag:s10], $0x1000  }
0x132: {  	[sflag:s10] =	ssyncset.done $0x0  }
0x133: {  	[sflag:s10] =	ssyncadd.s32 $0xFFFFF000  }
0x134: {  	_ =	swait.ge [sflag:s10], $0x1000  }
0x135: {  	[sflag:s10] =	ssyncset.done $0x0  }
0x136: {  	[sflag:s10] =	ssyncadd.s32 $0xFFFFF000  }
0x137: {  	_ =	swait.ge [sflag:s10], $0x1000  }
0x138: {  	[sflag:s10] =	ssyncset.done $0x0  }
0x139: {  	[sflag:s10] =	ssyncadd.s32 $0xFFFFF000  }
0x13a: {  	_ =	swait.ge [sflag:s10], $0x1000  }
0x13b: {  	[sflag:s10] =	ssyncset.done $0x0  }
0x13c: {  	[sflag:s10] =	ssyncadd.s32 $0xFFFFF000  }
0x13d: {  	_ =	swait.ge [sflag:s10], $0x1000  }
0x13e: {  	[sflag:s10] =	ssyncset.done $0x0  }
0x13f: {  	[sflag:s10] =	ssyncadd.s32 $0xFFFFF000  }
0x140: {  	_ =	swait.ge [sflag:s10], $0x1000  }
0x141: {  	[sflag:s10] =	ssyncset.done $0x0  }
0x142: {  	[sflag:s10] =	ssyncadd.s32 $0xFFFFF000  }
0x143: {  	_ =	swait.ge [sflag:s10], $0x1000  }
0x144: {  	[sflag:s10] =	ssyncset.done $0x0  }
0x145: {  	[sflag:s10] =	ssyncadd.s32 $0xFFFFF000  }
0x146: {  	_ =	swait.ge [sflag:s10], $0x1000  }
0x147: {  	[sflag:s10] =	ssyncset.done $0x0  }
0x148: {  	[sflag:s10] =	ssyncadd.s32 $0xFFFFF000  }
0x149: {  	_ =	swait.ge [sflag:s10], $0x1000  }
0x14a: {  	[sflag:s10] =	ssyncset.done $0x0  }
0x14b: {  	[sflag:s10] =	ssyncadd.s32 $0xFFFFF000  }
0x14c: {  	_ =	swait.ge [sflag:s10], $0x1000  }
0x14d: {  	[sflag:s10] =	ssyncset.done $0x0  }
0x14e: {  	[sflag:s10] =	ssyncadd.s32 $0xFFFFF000  }
0x14f: {  	_ =	swait.ge [sflag:s10], $0x1000  }
0x150: {  	[sflag:s10] =	ssyncset.done $0x0  }
0x151: {  	[sflag:s10] =	ssyncadd.s32 $0xFFFFF000  }
0x152: {  	_ =	swait.ge [sflag:s10], $0x1000  }
0x153: {  	[sflag:s10] =	ssyncset.done $0x0  }
0x154: {  	[sflag:s10] =	ssyncadd.s32 $0xFFFFF000  }
0x155: {  	_ =	swait.ge [sflag:s10], $0x1000  }
0x156: {  	[sflag:s10] =	ssyncset.done $0x0  }
0x157: {  	[sflag:s10] =	ssyncadd.s32 $0xFFFFF000  }
0x158: {  	_ =	swait.ge [sflag:s10], $0x1000  }
0x159: {  	[sflag:s10] =	ssyncset.done $0x0  }
0x15a: {  	[sflag:s10] =	ssyncadd.s32 $0xFFFFF000  }
0x15b: {  	s30 =	sadd.s32 $0x0, s24;
	[bflag:$0x0] =	sbarrier.arrive $0xFFFF  }
0x15c: {  	[tilespmem:s3], [sflag:$0x1] =	stream.linear.gather [hbm4b:s30+s3], $0x200, $0x38;
	[tilespmem:$0x1E400] =	vst v63  }
0x15d: {  	s31 =	sadd.s32 $0x0, s25  }
0x15e: {  	[tilespmem:s11], [sflag:$0x1] =	stream.linear.gather [hbm4b:s31+s3], $0x200, $0x38;
	[tilespmem:$0x1E400] =	vst v63  }
0x15f: {  	_ =	swait.ge [sflag:s10], $0x200  }
0x160: {  	[sflag:s10] =	ssyncset.done $0x0  }
0x161: {  	[sflag:s10] =	ssyncadd.s32 $0xFFFFFE00  }
0x162: {  	_ =	swait.ge [sflag:s10], $0x200  }
0x163: {  	[sflag:s10] =	ssyncset.done $0x0  }
0x164: {  	[sflag:s10] =	ssyncadd.s32 $0xFFFFFE00  }
0x165: {  	[tilespmem:s12], [sflag:$0x2] =	stream.indirect.gather [hbm4b:s5+s11], $0x20, s3, s11, $0xb8;
	[tilespmem:$0x1E400] =	vst v63  }
0x166: {  	_ =	swait.ge [sflag:s13], $0x4000  }
0x167: {  	[sflag:s13] =	ssyncset.done $0x0  }
0x168: {  	[sflag:s13] =	ssyncadd.s32 $0xFFFFC000  }
0x169: {  	[spmem:s2] =	stream.indirect.scatter.add.f32 [tilespmem:s12], [sflag:$0x3], $0x20, s11, s11, $0xb8;
	[tilespmem:$0x1E400] =	vst v63  }
0x16a: {  	_ =	swait.ge [sflag:s14], $0x4000  }
0x16b: {  	s28 =	simm.s32 $0x80;
	s26 =	simm.s32 $0x40;
	[sflag:s14] =	ssyncset.done $0x0  }
.LBB2_6:
0x16c: {  	s29 =	sadd.s32 s26, s24  }
0x16d: {  	[sflag:s14] =	ssyncadd.s32 $0xFFFFC000;
	s30 =	smov.u32 s28;
	s31 =	sadd.s32 $0x40, s28  }
0x16e: {  	[tilespmem:s3], [sflag:$0x1] =	stream.linear.gather [hbm4b:s29+s3], $0x200, $0x38;
	[tilespmem:$0x1E400] =	vst v63  }
0x16f: {  	p0 =	sne.s32 s28, $0x12C0;
	s28 =	sadd.s32 s26, s25;
	s26 =	smov.u32 s30  }
0x170: {  	[tilespmem:s11], [sflag:$0x1] =	stream.linear.gather [hbm4b:s28+s3], $0x200, $0x38;
	[tilespmem:$0x1E400] =	vst v63  }
0x171: {  	_ =	swait.ge [sflag:s10], $0x200  }
0x172: {  	[sflag:s10] =	ssyncset.done $0x0  }
0x173: {  	[sflag:s10] =	ssyncadd.s32 $0xFFFFFE00  }
0x174: {  	_ =	swait.ge [sflag:s10], $0x200  }
0x175: {  	[sflag:s10] =	ssyncset.done $0x0  }
0x176: {  	[sflag:s10] =	ssyncadd.s32 $0xFFFFFE00  }
0x177: {  	[tilespmem:s12], [sflag:$0x2] =	stream.indirect.gather [hbm4b:s5+s11], $0x20, s3, s11, $0xb8;
	[tilespmem:$0x1E400] =	vst v63  }
0x178: {  	_ =	swait.ge [sflag:s13], $0x4000  }
.Ltmp2:
0x179: {  	[sflag:s13] =	ssyncset.done $0x0;
	(pc) =	sbr.rel @p0 .LBB2_6-.Ltmp2, $4  }
0x17a: {  	[sflag:s13] =	ssyncadd.s32 $0xFFFFC000  }
0x17b: {  	[spmem:s2] =	stream.indirect.scatter.add.f32 [tilespmem:s12], [sflag:$0x3], $0x20, s11, s11, $0xb8;
	[tilespmem:$0x1E400] =	vst v63  }
0x17c: {  	_ =	swait.ge [sflag:s14], $0x4000  }
0x17d: {  	s28 =	smov.u32 s31;
	[sflag:s14] =	ssyncset.done $0x0  }
0x17e: {  	s28 =	sadd.s32 s26, s24;
	[sflag:s14] =	ssyncadd.s32 $0xFFFFC000  }
0x17f: {  	[tilespmem:s3], [sflag:$0x1] =	stream.linear.gather [hbm4b:s28+s3], $0x200, $0x38;
	[tilespmem:$0x1E400] =	vst v63  }
0x180: {  	s29 =	sadd.s32 s26, s25  }
0x181: {  	[tilespmem:s11], [sflag:$0x1] =	stream.linear.gather [hbm4b:s29+s3], $0x200, $0x38;
	[tilespmem:$0x1E400] =	vst v63  }
0x182: {  	_ =	swait.ge [sflag:s10], $0x200  }
0x183: {  	[sflag:s10] =	ssyncset.done $0x0  }
0x184: {  	[sflag:s10] =	ssyncadd.s32 $0xFFFFFE00  }
0x185: {  	_ =	swait.ge [sflag:s10], $0x200  }
0x186: {  	[sflag:s10] =	ssyncset.done $0x0  }
0x187: {  	[sflag:s10] =	ssyncadd.s32 $0xFFFFFE00  }
0x188: {  	[tilespmem:s12], [sflag:$0x2] =	stream.indirect.gather [hbm4b:s5+s11], $0x20, s3, s11, $0xb8;
	[tilespmem:$0x1E400] =	vst v63  }
0x189: {  	_ =	swait.ge [sflag:s13], $0x4000  }
0x18a: {  	[sflag:s13] =	ssyncset.done $0x0  }
0x18b: {  	[sflag:s13] =	ssyncadd.s32 $0xFFFFC000  }
0x18c: {  	[spmem:s2] =	stream.indirect.scatter.add.f32 [tilespmem:s12], [sflag:$0x3], $0x20, s11, s11, $0xb8;
	[tilespmem:$0x1E400] =	vst v63  }
0x18d: {  	_ =	swait.ge [sflag:s14], $0x4000  }
0x18e: {  	[sflag:s14] =	ssyncset.done $0x0  }
0x18f: {  	[sflag:s14] =	ssyncadd.s32 $0xFFFFC000  }
0x190: {  	[bflag:$0x0] =	sbarrier.arrive $0xFFFF  }
0x191: {  	s28 =	rddreg [dreg:$0xe]  }
0x192: {  	[hbm:s28], [sflag:s17] =	dma.local [spmem:s18], $0x3200  }
0x193: {  	_ =	swait.ge [sflag:s15], $0x3200  }
0x194: {  	s16 =	sadd.s32 $0x1, s16;
	s29 =	rddreg [dreg:$0xf]  }
0x195: {  	p0 =	sne.s32 s16, s29  }
.Ltmp3:
0x196: {  	_ = 	snop;
	(pc) =	sbr.rel @p0 .LBB2_1-.Ltmp3, $4  }
0x197: {  	[sflag:s15] =	ssyncset.done $0x0  }
0x198: {  	[sflag:s15] =	ssyncadd.s32 $0xFFFFCE00  }
0x199: {  	[bflag:$0x0] =	sbarrier.arrive $0xFFFF  }
0x19a: {  	s30 =	smov.u32 s1;
	s31 =	smov.u32 s0  }
0x19b: {  	_ =	sfence.sel $0x180000  }
0x19c: {  	[bflag:$0x0] =	sbarrier.arrive $0xFFFF  }
0x19d: {  	_ =	strace $0x9000004A  }
0x19e: {  	s0 =	stileid.u32;
	[bflag:$0x2] =	sbarrier.arrive $0xFFFF  }
0x19f: {  	p0 =	sne.s32 s0, $0x0;
	s0 =	rddreg [dreg:$0x2]  }
0x1a0: {  	s0 =	sadd.s32 @!p0 $0x100000, s0  }
0x1a1: {  	[sflag:s0] =	ssyncadd.tile.s32 @!p0 $0x1;
	_ =	shalt  }
.Lfunc_end2:
_tile_overlayer_lowered:
.L_overlay_start_2:
0x1a2: {  	(tag) =	ssettag $0x2  }
0x1a3: {  	s0 =	rddreg [dreg:$0x0];
	s2 =	stileid.u32  }
0x1a4: {  	s1 =	rddreg [dreg:$0x1];
	p0 =	sne.s32 s2, $0x0  }
0x1a5: {  	s3 =	rddreg [dreg:$0x2];
	[bflag:$0x3] =	sbarrier.arrive $0xFFFF;
	s2 =	simm.s32 @!p0 $0x1C04  }
0x1a6: {  	[timem:s3], [sflag:s2] =	dma.local @!p0 [hbm:s0], s1  }
0x1a7: {  	s0 =	simm.s32 @!p0 $0x4  }
0x1a8: {  	_ =	swait.ge @!p0 [sflag:s0], s1  }
0x1a9: {  	s1 =	ssub.s32 @!p0 $0x0, s1;
	[sflag:s0] =	ssyncset.done @!p0 $0x0  }
0x1aa: {  	[sflag:s0] =	ssyncadd.s32 @!p0 s1  }
0x1ab: {  	[bflag:$0x3] =	sbarrier.arrive $0xFFFF  }
0x1ac: {  	_ =	shalt  }

// kernel: kernel.16.cloned.1.call-start
scs
__scs_entry_jumppad:
0x0: {  	(pc) =	sbr.rel $0x88, $3  }
0x1: {  	(tag) =	ssettag $0x0;
	lr =	simm.s32 $0x1  }
0x2: {  	[smem:$0x3F92] =	sst lr;
	_ =	strace $0xD0000000  }
0x3: {  	_ = 	snop  }
0x4: {  	_ = 	snop  }
0x5: {  	_ = 	snop  }
0x6: {  	_ = 	snop  }
0x7: {  	_ = 	snop  }
__scs_overlays_trampoline_lowered:
0x8: {  	[smem:$0x3FA1] =	sst s0  }
0x9: {  	[smem:$0x3FA2] =	sst s1  }
0xa: {  	[smem:$0x3FA3] =	sst s2  }
0xb: {  	[smem:$0x3FA4] =	sst s3  }
0xc: {  	[smem:$0x3FA5] =	sst s4  }
0xd: {  	[smem:$0x3FA6] =	sst s5  }
0xe: {  	[smem:$0x3FA7] =	sst s6  }
0xf: {  	[smem:$0x3FA8] =	sst s7  }
0x10: {  	[smem:$0x3FA9] =	sst s8  }
0x11: {  	[smem:$0x3FAA] =	sst s9;
	s0 =	simm.s32 @!p0 $0x0  }
0x12: {  	s1 =	sld [smem:$0x3F90];
	s0 =	simm.s32 @p0 $0x1  }
0x13: {  	[smem:$0x3FAB] =	sst s0;
	s0 =	simm.s32 @!p1 $0x0  }
0x14: {  	s2 =	sld [smem:$0x3F8F];
	s0 =	simm.s32 @p1 $0x1  }
0x15: {  	[smem:$0x3FAC] =	sst s0;
	s0 =	simm.s32 @!p2 $0x0  }
0x16: {  	s3 =	sld [smem:$0x3FDB];
	s0 =	simm.s32 @p2 $0x1  }
0x17: {  	s4 =	simm.s32 $0x1BF5;
	[smem:$0x3FAE] =	sst s0  }
0x18: {  	s0 =	sld [smem:$0x3F91];
	_ =	swait.ge [sflag:s4], $0x0  }
0x19: {  	s7 =	sld [smem:$0x3F92]  }
0x1a: {  	s8 =	sadd.s32 $0xFFFFE003, lr  }
0x1b: {  	s9 =	sadd.s32 $0xFFFFFEF7, lr;
	s5 =	simm.s32 $0xFFFFFFFF;
	p2 =	slt.u32 s8, $0xFFFFF086  }
0x1c: {  	p1 =	slt.u32 s9, $0xF7A;
	s5 =	simm.s32 @!p2 $0x0  }
0x1d: {  	s5 =	simm.s32 @p1 $0x1;
	p0 =	seq.s32 s7, s2  }
0x1e: {  	s7 =	smul.u32 @!p0 $0xF7A, s2;
	p2 =	seq.s32 @!p0 s5, $0x0  }
0x1f: {  	s9 =	smul.u32 $0xF7A, s1;
	s8 =	simm.s32 @!p0 $0x1BF5;
	p2 =	por !p2, p0  }
0x20: {  	[sflag:s8] =	ssyncset.s32 @!p0 $0xFFFFF086;
	s6 =	sadd.s32 @!p0 s3, s7;
	s7 =	simm.s32 @!p0 $0x108  }
0x21: {  	s3 =	sadd.s32 s3, s9;
	s6 =	sadd.s32 @!p0 $0x88, s6;
	s7 =	simm.s32 @p2 $0x1082  }
0x22: {  	[simem:s7], [sflag:s8] =	dma.local @!p0 [hbm:s6], $0xF7A  }
0x23: {  	s9 =	sor.u32 $0xD0000000, s2;
	s6 =	simm.s32 $0x108;
	_ =	swait.ge @!p0 [sflag:s8], $0x0  }
0x24: {  	s3 =	sadd.s32 $0x88, s3;
	s6 =	simm.s32 @!p1 $0x1082;
	[sflag:s4] =	ssyncset.s32 $0xFFFFF086  }
0x25: {  	[simem:s6], [sflag:s4] =	dma.local [hbm:s3], $0xF7A  }
0x26: {  	[smem:$0x3F92] =	sst s1;
	(tag) =	ssettag s2;
	_ =	strace s9  }
0x27: {  	s1 =	sld [smem:$0x3FA2]  }
0x28: {  	s2 =	sld [smem:$0x3FA3]  }
0x29: {  	s4 =	sld [smem:$0x3FA5]  }
0x2a: {  	p0 =	seq.s32 s5, $0x0;
	s5 =	sld [smem:$0x3FA6]  }
0x2b: {  	s6 =	sld [smem:$0x3FA7]  }
0x2c: {  	s7 =	sld [smem:$0x3FA8]  }
0x2d: {  	s3 =	simm.s32 $0x108;
	s8 =	sld [smem:$0x3FA9]  }
0x2e: {  	s3 =	simm.s32 @!p0 $0x1082;
	s9 =	sld [smem:$0x3FAA]  }
0x2f: {  	lr =	sadd.s32 s0, s3;
	s0 =	sld [smem:$0x3FA1]  }
0x30: {  	s3 =	sld [smem:$0x3FA4]  }
0x31: {  	[smem:$0x3FAD] =	sst s10  }
0x32: {  	s10 =	sld [smem:$0x3FAB];
	_ =	sdelay $0x3  }
0x33: {  	p0 =	seq.s32 s10, $0x1;
	s10 =	sld [smem:$0x3FAD];
	_ =	sdelay $0x3  }
0x34: {  	[smem:$0x3FAD] =	sst s10  }
0x35: {  	s10 =	sld [smem:$0x3FAC];
	_ =	sdelay $0x3  }
0x36: {  	p1 =	seq.s32 s10, $0x1;
	s10 =	sld [smem:$0x3FAD];
	_ =	sdelay $0x3  }
0x37: {  	[smem:$0x3FAD] =	sst s10  }
0x38: {  	s10 =	sld [smem:$0x3FAE]  }
0x39: {  	_ = 	snop;
	(pc) =	sbr.ind lr, $3  }
0x3a: {  	_ = 	snop  }
0x3b: {  	_ = 	snop  }
0x3c: {  	p2 =	seq.s32 s10, $0x1;
	s10 =	sld [smem:$0x3FAD]  }
0x3d: {  	_ =	shalt  }
0x3e: {  	_ =	shalt  }
0x3f: {  	_ =	shalt  }
0x40: {  	_ =	shalt  }
0x41: {  	_ =	shalt  }
0x42: {  	_ =	shalt  }
0x43: {  	_ =	shalt  }
0x44: {  	_ =	shalt  }
0x45: {  	_ =	shalt  }
0x46: {  	_ =	shalt  }
0x47: {  	_ =	shalt  }
0x48: {  	_ =	shalt  }
0x49: {  	_ =	shalt  }
0x4a: {  	_ =	shalt  }
0x4b: {  	_ =	shalt  }
0x4c: {  	_ =	shalt  }
0x4d: {  	_ =	shalt  }
0x4e: {  	_ =	shalt  }
0x4f: {  	_ =	shalt  }
0x50: {  	_ =	shalt  }
0x51: {  	_ =	shalt  }
0x52: {  	_ =	shalt  }
0x53: {  	_ =	shalt  }
0x54: {  	_ =	shalt  }
0x55: {  	_ =	shalt  }
0x56: {  	_ =	shalt  }
0x57: {  	_ =	shalt  }
0x58: {  	_ =	shalt  }
0x59: {  	_ =	shalt  }
0x5a: {  	_ =	shalt  }
0x5b: {  	_ =	shalt  }
0x5c: {  	_ =	shalt  }
0x5d: {  	_ =	shalt  }
0x5e: {  	_ =	shalt  }
0x5f: {  	_ =	shalt  }
0x60: {  	_ =	shalt  }
0x61: {  	_ =	shalt  }
0x62: {  	_ =	shalt  }
0x63: {  	_ =	shalt  }
0x64: {  	_ =	shalt  }
0x65: {  	_ =	shalt  }
0x66: {  	_ =	shalt  }
0x67: {  	_ =	shalt  }
0x68: {  	_ =	shalt  }
0x69: {  	_ =	shalt  }
0x6a: {  	_ =	shalt  }
0x6b: {  	_ =	shalt  }
0x6c: {  	_ =	shalt  }
0x6d: {  	_ =	shalt  }
0x6e: {  	_ =	shalt  }
0x6f: {  	_ =	shalt  }
0x70: {  	_ =	shalt  }
0x71: {  	_ =	shalt  }
0x72: {  	_ =	shalt  }
0x73: {  	_ =	shalt  }
0x74: {  	_ =	shalt  }
0x75: {  	_ =	shalt  }
0x76: {  	_ =	shalt  }
0x77: {  	_ =	shalt  }
0x78: {  	_ =	shalt  }
0x79: {  	_ =	shalt  }
0x7a: {  	_ =	shalt  }
0x7b: {  	_ =	shalt  }
0x7c: {  	_ =	shalt  }
0x7d: {  	_ =	shalt  }
0x7e: {  	_ =	shalt  }
0x7f: {  	_ =	shalt  }
0x80: {  	_ =	shalt  }
0x81: {  	_ =	shalt  }
0x82: {  	_ =	shalt  }
0x83: {  	_ =	shalt  }
0x84: {  	_ =	shalt  }
0x85: {  	_ =	shalt  }
0x86: {  	_ =	shalt  }
0x87: {  	_ =	shalt  }
.Lfunc_end0:
.L_simem_size_0:
called_computation.2_lowered:
.L_overlay_start_0:
0x88: {  	s2 =	sld [smem:$0x3FD9]  }
0x89: {  	s3 =	sld [smem:$0x3FFE];
	_ =	sdelay $0x1  }
0x8a: {  	s1 =	srdreg.scid  }
0x8b: {  	s0 =	sand.u32 $0x1, s1  }
0x8c: {  	s16 =	sshll.u32 s0, $0xA;
	s2 =	sadd.s32 s3, s2  }
0x8d: {  	s2 =	sadd.s32 s2, s16  }
0x8e: {  	[smem:$0x3FB9] =	sst s2  }
0x8f: {  	_ = 	snop  }
0x90: {  	(tm) =	ssettm $0x1  }
0x91: {  	s17 =	sld [smem:$0x3FFB];
	_ =	sdelay $0x3  }
0x92: {  	_ =	strace s17  }
0x93: {  	s2 =	sld [smem:$0x3FFC];
	_ =	sdelay $0x3  }
0x94: {  	_ =	strace s2  }
0x95: {  	s2 =	sld [smem:$0x3FFD];
	_ =	sdelay $0x3  }
0x96: {  	_ =	strace s2  }
0x97: {  	_ =	strace $0x8FFFFFFF  }
0x98: {  	s18 =	sld [smem:$0x3FDB];
	_ =	sdelay $0x1  }
0x99: {  	s19 =	simm.s32 $_scs_section_size  }
0x9a: {  	s4 =	simm.s32 $_size__tile_overlayer_lowered;
	s5 =	simm.s32 $_tile_overlayer_lowered  }
0x9b: {  	s22 =	simm.s32 $0x1BFF;
	s21 =	sshll.u32 s5, $0x1;
	s2 =	sadd.s32 s19, s18  }
0x9c: {  	s6 =	simm.s32 $0x0;
	s20 =	sshll.u32 s4, $0x1;
	s4 =	sadd.s32 s21, s2  }
0x9d: {  	[timem:s6], [sflag:s22] =	dma.local [hbm:s4], s20  }
0x9e: {  	_ =	swait.ge [sflag:s22], s20  }
0x9f: {  	s3 =	ssub.s32 $0x0, s20;
	[sflag:s22] =	ssyncset.done $0x0  }
0xa0: {  	[sflag:s22] =	ssyncadd.s32 s3;
	_ =	sdelay $0x1  }
0xa1: {  	s23 =	simm.s32 $0x1B8B  }
0xa2: {  	_ =	swait.ge [sflag:s23], $0x1  }
0xa3: {  	[sflag:s23] =	ssyncset.done $0x0  }
0xa4: {  	s25 =	simm.s32 $0x1B8E;
	s24 =	sld [smem:$0x3FFE];
	[sflag:s23] =	ssyncadd.s32 $0xFFFFFFFF  }
0xa5: {  	s26 =	simm.s32 $execute0_lowered;
	[smem:$0x3FD2] =	sst s25  }
0xa6: {  	s4 =	sshll.u32 s26, $0x1;
	_ =	strace $0x8000004C;
	[dreg:$0x1] =	wrdreg $0xFFFFFFFF  }
0xa7: {  	s28 =	simm.s32 $_size_execute0_lowered;
	s2 =	sadd.s32 s2, s4;
	[dreg:$0x0] =	wrdreg $0x0  }
0xa8: {  	s4 =	sshll.u32 s28, $0x1;
	[dreg:$0x2] =	wrdreg s2  }
0xa9: {  	[dreg:$0x3] =	wrdreg s4  }
0xaa: {  	[dreg:$0x4] =	wrdreg $0xC0  }
0xab: {  	_ =	task [dreg:s6], $0x5FFFF  }
0xac: {  	[dreg:$0x1] =	wrdreg $0xFFFFFFFF  }
0xad: {  	[dreg:$0x0] =	wrdreg $0x60  }
0xae: {  	[dreg:$0x2] =	wrdreg s24  }
0xaf: {  	[dreg:$0x3] =	wrdreg $0x54000  }
0xb0: {  	[dreg:$0x4] =	wrdreg $0x9  }
0xb1: {  	_ =	task.clear_ibuf [dreg:s6], $0x5FFFF;
	_ =	strace $0x9000004C  }
0xb2: {  	s29 =	simm.s32 $0x9;
	_ =	strace $0x8000004E  }
0xb3: {  	_ =	swait.ge [sflag:s29], $0x1  }
0xb4: {  	[sflag:s29] =	ssyncadd.s32 $0xFFFFFFFF  }
0xb5: {  	_ =	strace $0x9000004E  }
0xb6: {  	_ =	sfence  }
0xb7: {  	s30 =	sld [smem:$0x0];
	_ =	sdelay $0x2  }
0xb8: {  	s31 =	sshll.u32 s1, $0xD;
	s1 =	sshrl.u32 s1, $0x2  }
0xb9: {  	s3 =	sand.u32 $0x4000, s31;
	s1 =	sadd.s32 s1, s30  }
0xba: {  	s0 =	sor.u32 s3, s0;
	s1 =	sshll.u32 s1, $0x11  }
0xbb: {  	s0 =	sor.u32 s1, s0  }
0xbc: {  	s0 =	sadd.s32 $0x8F2B, s0  }
0xbd: {  	[sflag:s0] =	ssyncadd.remote.s32 $0x1  }
0xbe: {  	_ =	sfence.sel $0xFFFF  }
0xbf: {  	[dreg:$0x0] =	wrdreg $0xFFFFFFFF;
	(pc) =	sbr.abs _section_cstart, $3  }
0xc0: {  	[dreg:$0x1] =	wrdreg $0xFFFFFFFF  }
0xc1: {  	_ =	task.clear_ibuf [dreg:s6], $0x2FFFF;
	_ =	strace $0x9FFFFFFF  }
0xc2: {  	(tm) =	ssettm $0x7FFFFFFF  }
0xc3: {  	_ =	shalt  }
tec
execute0_lowered:
.L_overlay_start_1:
0x0: {  	(tag) =	ssettag $0x1  }
0x1: {  	s10 =	stileid.u32  }
0x2: {  	s1 =	smul.u32 $0x1300, s10  }
0x3: {  	s7 =	smul.u32 $0x9800, s10  }
0x4: {  	s4 =	srdreg.scid;
	s9 =	smul.u32 $0xC80, s10  }
0x5: {  	s6 =	sand.u32 $0x1, s4;
	s10 =	smul.u32 $0x64000, s10  }
0x6: {  	s8 =	smul.u32 $0x98000, s6  }
0x7: {  	s0 =	rddreg [dreg:$0x0];
	s22 =	smul.u32 $0xC800, s6;
	s6 =	ssub.s32 $0x2, s6  }
0x8: {  	s2 =	rddreg [dreg:$0x1];
	s23 =	sshrl.u32 s6, $0x1;
	s10 =	sshrl.u32 s10, $0x2  }
0x9: {  	s3 =	simm.s32 $0x0;
	s24 =	ssub.s32 s6, s23;
	s6 =	sadd.s32 s10, s2  }
0xa: {  	[smem:$0x7FF] =	sst s3;
	s25 =	sadd.s32 $0x3000, s6  }
0xb: {  	_ =	strace $0x8000004D;
	s26 =	sadd.s32 $0x4000, s6;
	[dreg:$0x3] =	wrdreg s25  }
0xc: {  	s28 =	sadd.s32 $0x5000, s6;
	[dreg:$0x4] =	wrdreg s26  }
0xd: {  	s4 =	sadd.s32 $0x69EC00, s0;
	s29 =	sadd.s32 $0x6000, s6;
	[dreg:$0x5] =	wrdreg s28  }
0xe: {  	s5 =	sadd.s32 $0x6C00, s0;
	s10 =	sadd.s32 $0x7000, s6;
	[dreg:$0x6] =	wrdreg s29  }
0xf: {  	s1 =	sadd.s32 s1, s0;
	s11 =	sadd.s32 $0x8000, s6;
	[dreg:$0x7] =	wrdreg s10  }
0x10: {  	s7 =	sadd.s32 s8, s7;
	s12 =	sadd.s32 $0x9000, s6;
	[dreg:$0x8] =	wrdreg s11  }
0x11: {  	s8 =	sadd.s32 s9, s22;
	s13 =	sadd.s32 $0xA000, s6;
	[dreg:$0x9] =	wrdreg s12  }
0x12: {  	s23 =	sadd.s32 $0x126C00, s1;
	s14 =	sadd.s32 $0xB000, s6;
	[dreg:$0xa] =	wrdreg s13  }
0x13: {  	s9 =	simm.s32 $0x4400;
	s16 =	sadd.s32 $0xC000, s6;
	[dreg:$0xb] =	wrdreg s14  }
0x14: {  	s7 =	sshrl.u32 s7, $0x3;
	s17 =	smax.u32 s24, $0x1;
	[dreg:$0xd] =	wrdreg s16  }
0x15: {  	s8 =	sshll.u32 s8, $0x2;
	s18 =	sadd.s32 $0xD000, s6;
	[dreg:$0xf] =	wrdreg s17  }
0x16: {  	s30 =	sadd.s32 $0x1000, s6;
	s19 =	sadd.s32 $0xE000, s6;
	[dreg:$0x10] =	wrdreg s18  }
0x17: {  	s31 =	sadd.s32 $0x2000, s6;
	s20 =	sadd.s32 $0xF000, s6;
	[dreg:$0x11] =	wrdreg s19  }
0x18: {  	s22 =	sadd.s32 $0x10000, s6;
	s7 =	sadd.s32 s7, s0;
	[dreg:$0x12] =	wrdreg s20  }
0x19: {  	s0 =	sadd.s32 s8, s0;
	s25 =	sadd.s32 $0x139C00, s1;
	[dreg:$0x13] =	wrdreg s22  }
0x1a: {  	s26 =	sadd.s32 $0x11000, s6;
	s28 =	sadd.s32 $0x12000, s6;
	s29 =	sadd.s32 $0x13000, s6  }
0x1b: {  	s18 =	sadd.s32 $0x14000, s6;
	s20 =	sadd.s32 $0x15000, s6;
	s22 =	sadd.s32 $0x16000, s6  }
0x1c: {  	s8 =	sadd.s32 $0x18000, s6;
	s10 =	simm.s32 $0x1;
	s11 =	simm.s32 $0x200  }
0x1d: {  	s12 =	simm.s32 $0x400;
	s13 =	simm.s32 $0x2;
	[dreg:$0x14] =	wrdreg s26  }
0x1e: {  	s14 =	simm.s32 $0x3;
	s16 =	simm.s32 $0x0;
	[dreg:$0x15] =	wrdreg s28  }
0x1f: {  	s15 =	sadd.s32 $0x702C00, s0;
	s0 =	sadd.s32 $0x6AC00, s0;
	[dreg:$0x16] =	wrdreg s29  }
0x20: {  	s21 =	sadd.s32 $0x185C00, s7;
	s24 =	sadd.s32 $0x15FC00, s7;
	[dreg:$0xc] =	wrdreg s15  }
0x21: {  	v0 =	vimm.f32 $0.0e+00;
	s7 =	sadd.s32 $0x17000, s6;
	[dreg:$0xe] =	wrdreg s0;
	s15 =	simm.s32 $0x4  }
.LBB2_1:
0x22: {  	s17 =	simm.s32 $0x80;
	s19 =	simm.s32 $0x0  }
.LBB2_2:
0x23: {  	p0 =	sne.s32 s17, $0x3F80;
	[tilespmem:s19+$0x4400] =	vst v0;
	s26 =	smov.u32 s17;
	s17 =	sadd.s32 $0x80, s17  }
.Ltmp0:
0x24: {  	[tilespmem:s19+$0x4410] =	vst v0;
	(pc) =	sbr.rel @p0 .LBB2_2-.Ltmp0, $2  }
0x25: {  	_ =	sdelay $0x2  }
0x26: {  	s19 =	sshra.s32 s26, $0x2  }
0x27: {  	[tilespmem:s19+$0x4400] =	vst v0  }
0x28: {  	[tilespmem:s19+$0x4410] =	vst v0  }
0x29: {  	[spmem:s6] =	stream.linear.scatter [tilespmem:s9], [sflag:$0x1], $0x1000, $0x38;
	[tilespmem:$0x1E400] =	vst v63  }
0x2a: {  	_ = 	snop  }
0x2b: {  	[spmem:s30] =	stream.linear.scatter [tilespmem:s9], [sflag:$0x1], $0x1000, $0x38;
	[tilespmem:$0x1E400] =	vst v63  }
0x2c: {  	_ = 	snop  }
0x2d: {  	[spmem:s31] =	stream.linear.scatter [tilespmem:s9], [sflag:$0x1], $0x1000, $0x38;
	[tilespmem:$0x1E400] =	vst v63  }
0x2e: {  	s0 =	rddreg [dreg:$0x3]  }
0x2f: {  	[spmem:s0] =	stream.linear.scatter [tilespmem:s9], [sflag:$0x1], $0x1000, $0x38;
	[tilespmem:$0x1E400] =	vst v63  }
0x30: {  	s17 =	rddreg [dreg:$0x4]  }
0x31: {  	[spmem:s17] =	stream.linear.scatter [tilespmem:s9], [sflag:$0x1], $0x1000, $0x38;
	[tilespmem:$0x1E400] =	vst v63  }
0x32: {  	s19 =	rddreg [dreg:$0x5]  }
0x33: {  	[spmem:s19] =	stream.linear.scatter [tilespmem:s9], [sflag:$0x1], $0x1000, $0x38;
	[tilespmem:$0x1E400] =	vst v63  }
0x34: {  	s26 =	rddreg [dreg:$0x6]  }
0x35: {  	[spmem:s26] =	stream.linear.scatter [tilespmem:s9], [sflag:$0x1], $0x1000, $0x38;
	[tilespmem:$0x1E400] =	vst v63  }
0x36: {  	s28 =	rddreg [dreg:$0x7]  }
0x37: {  	[spmem:s28] =	stream.linear.scatter [tilespmem:s9], [sflag:$0x1], $0x1000, $0x38;
	[tilespmem:$0x1E400] =	vst v63  }
0x38: {  	s29 =	rddreg [dreg:$0x8]  }
0x39: {  	[spmem:s29] =	stream.linear.scatter [tilespmem:s9], [sflag:$0x1], $0x1000, $0x38;
	[tilespmem:$0x1E400] =	vst v63  }
0x3a: {  	s1 =	rddreg [dreg:$0x9]  }
0x3b: {  	[spmem:s1] =	stream.linear.scatter [tilespmem:s9], [sflag:$0x1], $0x1000, $0x38;
	[tilespmem:$0x1E400] =	vst v63  }
0x3c: {  	s17 =	rddreg [dreg:$0xa]  }
0x3d: {  	[spmem:s17] =	stream.linear.scatter [tilespmem:s9], [sflag:$0x1], $0x1000, $0x38;
	[tilespmem:$0x1E400] =	vst v63  }
0x3e: {  	s19 =	rddreg [dreg:$0xb]  }
0x3f: {  	[spmem:s19] =	stream.linear.scatter [tilespmem:s9], [sflag:$0x1], $0x1000, $0x38;
	[tilespmem:$0x1E400] =	vst v63  }
0x40: {  	s26 =	rddreg [dreg:$0xd]  }
0x41: {  	[spmem:s26] =	stream.linear.scatter [tilespmem:s9], [sflag:$0x1], $0x1000, $0x38;
	[tilespmem:$0x1E400] =	vst v63  }
0x42: {  	s28 =	rddreg [dreg:$0x10]  }
0x43: {  	[spmem:s28] =	stream.linear.scatter [tilespmem:s9], [sflag:$0x1], $0x1000, $0x38;
	[tilespmem:$0x1E400] =	vst v63  }
0x44: {  	s29 =	rddreg [dreg:$0x11]  }
0x45: {  	[spmem:s29] =	stream.linear.scatter [tilespmem:s9], [sflag:$0x1], $0x1000, $0x38;
	[tilespmem:$0x1E400] =	vst v63  }
0x46: {  	s1 =	rddreg [dreg:$0x12]  }
0x47: {  	[spmem:s1] =	stream.linear.scatter [tilespmem:s9], [sflag:$0x1], $0x1000, $0x38;
	[tilespmem:$0x1E400] =	vst v63  }
0x48: {  	s17 =	rddreg [dreg:$0x13]  }
0x49: {  	[spmem:s17] =	stream.linear.scatter [tilespmem:s9], [sflag:$0x1], $0x1000, $0x38;
	[tilespmem:$0x1E400] =	vst v63  }
0x4a: {  	s19 =	rddreg [dreg:$0x14]  }
0x4b: {  	[spmem:s19] =	stream.linear.scatter [tilespmem:s9], [sflag:$0x1], $0x1000, $0x38;
	[tilespmem:$0x1E400] =	vst v63  }
0x4c: {  	s26 =	rddreg [dreg:$0x15]  }
0x4d: {  	[spmem:s26] =	stream.linear.scatter [tilespmem:s9], [sflag:$0x1], $0x1000, $0x38;
	[tilespmem:$0x1E400] =	vst v63  }
0x4e: {  	s28 =	rddreg [dreg:$0x16]  }
0x4f: {  	[spmem:s28] =	stream.linear.scatter [tilespmem:s9], [sflag:$0x1], $0x1000, $0x38;
	[tilespmem:$0x1E400] =	vst v63  }
0x50: {  	_ = 	snop  }
0x51: {  	[spmem:s18] =	stream.linear.scatter [tilespmem:s9], [sflag:$0x1], $0x1000, $0x38;
	[tilespmem:$0x1E400] =	vst v63  }
0x52: {  	_ = 	snop  }
0x53: {  	[spmem:s20] =	stream.linear.scatter [tilespmem:s9], [sflag:$0x1], $0x1000, $0x38;
	[tilespmem:$0x1E400] =	vst v63  }
0x54: {  	_ = 	snop  }
0x55: {  	[spmem:s22] =	stream.linear.scatter [tilespmem:s9], [sflag:$0x1], $0x1000, $0x38;
	[tilespmem:$0x1E400] =	vst v63  }
0x56: {  	_ = 	snop  }
0x57: {  	[spmem:s7] =	stream.linear.scatter [tilespmem:s9], [sflag:$0x1], $0x1000, $0x38;
	[tilespmem:$0x1E400] =	vst v63  }
0x58: {  	_ = 	snop  }
0x59: {  	[spmem:s8] =	stream.linear.scatter [tilespmem:s9], [sflag:$0x1], $0x1000, $0x38;
	[tilespmem:$0x1E400] =	vst v63  }
0x5a: {  	_ =	swait.ge [sflag:s10], $0x1000  }
0x5b: {  	[sflag:s10] =	ssyncset.done $0x0  }
0x5c: {  	[sflag:s10] =	ssyncadd.s32 $0xFFFFF000  }
0x5d: {  	_ =	swait.ge [sflag:s10], $0x1000  }
0x5e: {  	[sflag:s10] =	ssyncset.done $0x0  }
0x5f: {  	[sflag:s10] =	ssyncadd.s32 $0xFFFFF000  }
0x60: {  	_ =	swait.ge [sflag:s10], $0x1000  }
0x61: {  	[sflag:s10] =	ssyncset.done $0x0  }
0x62: {  	[sflag:s10] =	ssyncadd.s32 $0xFFFFF000  }
0x63: {  	_ =	swait.ge [sflag:s10], $0x1000  }
0x64: {  	[sflag:s10] =	ssyncset.done $0x0  }
0x65: {  	[sflag:s10] =	ssyncadd.s32 $0xFFFFF000  }
0x66: {  	_ =	swait.ge [sflag:s10], $0x1000  }
0x67: {  	[sflag:s10] =	ssyncset.done $0x0  }
0x68: {  	[sflag:s10] =	ssyncadd.s32 $0xFFFFF000  }
0x69: {  	_ =	swait.ge [sflag:s10], $0x1000  }
0x6a: {  	[sflag:s10] =	ssyncset.done $0x0  }
0x6b: {  	[sflag:s10] =	ssyncadd.s32 $0xFFFFF000  }
0x6c: {  	_ =	swait.ge [sflag:s10], $0x1000  }
0x6d: {  	[sflag:s10] =	ssyncset.done $0x0  }
0x6e: {  	[sflag:s10] =	ssyncadd.s32 $0xFFFFF000  }
0x6f: {  	_ =	swait.ge [sflag:s10], $0x1000  }
0x70: {  	[sflag:s10] =	ssyncset.done $0x0  }
0x71: {  	[sflag:s10] =	ssyncadd.s32 $0xFFFFF000  }
0x72: {  	_ =	swait.ge [sflag:s10], $0x1000  }
0x73: {  	[sflag:s10] =	ssyncset.done $0x0  }
0x74: {  	[sflag:s10] =	ssyncadd.s32 $0xFFFFF000  }
0x75: {  	_ =	swait.ge [sflag:s10], $0x1000  }
0x76: {  	[sflag:s10] =	ssyncset.done $0x0  }
0x77: {  	[sflag:s10] =	ssyncadd.s32 $0xFFFFF000  }
0x78: {  	_ =	swait.ge [sflag:s10], $0x1000  }
0x79: {  	[sflag:s10] =	ssyncset.done $0x0  }
0x7a: {  	[sflag:s10] =	ssyncadd.s32 $0xFFFFF000  }
0x7b: {  	_ =	swait.ge [sflag:s10], $0x1000  }
0x7c: {  	[sflag:s10] =	ssyncset.done $0x0  }
0x7d: {  	[sflag:s10] =	ssyncadd.s32 $0xFFFFF000  }
0x7e: {  	_ =	swait.ge [sflag:s10], $0x1000  }
0x7f: {  	[sflag:s10] =	ssyncset.done $0x0  }
0x80: {  	[sflag:s10] =	ssyncadd.s32 $0xFFFFF000  }
0x81: {  	_ =	swait.ge [sflag:s10], $0x1000  }
0x82: {  	[sflag:s10] =	ssyncset.done $0x0  }
0x83: {  	[sflag:s10] =	ssyncadd.s32 $0xFFFFF000  }
0x84: {  	_ =	swait.ge [sflag:s10], $0x1000  }
0x85: {  	[sflag:s10] =	ssyncset.done $0x0  }
0x86: {  	[sflag:s10] =	ssyncadd.s32 $0xFFFFF000  }
0x87: {  	_ =	swait.ge [sflag:s10], $0x1000  }
0x88: {  	[sflag:s10] =	ssyncset.done $0x0  }
0x89: {  	[sflag:s10] =	ssyncadd.s32 $0xFFFFF000  }
0x8a: {  	_ =	swait.ge [sflag:s10], $0x1000  }
0x8b: {  	[sflag:s10] =	ssyncset.done $0x0  }
0x8c: {  	[sflag:s10] =	ssyncadd.s32 $0xFFFFF000  }
0x8d: {  	_ =	swait.ge [sflag:s10], $0x1000  }
0x8e: {  	[sflag:s10] =	ssyncset.done $0x0  }
0x8f: {  	[sflag:s10] =	ssyncadd.s32 $0xFFFFF000  }
0x90: {  	_ =	swait.ge [sflag:s10], $0x1000  }
0x91: {  	[sflag:s10] =	ssyncset.done $0x0  }
0x92: {  	[sflag:s10] =	ssyncadd.s32 $0xFFFFF000  }
0x93: {  	_ =	swait.ge [sflag:s10], $0x1000  }
0x94: {  	[sflag:s10] =	ssyncset.done $0x0  }
0x95: {  	[sflag:s10] =	ssyncadd.s32 $0xFFFFF000  }
0x96: {  	_ =	swait.ge [sflag:s10], $0x1000  }
0x97: {  	[sflag:s10] =	ssyncset.done $0x0  }
0x98: {  	[sflag:s10] =	ssyncadd.s32 $0xFFFFF000  }
0x99: {  	_ =	swait.ge [sflag:s10], $0x1000  }
0x9a: {  	[sflag:s10] =	ssyncset.done $0x0  }
0x9b: {  	[sflag:s10] =	ssyncadd.s32 $0xFFFFF000  }
0x9c: {  	_ =	swait.ge [sflag:s10], $0x1000  }
0x9d: {  	[sflag:s10] =	ssyncset.done $0x0  }
0x9e: {  	[sflag:s10] =	ssyncadd.s32 $0xFFFFF000  }
0x9f: {  	_ =	swait.ge [sflag:s10], $0x1000  }
0xa0: {  	[sflag:s10] =	ssyncset.done $0x0  }
0xa1: {  	[sflag:s10] =	ssyncadd.s32 $0xFFFFF000  }
0xa2: {  	_ =	swait.ge [sflag:s10], $0x1000  }
0xa3: {  	[sflag:s10] =	ssyncset.done $0x0  }
0xa4: {  	[sflag:s10] =	ssyncadd.s32 $0xFFFFF000  }
0xa5: {  	s17 =	sadd.s32 $0x0, s21;
	[bflag:$0x0] =	sbarrier.arrive $0xFFFF  }
0xa6: {  	[tilespmem:s3], [sflag:$0x1] =	stream.linear.gather [hbm4b:s17+s3], $0x200, $0x38;
	[tilespmem:$0x1E400] =	vst v63  }
0xa7: {  	s29 =	sadd.s32 $0x0, s23  }
0xa8: {  	[tilespmem:s11], [sflag:$0x1] =	stream.linear.gather [hbm4b:s29+s3], $0x200, $0x38;
	[tilespmem:$0x1E400] =	vst v63  }
0xa9: {  	_ =	swait.ge [sflag:s10], $0x200  }
0xaa: {  	[sflag:s10] =	ssyncset.done $0x0  }
0xab: {  	[sflag:s10] =	ssyncadd.s32 $0xFFFFFE00  }
0xac: {  	_ =	swait.ge [sflag:s10], $0x200  }
0xad: {  	[sflag:s10] =	ssyncset.done $0x0  }
0xae: {  	[sflag:s10] =	ssyncadd.s32 $0xFFFFFE00  }
0xaf: {  	[tilespmem:s12], [sflag:$0x2] =	stream.indirect.gather [hbm4b:s4+s11], $0x20, s3, s11, $0xb8;
	[tilespmem:$0x1E400] =	vst v63  }
0xb0: {  	_ =	swait.ge [sflag:s13], $0x4000  }
0xb1: {  	[sflag:s13] =	ssyncset.done $0x0  }
0xb2: {  	[sflag:s13] =	ssyncadd.s32 $0xFFFFC000  }
0xb3: {  	[spmem:s2] =	stream.indirect.scatter.add.f32 [tilespmem:s12], [sflag:$0x3], $0x20, s11, s11, $0xb8;
	[tilespmem:$0x1E400] =	vst v63  }
0xb4: {  	_ =	swait.ge [sflag:s14], $0x4000  }
0xb5: {  	s19 =	simm.s32 $0x80;
	s17 =	simm.s32 $0x40;
	[sflag:s14] =	ssyncset.done $0x0  }
.LBB2_4:
0xb6: {  	s26 =	sadd.s32 s17, s21  }
0xb7: {  	[sflag:s14] =	ssyncadd.s32 $0xFFFFC000;
	s28 =	smov.u32 s19;
	s29 =	sadd.s32 $0x40, s19  }
0xb8: {  	[tilespmem:s3], [sflag:$0x1] =	stream.linear.gather [hbm4b:s26+s3], $0x200, $0x38;
	[tilespmem:$0x1E400] =	vst v63  }
0xb9: {  	p0 =	sne.s32 s19, $0x12C0;
	s19 =	sadd.s32 s17, s23;
	s17 =	smov.u32 s28  }
0xba: {  	[tilespmem:s11], [sflag:$0x1] =	stream.linear.gather [hbm4b:s19+s3], $0x200, $0x38;
	[tilespmem:$0x1E400] =	vst v63  }
0xbb: {  	_ =	swait.ge [sflag:s10], $0x200  }
0xbc: {  	[sflag:s10] =	ssyncset.done $0x0  }
0xbd: {  	[sflag:s10] =	ssyncadd.s32 $0xFFFFFE00  }
0xbe: {  	_ =	swait.ge [sflag:s10], $0x200  }
0xbf: {  	[sflag:s10] =	ssyncset.done $0x0  }
0xc0: {  	[sflag:s10] =	ssyncadd.s32 $0xFFFFFE00  }
0xc1: {  	[tilespmem:s12], [sflag:$0x2] =	stream.indirect.gather [hbm4b:s4+s11], $0x20, s3, s11, $0xb8;
	[tilespmem:$0x1E400] =	vst v63  }
0xc2: {  	_ =	swait.ge [sflag:s13], $0x4000  }
.Ltmp1:
0xc3: {  	[sflag:s13] =	ssyncset.done $0x0;
	(pc) =	sbr.rel @p0 .LBB2_4-.Ltmp1, $4  }
0xc4: {  	[sflag:s13] =	ssyncadd.s32 $0xFFFFC000  }
0xc5: {  	[spmem:s2] =	stream.indirect.scatter.add.f32 [tilespmem:s12], [sflag:$0x3], $0x20, s11, s11, $0xb8;
	[tilespmem:$0x1E400] =	vst v63  }
0xc6: {  	_ =	swait.ge [sflag:s14], $0x4000  }
0xc7: {  	s19 =	smov.u32 s29;
	[sflag:s14] =	ssyncset.done $0x0  }
0xc8: {  	s19 =	sadd.s32 s17, s21;
	[sflag:s14] =	ssyncadd.s32 $0xFFFFC000  }
0xc9: {  	[tilespmem:s3], [sflag:$0x1] =	stream.linear.gather [hbm4b:s19+s3], $0x200, $0x38;
	[tilespmem:$0x1E400] =	vst v63  }
0xca: {  	s19 =	sadd.s32 s17, s23  }
0xcb: {  	[tilespmem:s11], [sflag:$0x1] =	stream.linear.gather [hbm4b:s19+s3], $0x200, $0x38;
	[tilespmem:$0x1E400] =	vst v63  }
0xcc: {  	_ =	swait.ge [sflag:s10], $0x200  }
0xcd: {  	[sflag:s10] =	ssyncset.done $0x0  }
0xce: {  	[sflag:s10] =	ssyncadd.s32 $0xFFFFFE00  }
0xcf: {  	_ =	swait.ge [sflag:s10], $0x200  }
0xd0: {  	[sflag:s10] =	ssyncset.done $0x0  }
0xd1: {  	[sflag:s10] =	ssyncadd.s32 $0xFFFFFE00  }
0xd2: {  	[tilespmem:s12], [sflag:$0x2] =	stream.indirect.gather [hbm4b:s4+s11], $0x20, s3, s11, $0xb8;
	[tilespmem:$0x1E400] =	vst v63  }
0xd3: {  	_ =	swait.ge [sflag:s13], $0x4000  }
0xd4: {  	[sflag:s13] =	ssyncset.done $0x0  }
0xd5: {  	[sflag:s13] =	ssyncadd.s32 $0xFFFFC000  }
0xd6: {  	[spmem:s2] =	stream.indirect.scatter.add.f32 [tilespmem:s12], [sflag:$0x3], $0x20, s11, s11, $0xb8;
	[tilespmem:$0x1E400] =	vst v63  }
0xd7: {  	_ =	swait.ge [sflag:s14], $0x4000  }
0xd8: {  	[sflag:s14] =	ssyncset.done $0x0  }
0xd9: {  	s26 =	stileid.u32;
	[sflag:s14] =	ssyncadd.s32 $0xFFFFC000  }
0xda: {  	s17 =	sshll.u32 s26, $0x6;
	[bflag:$0x0] =	sbarrier.arrive $0xFFFF  }
0xdb: {  	s17 =	sor.u32 $0x1C04, s17;
	s19 =	sshrl.u32 s6, $0x3;
	s0 =	rddreg [dreg:$0xc]  }
0xdc: {  	[hbm:s0], [sflag:s17] =	dma.local [spmem:s19], $0x3200  }
0xdd: {  	_ =	swait.ge [sflag:s15], $0x3200  }
0xde: {  	[sflag:s15] =	ssyncset.done $0x0  }
0xdf: {  	[sflag:s15] =	ssyncadd.s32 $0xFFFFCE00  }
0xe0: {  	[bflag:$0x0] =	sbarrier.arrive $0xFFFF  }
0xe1: {  	[spmem:s6] =	stream.linear.scatter [tilespmem:s9], [sflag:$0x1], $0x1000, $0x38;
	[tilespmem:$0x1E400] =	vst v63  }
0xe2: {  	_ = 	snop  }
0xe3: {  	[spmem:s30] =	stream.linear.scatter [tilespmem:s9], [sflag:$0x1], $0x1000, $0x38;
	[tilespmem:$0x1E400] =	vst v63  }
0xe4: {  	_ = 	snop  }
0xe5: {  	[spmem:s31] =	stream.linear.scatter [tilespmem:s9], [sflag:$0x1], $0x1000, $0x38;
	[tilespmem:$0x1E400] =	vst v63  }
0xe6: {  	s26 =	rddreg [dreg:$0x3]  }
0xe7: {  	[spmem:s26] =	stream.linear.scatter [tilespmem:s9], [sflag:$0x1], $0x1000, $0x38;
	[tilespmem:$0x1E400] =	vst v63  }
0xe8: {  	s29 =	rddreg [dreg:$0x4]  }
0xe9: {  	[spmem:s29] =	stream.linear.scatter [tilespmem:s9], [sflag:$0x1], $0x1000, $0x38;
	[tilespmem:$0x1E400] =	vst v63  }
0xea: {  	s0 =	smov.u32 s30;
	s30 =	rddreg [dreg:$0x5]  }
0xeb: {  	[spmem:s30] =	stream.linear.scatter [tilespmem:s9], [sflag:$0x1], $0x1000, $0x38;
	[tilespmem:$0x1E400] =	vst v63  }
0xec: {  	s1 =	smov.u32 s31;
	s31 =	rddreg [dreg:$0x6]  }
0xed: {  	[spmem:s31] =	stream.linear.scatter [tilespmem:s9], [sflag:$0x1], $0x1000, $0x38;
	[tilespmem:$0x1E400] =	vst v63  }
0xee: {  	s29 =	rddreg [dreg:$0x7]  }
0xef: {  	[spmem:s29] =	stream.linear.scatter [tilespmem:s9], [sflag:$0x1], $0x1000, $0x38;
	[tilespmem:$0x1E400] =	vst v63  }
0xf0: {  	s30 =	rddreg [dreg:$0x8]  }
0xf1: {  	[spmem:s30] =	stream.linear.scatter [tilespmem:s9], [sflag:$0x1], $0x1000, $0x38;
	[tilespmem:$0x1E400] =	vst v63  }
0xf2: {  	s31 =	rddreg [dreg:$0x9]  }
0xf3: {  	[spmem:s31] =	stream.linear.scatter [tilespmem:s9], [sflag:$0x1], $0x1000, $0x38;
	[tilespmem:$0x1E400] =	vst v63  }
0xf4: {  	s29 =	rddreg [dreg:$0xa]  }
0xf5: {  	[spmem:s29] =	stream.linear.scatter [tilespmem:s9], [sflag:$0x1], $0x1000, $0x38;
	[tilespmem:$0x1E400] =	vst v63  }
0xf6: {  	s30 =	rddreg [dreg:$0xb]  }
0xf7: {  	[spmem:s30] =	stream.linear.scatter [tilespmem:s9], [sflag:$0x1], $0x1000, $0x38;
	[tilespmem:$0x1E400] =	vst v63  }
0xf8: {  	s31 =	rddreg [dreg:$0xd]  }
0xf9: {  	[spmem:s31] =	stream.linear.scatter [tilespmem:s9], [sflag:$0x1], $0x1000, $0x38;
	[tilespmem:$0x1E400] =	vst v63  }
0xfa: {  	s29 =	rddreg [dreg:$0x10]  }
0xfb: {  	[spmem:s29] =	stream.linear.scatter [tilespmem:s9], [sflag:$0x1], $0x1000, $0x38;
	[tilespmem:$0x1E400] =	vst v63  }
0xfc: {  	s30 =	rddreg [dreg:$0x11]  }
0xfd: {  	[spmem:s30] =	stream.linear.scatter [tilespmem:s9], [sflag:$0x1], $0x1000, $0x38;
	[tilespmem:$0x1E400] =	vst v63  }
0xfe: {  	s31 =	rddreg [dreg:$0x12]  }
0xff: {  	[spmem:s31] =	stream.linear.scatter [tilespmem:s9], [sflag:$0x1], $0x1000, $0x38;
	[tilespmem:$0x1E400] =	vst v63  }
0x100: {  	s29 =	rddreg [dreg:$0x13]  }
0x101: {  	[spmem:s29] =	stream.linear.scatter [tilespmem:s9], [sflag:$0x1], $0x1000, $0x38;
	[tilespmem:$0x1E400] =	vst v63  }
0x102: {  	s30 =	rddreg [dreg:$0x14]  }
0x103: {  	[spmem:s30] =	stream.linear.scatter [tilespmem:s9], [sflag:$0x1], $0x1000, $0x38;
	[tilespmem:$0x1E400] =	vst v63  }
0x104: {  	s31 =	rddreg [dreg:$0x15]  }
0x105: {  	[spmem:s31] =	stream.linear.scatter [tilespmem:s9], [sflag:$0x1], $0x1000, $0x38;
	[tilespmem:$0x1E400] =	vst v63  }
0x106: {  	s29 =	rddreg [dreg:$0x16]  }
0x107: {  	[spmem:s29] =	stream.linear.scatter [tilespmem:s9], [sflag:$0x1], $0x1000, $0x38;
	[tilespmem:$0x1E400] =	vst v63  }
0x108: {  	_ = 	snop  }
0x109: {  	[spmem:s18] =	stream.linear.scatter [tilespmem:s9], [sflag:$0x1], $0x1000, $0x38;
	[tilespmem:$0x1E400] =	vst v63  }
0x10a: {  	_ = 	snop  }
0x10b: {  	[spmem:s20] =	stream.linear.scatter [tilespmem:s9], [sflag:$0x1], $0x1000, $0x38;
	[tilespmem:$0x1E400] =	vst v63  }
0x10c: {  	_ = 	snop  }
0x10d: {  	[spmem:s22] =	stream.linear.scatter [tilespmem:s9], [sflag:$0x1], $0x1000, $0x38;
	[tilespmem:$0x1E400] =	vst v63  }
0x10e: {  	_ = 	snop  }
0x10f: {  	[spmem:s7] =	stream.linear.scatter [tilespmem:s9], [sflag:$0x1], $0x1000, $0x38;
	[tilespmem:$0x1E400] =	vst v63  }
0x110: {  	_ = 	snop  }
0x111: {  	[spmem:s8] =	stream.linear.scatter [tilespmem:s9], [sflag:$0x1], $0x1000, $0x38;
	[tilespmem:$0x1E400] =	vst v63  }
0x112: {  	_ =	swait.ge [sflag:s10], $0x1000  }
0x113: {  	[sflag:s10] =	ssyncset.done $0x0  }
0x114: {  	[sflag:s10] =	ssyncadd.s32 $0xFFFFF000  }
0x115: {  	_ =	swait.ge [sflag:s10], $0x1000  }
0x116: {  	[sflag:s10] =	ssyncset.done $0x0  }
0x117: {  	[sflag:s10] =	ssyncadd.s32 $0xFFFFF000  }
0x118: {  	_ =	swait.ge [sflag:s10], $0x1000  }
0x119: {  	[sflag:s10] =	ssyncset.done $0x0  }
0x11a: {  	[sflag:s10] =	ssyncadd.s32 $0xFFFFF000  }
0x11b: {  	_ =	swait.ge [sflag:s10], $0x1000  }
0x11c: {  	[sflag:s10] =	ssyncset.done $0x0  }
0x11d: {  	[sflag:s10] =	ssyncadd.s32 $0xFFFFF000  }
0x11e: {  	_ =	swait.ge [sflag:s10], $0x1000  }
0x11f: {  	[sflag:s10] =	ssyncset.done $0x0  }
0x120: {  	[sflag:s10] =	ssyncadd.s32 $0xFFFFF000  }
0x121: {  	_ =	swait.ge [sflag:s10], $0x1000  }
0x122: {  	[sflag:s10] =	ssyncset.done $0x0  }
0x123: {  	[sflag:s10] =	ssyncadd.s32 $0xFFFFF000  }
0x124: {  	_ =	swait.ge [sflag:s10], $0x1000  }
0x125: {  	[sflag:s10] =	ssyncset.done $0x0  }
0x126: {  	[sflag:s10] =	ssyncadd.s32 $0xFFFFF000  }
0x127: {  	_ =	swait.ge [sflag:s10], $0x1000  }
0x128: {  	[sflag:s10] =	ssyncset.done $0x0  }
0x129: {  	[sflag:s10] =	ssyncadd.s32 $0xFFFFF000  }
0x12a: {  	_ =	swait.ge [sflag:s10], $0x1000  }
0x12b: {  	[sflag:s10] =	ssyncset.done $0x0  }
0x12c: {  	[sflag:s10] =	ssyncadd.s32 $0xFFFFF000  }
0x12d: {  	_ =	swait.ge [sflag:s10], $0x1000  }
0x12e: {  	[sflag:s10] =	ssyncset.done $0x0  }
0x12f: {  	[sflag:s10] =	ssyncadd.s32 $0xFFFFF000  }
0x130: {  	_ =	swait.ge [sflag:s10], $0x1000  }
0x131: {  	[sflag:s10] =	ssyncset.done $0x0  }
0x132: {  	[sflag:s10] =	ssyncadd.s32 $0xFFFFF000  }
0x133: {  	_ =	swait.ge [sflag:s10], $0x1000  }
0x134: {  	[sflag:s10] =	ssyncset.done $0x0  }
0x135: {  	[sflag:s10] =	ssyncadd.s32 $0xFFFFF000  }
0x136: {  	_ =	swait.ge [sflag:s10], $0x1000  }
0x137: {  	[sflag:s10] =	ssyncset.done $0x0  }
0x138: {  	[sflag:s10] =	ssyncadd.s32 $0xFFFFF000  }
0x139: {  	_ =	swait.ge [sflag:s10], $0x1000  }
0x13a: {  	[sflag:s10] =	ssyncset.done $0x0  }
0x13b: {  	[sflag:s10] =	ssyncadd.s32 $0xFFFFF000  }
0x13c: {  	_ =	swait.ge [sflag:s10], $0x1000  }
0x13d: {  	[sflag:s10] =	ssyncset.done $0x0  }
0x13e: {  	[sflag:s10] =	ssyncadd.s32 $0xFFFFF000  }
0x13f: {  	_ =	swait.ge [sflag:s10], $0x1000  }
0x140: {  	[sflag:s10] =	ssyncset.done $0x0  }
0x141: {  	[sflag:s10] =	ssyncadd.s32 $0xFFFFF000  }
0x142: {  	_ =	swait.ge [sflag:s10], $0x1000  }
0x143: {  	[sflag:s10] =	ssyncset.done $0x0  }
0x144: {  	[sflag:s10] =	ssyncadd.s32 $0xFFFFF000  }
0x145: {  	_ =	swait.ge [sflag:s10], $0x1000  }
0x146: {  	[sflag:s10] =	ssyncset.done $0x0  }
0x147: {  	[sflag:s10] =	ssyncadd.s32 $0xFFFFF000  }
0x148: {  	_ =	swait.ge [sflag:s10], $0x1000  }
0x149: {  	[sflag:s10] =	ssyncset.done $0x0  }
0x14a: {  	[sflag:s10] =	ssyncadd.s32 $0xFFFFF000  }
0x14b: {  	_ =	swait.ge [sflag:s10], $0x1000  }
0x14c: {  	[sflag:s10] =	ssyncset.done $0x0  }
0x14d: {  	[sflag:s10] =	ssyncadd.s32 $0xFFFFF000  }
0x14e: {  	_ =	swait.ge [sflag:s10], $0x1000  }
0x14f: {  	[sflag:s10] =	ssyncset.done $0x0  }
0x150: {  	[sflag:s10] =	ssyncadd.s32 $0xFFFFF000  }
0x151: {  	_ =	swait.ge [sflag:s10], $0x1000  }
0x152: {  	[sflag:s10] =	ssyncset.done $0x0  }
0x153: {  	[sflag:s10] =	ssyncadd.s32 $0xFFFFF000  }
0x154: {  	_ =	swait.ge [sflag:s10], $0x1000  }
0x155: {  	[sflag:s10] =	ssyncset.done $0x0  }
0x156: {  	[sflag:s10] =	ssyncadd.s32 $0xFFFFF000  }
0x157: {  	_ =	swait.ge [sflag:s10], $0x1000  }
0x158: {  	[sflag:s10] =	ssyncset.done $0x0  }
0x159: {  	[sflag:s10] =	ssyncadd.s32 $0xFFFFF000  }
0x15a: {  	_ =	swait.ge [sflag:s10], $0x1000  }
0x15b: {  	[sflag:s10] =	ssyncset.done $0x0  }
0x15c: {  	[sflag:s10] =	ssyncadd.s32 $0xFFFFF000  }
0x15d: {  	s30 =	sadd.s32 $0x0, s24;
	[bflag:$0x0] =	sbarrier.arrive $0xFFFF  }
0x15e: {  	[tilespmem:s3], [sflag:$0x1] =	stream.linear.gather [hbm4b:s30+s3], $0x200, $0x38;
	[tilespmem:$0x1E400] =	vst v63  }
0x15f: {  	s31 =	sadd.s32 $0x0, s25  }
0x160: {  	[tilespmem:s11], [sflag:$0x1] =	stream.linear.gather [hbm4b:s31+s3], $0x200, $0x38;
	[tilespmem:$0x1E400] =	vst v63  }
0x161: {  	_ =	swait.ge [sflag:s10], $0x200  }
0x162: {  	[sflag:s10] =	ssyncset.done $0x0  }
0x163: {  	[sflag:s10] =	ssyncadd.s32 $0xFFFFFE00  }
0x164: {  	_ =	swait.ge [sflag:s10], $0x200  }
0x165: {  	[sflag:s10] =	ssyncset.done $0x0  }
0x166: {  	[sflag:s10] =	ssyncadd.s32 $0xFFFFFE00  }
0x167: {  	[tilespmem:s12], [sflag:$0x2] =	stream.indirect.gather [hbm4b:s5+s11], $0x20, s3, s11, $0xb8;
	[tilespmem:$0x1E400] =	vst v63  }
0x168: {  	_ =	swait.ge [sflag:s13], $0x4000  }
0x169: {  	[sflag:s13] =	ssyncset.done $0x0  }
0x16a: {  	[sflag:s13] =	ssyncadd.s32 $0xFFFFC000  }
0x16b: {  	[spmem:s2] =	stream.indirect.scatter.add.f32 [tilespmem:s12], [sflag:$0x3], $0x20, s11, s11, $0xb8;
	[tilespmem:$0x1E400] =	vst v63  }
0x16c: {  	_ =	swait.ge [sflag:s14], $0x4000  }
0x16d: {  	s28 =	simm.s32 $0x80;
	s26 =	simm.s32 $0x40;
	[sflag:s14] =	ssyncset.done $0x0  }
.LBB2_6:
0x16e: {  	s29 =	sadd.s32 s26, s24  }
0x16f: {  	[sflag:s14] =	ssyncadd.s32 $0xFFFFC000;
	s30 =	smov.u32 s28;
	s31 =	sadd.s32 $0x40, s28  }
0x170: {  	[tilespmem:s3], [sflag:$0x1] =	stream.linear.gather [hbm4b:s29+s3], $0x200, $0x38;
	[tilespmem:$0x1E400] =	vst v63  }
0x171: {  	p0 =	sne.s32 s28, $0x12C0;
	s28 =	sadd.s32 s26, s25;
	s26 =	smov.u32 s30  }
0x172: {  	[tilespmem:s11], [sflag:$0x1] =	stream.linear.gather [hbm4b:s28+s3], $0x200, $0x38;
	[tilespmem:$0x1E400] =	vst v63  }
0x173: {  	_ =	swait.ge [sflag:s10], $0x200  }
0x174: {  	[sflag:s10] =	ssyncset.done $0x0  }
0x175: {  	[sflag:s10] =	ssyncadd.s32 $0xFFFFFE00  }
0x176: {  	_ =	swait.ge [sflag:s10], $0x200  }
0x177: {  	[sflag:s10] =	ssyncset.done $0x0  }
0x178: {  	[sflag:s10] =	ssyncadd.s32 $0xFFFFFE00  }
0x179: {  	[tilespmem:s12], [sflag:$0x2] =	stream.indirect.gather [hbm4b:s5+s11], $0x20, s3, s11, $0xb8;
	[tilespmem:$0x1E400] =	vst v63  }
0x17a: {  	_ =	swait.ge [sflag:s13], $0x4000  }
.Ltmp2:
0x17b: {  	[sflag:s13] =	ssyncset.done $0x0;
	(pc) =	sbr.rel @p0 .LBB2_6-.Ltmp2, $4  }
0x17c: {  	[sflag:s13] =	ssyncadd.s32 $0xFFFFC000  }
0x17d: {  	[spmem:s2] =	stream.indirect.scatter.add.f32 [tilespmem:s12], [sflag:$0x3], $0x20, s11, s11, $0xb8;
	[tilespmem:$0x1E400] =	vst v63  }
0x17e: {  	_ =	swait.ge [sflag:s14], $0x4000  }
0x17f: {  	s28 =	smov.u32 s31;
	[sflag:s14] =	ssyncset.done $0x0  }
0x180: {  	s28 =	sadd.s32 s26, s24;
	[sflag:s14] =	ssyncadd.s32 $0xFFFFC000  }
0x181: {  	[tilespmem:s3], [sflag:$0x1] =	stream.linear.gather [hbm4b:s28+s3], $0x200, $0x38;
	[tilespmem:$0x1E400] =	vst v63  }
0x182: {  	s29 =	sadd.s32 s26, s25  }
0x183: {  	[tilespmem:s11], [sflag:$0x1] =	stream.linear.gather [hbm4b:s29+s3], $0x200, $0x38;
	[tilespmem:$0x1E400] =	vst v63  }
0x184: {  	_ =	swait.ge [sflag:s10], $0x200  }
0x185: {  	[sflag:s10] =	ssyncset.done $0x0  }
0x186: {  	[sflag:s10] =	ssyncadd.s32 $0xFFFFFE00  }
0x187: {  	_ =	swait.ge [sflag:s10], $0x200  }
0x188: {  	[sflag:s10] =	ssyncset.done $0x0  }
0x189: {  	[sflag:s10] =	ssyncadd.s32 $0xFFFFFE00  }
0x18a: {  	[tilespmem:s12], [sflag:$0x2] =	stream.indirect.gather [hbm4b:s5+s11], $0x20, s3, s11, $0xb8;
	[tilespmem:$0x1E400] =	vst v63  }
0x18b: {  	_ =	swait.ge [sflag:s13], $0x4000  }
0x18c: {  	[sflag:s13] =	ssyncset.done $0x0  }
0x18d: {  	[sflag:s13] =	ssyncadd.s32 $0xFFFFC000  }
0x18e: {  	[spmem:s2] =	stream.indirect.scatter.add.f32 [tilespmem:s12], [sflag:$0x3], $0x20, s11, s11, $0xb8;
	[tilespmem:$0x1E400] =	vst v63  }
0x18f: {  	_ =	swait.ge [sflag:s14], $0x4000  }
0x190: {  	[sflag:s14] =	ssyncset.done $0x0  }
0x191: {  	[sflag:s14] =	ssyncadd.s32 $0xFFFFC000  }
0x192: {  	[bflag:$0x0] =	sbarrier.arrive $0xFFFF  }
0x193: {  	s28 =	rddreg [dreg:$0xe]  }
0x194: {  	[hbm:s28], [sflag:s17] =	dma.local [spmem:s19], $0x3200  }
0x195: {  	_ =	swait.ge [sflag:s15], $0x3200  }
0x196: {  	s16 =	sadd.s32 $0x1, s16;
	s29 =	rddreg [dreg:$0xf]  }
0x197: {  	p0 =	sne.s32 s16, s29  }
.Ltmp3:
0x198: {  	_ = 	snop;
	(pc) =	sbr.rel @p0 .LBB2_1-.Ltmp3, $4  }
0x199: {  	[sflag:s15] =	ssyncset.done $0x0  }
0x19a: {  	[sflag:s15] =	ssyncadd.s32 $0xFFFFCE00  }
0x19b: {  	[bflag:$0x0] =	sbarrier.arrive $0xFFFF  }
0x19c: {  	s30 =	smov.u32 s0;
	s31 =	smov.u32 s1  }
0x19d: {  	_ =	sfence.sel $0x180000  }
0x19e: {  	[bflag:$0x0] =	sbarrier.arrive $0xFFFF  }
0x19f: {  	_ =	strace $0x9000004D  }
0x1a0: {  	s0 =	stileid.u32;
	[bflag:$0x2] =	sbarrier.arrive $0xFFFF  }
0x1a1: {  	p0 =	sne.s32 s0, $0x0;
	s0 =	rddreg [dreg:$0x2]  }
0x1a2: {  	s0 =	sadd.s32 @!p0 $0x100000, s0  }
0x1a3: {  	[sflag:s0] =	ssyncadd.tile.s32 @!p0 $0x1;
	_ =	shalt  }
.Lfunc_end2:
_tile_overlayer_lowered:
.L_overlay_start_2:
0x1a4: {  	(tag) =	ssettag $0x2  }
0x1a5: {  	s0 =	rddreg [dreg:$0x0];
	s2 =	stileid.u32  }
0x1a6: {  	s1 =	rddreg [dreg:$0x1];
	p0 =	sne.s32 s2, $0x0  }
0x1a7: {  	s3 =	rddreg [dreg:$0x2];
	[bflag:$0x3] =	sbarrier.arrive $0xFFFF;
	s2 =	simm.s32 @!p0 $0x1C04  }
0x1a8: {  	[timem:s3], [sflag:s2] =	dma.local @!p0 [hbm:s0], s1  }
0x1a9: {  	s0 =	simm.s32 @!p0 $0x4  }
0x1aa: {  	_ =	swait.ge @!p0 [sflag:s0], s1  }
0x1ab: {  	s1 =	ssub.s32 @!p0 $0x0, s1;
	[sflag:s0] =	ssyncset.done @!p0 $0x0  }
0x1ac: {  	[sflag:s0] =	ssyncadd.s32 @!p0 s1  }
0x1ad: {  	[bflag:$0x3] =	sbarrier.arrive $0xFFFF  }
0x1ae: {  	_ =	shalt  }

// kernel: kernel.19.cloned.1.call-start
scs
__scs_entry_jumppad:
0x0: {  	(pc) =	sbr.rel $0x88, $3  }
0x1: {  	(tag) =	ssettag $0x0;
	lr =	simm.s32 $0x1  }
0x2: {  	[smem:$0x3F92] =	sst lr;
	_ =	strace $0xD0000000  }
0x3: {  	_ = 	snop  }
0x4: {  	_ = 	snop  }
0x5: {  	_ = 	snop  }
0x6: {  	_ = 	snop  }
0x7: {  	_ = 	snop  }
__scs_overlays_trampoline_lowered:
0x8: {  	[smem:$0x3FA1] =	sst s0  }
0x9: {  	[smem:$0x3FA2] =	sst s1  }
0xa: {  	[smem:$0x3FA3] =	sst s2  }
0xb: {  	[smem:$0x3FA4] =	sst s3  }
0xc: {  	[smem:$0x3FA5] =	sst s4  }
0xd: {  	[smem:$0x3FA6] =	sst s5  }
0xe: {  	[smem:$0x3FA7] =	sst s6  }
0xf: {  	[smem:$0x3FA8] =	sst s7  }
0x10: {  	[smem:$0x3FA9] =	sst s8  }
0x11: {  	[smem:$0x3FAA] =	sst s9;
	s0 =	simm.s32 @!p0 $0x0  }
0x12: {  	s1 =	sld [smem:$0x3F90];
	s0 =	simm.s32 @p0 $0x1  }
0x13: {  	[smem:$0x3FAB] =	sst s0;
	s0 =	simm.s32 @!p1 $0x0  }
0x14: {  	s2 =	sld [smem:$0x3F8F];
	s0 =	simm.s32 @p1 $0x1  }
0x15: {  	[smem:$0x3FAC] =	sst s0;
	s0 =	simm.s32 @!p2 $0x0  }
0x16: {  	s3 =	sld [smem:$0x3FDB];
	s0 =	simm.s32 @p2 $0x1  }
0x17: {  	s4 =	simm.s32 $0x1BF5;
	[smem:$0x3FAE] =	sst s0  }
0x18: {  	s0 =	sld [smem:$0x3F91];
	_ =	swait.ge [sflag:s4], $0x0  }
0x19: {  	s7 =	sld [smem:$0x3F92]  }
0x1a: {  	s8 =	sadd.s32 $0xFFFFE003, lr  }
0x1b: {  	s9 =	sadd.s32 $0xFFFFFEF7, lr;
	s5 =	simm.s32 $0xFFFFFFFF;
	p2 =	slt.u32 s8, $0xFFFFF086  }
0x1c: {  	p1 =	slt.u32 s9, $0xF7A;
	s5 =	simm.s32 @!p2 $0x0  }
0x1d: {  	s5 =	simm.s32 @p1 $0x1;
	p0 =	seq.s32 s7, s2  }
0x1e: {  	s7 =	smul.u32 @!p0 $0xF7A, s2;
	p2 =	seq.s32 @!p0 s5, $0x0  }
0x1f: {  	s9 =	smul.u32 $0xF7A, s1;
	s8 =	simm.s32 @!p0 $0x1BF5;
	p2 =	por !p2, p0  }
0x20: {  	[sflag:s8] =	ssyncset.s32 @!p0 $0xFFFFF086;
	s6 =	sadd.s32 @!p0 s3, s7;
	s7 =	simm.s32 @!p0 $0x108  }
0x21: {  	s3 =	sadd.s32 s3, s9;
	s6 =	sadd.s32 @!p0 $0x88, s6;
	s7 =	simm.s32 @p2 $0x1082  }
0x22: {  	[simem:s7], [sflag:s8] =	dma.local @!p0 [hbm:s6], $0xF7A  }
0x23: {  	s9 =	sor.u32 $0xD0000000, s2;
	s6 =	simm.s32 $0x108;
	_ =	swait.ge @!p0 [sflag:s8], $0x0  }
0x24: {  	s3 =	sadd.s32 $0x88, s3;
	s6 =	simm.s32 @!p1 $0x1082;
	[sflag:s4] =	ssyncset.s32 $0xFFFFF086  }
0x25: {  	[simem:s6], [sflag:s4] =	dma.local [hbm:s3], $0xF7A  }
0x26: {  	[smem:$0x3F92] =	sst s1;
	(tag) =	ssettag s2;
	_ =	strace s9  }
0x27: {  	s1 =	sld [smem:$0x3FA2]  }
0x28: {  	s2 =	sld [smem:$0x3FA3]  }
0x29: {  	s4 =	sld [smem:$0x3FA5]  }
0x2a: {  	p0 =	seq.s32 s5, $0x0;
	s5 =	sld [smem:$0x3FA6]  }
0x2b: {  	s6 =	sld [smem:$0x3FA7]  }
0x2c: {  	s7 =	sld [smem:$0x3FA8]  }
0x2d: {  	s3 =	simm.s32 $0x108;
	s8 =	sld [smem:$0x3FA9]  }
0x2e: {  	s3 =	simm.s32 @!p0 $0x1082;
	s9 =	sld [smem:$0x3FAA]  }
0x2f: {  	lr =	sadd.s32 s0, s3;
	s0 =	sld [smem:$0x3FA1]  }
0x30: {  	s3 =	sld [smem:$0x3FA4]  }
0x31: {  	[smem:$0x3FAD] =	sst s10  }
0x32: {  	s10 =	sld [smem:$0x3FAB];
	_ =	sdelay $0x3  }
0x33: {  	p0 =	seq.s32 s10, $0x1;
	s10 =	sld [smem:$0x3FAD];
	_ =	sdelay $0x3  }
0x34: {  	[smem:$0x3FAD] =	sst s10  }
0x35: {  	s10 =	sld [smem:$0x3FAC];
	_ =	sdelay $0x3  }
0x36: {  	p1 =	seq.s32 s10, $0x1;
	s10 =	sld [smem:$0x3FAD];
	_ =	sdelay $0x3  }
0x37: {  	[smem:$0x3FAD] =	sst s10  }
0x38: {  	s10 =	sld [smem:$0x3FAE]  }
0x39: {  	_ = 	snop;
	(pc) =	sbr.ind lr, $3  }
0x3a: {  	_ = 	snop  }
0x3b: {  	_ = 	snop  }
0x3c: {  	p2 =	seq.s32 s10, $0x1;
	s10 =	sld [smem:$0x3FAD]  }
0x3d: {  	_ =	shalt  }
0x3e: {  	_ =	shalt  }
0x3f: {  	_ =	shalt  }
0x40: {  	_ =	shalt  }
0x41: {  	_ =	shalt  }
0x42: {  	_ =	shalt  }
0x43: {  	_ =	shalt  }
0x44: {  	_ =	shalt  }
0x45: {  	_ =	shalt  }
0x46: {  	_ =	shalt  }
0x47: {  	_ =	shalt  }
0x48: {  	_ =	shalt  }
0x49: {  	_ =	shalt  }
0x4a: {  	_ =	shalt  }
0x4b: {  	_ =	shalt  }
0x4c: {  	_ =	shalt  }
0x4d: {  	_ =	shalt  }
0x4e: {  	_ =	shalt  }
0x4f: {  	_ =	shalt  }
0x50: {  	_ =	shalt  }
0x51: {  	_ =	shalt  }
0x52: {  	_ =	shalt  }
0x53: {  	_ =	shalt  }
0x54: {  	_ =	shalt  }
0x55: {  	_ =	shalt  }
0x56: {  	_ =	shalt  }
0x57: {  	_ =	shalt  }
0x58: {  	_ =	shalt  }
0x59: {  	_ =	shalt  }
0x5a: {  	_ =	shalt  }
0x5b: {  	_ =	shalt  }
0x5c: {  	_ =	shalt  }
0x5d: {  	_ =	shalt  }
0x5e: {  	_ =	shalt  }
0x5f: {  	_ =	shalt  }
0x60: {  	_ =	shalt  }
0x61: {  	_ =	shalt  }
0x62: {  	_ =	shalt  }
0x63: {  	_ =	shalt  }
0x64: {  	_ =	shalt  }
0x65: {  	_ =	shalt  }
0x66: {  	_ =	shalt  }
0x67: {  	_ =	shalt  }
0x68: {  	_ =	shalt  }
0x69: {  	_ =	shalt  }
0x6a: {  	_ =	shalt  }
0x6b: {  	_ =	shalt  }
0x6c: {  	_ =	shalt  }
0x6d: {  	_ =	shalt  }
0x6e: {  	_ =	shalt  }
0x6f: {  	_ =	shalt  }
0x70: {  	_ =	shalt  }
0x71: {  	_ =	shalt  }
0x72: {  	_ =	shalt  }
0x73: {  	_ =	shalt  }
0x74: {  	_ =	shalt  }
0x75: {  	_ =	shalt  }
0x76: {  	_ =	shalt  }
0x77: {  	_ =	shalt  }
0x78: {  	_ =	shalt  }
0x79: {  	_ =	shalt  }
0x7a: {  	_ =	shalt  }
0x7b: {  	_ =	shalt  }
0x7c: {  	_ =	shalt  }
0x7d: {  	_ =	shalt  }
0x7e: {  	_ =	shalt  }
0x7f: {  	_ =	shalt  }
0x80: {  	_ =	shalt  }
0x81: {  	_ =	shalt  }
0x82: {  	_ =	shalt  }
0x83: {  	_ =	shalt  }
0x84: {  	_ =	shalt  }
0x85: {  	_ =	shalt  }
0x86: {  	_ =	shalt  }
0x87: {  	_ =	shalt  }
.Lfunc_end0:
.L_simem_size_0:
called_computation.3_lowered:
.L_overlay_start_0:
0x88: {  	s2 =	sld [smem:$0x3FD9]  }
0x89: {  	s3 =	sld [smem:$0x3FFE];
	_ =	sdelay $0x1  }
0x8a: {  	s1 =	srdreg.scid  }
0x8b: {  	s0 =	sand.u32 $0x1, s1  }
0x8c: {  	s17 =	sshll.u32 s0, $0xA;
	s2 =	sadd.s32 s3, s2  }
0x8d: {  	s2 =	sadd.s32 s2, s17  }
0x8e: {  	[smem:$0x3FB9] =	sst s2  }
0x8f: {  	_ = 	snop  }
0x90: {  	s2 =	sld [smem:$0x3FD0];
	(tm) =	ssettm $0x1  }
0x91: {  	s18 =	sld [smem:$0x3FFB];
	_ =	sdelay $0x3  }
0x92: {  	_ =	strace s18  }
0x93: {  	s3 =	sld [smem:$0x3FFC];
	_ =	sdelay $0x3  }
0x94: {  	_ =	strace s3  }
0x95: {  	s3 =	sld [smem:$0x3FFD];
	_ =	sdelay $0x3  }
0x96: {  	_ =	strace s3  }
0x97: {  	_ =	strace $0x8FFFFFFF  }
0x98: {  	s19 =	sld [smem:$0x3FDB];
	_ =	sdelay $0x1  }
0x99: {  	s4 =	simm.s32 $_scs_section_size  }
0x9a: {  	s5 =	simm.s32 $_size__tile_overlayer_lowered;
	s6 =	simm.s32 $_tile_overlayer_lowered  }
0x9b: {  	s22 =	simm.s32 $0x1BFF;
	s21 =	sshll.u32 s6, $0x1;
	s3 =	sadd.s32 s4, s19  }
0x9c: {  	s7 =	simm.s32 $0x0;
	s20 =	sshll.u32 s5, $0x1;
	s5 =	sadd.s32 s21, s3  }
0x9d: {  	[timem:s7], [sflag:s22] =	dma.local [hbm:s5], s20  }
0x9e: {  	_ =	swait.ge [sflag:s22], s20  }
0x9f: {  	s4 =	ssub.s32 $0x0, s20;
	[sflag:s22] =	ssyncset.done $0x0  }
0xa0: {  	[sflag:s22] =	ssyncadd.s32 s4;
	_ =	sdelay $0x1  }
0xa1: {  	s23 =	simm.s32 $0x1B8B  }
0xa2: {  	_ =	swait.ge [sflag:s23], $0x1  }
0xa3: {  	[sflag:s23] =	ssyncset.done $0x0  }
0xa4: {  	s25 =	simm.s32 $0x1B8E;
	s24 =	sld [smem:$0x3FFE];
	[sflag:s23] =	ssyncadd.s32 $0xFFFFFFFF  }
0xa5: {  	s26 =	simm.s32 $execute0_lowered;
	[smem:$0x3FD2] =	sst s25  }
0xa6: {  	s5 =	sshll.u32 s26, $0x1;
	_ =	strace $0x8000004F;
	[dreg:$0x1] =	wrdreg $0xFFFFFFFF  }
0xa7: {  	s28 =	simm.s32 $_size_execute0_lowered;
	s3 =	sadd.s32 s3, s5;
	[dreg:$0x0] =	wrdreg $0x0  }
0xa8: {  	s5 =	sshll.u32 s28, $0x1;
	[dreg:$0x2] =	wrdreg s3  }
0xa9: {  	[dreg:$0x3] =	wrdreg s5  }
0xaa: {  	[dreg:$0x4] =	wrdreg $0xC0  }
0xab: {  	_ =	task [dreg:s7], $0x5FFFF  }
0xac: {  	[dreg:$0x1] =	wrdreg $0xFFFFFFFF  }
0xad: {  	[dreg:$0x0] =	wrdreg $0x60  }
0xae: {  	[dreg:$0x2] =	wrdreg s24  }
0xaf: {  	[dreg:$0x3] =	wrdreg s2  }
0xb0: {  	[dreg:$0x4] =	wrdreg $0x9  }
0xb1: {  	_ =	task.clear_ibuf [dreg:s7], $0x5FFFF;
	_ =	strace $0x9000004F  }
0xb2: {  	s29 =	simm.s32 $0x9;
	_ =	strace $0x80000051  }
0xb3: {  	_ =	swait.ge [sflag:s29], $0x1  }
0xb4: {  	[sflag:s29] =	ssyncadd.s32 $0xFFFFFFFF  }
0xb5: {  	_ =	strace $0x90000051  }
0xb6: {  	_ =	sfence  }
0xb7: {  	s30 =	sld [smem:$0x0];
	_ =	sdelay $0x2  }
0xb8: {  	s31 =	sshll.u32 s1, $0xD;
	s1 =	sshrl.u32 s1, $0x2  }
0xb9: {  	s3 =	sand.u32 $0x4000, s31;
	s1 =	sadd.s32 s1, s30  }
0xba: {  	s0 =	sor.u32 s3, s0;
	s1 =	sshll.u32 s1, $0x11  }
0xbb: {  	s0 =	sor.u32 s1, s0  }
0xbc: {  	s0 =	sadd.s32 $0x8F2B, s0  }
0xbd: {  	[sflag:s0] =	ssyncadd.remote.s32 $0x1  }
0xbe: {  	_ =	sfence.sel $0xFFFF  }
0xbf: {  	[dreg:$0x0] =	wrdreg $0xFFFFFFFF;
	(pc) =	sbr.abs _section_cstart, $3  }
0xc0: {  	[dreg:$0x1] =	wrdreg $0xFFFFFFFF  }
0xc1: {  	_ =	task.clear_ibuf [dreg:s7], $0x2FFFF;
	_ =	strace $0x9FFFFFFF  }
0xc2: {  	(tm) =	ssettm $0x7FFFFFFF  }
0xc3: {  	_ =	shalt  }
tec
execute0_lowered:
.L_overlay_start_1:
0x0: {  	(tag) =	ssettag $0x1  }
0x1: {  	s5 =	rddreg [dreg:$0x0]  }
0x2: {  	s7 =	rddreg [dreg:$0x1]  }
0x3: {  	s0 =	rddreg [dreg:$0x2]  }
0x4: {  	s2 =	simm.s32 $0x0;
	s3 =	srdreg.scid;
	s1 =	stileid.u32  }
0x5: {  	s12 =	simm.s32 $0x800;
	s13 =	simm.s32 $0x3;
	s8 =	smul.u32 $0x9800, s1  }
0x6: {  	s14 =	simm.s32 $0x0;
	s6 =	sand.u32 $0x1, s3;
	s10 =	smul.u32 $0x4C000, s1  }
0x7: {  	[smem:$0x7FF] =	sst s2;
	s3 =	sadd.s32 $0xCEC00, s5;
	s9 =	smul.u32 $0x4C00, s6  }
0x8: {  	s4 =	sadd.s32 $0x6C00, s5;
	s11 =	ssub.s32 $0x2, s6;
	s6 =	smul.u32 $0x26000, s6  }
0x9: {  	_ =	strace $0x80000050;
	s30 =	sshrl.u32 s11, $0x1;
	s10 =	sadd.s32 s10, s5  }
0xa: {  	s8 =	sadd.s32 s9, s8;
	s9 =	ssub.s32 s11, s30;
	s6 =	sadd.s32 s6, s10  }
0xb: {  	s10 =	simm.s32 $0x1;
	s11 =	simm.s32 $0x2;
	s8 =	sshrl.u32 s8, $0x3  }
0xc: {  	s6 =	sadd.s32 $0x15FC00, s6;
	s31 =	sadd.s32 s8, s5;
	s5 =	smax.u32 s9, $0x1  }
0xd: {  	s7 =	sadd.s32 s8, s7;
	s9 =	simm.s32 $0x400;
	s8 =	sadd.s32 $0x14CC00, s31  }
.LBB2_1:
0xe: {  	s15 =	sadd.s32 $0x0, s8  }
0xf: {  	[tilespmem:s2], [sflag:$0x1] =	stream.linear.gather [hbm4b:s15+s2], $0x400, $0x38;
	[tilespmem:$0x10800] =	vst v63  }
0x10: {  	s31 =	sadd.s32 $0x0, s7  }
0x11: {  	[tilespmem:s9], [sflag:$0x2] =	stream.linear.gather [hbm4b:s31+s2], $0x400, $0x38;
	[tilespmem:$0x10800] =	vst v63  }
0x12: {  	_ =	swait.ge [sflag:s10], $0x400  }
0x13: {  	[sflag:s10] =	ssyncset.done $0x0  }
0x14: {  	[sflag:s10] =	ssyncadd.s32 $0xFFFFFC00  }
0x15: {  	_ =	swait.ge [sflag:s11], $0x400  }
0x16: {  	[sflag:s11] =	ssyncset.done $0x0  }
0x17: {  	[sflag:s11] =	ssyncadd.s32 $0xFFFFFC00  }
0x18: {  	[tilespmem:s12], [sflag:$0x1] =	stream.indirect.gather [hbm4b:s3+s9], $0x40, s2, s9, $0xb8;
	[tilespmem:$0x10800] =	vst v63  }
0x19: {  	_ =	swait.ge [sflag:s10], $0x10000  }
0x1a: {  	[sflag:s10] =	ssyncset.done $0x0  }
0x1b: {  	[sflag:s10] =	ssyncadd.s32 $0xFFFF0000  }
0x1c: {  	[tilespmem:s12], [sflag:$0x2] =	stream.indirect.gather.add.f32 [hbm:s4], $0x40, s9, s9, $0xb8;
	[tilespmem:$0x10800] =	vst v63  }
0x1d: {  	_ =	swait.ge [sflag:s11], $0x10000  }
0x1e: {  	[sflag:s11] =	ssyncset.done $0x0  }
0x1f: {  	[sflag:s11] =	ssyncadd.s32 $0xFFFF0000  }
0x20: {  	[hbm4b:s6+s2] =	stream.linear.scatter [tilespmem:s12], [sflag:$0x3], $0x10000, $0x38;
	[tilespmem:$0x10800] =	vst v63  }
0x21: {  	s16 =	simm.s32 $0x80;
	_ =	swait.ge [sflag:s13], $0x10000  }
0x22: {  	s17 =	simm.s32 $0x100;
	s15 =	sadd.s32 $0x2000, s6;
	[sflag:s13] =	ssyncset.done $0x0  }
.LBB2_2:
0x23: {  	s18 =	sadd.s32 s16, s8  }
0x24: {  	[sflag:s13] =	ssyncadd.s32 $0xFFFF0000;
	s19 =	smov.u32 s17;
	s20 =	sadd.s32 $0x80, s17  }
0x25: {  	[tilespmem:s2], [sflag:$0x1] =	stream.linear.gather [hbm4b:s18+s2], $0x400, $0x38;
	[tilespmem:$0x10800] =	vst v63  }
0x26: {  	p0 =	sne.s32 s17, $0x900;
	s17 =	sadd.s32 s16, s7;
	s16 =	smov.u32 s19  }
0x27: {  	[tilespmem:s9], [sflag:$0x2] =	stream.linear.gather [hbm4b:s17+s2], $0x400, $0x38;
	[tilespmem:$0x10800] =	vst v63  }
0x28: {  	_ =	swait.ge [sflag:s10], $0x400  }
0x29: {  	[sflag:s10] =	ssyncset.done $0x0  }
0x2a: {  	[sflag:s10] =	ssyncadd.s32 $0xFFFFFC00  }
0x2b: {  	_ =	swait.ge [sflag:s11], $0x400  }
0x2c: {  	[sflag:s11] =	ssyncset.done $0x0  }
0x2d: {  	[sflag:s11] =	ssyncadd.s32 $0xFFFFFC00  }
0x2e: {  	[tilespmem:s12], [sflag:$0x1] =	stream.indirect.gather [hbm4b:s3+s9], $0x40, s2, s9, $0xb8;
	[tilespmem:$0x10800] =	vst v63  }
0x2f: {  	_ =	swait.ge [sflag:s10], $0x10000  }
0x30: {  	[sflag:s10] =	ssyncset.done $0x0  }
0x31: {  	[sflag:s10] =	ssyncadd.s32 $0xFFFF0000  }
0x32: {  	[tilespmem:s12], [sflag:$0x2] =	stream.indirect.gather.add.f32 [hbm:s4], $0x40, s9, s9, $0xb8;
	[tilespmem:$0x10800] =	vst v63  }
0x33: {  	_ =	swait.ge [sflag:s11], $0x10000  }
.Ltmp0:
0x34: {  	[sflag:s11] =	ssyncset.done $0x0;
	(pc) =	sbr.rel @p0 .LBB2_2-.Ltmp0, $4  }
0x35: {  	[sflag:s11] =	ssyncadd.s32 $0xFFFF0000  }
0x36: {  	[hbm4b:s15+s2] =	stream.linear.scatter [tilespmem:s12], [sflag:$0x3], $0x10000, $0x38;
	[tilespmem:$0x10800] =	vst v63  }
0x37: {  	_ =	swait.ge [sflag:s13], $0x10000  }
0x38: {  	s17 =	smov.u32 s20;
	s15 =	sadd.s32 $0x2000, s15;
	[sflag:s13] =	ssyncset.done $0x0  }
0x39: {  	s17 =	sadd.s32 s16, s8;
	[sflag:s13] =	ssyncadd.s32 $0xFFFF0000  }
0x3a: {  	[tilespmem:s2], [sflag:$0x1] =	stream.linear.gather [hbm4b:s17+s2], $0x400, $0x38;
	[tilespmem:$0x10800] =	vst v63  }
0x3b: {  	s31 =	sadd.s32 s16, s7  }
0x3c: {  	[tilespmem:s9], [sflag:$0x2] =	stream.linear.gather [hbm4b:s31+s2], $0x400, $0x38;
	[tilespmem:$0x10800] =	vst v63  }
0x3d: {  	_ =	swait.ge [sflag:s10], $0x400  }
0x3e: {  	[sflag:s10] =	ssyncset.done $0x0  }
0x3f: {  	[sflag:s10] =	ssyncadd.s32 $0xFFFFFC00  }
0x40: {  	_ =	swait.ge [sflag:s11], $0x400  }
0x41: {  	[sflag:s11] =	ssyncset.done $0x0  }
0x42: {  	[sflag:s11] =	ssyncadd.s32 $0xFFFFFC00  }
0x43: {  	[tilespmem:s12], [sflag:$0x1] =	stream.indirect.gather [hbm4b:s3+s9], $0x40, s2, s9, $0xb8;
	[tilespmem:$0x10800] =	vst v63  }
0x44: {  	_ =	swait.ge [sflag:s10], $0x10000  }
0x45: {  	[sflag:s10] =	ssyncset.done $0x0  }
0x46: {  	[sflag:s10] =	ssyncadd.s32 $0xFFFF0000  }
0x47: {  	[tilespmem:s12], [sflag:$0x2] =	stream.indirect.gather.add.f32 [hbm:s4], $0x40, s9, s9, $0xb8;
	[tilespmem:$0x10800] =	vst v63  }
0x48: {  	s14 =	sadd.s32 $0x1, s14;
	_ =	swait.ge [sflag:s11], $0x10000  }
0x49: {  	p0 =	sne.s32 s14, s5;
	[sflag:s11] =	ssyncset.done $0x0  }
.Ltmp1:
0x4a: {  	[sflag:s11] =	ssyncadd.s32 $0xFFFF0000;
	(pc) =	sbr.rel @p0 .LBB2_1-.Ltmp1, $4  }
0x4b: {  	[hbm4b:s15+s2] =	stream.linear.scatter [tilespmem:s12], [sflag:$0x3], $0x10000, $0x38;
	[tilespmem:$0x10800] =	vst v63  }
0x4c: {  	_ =	swait.ge [sflag:s13], $0x10000  }
0x4d: {  	[sflag:s13] =	ssyncset.done $0x0  }
0x4e: {  	[sflag:s13] =	ssyncadd.s32 $0xFFFF0000  }
0x4f: {  	_ =	sfence.sel $0x180000  }
0x50: {  	[bflag:$0x0] =	sbarrier.arrive $0xFFFF  }
0x51: {  	p0 =	sne.s32 s1, $0x0;
	_ =	strace $0x90000050  }
0x52: {  	s0 =	sadd.s32 @!p0 $0x100000, s0;
	[bflag:$0x2] =	sbarrier.arrive $0xFFFF  }
0x53: {  	[sflag:s0] =	ssyncadd.tile.s32 @!p0 $0x1;
	_ =	shalt  }
.Lfunc_end2:
_tile_overlayer_lowered:
.L_overlay_start_2:
0x54: {  	(tag) =	ssettag $0x2  }
0x55: {  	s0 =	rddreg [dreg:$0x0];
	s2 =	stileid.u32  }
0x56: {  	s1 =	rddreg [dreg:$0x1];
	p0 =	sne.s32 s2, $0x0  }
0x57: {  	s3 =	rddreg [dreg:$0x2];
	[bflag:$0x3] =	sbarrier.arrive $0xFFFF;
	s2 =	simm.s32 @!p0 $0x1C03  }
0x58: {  	[timem:s3], [sflag:s2] =	dma.local @!p0 [hbm:s0], s1  }
0x59: {  	s0 =	simm.s32 @!p0 $0x3  }
0x5a: {  	_ =	swait.ge @!p0 [sflag:s0], s1  }
0x5b: {  	s1 =	ssub.s32 @!p0 $0x0, s1;
	[sflag:s0] =	ssyncset.done @!p0 $0x0  }
0x5c: {  	[sflag:s0] =	ssyncadd.s32 @!p0 s1  }
0x5d: {  	[bflag:$0x3] =	sbarrier.arrive $0xFFFF  }
0x5e: {  	_ =	shalt  }

</sc_bundles>
